<compile_context>
chip_gen: v7x
topology: tpu7x:2x2x1
jax: 0.10.2.dev20260603
libtpu: 0.0.44.dev20260713+nightly
codegen_flags: <defaults>
</compile_context>

<pallas_src>
import functools

import jax
import jax.numpy as jnp
from jax import lax
from jax.experimental import pallas as pl
from jax.experimental.pallas import tpu as pltpu
from jax.experimental.pallas import tpu_sc as plsc



def _rank_kernel(scores_ref, ranks_ref, *, chunk):
    s = scores_ref[0, 0, :]
    S = s.shape[0]
    row = s[None, :]
    for c in range(S // chunk):
        cs = s[c * chunk:(c + 1) * chunk]
        col = cs[:, None]
        gt = row > col
        ci = lax.broadcasted_iota(jnp.int32, (chunk, 1), 0) + (c * chunk)
        ri = lax.broadcasted_iota(jnp.int32, (chunk, S), 1)
        tie = (row == col) & (ri < ci)
        cnt = jnp.sum((gt | tie).astype(jnp.int32), axis=1)
        ranks_ref[0, 0, c * chunk:(c + 1) * chunk] = cnt


def _sel_kernel(ranks_ref, x_ref, sel_ref, *, k):
    r = ranks_ref[0, 0, :]
    S = r.shape[0]
    oh = (r[None, :] == lax.broadcasted_iota(jnp.int32, (k, S), 0))
    oh = oh.astype(jnp.float32)
    sel_ref[0] = lax.dot_general(
        oh, x_ref[0], (((1,), (1,)), ((), ())),
        preferred_element_type=jnp.float32)



def _sc_permute_body(ranks_hbm, lg_hbm, po_hbm,
                     ranks_v, buf0, buf1, gsem, wsem, *, S, Spad):
    c = lax.axis_index("c")
    s = lax.axis_index("s")
    b = s * 2 + c
    pltpu.sync_copy(ranks_hbm.at[b], ranks_v)

    bufs = (buf0, buf1)
    pend = [None, None]
    for ci in range(Spad // 128):
        bb = bufs[ci % 2]
        if pend[ci % 2] is not None:
            pend[ci % 2].wait()
        nsrc = min(128, S - ci * 128)
        if nsrc > 0:
            pltpu.async_copy(lg_hbm.at[b, pl.ds(ci * 128, nsrc)],
                             bb.at[pl.ds(0, nsrc)], gsem).wait()
        w = pltpu.make_async_copy(bb, po_hbm.at[b].at[ranks_v.at[ci]], wsem)
        w.start()
        pend[ci % 2] = w
    for w in pend:
        if w is not None:
            w.wait()


def _sc_permute(ranks, logits, NCp):
    B, Spad = ranks.shape
    _, S, NC = logits.shape
    nrb = Spad // 128
    mesh = plsc.VectorSubcoreMesh(core_axis_name="c", subcore_axis_name="s")
    kfn = functools.partial(
        pl.kernel,
        mesh=mesh,
        compiler_params=pltpu.CompilerParams(use_tc_tiling_on_sc=True),
        out_type=jax.ShapeDtypeStruct((B, Spad, NCp), jnp.float32),
        scratch_types=[
            pltpu.VMEM((nrb, 128), jnp.int32),
            pltpu.VMEM((128, NCp), jnp.float32),
            pltpu.VMEM((128, NCp), jnp.float32),
            pltpu.SemaphoreType.DMA,
            pltpu.SemaphoreType.DMA,
        ],
    )(functools.partial(_sc_permute_body, S=S, Spad=Spad))
    return kfn(ranks.reshape(B, nrb, 128), logits)




def _level(x, logits, k, rchunk):
    B, C, S = x.shape
    NC = logits.shape[-1]
    m = jnp.max(logits, axis=-1, keepdims=True)
    ssum = jnp.sum(jnp.exp(logits - m), axis=-1)
    scores = (1.0 / ssum).reshape(B, 1, S)

    ranks = pl.pallas_call(
        functools.partial(_rank_kernel, chunk=rchunk),
        grid=(B,),
        in_specs=[pl.BlockSpec((1, 1, S), lambda b: (b, 0, 0))],
        out_specs=pl.BlockSpec((1, 1, S), lambda b: (b, 0, 0)),
        out_shape=jax.ShapeDtypeStruct((B, 1, S), jnp.int32),
    )(scores)

    sel = pl.pallas_call(
        functools.partial(_sel_kernel, k=k),
        grid=(B,),
        in_specs=[
            pl.BlockSpec((1, 1, S), lambda b: (b, 0, 0)),
            pl.BlockSpec((1, C, S), lambda b: (b, 0, 0)),
        ],
        out_specs=pl.BlockSpec((1, k, C), lambda b: (b, 0, 0)),
        out_shape=jax.ShapeDtypeStruct((B, k, C), jnp.float32),
    )(ranks, x)

    ranks2 = ranks.reshape(B, S)
    Spad = ((S + 127) // 128) * 128
    if Spad != S:
        pad = jnp.broadcast_to(jnp.arange(S, Spad, dtype=jnp.int32)[None],
                               (B, Spad - S))
        ranks2 = jnp.concatenate([ranks2, pad], axis=1)
    NCp = ((NC + 127) // 128) * 128
    po = _sc_permute(ranks2,
                     jnp.pad(logits, ((0, 0), (0, 0), (0, NCp - NC))), NCp)
    one = jnp.minimum(1.0 + 1e-30 * ssum[0, 0], 1.0)
    p1 = po[:, :k, :NC] * one
    p0 = po[:, k:S, :NC] * one
    return sel, p1, p0


def kernel(x_layer3, x_layer4, logits_layer3, logits_layer4):
    B, C, H3, W3 = x_layer3.shape
    x3 = x_layer3.reshape(B, C, H3 * W3)
    H4, W4 = x_layer4.shape[2:]
    x4 = x_layer4.reshape(B, C, H4 * W4)
    sel3, p1_3, p0_3 = _level(x3, logits_layer3, 128, 128)
    sel4, p1_4, p0_4 = _level(x4, logits_layer4, 32, 96)
    return (sel3, sel4, p1_3, p0_3, p1_4, p0_4)

# --- scband reference (transcript-rebuilt; emitter-appended) ---
"""Pipeline reference for scband-weak-select-10196252361006 (READ-ONLY COPY).

The authoritative reference and input builder live on the scoring server;
editing this copy changes nothing except your own understanding.
"""

import jax, jax.numpy as jnp
import numpy as np

NUM_SELECT = {"layer3": 128, "layer4": 32}


def setup_inputs(seed: int = 0) -> dict:
    key = jax.random.key(seed)
    k1, k2, k3, k4 = jax.random.split(key, 4)
    return {
        "x_layer3": jax.random.normal(k1, (32, 512, 48, 48), dtype=jnp.float32),
        "x_layer4": jax.random.normal(k2, (32, 512, 24, 24), dtype=jnp.float32),
        "logits_layer3": jax.random.normal(k3, (32, 2304, 200), dtype=jnp.float32),
        "logits_layer4": jax.random.normal(k4, (32, 576, 200), dtype=jnp.float32),
    }


def _select_level(x, logits, num_select):
    # mirror: if 4D feature map, flatten spatial dims and move channels last
    if x.ndim == 4:
        B, C, H, W = x.shape
        x = x.reshape(B, C, H * W).transpose(0, 2, 1)  # [B, HW, C]
    probs = jax.nn.softmax(logits, axis=-1)            # [B, S, num_classes]
    max_ids = jnp.max(probs, axis=-1)                  # [B, S]  (per-token max prob)
    # torch.sort(max_ids, descending=True) -> ranks; vectorized over batch
    ranks = jnp.argsort(-max_ids, axis=-1)             # [B, S]
    sel_idx = ranks[:, :num_select]                    # [B, k]
    drop_idx = ranks[:, num_select:]                   # [B, S-k]
    sf = jnp.take_along_axis(x, sel_idx[:, :, None], axis=1)          # [B, k, C]
    preds_1 = jnp.take_along_axis(logits, sel_idx[:, :, None], axis=1)  # [B, k, nc]
    preds_0 = jnp.take_along_axis(logits, drop_idx[:, :, None], axis=1)  # [B, S-k, nc]
    return sf, preds_1, preds_0


def reference(x_layer3, x_layer4, logits_layer3, logits_layer4):
    sel3, p1_3, p0_3 = _select_level(x_layer3, logits_layer3, NUM_SELECT["layer3"])
    sel4, p1_4, p0_4 = _select_level(x_layer4, logits_layer4, NUM_SELECT["layer4"])
    # original returns selections dict; select_/drop_ logits are written into the
    # logits dict as side outputs -- returned here explicitly to keep the work live
    return (sel3, sel4, p1_3, p0_3, p1_4, p0_4)

if __name__ == "__main__":
    import jax
    _d = setup_inputs()
    print(jax.jit(kernel)(*tuple(_d.values())))

</pallas_src>

<mosaic_0001>
#map = affine_map<(d0, d1) -> (0, 0, 0)>
module attributes {stable_mosaic.version = 14 : i64} {
  func.func @_sc_permute_body(%arg0: i32, %arg1: i32, %arg2: memref<32x18x128xi32, #tpu.memory_space<hbm>>, %arg3: memref<32x2304x256xf32, #tpu.memory_space<hbm>>, %arg4: memref<32x2304x256xf32, #tpu.memory_space<hbm>>, %arg5: memref<18x128xi32, #tpu.memory_space<vmem>>, %arg6: memref<128x256xf32, #tpu.memory_space<vmem>>, %arg7: memref<128x256xf32, #tpu.memory_space<vmem>>, %arg8: memref<!tpu.dma_semaphore, #tpu.memory_space<semaphore_mem>>, %arg9: memref<!tpu.dma_semaphore, #tpu.memory_space<semaphore_mem>>) attributes {dimension_semantics = [#tpu.dimension_semantics<core_parallel>, #tpu.dimension_semantics<subcore_parallel>], iteration_bounds = array<i64: 2, 16>, scalar_prefetch = 0 : i64, scratch_operands = 5 : i64, tpu.core_type = #tpu.core_type<sc_vector_subcore>, window_params = [{transform_indices = #map}, {transform_indices = #map}, {transform_indices = #map}]} {
    %mul3A = arith.constant 2 : i32
    %mul3A_0 = arith.muli %arg1, %mul3A : i32
    %add3A = arith.addi %mul3A_0, %arg0 : i32
    "tpu.region"() ({
      %run_scoped3A = tpu.sem_alloc : memref<!tpu.dma_semaphore, #tpu.memory_space<semaphore_mem>>
      %dma_start3A_899 = arith.constant 0 : i32
      %dma_start3A_900 = arith.constant 0 : i32
      %dma_start3A_901 = tpu.memref_slice %arg2[%add3A, %dma_start3A_899, %dma_start3A_900] : memref<32x18x128xi32, #tpu.memory_space<hbm>> -> memref<1x18x128xi32, #tpu.memory_space<hbm>>
      %dma_start3A_902 = tpu.memref_squeeze %dma_start3A_901 : memref<1x18x128xi32, #tpu.memory_space<hbm>> -> memref<18x128xi32, #tpu.memory_space<hbm>>
      %dma_start3A_903 = arith.constant 0 : i32
      %dma_start3A_904 = arith.constant 0 : i32
      %dma_start3A_905 = tpu.memref_slice %arg2[%add3A, %dma_start3A_903, %dma_start3A_904] : memref<32x18x128xi32, #tpu.memory_space<hbm>> -> memref<1x18x128xi32, #tpu.memory_space<hbm>>
      %dma_start3A_906 = tpu.memref_squeeze %dma_start3A_905 : memref<1x18x128xi32, #tpu.memory_space<hbm>> -> memref<18x128xi32, #tpu.memory_space<hbm>>
      tpu.enqueue_dma source(%dma_start3A_906 : memref<18x128xi32, #tpu.memory_space<hbm>>) target(%arg5 : memref<18x128xi32, #tpu.memory_space<vmem>>) target_semaphore(%run_scoped3A : memref<!tpu.dma_semaphore, #tpu.memory_space<semaphore_mem>>)
      %dma_wait3A_907 = arith.constant 0 : i32
      %dma_wait3A_908 = arith.constant 0 : i32
      %dma_wait3A_909 = tpu.memref_slice %arg2[%add3A, %dma_wait3A_907, %dma_wait3A_908] : memref<32x18x128xi32, #tpu.memory_space<hbm>> -> memref<1x18x128xi32, #tpu.memory_space<hbm>>
      %dma_wait3A_910 = tpu.memref_squeeze %dma_wait3A_909 : memref<1x18x128xi32, #tpu.memory_space<hbm>> -> memref<18x128xi32, #tpu.memory_space<hbm>>
      %dma_wait3A_911 = arith.constant 0 : i32
      %dma_wait3A_912 = arith.constant 0 : i32
      %dma_wait3A_913 = tpu.memref_slice %arg2[%add3A, %dma_wait3A_911, %dma_wait3A_912] : memref<32x18x128xi32, #tpu.memory_space<hbm>> -> memref<1x18x128xi32, #tpu.memory_space<hbm>>
      %dma_wait3A_914 = tpu.memref_squeeze %dma_wait3A_913 : memref<1x18x128xi32, #tpu.memory_space<hbm>> -> memref<18x128xi32, #tpu.memory_space<hbm>>
      tpu.wait_dma2 semaphore(%run_scoped3A : memref<!tpu.dma_semaphore, #tpu.memory_space<semaphore_mem>>) src(%dma_wait3A_914 : memref<18x128xi32, #tpu.memory_space<hbm>>) dst(%arg5 : memref<18x128xi32, #tpu.memory_space<vmem>>)
      tpu.yield
    }) : () -> ()
    %dma_start3A = arith.constant 0 : i32
    %dma_start3A_1 = arith.constant 0 : i32
    %dma_start3A_2 = tpu.memref_slice %arg6[%dma_start3A, %dma_start3A_1] : memref<128x256xf32, #tpu.memory_space<vmem>> -> memref<128x256xf32, #tpu.memory_space<vmem>>
    %dma_start3A_3 = arith.constant 0 : i32
    %dma_start3A_4 = arith.constant 0 : i32
    %dma_start3A_5 = tpu.memref_slice %arg3[%add3A, %dma_start3A_3, %dma_start3A_4] : memref<32x2304x256xf32, #tpu.memory_space<hbm>> -> memref<1x128x256xf32, #tpu.memory_space<hbm>>
    %dma_start3A_6 = tpu.memref_squeeze %dma_start3A_5 : memref<1x128x256xf32, #tpu.memory_space<hbm>> -> memref<128x256xf32, #tpu.memory_space<hbm>>
    %dma_start3A_7 = arith.constant 0 : i32
    %dma_start3A_8 = arith.constant 0 : i32
    %dma_start3A_9 = tpu.memref_slice %arg6[%dma_start3A_7, %dma_start3A_8] : memref<128x256xf32, #tpu.memory_space<vmem>> -> memref<128x256xf32, #tpu.memory_space<vmem>>
    %dma_start3A_10 = arith.constant 0 : i32
    %dma_start3A_11 = arith.constant 0 : i32
    %dma_start3A_12 = tpu.memref_slice %arg3[%add3A, %dma_start3A_10, %dma_start3A_11] : memref<32x2304x256xf32, #tpu.memory_space<hbm>> -> memref<1x128x256xf32, #tpu.memory_space<hbm>>
    %dma_start3A_13 = tpu.memref_squeeze %dma_start3A_12 : memref<1x128x256xf32, #tpu.memory_space<hbm>> -> memref<128x256xf32, #tpu.memory_space<hbm>>
    tpu.enqueue_dma source(%dma_start3A_13 : memref<128x256xf32, #tpu.memory_space<hbm>>) target(%dma_start3A_9 : memref<128x256xf32, #tpu.memory_space<vmem>>) target_semaphore(%arg8 : memref<!tpu.dma_semaphore, #tpu.memory_space<semaphore_mem>>)
    %dma_wait3A = arith.constant 0 : i32
    %dma_wait3A_14 = arith.constant 0 : i32
    %dma_wait3A_15 = tpu.memref_slice %arg6[%dma_wait3A, %dma_wait3A_14] : memref<128x256xf32, #tpu.memory_space<vmem>> -> memref<128x256xf32, #tpu.memory_space<vmem>>
    %dma_wait3A_16 = arith.constant 0 : i32
    %dma_wait3A_17 = arith.constant 0 : i32
    %dma_wait3A_18 = tpu.memref_slice %arg3[%add3A, %dma_wait3A_16, %dma_wait3A_17] : memref<32x2304x256xf32, #tpu.memory_space<hbm>> -> memref<1x128x256xf32, #tpu.memory_space<hbm>>
    %dma_wait3A_19 = tpu.memref_squeeze %dma_wait3A_18 : memref<1x128x256xf32, #tpu.memory_space<hbm>> -> memref<128x256xf32, #tpu.memory_space<hbm>>
    %dma_wait3A_20 = arith.constant 0 : i32
    %dma_wait3A_21 = arith.constant 0 : i32
    %dma_wait3A_22 = tpu.memref_slice %arg6[%dma_wait3A_20, %dma_wait3A_21] : memref<128x256xf32, #tpu.memory_space<vmem>> -> memref<128x256xf32, #tpu.memory_space<vmem>>
    %dma_wait3A_23 = arith.constant 0 : i32
    %dma_wait3A_24 = arith.constant 0 : i32
    %dma_wait3A_25 = tpu.memref_slice %arg3[%add3A, %dma_wait3A_23, %dma_wait3A_24] : memref<32x2304x256xf32, #tpu.memory_space<hbm>> -> memref<1x128x256xf32, #tpu.memory_space<hbm>>
    %dma_wait3A_26 = tpu.memref_squeeze %dma_wait3A_25 : memref<1x128x256xf32, #tpu.memory_space<hbm>> -> memref<128x256xf32, #tpu.memory_space<hbm>>
    tpu.wait_dma2 semaphore(%arg8 : memref<!tpu.dma_semaphore, #tpu.memory_space<semaphore_mem>>) src(%dma_wait3A_26 : memref<128x256xf32, #tpu.memory_space<hbm>>) dst(%dma_wait3A_22 : memref<128x256xf32, #tpu.memory_space<vmem>>)
    %dma_start3A_27 = arith.constant 0 : i32
    %dma_start3A_28 = arith.constant 0 : i32
    %dma_start3A_29 = tpu.memref_slice %arg5[%dma_start3A_27, %dma_start3A_28] : memref<18x128xi32, #tpu.memory_space<vmem>> -> memref<1x128xi32, #tpu.memory_space<vmem>>
    %dma_start3A_30 = tpu.memref_squeeze %dma_start3A_29 : memref<1x128xi32, #tpu.memory_space<vmem>> -> memref<128xi32, #tpu.memory_space<vmem>>
    %dma_start3A_31 = arith.constant 0 : i32
    %dma_start3A_32 = arith.constant 0 : i32
    %dma_start3A_33 = tpu.memref_slice %arg4[%add3A, %dma_start3A_31, %dma_start3A_32] : memref<32x2304x256xf32, #tpu.memory_space<hbm>> -> memref<1x2304x256xf32, #tpu.memory_space<hbm>>
    %dma_start3A_34 = tpu.memref_squeeze %dma_start3A_33 : memref<1x2304x256xf32, #tpu.memory_space<hbm>> -> memref<2304x256xf32, #tpu.memory_space<hbm>>
    %dma_start3A_35 = arith.constant 0 : i32
    %dma_start3A_36 = arith.constant 0 : i32
    %dma_start3A_37 = tpu.memref_slice %dma_start3A_34[%dma_start3A_35, %dma_start3A_36] : memref<2304x256xf32, #tpu.memory_space<hbm>> -> memref<2304x256xf32, #tpu.memory_space<hbm>>
    tpu.enqueue_indirect_dma source(%arg6 : memref<128x256xf32, #tpu.memory_space<vmem>>) target(%dma_start3A_37 : memref<2304x256xf32, #tpu.memory_space<hbm>>) offsets(%dma_start3A_30 : memref<128xi32, #tpu.memory_space<vmem>>) semaphore(%arg9 : memref<!tpu.dma_semaphore, #tpu.memory_space<semaphore_mem>>)
    %dma_start3A_38 = arith.constant 0 : i32
    %dma_start3A_39 = arith.constant 0 : i32
    %dma_start3A_40 = tpu.memref_slice %arg7[%dma_start3A_38, %dma_start3A_39] : memref<128x256xf32, #tpu.memory_space<vmem>> -> memref<128x256xf32, #tpu.memory_space<vmem>>
    %dma_start3A_41 = arith.constant 128 : i32
    %dma_start3A_42 = arith.constant 0 : i32
    %dma_start3A_43 = tpu.memref_slice %arg3[%add3A, %dma_start3A_41, %dma_start3A_42] : memref<32x2304x256xf32, #tpu.memory_space<hbm>> -> memref<1x128x256xf32, #tpu.memory_space<hbm>>
    %dma_start3A_44 = tpu.memref_squeeze %dma_start3A_43 : memref<1x128x256xf32, #tpu.memory_space<hbm>> -> memref<128x256xf32, #tpu.memory_space<hbm>>
    %dma_start3A_45 = arith.constant 0 : i32
    %dma_start3A_46 = arith.constant 0 : i32
    %dma_start3A_47 = tpu.memref_slice %arg7[%dma_start3A_45, %dma_start3A_46] : memref<128x256xf32, #tpu.memory_space<vmem>> -> memref<128x256xf32, #tpu.memory_space<vmem>>
    %dma_start3A_48 = arith.constant 128 : i32
    %dma_start3A_49 = arith.constant 0 : i32
    %dma_start3A_50 = tpu.memref_slice %arg3[%add3A, %dma_start3A_48, %dma_start3A_49] : memref<32x2304x256xf32, #tpu.memory_space<hbm>> -> memref<1x128x256xf32, #tpu.memory_space<hbm>>
    %dma_start3A_51 = tpu.memref_squeeze %dma_start3A_50 : memref<1x128x256xf32, #tpu.memory_space<hbm>> -> memref<128x256xf32, #tpu.memory_space<hbm>>
    tpu.enqueue_dma source(%dma_start3A_51 : memref<128x256xf32, #tpu.memory_space<hbm>>) target(%dma_start3A_47 : memref<128x256xf32, #tpu.memory_space<vmem>>) target_semaphore(%arg8 : memref<!tpu.dma_semaphore, #tpu.memory_space<semaphore_mem>>)
    %dma_wait3A_52 = arith.constant 0 : i32
    %dma_wait3A_53 = arith.constant 0 : i32
    %dma_wait3A_54 = tpu.memref_slice %arg7[%dma_wait3A_52, %dma_wait3A_53] : memref<128x256xf32, #tpu.memory_space<vmem>> -> memref<128x256xf32, #tpu.memory_space<vmem>>
    %dma_wait3A_55 = arith.constant 128 : i32
    %dma_wait3A_56 = arith.constant 0 : i32
    %dma_wait3A_57 = tpu.memref_slice %arg3[%add3A, %dma_wait3A_55, %dma_wait3A_56] : memref<32x2304x256xf32, #tpu.memory_space<hbm>> -> memref<1x128x256xf32, #tpu.memory_space<hbm>>
    %dma_wait3A_58 = tpu.memref_squeeze %dma_wait3A_57 : memref<1x128x256xf32, #tpu.memory_space<hbm>> -> memref<128x256xf32, #tpu.memory_space<hbm>>
    %dma_wait3A_59 = arith.constant 0 : i32
    %dma_wait3A_60 = arith.constant 0 : i32
    %dma_wait3A_61 = tpu.memref_slice %arg7[%dma_wait3A_59, %dma_wait3A_60] : memref<128x256xf32, #tpu.memory_space<vmem>> -> memref<128x256xf32, #tpu.memory_space<vmem>>
    %dma_wait3A_62 = arith.constant 128 : i32
    %dma_wait3A_63 = arith.constant 0 : i32
    %dma_wait3A_64 = tpu.memref_slice %arg3[%add3A, %dma_wait3A_62, %dma_wait3A_63] : memref<32x2304x256xf32, #tpu.memory_space<hbm>> -> memref<1x128x256xf32, #tpu.memory_space<hbm>>
    %dma_wait3A_65 = tpu.memref_squeeze %dma_wait3A_64 : memref<1x128x256xf32, #tpu.memory_space<hbm>> -> memref<128x256xf32, #tpu.memory_space<hbm>>
    tpu.wait_dma2 semaphore(%arg8 : memref<!tpu.dma_semaphore, #tpu.memory_space<semaphore_mem>>) src(%dma_wait3A_65 : memref<128x256xf32, #tpu.memory_space<hbm>>) dst(%dma_wait3A_61 : memref<128x256xf32, #tpu.memory_space<vmem>>)
    %dma_start3A_66 = arith.constant 1 : i32
    %dma_start3A_67 = arith.constant 0 : i32
    %dma_start3A_68 = tpu.memref_slice %arg5[%dma_start3A_66, %dma_start3A_67] : memref<18x128xi32, #tpu.memory_space<vmem>> -> memref<1x128xi32, #tpu.memory_space<vmem>>
    %dma_start3A_69 = tpu.memref_squeeze %dma_start3A_68 : memref<1x128xi32, #tpu.memory_space<vmem>> -> memref<128xi32, #tpu.memory_space<vmem>>
    %dma_start3A_70 = arith.constant 0 : i32
    %dma_start3A_71 = arith.constant 0 : i32
    %dma_start3A_72 = tpu.memref_slice %arg4[%add3A, %dma_start3A_70, %dma_start3A_71] : memref<32x2304x256xf32, #tpu.memory_space<hbm>> -> memref<1x2304x256xf32, #tpu.memory_space<hbm>>
    %dma_start3A_73 = tpu.memref_squeeze %dma_start3A_72 : memref<1x2304x256xf32, #tpu.memory_space<hbm>> -> memref<2304x256xf32, #tpu.memory_space<hbm>>
    %dma_start3A_74 = arith.constant 0 : i32
    %dma_start3A_75 = arith.constant 0 : i32
    %dma_start3A_76 = tpu.memref_slice %dma_start3A_73[%dma_start3A_74, %dma_start3A_75] : memref<2304x256xf32, #tpu.memory_space<hbm>> -> memref<2304x256xf32, #tpu.memory_space<hbm>>
    tpu.enqueue_indirect_dma source(%arg7 : memref<128x256xf32, #tpu.memory_space<vmem>>) target(%dma_start3A_76 : memref<2304x256xf32, #tpu.memory_space<hbm>>) offsets(%dma_start3A_69 : memref<128xi32, #tpu.memory_space<vmem>>) semaphore(%arg9 : memref<!tpu.dma_semaphore, #tpu.memory_space<semaphore_mem>>)
    %dma_wait3A_77 = arith.constant 0 : i32
    %dma_wait3A_78 = arith.constant 0 : i32
    %dma_wait3A_79 = tpu.memref_slice %arg5[%dma_wait3A_77, %dma_wait3A_78] : memref<18x128xi32, #tpu.memory_space<vmem>> -> memref<1x128xi32, #tpu.memory_space<vmem>>
    %dma_wait3A_80 = tpu.memref_squeeze %dma_wait3A_79 : memref<1x128xi32, #tpu.memory_space<vmem>> -> memref<128xi32, #tpu.memory_space<vmem>>
    %dma_wait3A_81 = arith.constant 0 : i32
    %dma_wait3A_82 = arith.constant 0 : i32
    %dma_wait3A_83 = tpu.memref_slice %arg4[%add3A, %dma_wait3A_81, %dma_wait3A_82] : memref<32x2304x256xf32, #tpu.memory_space<hbm>> -> memref<1x2304x256xf32, #tpu.memory_space<hbm>>
    %dma_wait3A_84 = tpu.memref_squeeze %dma_wait3A_83 : memref<1x2304x256xf32, #tpu.memory_space<hbm>> -> memref<2304x256xf32, #tpu.memory_space<hbm>>
    %dma_wait3A_85 = arith.constant 0 : i32
    %dma_wait3A_86 = arith.constant 0 : i32
    %dma_wait3A_87 = tpu.memref_slice %dma_wait3A_84[%dma_wait3A_85, %dma_wait3A_86] : memref<2304x256xf32, #tpu.memory_space<hbm>> -> memref<2304x256xf32, #tpu.memory_space<hbm>>
    tpu.wait_indirect_dma semaphore(%arg9 : memref<!tpu.dma_semaphore, #tpu.memory_space<semaphore_mem>>) src(%arg6 : memref<128x256xf32, #tpu.memory_space<vmem>>) dst(%dma_wait3A_87 : memref<2304x256xf32, #tpu.memory_space<hbm>>)
    %dma_start3A_88 = arith.constant 0 : i32
    %dma_start3A_89 = arith.constant 0 : i32
    %dma_start3A_90 = tpu.memref_slice %arg6[%dma_start3A_88, %dma_start3A_89] : memref<128x256xf32, #tpu.memory_space<vmem>> -> memref<128x256xf32, #tpu.memory_space<vmem>>
    %dma_start3A_91 = arith.constant 256 : i32
    %dma_start3A_92 = arith.constant 0 : i32
    %dma_start3A_93 = tpu.memref_slice %arg3[%add3A, %dma_start3A_91, %dma_start3A_92] : memref<32x2304x256xf32, #tpu.memory_space<hbm>> -> memref<1x128x256xf32, #tpu.memory_space<hbm>>
    %dma_start3A_94 = tpu.memref_squeeze %dma_start3A_93 : memref<1x128x256xf32, #tpu.memory_space<hbm>> -> memref<128x256xf32, #tpu.memory_space<hbm>>
    %dma_start3A_95 = arith.constant 0 : i32
    %dma_start3A_96 = arith.constant 0 : i32
    %dma_start3A_97 = tpu.memref_slice %arg6[%dma_start3A_95, %dma_start3A_96] : memref<128x256xf32, #tpu.memory_space<vmem>> -> memref<128x256xf32, #tpu.memory_space<vmem>>
    %dma_start3A_98 = arith.constant 256 : i32
    %dma_start3A_99 = arith.constant 0 : i32
    %dma_start3A_100 = tpu.memref_slice %arg3[%add3A, %dma_start3A_98, %dma_start3A_99] : memref<32x2304x256xf32, #tpu.memory_space<hbm>> -> memref<1x128x256xf32, #tpu.memory_space<hbm>>
    %dma_start3A_101 = tpu.memref_squeeze %dma_start3A_100 : memref<1x128x256xf32, #tpu.memory_space<hbm>> -> memref<128x256xf32, #tpu.memory_space<hbm>>
    tpu.enqueue_dma source(%dma_start3A_101 : memref<128x256xf32, #tpu.memory_space<hbm>>) target(%dma_start3A_97 : memref<128x256xf32, #tpu.memory_space<vmem>>) target_semaphore(%arg8 : memref<!tpu.dma_semaphore, #tpu.memory_space<semaphore_mem>>)
    %dma_wait3A_102 = arith.constant 0 : i32
    %dma_wait3A_103 = arith.constant 0 : i32
    %dma_wait3A_104 = tpu.memref_slice %arg6[%dma_wait3A_102, %dma_wait3A_103] : memref<128x256xf32, #tpu.memory_space<vmem>> -> memref<128x256xf32, #tpu.memory_space<vmem>>
    %dma_wait3A_105 = arith.constant 256 : i32
    %dma_wait3A_106 = arith.constant 0 : i32
    %dma_wait3A_107 = tpu.memref_slice %arg3[%add3A, %dma_wait3A_105, %dma_wait3A_106] : memref<32x2304x256xf32, #tpu.memory_space<hbm>> -> memref<1x128x256xf32, #tpu.memory_space<hbm>>
    %dma_wait3A_108 = tpu.memref_squeeze %dma_wait3A_107 : memref<1x128x256xf32, #tpu.memory_space<hbm>> -> memref<128x256xf32, #tpu.memory_space<hbm>>
    %dma_wait3A_109 = arith.constant 0 : i32
    %dma_wait3A_110 = arith.constant 0 : i32
    %dma_wait3A_111 = tpu.memref_slice %arg6[%dma_wait3A_109, %dma_wait3A_110] : memref<128x256xf32, #tpu.memory_space<vmem>> -> memref<128x256xf32, #tpu.memory_space<vmem>>
    %dma_wait3A_112 = arith.constant 256 : i32
    %dma_wait3A_113 = arith.constant 0 : i32
    %dma_wait3A_114 = tpu.memref_slice %arg3[%add3A, %dma_wait3A_112, %dma_wait3A_113] : memref<32x2304x256xf32, #tpu.memory_space<hbm>> -> memref<1x128x256xf32, #tpu.memory_space<hbm>>
    %dma_wait3A_115 = tpu.memref_squeeze %dma_wait3A_114 : memref<1x128x256xf32, #tpu.memory_space<hbm>> -> memref<128x256xf32, #tpu.memory_space<hbm>>
    tpu.wait_dma2 semaphore(%arg8 : memref<!tpu.dma_semaphore, #tpu.memory_space<semaphore_mem>>) src(%dma_wait3A_115 : memref<128x256xf32, #tpu.memory_space<hbm>>) dst(%dma_wait3A_111 : memref<128x256xf32, #tpu.memory_space<vmem>>)
    %dma_start3A_116 = arith.constant 2 : i32
    %dma_start3A_117 = arith.constant 0 : i32
    %dma_start3A_118 = tpu.memref_slice %arg5[%dma_start3A_116, %dma_start3A_117] : memref<18x128xi32, #tpu.memory_space<vmem>> -> memref<1x128xi32, #tpu.memory_space<vmem>>
    %dma_start3A_119 = tpu.memref_squeeze %dma_start3A_118 : memref<1x128xi32, #tpu.memory_space<vmem>> -> memref<128xi32, #tpu.memory_space<vmem>>
    %dma_start3A_120 = arith.constant 0 : i32
    %dma_start3A_121 = arith.constant 0 : i32
    %dma_start3A_122 = tpu.memref_slice %arg4[%add3A, %dma_start3A_120, %dma_start3A_121] : memref<32x2304x256xf32, #tpu.memory_space<hbm>> -> memref<1x2304x256xf32, #tpu.memory_space<hbm>>
    %dma_start3A_123 = tpu.memref_squeeze %dma_start3A_122 : memref<1x2304x256xf32, #tpu.memory_space<hbm>> -> memref<2304x256xf32, #tpu.memory_space<hbm>>
    %dma_start3A_124 = arith.constant 0 : i32
    %dma_start3A_125 = arith.constant 0 : i32
    %dma_start3A_126 = tpu.memref_slice %dma_start3A_123[%dma_start3A_124, %dma_start3A_125] : memref<2304x256xf32, #tpu.memory_space<hbm>> -> memref<2304x256xf32, #tpu.memory_space<hbm>>
    tpu.enqueue_indirect_dma source(%arg6 : memref<128x256xf32, #tpu.memory_space<vmem>>) target(%dma_start3A_126 : memref<2304x256xf32, #tpu.memory_space<hbm>>) offsets(%dma_start3A_119 : memref<128xi32, #tpu.memory_space<vmem>>) semaphore(%arg9 : memref<!tpu.dma_semaphore, #tpu.memory_space<semaphore_mem>>)
    %dma_wait3A_127 = arith.constant 1 : i32
    %dma_wait3A_128 = arith.constant 0 : i32
    %dma_wait3A_129 = tpu.memref_slice %arg5[%dma_wait3A_127, %dma_wait3A_128] : memref<18x128xi32, #tpu.memory_space<vmem>> -> memref<1x128xi32, #tpu.memory_space<vmem>>
    %dma_wait3A_130 = tpu.memref_squeeze %dma_wait3A_129 : memref<1x128xi32, #tpu.memory_space<vmem>> -> memref<128xi32, #tpu.memory_space<vmem>>
    %dma_wait3A_131 = arith.constant 0 : i32
    %dma_wait3A_132 = arith.constant 0 : i32
    %dma_wait3A_133 = tpu.memref_slice %arg4[%add3A, %dma_wait3A_131, %dma_wait3A_132] : memref<32x2304x256xf32, #tpu.memory_space<hbm>> -> memref<1x2304x256xf32, #tpu.memory_space<hbm>>
    %dma_wait3A_134 = tpu.memref_squeeze %dma_wait3A_133 : memref<1x2304x256xf32, #tpu.memory_space<hbm>> -> memref<2304x256xf32, #tpu.memory_space<hbm>>
    %dma_wait3A_135 = arith.constant 0 : i32
    %dma_wait3A_136 = arith.constant 0 : i32
    %dma_wait3A_137 = tpu.memref_slice %dma_wait3A_134[%dma_wait3A_135, %dma_wait3A_136] : memref<2304x256xf32, #tpu.memory_space<hbm>> -> memref<2304x256xf32, #tpu.memory_space<hbm>>
    tpu.wait_indirect_dma semaphore(%arg9 : memref<!tpu.dma_semaphore, #tpu.memory_space<semaphore_mem>>) src(%arg7 : memref<128x256xf32, #tpu.memory_space<vmem>>) dst(%dma_wait3A_137 : memref<2304x256xf32, #tpu.memory_space<hbm>>)
    %dma_start3A_138 = arith.constant 0 : i32
    %dma_start3A_139 = arith.constant 0 : i32
    %dma_start3A_140 = tpu.memref_slice %arg7[%dma_start3A_138, %dma_start3A_139] : memref<128x256xf32, #tpu.memory_space<vmem>> -> memref<128x256xf32, #tpu.memory_space<vmem>>
    %dma_start3A_141 = arith.constant 384 : i32
    %dma_start3A_142 = arith.constant 0 : i32
    %dma_start3A_143 = tpu.memref_slice %arg3[%add3A, %dma_start3A_141, %dma_start3A_142] : memref<32x2304x256xf32, #tpu.memory_space<hbm>> -> memref<1x128x256xf32, #tpu.memory_space<hbm>>
    %dma_start3A_144 = tpu.memref_squeeze %dma_start3A_143 : memref<1x128x256xf32, #tpu.memory_space<hbm>> -> memref<128x256xf32, #tpu.memory_space<hbm>>
    %dma_start3A_145 = arith.constant 0 : i32
    %dma_start3A_146 = arith.constant 0 : i32
    %dma_start3A_147 = tpu.memref_slice %arg7[%dma_start3A_145, %dma_start3A_146] : memref<128x256xf32, #tpu.memory_space<vmem>> -> memref<128x256xf32, #tpu.memory_space<vmem>>
    %dma_start3A_148 = arith.constant 384 : i32
    %dma_start3A_149 = arith.constant 0 : i32
    %dma_start3A_150 = tpu.memref_slice %arg3[%add3A, %dma_start3A_148, %dma_start3A_149] : memref<32x2304x256xf32, #tpu.memory_space<hbm>> -> memref<1x128x256xf32, #tpu.memory_space<hbm>>
    %dma_start3A_151 = tpu.memref_squeeze %dma_start3A_150 : memref<1x128x256xf32, #tpu.memory_space<hbm>> -> memref<128x256xf32, #tpu.memory_space<hbm>>
    tpu.enqueue_dma source(%dma_start3A_151 : memref<128x256xf32, #tpu.memory_space<hbm>>) target(%dma_start3A_147 : memref<128x256xf32, #tpu.memory_space<vmem>>) target_semaphore(%arg8 : memref<!tpu.dma_semaphore, #tpu.memory_space<semaphore_mem>>)
    %dma_wait3A_152 = arith.constant 0 : i32
    %dma_wait3A_153 = arith.constant 0 : i32
    %dma_wait3A_154 = tpu.memref_slice %arg7[%dma_wait3A_152, %dma_wait3A_153] : memref<128x256xf32, #tpu.memory_space<vmem>> -> memref<128x256xf32, #tpu.memory_space<vmem>>
    %dma_wait3A_155 = arith.constant 384 : i32
    %dma_wait3A_156 = arith.constant 0 : i32
    %dma_wait3A_157 = tpu.memref_slice %arg3[%add3A, %dma_wait3A_155, %dma_wait3A_156] : memref<32x2304x256xf32, #tpu.memory_space<hbm>> -> memref<1x128x256xf32, #tpu.memory_space<hbm>>
    %dma_wait3A_158 = tpu.memref_squeeze %dma_wait3A_157 : memref<1x128x256xf32, #tpu.memory_space<hbm>> -> memref<128x256xf32, #tpu.memory_space<hbm>>
    %dma_wait3A_159 = arith.constant 0 : i32
    %dma_wait3A_160 = arith.constant 0 : i32
    %dma_wait3A_161 = tpu.memref_slice %arg7[%dma_wait3A_159, %dma_wait3A_160] : memref<128x256xf32, #tpu.memory_space<vmem>> -> memref<128x256xf32, #tpu.memory_space<vmem>>
    %dma_wait3A_162 = arith.constant 384 : i32
    %dma_wait3A_163 = arith.constant 0 : i32
    %dma_wait3A_164 = tpu.memref_slice %arg3[%add3A, %dma_wait3A_162, %dma_wait3A_163] : memref<32x2304x256xf32, #tpu.memory_space<hbm>> -> memref<1x128x256xf32, #tpu.memory_space<hbm>>
    %dma_wait3A_165 = tpu.memref_squeeze %dma_wait3A_164 : memref<1x128x256xf32, #tpu.memory_space<hbm>> -> memref<128x256xf32, #tpu.memory_space<hbm>>
    tpu.wait_dma2 semaphore(%arg8 : memref<!tpu.dma_semaphore, #tpu.memory_space<semaphore_mem>>) src(%dma_wait3A_165 : memref<128x256xf32, #tpu.memory_space<hbm>>) dst(%dma_wait3A_161 : memref<128x256xf32, #tpu.memory_space<vmem>>)
    %dma_start3A_166 = arith.constant 3 : i32
    %dma_start3A_167 = arith.constant 0 : i32
    %dma_start3A_168 = tpu.memref_slice %arg5[%dma_start3A_166, %dma_start3A_167] : memref<18x128xi32, #tpu.memory_space<vmem>> -> memref<1x128xi32, #tpu.memory_space<vmem>>
    %dma_start3A_169 = tpu.memref_squeeze %dma_start3A_168 : memref<1x128xi32, #tpu.memory_space<vmem>> -> memref<128xi32, #tpu.memory_space<vmem>>
    %dma_start3A_170 = arith.constant 0 : i32
    %dma_start3A_171 = arith.constant 0 : i32
    %dma_start3A_172 = tpu.memref_slice %arg4[%add3A, %dma_start3A_170, %dma_start3A_171] : memref<32x2304x256xf32, #tpu.memory_space<hbm>> -> memref<1x2304x256xf32, #tpu.memory_space<hbm>>
    %dma_start3A_173 = tpu.memref_squeeze %dma_start3A_172 : memref<1x2304x256xf32, #tpu.memory_space<hbm>> -> memref<2304x256xf32, #tpu.memory_space<hbm>>
    %dma_start3A_174 = arith.constant 0 : i32
    %dma_start3A_175 = arith.constant 0 : i32
    %dma_start3A_176 = tpu.memref_slice %dma_start3A_173[%dma_start3A_174, %dma_start3A_175] : memref<2304x256xf32, #tpu.memory_space<hbm>> -> memref<2304x256xf32, #tpu.memory_space<hbm>>
    tpu.enqueue_indirect_dma source(%arg7 : memref<128x256xf32, #tpu.memory_space<vmem>>) target(%dma_start3A_176 : memref<2304x256xf32, #tpu.memory_space<hbm>>) offsets(%dma_start3A_169 : memref<128xi32, #tpu.memory_space<vmem>>) semaphore(%arg9 : memref<!tpu.dma_semaphore, #tpu.memory_space<semaphore_mem>>)
    %dma_wait3A_177 = arith.constant 2 : i32
    %dma_wait3A_178 = arith.constant 0 : i32
    %dma_wait3A_179 = tpu.memref_slice %arg5[%dma_wait3A_177, %dma_wait3A_178] : memref<18x128xi32, #tpu.memory_space<vmem>> -> memref<1x128xi32, #tpu.memory_space<vmem>>
    %dma_wait3A_180 = tpu.memref_squeeze %dma_wait3A_179 : memref<1x128xi32, #tpu.memory_space<vmem>> -> memref<128xi32, #tpu.memory_space<vmem>>
    %dma_wait3A_181 = arith.constant 0 : i32
    %dma_wait3A_182 = arith.constant 0 : i32
    %dma_wait3A_183 = tpu.memref_slice %arg4[%add3A, %dma_wait3A_181, %dma_wait3A_182] : memref<32x2304x256xf32, #tpu.memory_space<hbm>> -> memref<1x2304x256xf32, #tpu.memory_space<hbm>>
    %dma_wait3A_184 = tpu.memref_squeeze %dma_wait3A_183 : memref<1x2304x256xf32, #tpu.memory_space<hbm>> -> memref<2304x256xf32, #tpu.memory_space<hbm>>
    %dma_wait3A_185 = arith.constant 0 : i32
    %dma_wait3A_186 = arith.constant 0 : i32
    %dma_wait3A_187 = tpu.memref_slice %dma_wait3A_184[%dma_wait3A_185, %dma_wait3A_186] : memref<2304x256xf32, #tpu.memory_space<hbm>> -> memref<2304x256xf32, #tpu.memory_space<hbm>>
    tpu.wait_indirect_dma semaphore(%arg9 : memref<!tpu.dma_semaphore, #tpu.memory_space<semaphore_mem>>) src(%arg6 : memref<128x256xf32, #tpu.memory_space<vmem>>) dst(%dma_wait3A_187 : memref<2304x256xf32, #tpu.memory_space<hbm>>)
    %dma_start3A_188 = arith.constant 0 : i32
    %dma_start3A_189 = arith.constant 0 : i32
    %dma_start3A_190 = tpu.memref_slice %arg6[%dma_start3A_188, %dma_start3A_189] : memref<128x256xf32, #tpu.memory_space<vmem>> -> memref<128x256xf32, #tpu.memory_space<vmem>>
    %dma_start3A_191 = arith.constant 512 : i32
    %dma_start3A_192 = arith.constant 0 : i32
    %dma_start3A_193 = tpu.memref_slice %arg3[%add3A, %dma_start3A_191, %dma_start3A_192] : memref<32x2304x256xf32, #tpu.memory_space<hbm>> -> memref<1x128x256xf32, #tpu.memory_space<hbm>>
    %dma_start3A_194 = tpu.memref_squeeze %dma_start3A_193 : memref<1x128x256xf32, #tpu.memory_space<hbm>> -> memref<128x256xf32, #tpu.memory_space<hbm>>
    %dma_start3A_195 = arith.constant 0 : i32
    %dma_start3A_196 = arith.constant 0 : i32
    %dma_start3A_197 = tpu.memref_slice %arg6[%dma_start3A_195, %dma_start3A_196] : memref<128x256xf32, #tpu.memory_space<vmem>> -> memref<128x256xf32, #tpu.memory_space<vmem>>
    %dma_start3A_198 = arith.constant 512 : i32
    %dma_start3A_199 = arith.constant 0 : i32
    %dma_start3A_200 = tpu.memref_slice %arg3[%add3A, %dma_start3A_198, %dma_start3A_199] : memref<32x2304x256xf32, #tpu.memory_space<hbm>> -> memref<1x128x256xf32, #tpu.memory_space<hbm>>
    %dma_start3A_201 = tpu.memref_squeeze %dma_start3A_200 : memref<1x128x256xf32, #tpu.memory_space<hbm>> -> memref<128x256xf32, #tpu.memory_space<hbm>>
    tpu.enqueue_dma source(%dma_start3A_201 : memref<128x256xf32, #tpu.memory_space<hbm>>) target(%dma_start3A_197 : memref<128x256xf32, #tpu.memory_space<vmem>>) target_semaphore(%arg8 : memref<!tpu.dma_semaphore, #tpu.memory_space<semaphore_mem>>)
    %dma_wait3A_202 = arith.constant 0 : i32
    %dma_wait3A_203 = arith.constant 0 : i32
    %dma_wait3A_204 = tpu.memref_slice %arg6[%dma_wait3A_202, %dma_wait3A_203] : memref<128x256xf32, #tpu.memory_space<vmem>> -> memref<128x256xf32, #tpu.memory_space<vmem>>
    %dma_wait3A_205 = arith.constant 512 : i32
    %dma_wait3A_206 = arith.constant 0 : i32
    %dma_wait3A_207 = tpu.memref_slice %arg3[%add3A, %dma_wait3A_205, %dma_wait3A_206] : memref<32x2304x256xf32, #tpu.memory_space<hbm>> -> memref<1x128x256xf32, #tpu.memory_space<hbm>>
    %dma_wait3A_208 = tpu.memref_squeeze %dma_wait3A_207 : memref<1x128x256xf32, #tpu.memory_space<hbm>> -> memref<128x256xf32, #tpu.memory_space<hbm>>
    %dma_wait3A_209 = arith.constant 0 : i32
    %dma_wait3A_210 = arith.constant 0 : i32
    %dma_wait3A_211 = tpu.memref_slice %arg6[%dma_wait3A_209, %dma_wait3A_210] : memref<128x256xf32, #tpu.memory_space<vmem>> -> memref<128x256xf32, #tpu.memory_space<vmem>>
    %dma_wait3A_212 = arith.constant 512 : i32
    %dma_wait3A_213 = arith.constant 0 : i32
    %dma_wait3A_214 = tpu.memref_slice %arg3[%add3A, %dma_wait3A_212, %dma_wait3A_213] : memref<32x2304x256xf32, #tpu.memory_space<hbm>> -> memref<1x128x256xf32, #tpu.memory_space<hbm>>
    %dma_wait3A_215 = tpu.memref_squeeze %dma_wait3A_214 : memref<1x128x256xf32, #tpu.memory_space<hbm>> -> memref<128x256xf32, #tpu.memory_space<hbm>>
    tpu.wait_dma2 semaphore(%arg8 : memref<!tpu.dma_semaphore, #tpu.memory_space<semaphore_mem>>) src(%dma_wait3A_215 : memref<128x256xf32, #tpu.memory_space<hbm>>) dst(%dma_wait3A_211 : memref<128x256xf32, #tpu.memory_space<vmem>>)
    %dma_start3A_216 = arith.constant 4 : i32
    %dma_start3A_217 = arith.constant 0 : i32
    %dma_start3A_218 = tpu.memref_slice %arg5[%dma_start3A_216, %dma_start3A_217] : memref<18x128xi32, #tpu.memory_space<vmem>> -> memref<1x128xi32, #tpu.memory_space<vmem>>
    %dma_start3A_219 = tpu.memref_squeeze %dma_start3A_218 : memref<1x128xi32, #tpu.memory_space<vmem>> -> memref<128xi32, #tpu.memory_space<vmem>>
    %dma_start3A_220 = arith.constant 0 : i32
    %dma_start3A_221 = arith.constant 0 : i32
    %dma_start3A_222 = tpu.memref_slice %arg4[%add3A, %dma_start3A_220, %dma_start3A_221] : memref<32x2304x256xf32, #tpu.memory_space<hbm>> -> memref<1x2304x256xf32, #tpu.memory_space<hbm>>
    %dma_start3A_223 = tpu.memref_squeeze %dma_start3A_222 : memref<1x2304x256xf32, #tpu.memory_space<hbm>> -> memref<2304x256xf32, #tpu.memory_space<hbm>>
    %dma_start3A_224 = arith.constant 0 : i32
    %dma_start3A_225 = arith.constant 0 : i32
    %dma_start3A_226 = tpu.memref_slice %dma_start3A_223[%dma_start3A_224, %dma_start3A_225] : memref<2304x256xf32, #tpu.memory_space<hbm>> -> memref<2304x256xf32, #tpu.memory_space<hbm>>
    tpu.enqueue_indirect_dma source(%arg6 : memref<128x256xf32, #tpu.memory_space<vmem>>) target(%dma_start3A_226 : memref<2304x256xf32, #tpu.memory_space<hbm>>) offsets(%dma_start3A_219 : memref<128xi32, #tpu.memory_space<vmem>>) semaphore(%arg9 : memref<!tpu.dma_semaphore, #tpu.memory_space<semaphore_mem>>)
    %dma_wait3A_227 = arith.constant 3 : i32
    %dma_wait3A_228 = arith.constant 0 : i32
    %dma_wait3A_229 = tpu.memref_slice %arg5[%dma_wait3A_227, %dma_wait3A_228] : memref<18x128xi32, #tpu.memory_space<vmem>> -> memref<1x128xi32, #tpu.memory_space<vmem>>
    %dma_wait3A_230 = tpu.memref_squeeze %dma_wait3A_229 : memref<1x128xi32, #tpu.memory_space<vmem>> -> memref<128xi32, #tpu.memory_space<vmem>>
    %dma_wait3A_231 = arith.constant 0 : i32
    %dma_wait3A_232 = arith.constant 0 : i32
    %dma_wait3A_233 = tpu.memref_slice %arg4[%add3A, %dma_wait3A_231, %dma_wait3A_232] : memref<32x2304x256xf32, #tpu.memory_space<hbm>> -> memref<1x2304x256xf32, #tpu.memory_space<hbm>>
    %dma_wait3A_234 = tpu.memref_squeeze %dma_wait3A_233 : memref<1x2304x256xf32, #tpu.memory_space<hbm>> -> memref<2304x256xf32, #tpu.memory_space<hbm>>
    %dma_wait3A_235 = arith.constant 0 : i32
    %dma_wait3A_236 = arith.constant 0 : i32
    %dma_wait3A_237 = tpu.memref_slice %dma_wait3A_234[%dma_wait3A_235, %dma_wait3A_236] : memref<2304x256xf32, #tpu.memory_space<hbm>> -> memref<2304x256xf32, #tpu.memory_space<hbm>>
    tpu.wait_indirect_dma semaphore(%arg9 : memref<!tpu.dma_semaphore, #tpu.memory_space<semaphore_mem>>) src(%arg7 : memref<128x256xf32, #tpu.memory_space<vmem>>) dst(%dma_wait3A_237 : memref<2304x256xf32, #tpu.memory_space<hbm>>)
    %dma_start3A_238 = arith.constant 0 : i32
    %dma_start3A_239 = arith.constant 0 : i32
    %dma_start3A_240 = tpu.memref_slice %arg7[%dma_start3A_238, %dma_start3A_239] : memref<128x256xf32, #tpu.memory_space<vmem>> -> memref<128x256xf32, #tpu.memory_space<vmem>>
    %dma_start3A_241 = arith.constant 640 : i32
    %dma_start3A_242 = arith.constant 0 : i32
    %dma_start3A_243 = tpu.memref_slice %arg3[%add3A, %dma_start3A_241, %dma_start3A_242] : memref<32x2304x256xf32, #tpu.memory_space<hbm>> -> memref<1x128x256xf32, #tpu.memory_space<hbm>>
    %dma_start3A_244 = tpu.memref_squeeze %dma_start3A_243 : memref<1x128x256xf32, #tpu.memory_space<hbm>> -> memref<128x256xf32, #tpu.memory_space<hbm>>
    %dma_start3A_245 = arith.constant 0 : i32
    %dma_start3A_246 = arith.constant 0 : i32
    %dma_start3A_247 = tpu.memref_slice %arg7[%dma_start3A_245, %dma_start3A_246] : memref<128x256xf32, #tpu.memory_space<vmem>> -> memref<128x256xf32, #tpu.memory_space<vmem>>
    %dma_start3A_248 = arith.constant 640 : i32
    %dma_start3A_249 = arith.constant 0 : i32
    %dma_start3A_250 = tpu.memref_slice %arg3[%add3A, %dma_start3A_248, %dma_start3A_249] : memref<32x2304x256xf32, #tpu.memory_space<hbm>> -> memref<1x128x256xf32, #tpu.memory_space<hbm>>
    %dma_start3A_251 = tpu.memref_squeeze %dma_start3A_250 : memref<1x128x256xf32, #tpu.memory_space<hbm>> -> memref<128x256xf32, #tpu.memory_space<hbm>>
    tpu.enqueue_dma source(%dma_start3A_251 : memref<128x256xf32, #tpu.memory_space<hbm>>) target(%dma_start3A_247 : memref<128x256xf32, #tpu.memory_space<vmem>>) target_semaphore(%arg8 : memref<!tpu.dma_semaphore, #tpu.memory_space<semaphore_mem>>)
    %dma_wait3A_252 = arith.constant 0 : i32
    %dma_wait3A_253 = arith.constant 0 : i32
    %dma_wait3A_254 = tpu.memref_slice %arg7[%dma_wait3A_252, %dma_wait3A_253] : memref<128x256xf32, #tpu.memory_space<vmem>> -> memref<128x256xf32, #tpu.memory_space<vmem>>
    %dma_wait3A_255 = arith.constant 640 : i32
    %dma_wait3A_256 = arith.constant 0 : i32
    %dma_wait3A_257 = tpu.memref_slice %arg3[%add3A, %dma_wait3A_255, %dma_wait3A_256] : memref<32x2304x256xf32, #tpu.memory_space<hbm>> -> memref<1x128x256xf32, #tpu.memory_space<hbm>>
    %dma_wait3A_258 = tpu.memref_squeeze %dma_wait3A_257 : memref<1x128x256xf32, #tpu.memory_space<hbm>> -> memref<128x256xf32, #tpu.memory_space<hbm>>
    %dma_wait3A_259 = arith.constant 0 : i32
    %dma_wait3A_260 = arith.constant 0 : i32
    %dma_wait3A_261 = tpu.memref_slice %arg7[%dma_wait3A_259, %dma_wait3A_260] : memref<128x256xf32, #tpu.memory_space<vmem>> -> memref<128x256xf32, #tpu.memory_space<vmem>>
    %dma_wait3A_262 = arith.constant 640 : i32
    %dma_wait3A_263 = arith.constant 0 : i32
    %dma_wait3A_264 = tpu.memref_slice %arg3[%add3A, %dma_wait3A_262, %dma_wait3A_263] : memref<32x2304x256xf32, #tpu.memory_space<hbm>> -> memref<1x128x256xf32, #tpu.memory_space<hbm>>
    %dma_wait3A_265 = tpu.memref_squeeze %dma_wait3A_264 : memref<1x128x256xf32, #tpu.memory_space<hbm>> -> memref<128x256xf32, #tpu.memory_space<hbm>>
    tpu.wait_dma2 semaphore(%arg8 : memref<!tpu.dma_semaphore, #tpu.memory_space<semaphore_mem>>) src(%dma_wait3A_265 : memref<128x256xf32, #tpu.memory_space<hbm>>) dst(%dma_wait3A_261 : memref<128x256xf32, #tpu.memory_space<vmem>>)
    %dma_start3A_266 = arith.constant 5 : i32
    %dma_start3A_267 = arith.constant 0 : i32
    %dma_start3A_268 = tpu.memref_slice %arg5[%dma_start3A_266, %dma_start3A_267] : memref<18x128xi32, #tpu.memory_space<vmem>> -> memref<1x128xi32, #tpu.memory_space<vmem>>
    %dma_start3A_269 = tpu.memref_squeeze %dma_start3A_268 : memref<1x128xi32, #tpu.memory_space<vmem>> -> memref<128xi32, #tpu.memory_space<vmem>>
    %dma_start3A_270 = arith.constant 0 : i32
    %dma_start3A_271 = arith.constant 0 : i32
    %dma_start3A_272 = tpu.memref_slice %arg4[%add3A, %dma_start3A_270, %dma_start3A_271] : memref<32x2304x256xf32, #tpu.memory_space<hbm>> -> memref<1x2304x256xf32, #tpu.memory_space<hbm>>
    %dma_start3A_273 = tpu.memref_squeeze %dma_start3A_272 : memref<1x2304x256xf32, #tpu.memory_space<hbm>> -> memref<2304x256xf32, #tpu.memory_space<hbm>>
    %dma_start3A_274 = arith.constant 0 : i32
    %dma_start3A_275 = arith.constant 0 : i32
    %dma_start3A_276 = tpu.memref_slice %dma_start3A_273[%dma_start3A_274, %dma_start3A_275] : memref<2304x256xf32, #tpu.memory_space<hbm>> -> memref<2304x256xf32, #tpu.memory_space<hbm>>
    tpu.enqueue_indirect_dma source(%arg7 : memref<128x256xf32, #tpu.memory_space<vmem>>) target(%dma_start3A_276 : memref<2304x256xf32, #tpu.memory_space<hbm>>) offsets(%dma_start3A_269 : memref<128xi32, #tpu.memory_space<vmem>>) semaphore(%arg9 : memref<!tpu.dma_semaphore, #tpu.memory_space<semaphore_mem>>)
    %dma_wait3A_277 = arith.constant 4 : i32
    %dma_wait3A_278 = arith.constant 0 : i32
    %dma_wait3A_279 = tpu.memref_slice %arg5[%dma_wait3A_277, %dma_wait3A_278] : memref<18x128xi32, #tpu.memory_space<vmem>> -> memref<1x128xi32, #tpu.memory_space<vmem>>
    %dma_wait3A_280 = tpu.memref_squeeze %dma_wait3A_279 : memref<1x128xi32, #tpu.memory_space<vmem>> -> memref<128xi32, #tpu.memory_space<vmem>>
    %dma_wait3A_281 = arith.constant 0 : i32
    %dma_wait3A_282 = arith.constant 0 : i32
    %dma_wait3A_283 = tpu.memref_slice %arg4[%add3A, %dma_wait3A_281, %dma_wait3A_282] : memref<32x2304x256xf32, #tpu.memory_space<hbm>> -> memref<1x2304x256xf32, #tpu.memory_space<hbm>>
    %dma_wait3A_284 = tpu.memref_squeeze %dma_wait3A_283 : memref<1x2304x256xf32, #tpu.memory_space<hbm>> -> memref<2304x256xf32, #tpu.memory_space<hbm>>
    %dma_wait3A_285 = arith.constant 0 : i32
    %dma_wait3A_286 = arith.constant 0 : i32
    %dma_wait3A_287 = tpu.memref_slice %dma_wait3A_284[%dma_wait3A_285, %dma_wait3A_286] : memref<2304x256xf32, #tpu.memory_space<hbm>> -> memref<2304x256xf32, #tpu.memory_space<hbm>>
    tpu.wait_indirect_dma semaphore(%arg9 : memref<!tpu.dma_semaphore, #tpu.memory_space<semaphore_mem>>) src(%arg6 : memref<128x256xf32, #tpu.memory_space<vmem>>) dst(%dma_wait3A_287 : memref<2304x256xf32, #tpu.memory_space<hbm>>)
    %dma_start3A_288 = arith.constant 0 : i32
    %dma_start3A_289 = arith.constant 0 : i32
    %dma_start3A_290 = tpu.memref_slice %arg6[%dma_start3A_288, %dma_start3A_289] : memref<128x256xf32, #tpu.memory_space<vmem>> -> memref<128x256xf32, #tpu.memory_space<vmem>>
    %dma_start3A_291 = arith.constant 768 : i32
    %dma_start3A_292 = arith.constant 0 : i32
    %dma_start3A_293 = tpu.memref_slice %arg3[%add3A, %dma_start3A_291, %dma_start3A_292] : memref<32x2304x256xf32, #tpu.memory_space<hbm>> -> memref<1x128x256xf32, #tpu.memory_space<hbm>>
    %dma_start3A_294 = tpu.memref_squeeze %dma_start3A_293 : memref<1x128x256xf32, #tpu.memory_space<hbm>> -> memref<128x256xf32, #tpu.memory_space<hbm>>
    %dma_start3A_295 = arith.constant 0 : i32
    %dma_start3A_296 = arith.constant 0 : i32
    %dma_start3A_297 = tpu.memref_slice %arg6[%dma_start3A_295, %dma_start3A_296] : memref<128x256xf32, #tpu.memory_space<vmem>> -> memref<128x256xf32, #tpu.memory_space<vmem>>
    %dma_start3A_298 = arith.constant 768 : i32
    %dma_start3A_299 = arith.constant 0 : i32
    %dma_start3A_300 = tpu.memref_slice %arg3[%add3A, %dma_start3A_298, %dma_start3A_299] : memref<32x2304x256xf32, #tpu.memory_space<hbm>> -> memref<1x128x256xf32, #tpu.memory_space<hbm>>
    %dma_start3A_301 = tpu.memref_squeeze %dma_start3A_300 : memref<1x128x256xf32, #tpu.memory_space<hbm>> -> memref<128x256xf32, #tpu.memory_space<hbm>>
    tpu.enqueue_dma source(%dma_start3A_301 : memref<128x256xf32, #tpu.memory_space<hbm>>) target(%dma_start3A_297 : memref<128x256xf32, #tpu.memory_space<vmem>>) target_semaphore(%arg8 : memref<!tpu.dma_semaphore, #tpu.memory_space<semaphore_mem>>)
    %dma_wait3A_302 = arith.constant 0 : i32
    %dma_wait3A_303 = arith.constant 0 : i32
    %dma_wait3A_304 = tpu.memref_slice %arg6[%dma_wait3A_302, %dma_wait3A_303] : memref<128x256xf32, #tpu.memory_space<vmem>> -> memref<128x256xf32, #tpu.memory_space<vmem>>
    %dma_wait3A_305 = arith.constant 768 : i32
    %dma_wait3A_306 = arith.constant 0 : i32
    %dma_wait3A_307 = tpu.memref_slice %arg3[%add3A, %dma_wait3A_305, %dma_wait3A_306] : memref<32x2304x256xf32, #tpu.memory_space<hbm>> -> memref<1x128x256xf32, #tpu.memory_space<hbm>>
    %dma_wait3A_308 = tpu.memref_squeeze %dma_wait3A_307 : memref<1x128x256xf32, #tpu.memory_space<hbm>> -> memref<128x256xf32, #tpu.memory_space<hbm>>
    %dma_wait3A_309 = arith.constant 0 : i32
    %dma_wait3A_310 = arith.constant 0 : i32
    %dma_wait3A_311 = tpu.memref_slice %arg6[%dma_wait3A_309, %dma_wait3A_310] : memref<128x256xf32, #tpu.memory_space<vmem>> -> memref<128x256xf32, #tpu.memory_space<vmem>>
    %dma_wait3A_312 = arith.constant 768 : i32
    %dma_wait3A_313 = arith.constant 0 : i32
    %dma_wait3A_314 = tpu.memref_slice %arg3[%add3A, %dma_wait3A_312, %dma_wait3A_313] : memref<32x2304x256xf32, #tpu.memory_space<hbm>> -> memref<1x128x256xf32, #tpu.memory_space<hbm>>
    %dma_wait3A_315 = tpu.memref_squeeze %dma_wait3A_314 : memref<1x128x256xf32, #tpu.memory_space<hbm>> -> memref<128x256xf32, #tpu.memory_space<hbm>>
    tpu.wait_dma2 semaphore(%arg8 : memref<!tpu.dma_semaphore, #tpu.memory_space<semaphore_mem>>) src(%dma_wait3A_315 : memref<128x256xf32, #tpu.memory_space<hbm>>) dst(%dma_wait3A_311 : memref<128x256xf32, #tpu.memory_space<vmem>>)
    %dma_start3A_316 = arith.constant 6 : i32
    %dma_start3A_317 = arith.constant 0 : i32
    %dma_start3A_318 = tpu.memref_slice %arg5[%dma_start3A_316, %dma_start3A_317] : memref<18x128xi32, #tpu.memory_space<vmem>> -> memref<1x128xi32, #tpu.memory_space<vmem>>
    %dma_start3A_319 = tpu.memref_squeeze %dma_start3A_318 : memref<1x128xi32, #tpu.memory_space<vmem>> -> memref<128xi32, #tpu.memory_space<vmem>>
    %dma_start3A_320 = arith.constant 0 : i32
    %dma_start3A_321 = arith.constant 0 : i32
    %dma_start3A_322 = tpu.memref_slice %arg4[%add3A, %dma_start3A_320, %dma_start3A_321] : memref<32x2304x256xf32, #tpu.memory_space<hbm>> -> memref<1x2304x256xf32, #tpu.memory_space<hbm>>
    %dma_start3A_323 = tpu.memref_squeeze %dma_start3A_322 : memref<1x2304x256xf32, #tpu.memory_space<hbm>> -> memref<2304x256xf32, #tpu.memory_space<hbm>>
    %dma_start3A_324 = arith.constant 0 : i32
    %dma_start3A_325 = arith.constant 0 : i32
    %dma_start3A_326 = tpu.memref_slice %dma_start3A_323[%dma_start3A_324, %dma_start3A_325] : memref<2304x256xf32, #tpu.memory_space<hbm>> -> memref<2304x256xf32, #tpu.memory_space<hbm>>
    tpu.enqueue_indirect_dma source(%arg6 : memref<128x256xf32, #tpu.memory_space<vmem>>) target(%dma_start3A_326 : memref<2304x256xf32, #tpu.memory_space<hbm>>) offsets(%dma_start3A_319 : memref<128xi32, #tpu.memory_space<vmem>>) semaphore(%arg9 : memref<!tpu.dma_semaphore, #tpu.memory_space<semaphore_mem>>)
    %dma_wait3A_327 = arith.constant 5 : i32
    %dma_wait3A_328 = arith.constant 0 : i32
    %dma_wait3A_329 = tpu.memref_slice %arg5[%dma_wait3A_327, %dma_wait3A_328] : memref<18x128xi32, #tpu.memory_space<vmem>> -> memref<1x128xi32, #tpu.memory_space<vmem>>
    %dma_wait3A_330 = tpu.memref_squeeze %dma_wait3A_329 : memref<1x128xi32, #tpu.memory_space<vmem>> -> memref<128xi32, #tpu.memory_space<vmem>>
    %dma_wait3A_331 = arith.constant 0 : i32
    %dma_wait3A_332 = arith.constant 0 : i32
    %dma_wait3A_333 = tpu.memref_slice %arg4[%add3A, %dma_wait3A_331, %dma_wait3A_332] : memref<32x2304x256xf32, #tpu.memory_space<hbm>> -> memref<1x2304x256xf32, #tpu.memory_space<hbm>>
    %dma_wait3A_334 = tpu.memref_squeeze %dma_wait3A_333 : memref<1x2304x256xf32, #tpu.memory_space<hbm>> -> memref<2304x256xf32, #tpu.memory_space<hbm>>
    %dma_wait3A_335 = arith.constant 0 : i32
    %dma_wait3A_336 = arith.constant 0 : i32
    %dma_wait3A_337 = tpu.memref_slice %dma_wait3A_334[%dma_wait3A_335, %dma_wait3A_336] : memref<2304x256xf32, #tpu.memory_space<hbm>> -> memref<2304x256xf32, #tpu.memory_space<hbm>>
    tpu.wait_indirect_dma semaphore(%arg9 : memref<!tpu.dma_semaphore, #tpu.memory_space<semaphore_mem>>) src(%arg7 : memref<128x256xf32, #tpu.memory_space<vmem>>) dst(%dma_wait3A_337 : memref<2304x256xf32, #tpu.memory_space<hbm>>)
    %dma_start3A_338 = arith.constant 0 : i32
    %dma_start3A_339 = arith.constant 0 : i32
    %dma_start3A_340 = tpu.memref_slice %arg7[%dma_start3A_338, %dma_start3A_339] : memref<128x256xf32, #tpu.memory_space<vmem>> -> memref<128x256xf32, #tpu.memory_space<vmem>>
    %dma_start3A_341 = arith.constant 896 : i32
    %dma_start3A_342 = arith.constant 0 : i32
    %dma_start3A_343 = tpu.memref_slice %arg3[%add3A, %dma_start3A_341, %dma_start3A_342] : memref<32x2304x256xf32, #tpu.memory_space<hbm>> -> memref<1x128x256xf32, #tpu.memory_space<hbm>>
    %dma_start3A_344 = tpu.memref_squeeze %dma_start3A_343 : memref<1x128x256xf32, #tpu.memory_space<hbm>> -> memref<128x256xf32, #tpu.memory_space<hbm>>
    %dma_start3A_345 = arith.constant 0 : i32
    %dma_start3A_346 = arith.constant 0 : i32
    %dma_start3A_347 = tpu.memref_slice %arg7[%dma_start3A_345, %dma_start3A_346] : memref<128x256xf32, #tpu.memory_space<vmem>> -> memref<128x256xf32, #tpu.memory_space<vmem>>
    %dma_start3A_348 = arith.constant 896 : i32
    %dma_start3A_349 = arith.constant 0 : i32
    %dma_start3A_350 = tpu.memref_slice %arg3[%add3A, %dma_start3A_348, %dma_start3A_349] : memref<32x2304x256xf32, #tpu.memory_space<hbm>> -> memref<1x128x256xf32, #tpu.memory_space<hbm>>
    %dma_start3A_351 = tpu.memref_squeeze %dma_start3A_350 : memref<1x128x256xf32, #tpu.memory_space<hbm>> -> memref<128x256xf32, #tpu.memory_space<hbm>>
    tpu.enqueue_dma source(%dma_start3A_351 : memref<128x256xf32, #tpu.memory_space<hbm>>) target(%dma_start3A_347 : memref<128x256xf32, #tpu.memory_space<vmem>>) target_semaphore(%arg8 : memref<!tpu.dma_semaphore, #tpu.memory_space<semaphore_mem>>)
    %dma_wait3A_352 = arith.constant 0 : i32
    %dma_wait3A_353 = arith.constant 0 : i32
    %dma_wait3A_354 = tpu.memref_slice %arg7[%dma_wait3A_352, %dma_wait3A_353] : memref<128x256xf32, #tpu.memory_space<vmem>> -> memref<128x256xf32, #tpu.memory_space<vmem>>
    %dma_wait3A_355 = arith.constant 896 : i32
    %dma_wait3A_356 = arith.constant 0 : i32
    %dma_wait3A_357 = tpu.memref_slice %arg3[%add3A, %dma_wait3A_355, %dma_wait3A_356] : memref<32x2304x256xf32, #tpu.memory_space<hbm>> -> memref<1x128x256xf32, #tpu.memory_space<hbm>>
    %dma_wait3A_358 = tpu.memref_squeeze %dma_wait3A_357 : memref<1x128x256xf32, #tpu.memory_space<hbm>> -> memref<128x256xf32, #tpu.memory_space<hbm>>
    %dma_wait3A_359 = arith.constant 0 : i32
    %dma_wait3A_360 = arith.constant 0 : i32
    %dma_wait3A_361 = tpu.memref_slice %arg7[%dma_wait3A_359, %dma_wait3A_360] : memref<128x256xf32, #tpu.memory_space<vmem>> -> memref<128x256xf32, #tpu.memory_space<vmem>>
    %dma_wait3A_362 = arith.constant 896 : i32
    %dma_wait3A_363 = arith.constant 0 : i32
    %dma_wait3A_364 = tpu.memref_slice %arg3[%add3A, %dma_wait3A_362, %dma_wait3A_363] : memref<32x2304x256xf32, #tpu.memory_space<hbm>> -> memref<1x128x256xf32, #tpu.memory_space<hbm>>
    %dma_wait3A_365 = tpu.memref_squeeze %dma_wait3A_364 : memref<1x128x256xf32, #tpu.memory_space<hbm>> -> memref<128x256xf32, #tpu.memory_space<hbm>>
    tpu.wait_dma2 semaphore(%arg8 : memref<!tpu.dma_semaphore, #tpu.memory_space<semaphore_mem>>) src(%dma_wait3A_365 : memref<128x256xf32, #tpu.memory_space<hbm>>) dst(%dma_wait3A_361 : memref<128x256xf32, #tpu.memory_space<vmem>>)
    %dma_start3A_366 = arith.constant 7 : i32
    %dma_start3A_367 = arith.constant 0 : i32
    %dma_start3A_368 = tpu.memref_slice %arg5[%dma_start3A_366, %dma_start3A_367] : memref<18x128xi32, #tpu.memory_space<vmem>> -> memref<1x128xi32, #tpu.memory_space<vmem>>
    %dma_start3A_369 = tpu.memref_squeeze %dma_start3A_368 : memref<1x128xi32, #tpu.memory_space<vmem>> -> memref<128xi32, #tpu.memory_space<vmem>>
    %dma_start3A_370 = arith.constant 0 : i32
    %dma_start3A_371 = arith.constant 0 : i32
    %dma_start3A_372 = tpu.memref_slice %arg4[%add3A, %dma_start3A_370, %dma_start3A_371] : memref<32x2304x256xf32, #tpu.memory_space<hbm>> -> memref<1x2304x256xf32, #tpu.memory_space<hbm>>
    %dma_start3A_373 = tpu.memref_squeeze %dma_start3A_372 : memref<1x2304x256xf32, #tpu.memory_space<hbm>> -> memref<2304x256xf32, #tpu.memory_space<hbm>>
    %dma_start3A_374 = arith.constant 0 : i32
    %dma_start3A_375 = arith.constant 0 : i32
    %dma_start3A_376 = tpu.memref_slice %dma_start3A_373[%dma_start3A_374, %dma_start3A_375] : memref<2304x256xf32, #tpu.memory_space<hbm>> -> memref<2304x256xf32, #tpu.memory_space<hbm>>
    tpu.enqueue_indirect_dma source(%arg7 : memref<128x256xf32, #tpu.memory_space<vmem>>) target(%dma_start3A_376 : memref<2304x256xf32, #tpu.memory_space<hbm>>) offsets(%dma_start3A_369 : memref<128xi32, #tpu.memory_space<vmem>>) semaphore(%arg9 : memref<!tpu.dma_semaphore, #tpu.memory_space<semaphore_mem>>)
    %dma_wait3A_377 = arith.constant 6 : i32
    %dma_wait3A_378 = arith.constant 0 : i32
    %dma_wait3A_379 = tpu.memref_slice %arg5[%dma_wait3A_377, %dma_wait3A_378] : memref<18x128xi32, #tpu.memory_space<vmem>> -> memref<1x128xi32, #tpu.memory_space<vmem>>
    %dma_wait3A_380 = tpu.memref_squeeze %dma_wait3A_379 : memref<1x128xi32, #tpu.memory_space<vmem>> -> memref<128xi32, #tpu.memory_space<vmem>>
    %dma_wait3A_381 = arith.constant 0 : i32
    %dma_wait3A_382 = arith.constant 0 : i32
    %dma_wait3A_383 = tpu.memref_slice %arg4[%add3A, %dma_wait3A_381, %dma_wait3A_382] : memref<32x2304x256xf32, #tpu.memory_space<hbm>> -> memref<1x2304x256xf32, #tpu.memory_space<hbm>>
    %dma_wait3A_384 = tpu.memref_squeeze %dma_wait3A_383 : memref<1x2304x256xf32, #tpu.memory_space<hbm>> -> memref<2304x256xf32, #tpu.memory_space<hbm>>
    %dma_wait3A_385 = arith.constant 0 : i32
    %dma_wait3A_386 = arith.constant 0 : i32
    %dma_wait3A_387 = tpu.memref_slice %dma_wait3A_384[%dma_wait3A_385, %dma_wait3A_386] : memref<2304x256xf32, #tpu.memory_space<hbm>> -> memref<2304x256xf32, #tpu.memory_space<hbm>>
    tpu.wait_indirect_dma semaphore(%arg9 : memref<!tpu.dma_semaphore, #tpu.memory_space<semaphore_mem>>) src(%arg6 : memref<128x256xf32, #tpu.memory_space<vmem>>) dst(%dma_wait3A_387 : memref<2304x256xf32, #tpu.memory_space<hbm>>)
    %dma_start3A_388 = arith.constant 0 : i32
    %dma_start3A_389 = arith.constant 0 : i32
    %dma_start3A_390 = tpu.memref_slice %arg6[%dma_start3A_388, %dma_start3A_389] : memref<128x256xf32, #tpu.memory_space<vmem>> -> memref<128x256xf32, #tpu.memory_space<vmem>>
    %dma_start3A_391 = arith.constant 1024 : i32
    %dma_start3A_392 = arith.constant 0 : i32
    %dma_start3A_393 = tpu.memref_slice %arg3[%add3A, %dma_start3A_391, %dma_start3A_392] : memref<32x2304x256xf32, #tpu.memory_space<hbm>> -> memref<1x128x256xf32, #tpu.memory_space<hbm>>
    %dma_start3A_394 = tpu.memref_squeeze %dma_start3A_393 : memref<1x128x256xf32, #tpu.memory_space<hbm>> -> memref<128x256xf32, #tpu.memory_space<hbm>>
    %dma_start3A_395 = arith.constant 0 : i32
    %dma_start3A_396 = arith.constant 0 : i32
    %dma_start3A_397 = tpu.memref_slice %arg6[%dma_start3A_395, %dma_start3A_396] : memref<128x256xf32, #tpu.memory_space<vmem>> -> memref<128x256xf32, #tpu.memory_space<vmem>>
    %dma_start3A_398 = arith.constant 1024 : i32
    %dma_start3A_399 = arith.constant 0 : i32
    %dma_start3A_400 = tpu.memref_slice %arg3[%add3A, %dma_start3A_398, %dma_start3A_399] : memref<32x2304x256xf32, #tpu.memory_space<hbm>> -> memref<1x128x256xf32, #tpu.memory_space<hbm>>
    %dma_start3A_401 = tpu.memref_squeeze %dma_start3A_400 : memref<1x128x256xf32, #tpu.memory_space<hbm>> -> memref<128x256xf32, #tpu.memory_space<hbm>>
    tpu.enqueue_dma source(%dma_start3A_401 : memref<128x256xf32, #tpu.memory_space<hbm>>) target(%dma_start3A_397 : memref<128x256xf32, #tpu.memory_space<vmem>>) target_semaphore(%arg8 : memref<!tpu.dma_semaphore, #tpu.memory_space<semaphore_mem>>)
    %dma_wait3A_402 = arith.constant 0 : i32
    %dma_wait3A_403 = arith.constant 0 : i32
    %dma_wait3A_404 = tpu.memref_slice %arg6[%dma_wait3A_402, %dma_wait3A_403] : memref<128x256xf32, #tpu.memory_space<vmem>> -> memref<128x256xf32, #tpu.memory_space<vmem>>
    %dma_wait3A_405 = arith.constant 1024 : i32
    %dma_wait3A_406 = arith.constant 0 : i32
    %dma_wait3A_407 = tpu.memref_slice %arg3[%add3A, %dma_wait3A_405, %dma_wait3A_406] : memref<32x2304x256xf32, #tpu.memory_space<hbm>> -> memref<1x128x256xf32, #tpu.memory_space<hbm>>
    %dma_wait3A_408 = tpu.memref_squeeze %dma_wait3A_407 : memref<1x128x256xf32, #tpu.memory_space<hbm>> -> memref<128x256xf32, #tpu.memory_space<hbm>>
    %dma_wait3A_409 = arith.constant 0 : i32
    %dma_wait3A_410 = arith.constant 0 : i32
    %dma_wait3A_411 = tpu.memref_slice %arg6[%dma_wait3A_409, %dma_wait3A_410] : memref<128x256xf32, #tpu.memory_space<vmem>> -> memref<128x256xf32, #tpu.memory_space<vmem>>
    %dma_wait3A_412 = arith.constant 1024 : i32
    %dma_wait3A_413 = arith.constant 0 : i32
    %dma_wait3A_414 = tpu.memref_slice %arg3[%add3A, %dma_wait3A_412, %dma_wait3A_413] : memref<32x2304x256xf32, #tpu.memory_space<hbm>> -> memref<1x128x256xf32, #tpu.memory_space<hbm>>
    %dma_wait3A_415 = tpu.memref_squeeze %dma_wait3A_414 : memref<1x128x256xf32, #tpu.memory_space<hbm>> -> memref<128x256xf32, #tpu.memory_space<hbm>>
    tpu.wait_dma2 semaphore(%arg8 : memref<!tpu.dma_semaphore, #tpu.memory_space<semaphore_mem>>) src(%dma_wait3A_415 : memref<128x256xf32, #tpu.memory_space<hbm>>) dst(%dma_wait3A_411 : memref<128x256xf32, #tpu.memory_space<vmem>>)
    %dma_start3A_416 = arith.constant 8 : i32
    %dma_start3A_417 = arith.constant 0 : i32
    %dma_start3A_418 = tpu.memref_slice %arg5[%dma_start3A_416, %dma_start3A_417] : memref<18x128xi32, #tpu.memory_space<vmem>> -> memref<1x128xi32, #tpu.memory_space<vmem>>
    %dma_start3A_419 = tpu.memref_squeeze %dma_start3A_418 : memref<1x128xi32, #tpu.memory_space<vmem>> -> memref<128xi32, #tpu.memory_space<vmem>>
    %dma_start3A_420 = arith.constant 0 : i32
    %dma_start3A_421 = arith.constant 0 : i32
    %dma_start3A_422 = tpu.memref_slice %arg4[%add3A, %dma_start3A_420, %dma_start3A_421] : memref<32x2304x256xf32, #tpu.memory_space<hbm>> -> memref<1x2304x256xf32, #tpu.memory_space<hbm>>
    %dma_start3A_423 = tpu.memref_squeeze %dma_start3A_422 : memref<1x2304x256xf32, #tpu.memory_space<hbm>> -> memref<2304x256xf32, #tpu.memory_space<hbm>>
    %dma_start3A_424 = arith.constant 0 : i32
    %dma_start3A_425 = arith.constant 0 : i32
    %dma_start3A_426 = tpu.memref_slice %dma_start3A_423[%dma_start3A_424, %dma_start3A_425] : memref<2304x256xf32, #tpu.memory_space<hbm>> -> memref<2304x256xf32, #tpu.memory_space<hbm>>
    tpu.enqueue_indirect_dma source(%arg6 : memref<128x256xf32, #tpu.memory_space<vmem>>) target(%dma_start3A_426 : memref<2304x256xf32, #tpu.memory_space<hbm>>) offsets(%dma_start3A_419 : memref<128xi32, #tpu.memory_space<vmem>>) semaphore(%arg9 : memref<!tpu.dma_semaphore, #tpu.memory_space<semaphore_mem>>)
    %dma_wait3A_427 = arith.constant 7 : i32
    %dma_wait3A_428 = arith.constant 0 : i32
    %dma_wait3A_429 = tpu.memref_slice %arg5[%dma_wait3A_427, %dma_wait3A_428] : memref<18x128xi32, #tpu.memory_space<vmem>> -> memref<1x128xi32, #tpu.memory_space<vmem>>
    %dma_wait3A_430 = tpu.memref_squeeze %dma_wait3A_429 : memref<1x128xi32, #tpu.memory_space<vmem>> -> memref<128xi32, #tpu.memory_space<vmem>>
    %dma_wait3A_431 = arith.constant 0 : i32
    %dma_wait3A_432 = arith.constant 0 : i32
    %dma_wait3A_433 = tpu.memref_slice %arg4[%add3A, %dma_wait3A_431, %dma_wait3A_432] : memref<32x2304x256xf32, #tpu.memory_space<hbm>> -> memref<1x2304x256xf32, #tpu.memory_space<hbm>>
    %dma_wait3A_434 = tpu.memref_squeeze %dma_wait3A_433 : memref<1x2304x256xf32, #tpu.memory_space<hbm>> -> memref<2304x256xf32, #tpu.memory_space<hbm>>
    %dma_wait3A_435 = arith.constant 0 : i32
    %dma_wait3A_436 = arith.constant 0 : i32
    %dma_wait3A_437 = tpu.memref_slice %dma_wait3A_434[%dma_wait3A_435, %dma_wait3A_436] : memref<2304x256xf32, #tpu.memory_space<hbm>> -> memref<2304x256xf32, #tpu.memory_space<hbm>>
    tpu.wait_indirect_dma semaphore(%arg9 : memref<!tpu.dma_semaphore, #tpu.memory_space<semaphore_mem>>) src(%arg7 : memref<128x256xf32, #tpu.memory_space<vmem>>) dst(%dma_wait3A_437 : memref<2304x256xf32, #tpu.memory_space<hbm>>)
    %dma_start3A_438 = arith.constant 0 : i32
    %dma_start3A_439 = arith.constant 0 : i32
    %dma_start3A_440 = tpu.memref_slice %arg7[%dma_start3A_438, %dma_start3A_439] : memref<128x256xf32, #tpu.memory_space<vmem>> -> memref<128x256xf32, #tpu.memory_space<vmem>>
    %dma_start3A_441 = arith.constant 1152 : i32
    %dma_start3A_442 = arith.constant 0 : i32
    %dma_start3A_443 = tpu.memref_slice %arg3[%add3A, %dma_start3A_441, %dma_start3A_442] : memref<32x2304x256xf32, #tpu.memory_space<hbm>> -> memref<1x128x256xf32, #tpu.memory_space<hbm>>
    %dma_start3A_444 = tpu.memref_squeeze %dma_start3A_443 : memref<1x128x256xf32, #tpu.memory_space<hbm>> -> memref<128x256xf32, #tpu.memory_space<hbm>>
    %dma_start3A_445 = arith.constant 0 : i32
    %dma_start3A_446 = arith.constant 0 : i32
    %dma_start3A_447 = tpu.memref_slice %arg7[%dma_start3A_445, %dma_start3A_446] : memref<128x256xf32, #tpu.memory_space<vmem>> -> memref<128x256xf32, #tpu.memory_space<vmem>>
    %dma_start3A_448 = arith.constant 1152 : i32
    %dma_start3A_449 = arith.constant 0 : i32
    %dma_start3A_450 = tpu.memref_slice %arg3[%add3A, %dma_start3A_448, %dma_start3A_449] : memref<32x2304x256xf32, #tpu.memory_space<hbm>> -> memref<1x128x256xf32, #tpu.memory_space<hbm>>
    %dma_start3A_451 = tpu.memref_squeeze %dma_start3A_450 : memref<1x128x256xf32, #tpu.memory_space<hbm>> -> memref<128x256xf32, #tpu.memory_space<hbm>>
    tpu.enqueue_dma source(%dma_start3A_451 : memref<128x256xf32, #tpu.memory_space<hbm>>) target(%dma_start3A_447 : memref<128x256xf32, #tpu.memory_space<vmem>>) target_semaphore(%arg8 : memref<!tpu.dma_semaphore, #tpu.memory_space<semaphore_mem>>)
    %dma_wait3A_452 = arith.constant 0 : i32
    %dma_wait3A_453 = arith.constant 0 : i32
    %dma_wait3A_454 = tpu.memref_slice %arg7[%dma_wait3A_452, %dma_wait3A_453] : memref<128x256xf32, #tpu.memory_space<vmem>> -> memref<128x256xf32, #tpu.memory_space<vmem>>
    %dma_wait3A_455 = arith.constant 1152 : i32
    %dma_wait3A_456 = arith.constant 0 : i32
    %dma_wait3A_457 = tpu.memref_slice %arg3[%add3A, %dma_wait3A_455, %dma_wait3A_456] : memref<32x2304x256xf32, #tpu.memory_space<hbm>> -> memref<1x128x256xf32, #tpu.memory_space<hbm>>
    %dma_wait3A_458 = tpu.memref_squeeze %dma_wait3A_457 : memref<1x128x256xf32, #tpu.memory_space<hbm>> -> memref<128x256xf32, #tpu.memory_space<hbm>>
    %dma_wait3A_459 = arith.constant 0 : i32
    %dma_wait3A_460 = arith.constant 0 : i32
    %dma_wait3A_461 = tpu.memref_slice %arg7[%dma_wait3A_459, %dma_wait3A_460] : memref<128x256xf32, #tpu.memory_space<vmem>> -> memref<128x256xf32, #tpu.memory_space<vmem>>
    %dma_wait3A_462 = arith.constant 1152 : i32
    %dma_wait3A_463 = arith.constant 0 : i32
    %dma_wait3A_464 = tpu.memref_slice %arg3[%add3A, %dma_wait3A_462, %dma_wait3A_463] : memref<32x2304x256xf32, #tpu.memory_space<hbm>> -> memref<1x128x256xf32, #tpu.memory_space<hbm>>
    %dma_wait3A_465 = tpu.memref_squeeze %dma_wait3A_464 : memref<1x128x256xf32, #tpu.memory_space<hbm>> -> memref<128x256xf32, #tpu.memory_space<hbm>>
    tpu.wait_dma2 semaphore(%arg8 : memref<!tpu.dma_semaphore, #tpu.memory_space<semaphore_mem>>) src(%dma_wait3A_465 : memref<128x256xf32, #tpu.memory_space<hbm>>) dst(%dma_wait3A_461 : memref<128x256xf32, #tpu.memory_space<vmem>>)
    %dma_start3A_466 = arith.constant 9 : i32
    %dma_start3A_467 = arith.constant 0 : i32
    %dma_start3A_468 = tpu.memref_slice %arg5[%dma_start3A_466, %dma_start3A_467] : memref<18x128xi32, #tpu.memory_space<vmem>> -> memref<1x128xi32, #tpu.memory_space<vmem>>
    %dma_start3A_469 = tpu.memref_squeeze %dma_start3A_468 : memref<1x128xi32, #tpu.memory_space<vmem>> -> memref<128xi32, #tpu.memory_space<vmem>>
    %dma_start3A_470 = arith.constant 0 : i32
    %dma_start3A_471 = arith.constant 0 : i32
    %dma_start3A_472 = tpu.memref_slice %arg4[%add3A, %dma_start3A_470, %dma_start3A_471] : memref<32x2304x256xf32, #tpu.memory_space<hbm>> -> memref<1x2304x256xf32, #tpu.memory_space<hbm>>
    %dma_start3A_473 = tpu.memref_squeeze %dma_start3A_472 : memref<1x2304x256xf32, #tpu.memory_space<hbm>> -> memref<2304x256xf32, #tpu.memory_space<hbm>>
    %dma_start3A_474 = arith.constant 0 : i32
    %dma_start3A_475 = arith.constant 0 : i32
    %dma_start3A_476 = tpu.memref_slice %dma_start3A_473[%dma_start3A_474, %dma_start3A_475] : memref<2304x256xf32, #tpu.memory_space<hbm>> -> memref<2304x256xf32, #tpu.memory_space<hbm>>
    tpu.enqueue_indirect_dma source(%arg7 : memref<128x256xf32, #tpu.memory_space<vmem>>) target(%dma_start3A_476 : memref<2304x256xf32, #tpu.memory_space<hbm>>) offsets(%dma_start3A_469 : memref<128xi32, #tpu.memory_space<vmem>>) semaphore(%arg9 : memref<!tpu.dma_semaphore, #tpu.memory_space<semaphore_mem>>)
    %dma_wait3A_477 = arith.constant 8 : i32
    %dma_wait3A_478 = arith.constant 0 : i32
    %dma_wait3A_479 = tpu.memref_slice %arg5[%dma_wait3A_477, %dma_wait3A_478] : memref<18x128xi32, #tpu.memory_space<vmem>> -> memref<1x128xi32, #tpu.memory_space<vmem>>
    %dma_wait3A_480 = tpu.memref_squeeze %dma_wait3A_479 : memref<1x128xi32, #tpu.memory_space<vmem>> -> memref<128xi32, #tpu.memory_space<vmem>>
    %dma_wait3A_481 = arith.constant 0 : i32
    %dma_wait3A_482 = arith.constant 0 : i32
    %dma_wait3A_483 = tpu.memref_slice %arg4[%add3A, %dma_wait3A_481, %dma_wait3A_482] : memref<32x2304x256xf32, #tpu.memory_space<hbm>> -> memref<1x2304x256xf32, #tpu.memory_space<hbm>>
    %dma_wait3A_484 = tpu.memref_squeeze %dma_wait3A_483 : memref<1x2304x256xf32, #tpu.memory_space<hbm>> -> memref<2304x256xf32, #tpu.memory_space<hbm>>
    %dma_wait3A_485 = arith.constant 0 : i32
    %dma_wait3A_486 = arith.constant 0 : i32
    %dma_wait3A_487 = tpu.memref_slice %dma_wait3A_484[%dma_wait3A_485, %dma_wait3A_486] : memref<2304x256xf32, #tpu.memory_space<hbm>> -> memref<2304x256xf32, #tpu.memory_space<hbm>>
    tpu.wait_indirect_dma semaphore(%arg9 : memref<!tpu.dma_semaphore, #tpu.memory_space<semaphore_mem>>) src(%arg6 : memref<128x256xf32, #tpu.memory_space<vmem>>) dst(%dma_wait3A_487 : memref<2304x256xf32, #tpu.memory_space<hbm>>)
    %dma_start3A_488 = arith.constant 0 : i32
    %dma_start3A_489 = arith.constant 0 : i32
    %dma_start3A_490 = tpu.memref_slice %arg6[%dma_start3A_488, %dma_start3A_489] : memref<128x256xf32, #tpu.memory_space<vmem>> -> memref<128x256xf32, #tpu.memory_space<vmem>>
    %dma_start3A_491 = arith.constant 1280 : i32
    %dma_start3A_492 = arith.constant 0 : i32
    %dma_start3A_493 = tpu.memref_slice %arg3[%add3A, %dma_start3A_491, %dma_start3A_492] : memref<32x2304x256xf32, #tpu.memory_space<hbm>> -> memref<1x128x256xf32, #tpu.memory_space<hbm>>
    %dma_start3A_494 = tpu.memref_squeeze %dma_start3A_493 : memref<1x128x256xf32, #tpu.memory_space<hbm>> -> memref<128x256xf32, #tpu.memory_space<hbm>>
    %dma_start3A_495 = arith.constant 0 : i32
    %dma_start3A_496 = arith.constant 0 : i32
    %dma_start3A_497 = tpu.memref_slice %arg6[%dma_start3A_495, %dma_start3A_496] : memref<128x256xf32, #tpu.memory_space<vmem>> -> memref<128x256xf32, #tpu.memory_space<vmem>>
    %dma_start3A_498 = arith.constant 1280 : i32
    %dma_start3A_499 = arith.constant 0 : i32
    %dma_start3A_500 = tpu.memref_slice %arg3[%add3A, %dma_start3A_498, %dma_start3A_499] : memref<32x2304x256xf32, #tpu.memory_space<hbm>> -> memref<1x128x256xf32, #tpu.memory_space<hbm>>
    %dma_start3A_501 = tpu.memref_squeeze %dma_start3A_500 : memref<1x128x256xf32, #tpu.memory_space<hbm>> -> memref<128x256xf32, #tpu.memory_space<hbm>>
    tpu.enqueue_dma source(%dma_start3A_501 : memref<128x256xf32, #tpu.memory_space<hbm>>) target(%dma_start3A_497 : memref<128x256xf32, #tpu.memory_space<vmem>>) target_semaphore(%arg8 : memref<!tpu.dma_semaphore, #tpu.memory_space<semaphore_mem>>)
    %dma_wait3A_502 = arith.constant 0 : i32
    %dma_wait3A_503 = arith.constant 0 : i32
    %dma_wait3A_504 = tpu.memref_slice %arg6[%dma_wait3A_502, %dma_wait3A_503] : memref<128x256xf32, #tpu.memory_space<vmem>> -> memref<128x256xf32, #tpu.memory_space<vmem>>
    %dma_wait3A_505 = arith.constant 1280 : i32
    %dma_wait3A_506 = arith.constant 0 : i32
    %dma_wait3A_507 = tpu.memref_slice %arg3[%add3A, %dma_wait3A_505, %dma_wait3A_506] : memref<32x2304x256xf32, #tpu.memory_space<hbm>> -> memref<1x128x256xf32, #tpu.memory_space<hbm>>
    %dma_wait3A_508 = tpu.memref_squeeze %dma_wait3A_507 : memref<1x128x256xf32, #tpu.memory_space<hbm>> -> memref<128x256xf32, #tpu.memory_space<hbm>>
    %dma_wait3A_509 = arith.constant 0 : i32
    %dma_wait3A_510 = arith.constant 0 : i32
    %dma_wait3A_511 = tpu.memref_slice %arg6[%dma_wait3A_509, %dma_wait3A_510] : memref<128x256xf32, #tpu.memory_space<vmem>> -> memref<128x256xf32, #tpu.memory_space<vmem>>
    %dma_wait3A_512 = arith.constant 1280 : i32
    %dma_wait3A_513 = arith.constant 0 : i32
    %dma_wait3A_514 = tpu.memref_slice %arg3[%add3A, %dma_wait3A_512, %dma_wait3A_513] : memref<32x2304x256xf32, #tpu.memory_space<hbm>> -> memref<1x128x256xf32, #tpu.memory_space<hbm>>
    %dma_wait3A_515 = tpu.memref_squeeze %dma_wait3A_514 : memref<1x128x256xf32, #tpu.memory_space<hbm>> -> memref<128x256xf32, #tpu.memory_space<hbm>>
    tpu.wait_dma2 semaphore(%arg8 : memref<!tpu.dma_semaphore, #tpu.memory_space<semaphore_mem>>) src(%dma_wait3A_515 : memref<128x256xf32, #tpu.memory_space<hbm>>) dst(%dma_wait3A_511 : memref<128x256xf32, #tpu.memory_space<vmem>>)
    %dma_start3A_516 = arith.constant 10 : i32
    %dma_start3A_517 = arith.constant 0 : i32
    %dma_start3A_518 = tpu.memref_slice %arg5[%dma_start3A_516, %dma_start3A_517] : memref<18x128xi32, #tpu.memory_space<vmem>> -> memref<1x128xi32, #tpu.memory_space<vmem>>
    %dma_start3A_519 = tpu.memref_squeeze %dma_start3A_518 : memref<1x128xi32, #tpu.memory_space<vmem>> -> memref<128xi32, #tpu.memory_space<vmem>>
    %dma_start3A_520 = arith.constant 0 : i32
    %dma_start3A_521 = arith.constant 0 : i32
    %dma_start3A_522 = tpu.memref_slice %arg4[%add3A, %dma_start3A_520, %dma_start3A_521] : memref<32x2304x256xf32, #tpu.memory_space<hbm>> -> memref<1x2304x256xf32, #tpu.memory_space<hbm>>
    %dma_start3A_523 = tpu.memref_squeeze %dma_start3A_522 : memref<1x2304x256xf32, #tpu.memory_space<hbm>> -> memref<2304x256xf32, #tpu.memory_space<hbm>>
    %dma_start3A_524 = arith.constant 0 : i32
    %dma_start3A_525 = arith.constant 0 : i32
    %dma_start3A_526 = tpu.memref_slice %dma_start3A_523[%dma_start3A_524, %dma_start3A_525] : memref<2304x256xf32, #tpu.memory_space<hbm>> -> memref<2304x256xf32, #tpu.memory_space<hbm>>
    tpu.enqueue_indirect_dma source(%arg6 : memref<128x256xf32, #tpu.memory_space<vmem>>) target(%dma_start3A_526 : memref<2304x256xf32, #tpu.memory_space<hbm>>) offsets(%dma_start3A_519 : memref<128xi32, #tpu.memory_space<vmem>>) semaphore(%arg9 : memref<!tpu.dma_semaphore, #tpu.memory_space<semaphore_mem>>)
    %dma_wait3A_527 = arith.constant 9 : i32
    %dma_wait3A_528 = arith.constant 0 : i32
    %dma_wait3A_529 = tpu.memref_slice %arg5[%dma_wait3A_527, %dma_wait3A_528] : memref<18x128xi32, #tpu.memory_space<vmem>> -> memref<1x128xi32, #tpu.memory_space<vmem>>
    %dma_wait3A_530 = tpu.memref_squeeze %dma_wait3A_529 : memref<1x128xi32, #tpu.memory_space<vmem>> -> memref<128xi32, #tpu.memory_space<vmem>>
    %dma_wait3A_531 = arith.constant 0 : i32
    %dma_wait3A_532 = arith.constant 0 : i32
    %dma_wait3A_533 = tpu.memref_slice %arg4[%add3A, %dma_wait3A_531, %dma_wait3A_532] : memref<32x2304x256xf32, #tpu.memory_space<hbm>> -> memref<1x2304x256xf32, #tpu.memory_space<hbm>>
    %dma_wait3A_534 = tpu.memref_squeeze %dma_wait3A_533 : memref<1x2304x256xf32, #tpu.memory_space<hbm>> -> memref<2304x256xf32, #tpu.memory_space<hbm>>
    %dma_wait3A_535 = arith.constant 0 : i32
    %dma_wait3A_536 = arith.constant 0 : i32
    %dma_wait3A_537 = tpu.memref_slice %dma_wait3A_534[%dma_wait3A_535, %dma_wait3A_536] : memref<2304x256xf32, #tpu.memory_space<hbm>> -> memref<2304x256xf32, #tpu.memory_space<hbm>>
    tpu.wait_indirect_dma semaphore(%arg9 : memref<!tpu.dma_semaphore, #tpu.memory_space<semaphore_mem>>) src(%arg7 : memref<128x256xf32, #tpu.memory_space<vmem>>) dst(%dma_wait3A_537 : memref<2304x256xf32, #tpu.memory_space<hbm>>)
    %dma_start3A_538 = arith.constant 0 : i32
    %dma_start3A_539 = arith.constant 0 : i32
    %dma_start3A_540 = tpu.memref_slice %arg7[%dma_start3A_538, %dma_start3A_539] : memref<128x256xf32, #tpu.memory_space<vmem>> -> memref<128x256xf32, #tpu.memory_space<vmem>>
    %dma_start3A_541 = arith.constant 1408 : i32
    %dma_start3A_542 = arith.constant 0 : i32
    %dma_start3A_543 = tpu.memref_slice %arg3[%add3A, %dma_start3A_541, %dma_start3A_542] : memref<32x2304x256xf32, #tpu.memory_space<hbm>> -> memref<1x128x256xf32, #tpu.memory_space<hbm>>
    %dma_start3A_544 = tpu.memref_squeeze %dma_start3A_543 : memref<1x128x256xf32, #tpu.memory_space<hbm>> -> memref<128x256xf32, #tpu.memory_space<hbm>>
    %dma_start3A_545 = arith.constant 0 : i32
    %dma_start3A_546 = arith.constant 0 : i32
    %dma_start3A_547 = tpu.memref_slice %arg7[%dma_start3A_545, %dma_start3A_546] : memref<128x256xf32, #tpu.memory_space<vmem>> -> memref<128x256xf32, #tpu.memory_space<vmem>>
    %dma_start3A_548 = arith.constant 1408 : i32
    %dma_start3A_549 = arith.constant 0 : i32
    %dma_start3A_550 = tpu.memref_slice %arg3[%add3A, %dma_start3A_548, %dma_start3A_549] : memref<32x2304x256xf32, #tpu.memory_space<hbm>> -> memref<1x128x256xf32, #tpu.memory_space<hbm>>
    %dma_start3A_551 = tpu.memref_squeeze %dma_start3A_550 : memref<1x128x256xf32, #tpu.memory_space<hbm>> -> memref<128x256xf32, #tpu.memory_space<hbm>>
    tpu.enqueue_dma source(%dma_start3A_551 : memref<128x256xf32, #tpu.memory_space<hbm>>) target(%dma_start3A_547 : memref<128x256xf32, #tpu.memory_space<vmem>>) target_semaphore(%arg8 : memref<!tpu.dma_semaphore, #tpu.memory_space<semaphore_mem>>)
    %dma_wait3A_552 = arith.constant 0 : i32
    %dma_wait3A_553 = arith.constant 0 : i32
    %dma_wait3A_554 = tpu.memref_slice %arg7[%dma_wait3A_552, %dma_wait3A_553] : memref<128x256xf32, #tpu.memory_space<vmem>> -> memref<128x256xf32, #tpu.memory_space<vmem>>
    %dma_wait3A_555 = arith.constant 1408 : i32
    %dma_wait3A_556 = arith.constant 0 : i32
    %dma_wait3A_557 = tpu.memref_slice %arg3[%add3A, %dma_wait3A_555, %dma_wait3A_556] : memref<32x2304x256xf32, #tpu.memory_space<hbm>> -> memref<1x128x256xf32, #tpu.memory_space<hbm>>
    %dma_wait3A_558 = tpu.memref_squeeze %dma_wait3A_557 : memref<1x128x256xf32, #tpu.memory_space<hbm>> -> memref<128x256xf32, #tpu.memory_space<hbm>>
    %dma_wait3A_559 = arith.constant 0 : i32
    %dma_wait3A_560 = arith.constant 0 : i32
    %dma_wait3A_561 = tpu.memref_slice %arg7[%dma_wait3A_559, %dma_wait3A_560] : memref<128x256xf32, #tpu.memory_space<vmem>> -> memref<128x256xf32, #tpu.memory_space<vmem>>
    %dma_wait3A_562 = arith.constant 1408 : i32
    %dma_wait3A_563 = arith.constant 0 : i32
    %dma_wait3A_564 = tpu.memref_slice %arg3[%add3A, %dma_wait3A_562, %dma_wait3A_563] : memref<32x2304x256xf32, #tpu.memory_space<hbm>> -> memref<1x128x256xf32, #tpu.memory_space<hbm>>
    %dma_wait3A_565 = tpu.memref_squeeze %dma_wait3A_564 : memref<1x128x256xf32, #tpu.memory_space<hbm>> -> memref<128x256xf32, #tpu.memory_space<hbm>>
    tpu.wait_dma2 semaphore(%arg8 : memref<!tpu.dma_semaphore, #tpu.memory_space<semaphore_mem>>) src(%dma_wait3A_565 : memref<128x256xf32, #tpu.memory_space<hbm>>) dst(%dma_wait3A_561 : memref<128x256xf32, #tpu.memory_space<vmem>>)
    %dma_start3A_566 = arith.constant 11 : i32
    %dma_start3A_567 = arith.constant 0 : i32
    %dma_start3A_568 = tpu.memref_slice %arg5[%dma_start3A_566, %dma_start3A_567] : memref<18x128xi32, #tpu.memory_space<vmem>> -> memref<1x128xi32, #tpu.memory_space<vmem>>
    %dma_start3A_569 = tpu.memref_squeeze %dma_start3A_568 : memref<1x128xi32, #tpu.memory_space<vmem>> -> memref<128xi32, #tpu.memory_space<vmem>>
    %dma_start3A_570 = arith.constant 0 : i32
    %dma_start3A_571 = arith.constant 0 : i32
    %dma_start3A_572 = tpu.memref_slice %arg4[%add3A, %dma_start3A_570, %dma_start3A_571] : memref<32x2304x256xf32, #tpu.memory_space<hbm>> -> memref<1x2304x256xf32, #tpu.memory_space<hbm>>
    %dma_start3A_573 = tpu.memref_squeeze %dma_start3A_572 : memref<1x2304x256xf32, #tpu.memory_space<hbm>> -> memref<2304x256xf32, #tpu.memory_space<hbm>>
    %dma_start3A_574 = arith.constant 0 : i32
    %dma_start3A_575 = arith.constant 0 : i32
    %dma_start3A_576 = tpu.memref_slice %dma_start3A_573[%dma_start3A_574, %dma_start3A_575] : memref<2304x256xf32, #tpu.memory_space<hbm>> -> memref<2304x256xf32, #tpu.memory_space<hbm>>
    tpu.enqueue_indirect_dma source(%arg7 : memref<128x256xf32, #tpu.memory_space<vmem>>) target(%dma_start3A_576 : memref<2304x256xf32, #tpu.memory_space<hbm>>) offsets(%dma_start3A_569 : memref<128xi32, #tpu.memory_space<vmem>>) semaphore(%arg9 : memref<!tpu.dma_semaphore, #tpu.memory_space<semaphore_mem>>)
    %dma_wait3A_577 = arith.constant 10 : i32
    %dma_wait3A_578 = arith.constant 0 : i32
    %dma_wait3A_579 = tpu.memref_slice %arg5[%dma_wait3A_577, %dma_wait3A_578] : memref<18x128xi32, #tpu.memory_space<vmem>> -> memref<1x128xi32, #tpu.memory_space<vmem>>
    %dma_wait3A_580 = tpu.memref_squeeze %dma_wait3A_579 : memref<1x128xi32, #tpu.memory_space<vmem>> -> memref<128xi32, #tpu.memory_space<vmem>>
    %dma_wait3A_581 = arith.constant 0 : i32
    %dma_wait3A_582 = arith.constant 0 : i32
    %dma_wait3A_583 = tpu.memref_slice %arg4[%add3A, %dma_wait3A_581, %dma_wait3A_582] : memref<32x2304x256xf32, #tpu.memory_space<hbm>> -> memref<1x2304x256xf32, #tpu.memory_space<hbm>>
    %dma_wait3A_584 = tpu.memref_squeeze %dma_wait3A_583 : memref<1x2304x256xf32, #tpu.memory_space<hbm>> -> memref<2304x256xf32, #tpu.memory_space<hbm>>
    %dma_wait3A_585 = arith.constant 0 : i32
    %dma_wait3A_586 = arith.constant 0 : i32
    %dma_wait3A_587 = tpu.memref_slice %dma_wait3A_584[%dma_wait3A_585, %dma_wait3A_586] : memref<2304x256xf32, #tpu.memory_space<hbm>> -> memref<2304x256xf32, #tpu.memory_space<hbm>>
    tpu.wait_indirect_dma semaphore(%arg9 : memref<!tpu.dma_semaphore, #tpu.memory_space<semaphore_mem>>) src(%arg6 : memref<128x256xf32, #tpu.memory_space<vmem>>) dst(%dma_wait3A_587 : memref<2304x256xf32, #tpu.memory_space<hbm>>)
    %dma_start3A_588 = arith.constant 0 : i32
    %dma_start3A_589 = arith.constant 0 : i32
    %dma_start3A_590 = tpu.memref_slice %arg6[%dma_start3A_588, %dma_start3A_589] : memref<128x256xf32, #tpu.memory_space<vmem>> -> memref<128x256xf32, #tpu.memory_space<vmem>>
    %dma_start3A_591 = arith.constant 1536 : i32
    %dma_start3A_592 = arith.constant 0 : i32
    %dma_start3A_593 = tpu.memref_slice %arg3[%add3A, %dma_start3A_591, %dma_start3A_592] : memref<32x2304x256xf32, #tpu.memory_space<hbm>> -> memref<1x128x256xf32, #tpu.memory_space<hbm>>
    %dma_start3A_594 = tpu.memref_squeeze %dma_start3A_593 : memref<1x128x256xf32, #tpu.memory_space<hbm>> -> memref<128x256xf32, #tpu.memory_space<hbm>>
    %dma_start3A_595 = arith.constant 0 : i32
    %dma_start3A_596 = arith.constant 0 : i32
    %dma_start3A_597 = tpu.memref_slice %arg6[%dma_start3A_595, %dma_start3A_596] : memref<128x256xf32, #tpu.memory_space<vmem>> -> memref<128x256xf32, #tpu.memory_space<vmem>>
    %dma_start3A_598 = arith.constant 1536 : i32
    %dma_start3A_599 = arith.constant 0 : i32
    %dma_start3A_600 = tpu.memref_slice %arg3[%add3A, %dma_start3A_598, %dma_start3A_599] : memref<32x2304x256xf32, #tpu.memory_space<hbm>> -> memref<1x128x256xf32, #tpu.memory_space<hbm>>
    %dma_start3A_601 = tpu.memref_squeeze %dma_start3A_600 : memref<1x128x256xf32, #tpu.memory_space<hbm>> -> memref<128x256xf32, #tpu.memory_space<hbm>>
    tpu.enqueue_dma source(%dma_start3A_601 : memref<128x256xf32, #tpu.memory_space<hbm>>) target(%dma_start3A_597 : memref<128x256xf32, #tpu.memory_space<vmem>>) target_semaphore(%arg8 : memref<!tpu.dma_semaphore, #tpu.memory_space<semaphore_mem>>)
    %dma_wait3A_602 = arith.constant 0 : i32
    %dma_wait3A_603 = arith.constant 0 : i32
    %dma_wait3A_604 = tpu.memref_slice %arg6[%dma_wait3A_602, %dma_wait3A_603] : memref<128x256xf32, #tpu.memory_space<vmem>> -> memref<128x256xf32, #tpu.memory_space<vmem>>
    %dma_wait3A_605 = arith.constant 1536 : i32
    %dma_wait3A_606 = arith.constant 0 : i32
    %dma_wait3A_607 = tpu.memref_slice %arg3[%add3A, %dma_wait3A_605, %dma_wait3A_606] : memref<32x2304x256xf32, #tpu.memory_space<hbm>> -> memref<1x128x256xf32, #tpu.memory_space<hbm>>
    %dma_wait3A_608 = tpu.memref_squeeze %dma_wait3A_607 : memref<1x128x256xf32, #tpu.memory_space<hbm>> -> memref<128x256xf32, #tpu.memory_space<hbm>>
    %dma_wait3A_609 = arith.constant 0 : i32
    %dma_wait3A_610 = arith.constant 0 : i32
    %dma_wait3A_611 = tpu.memref_slice %arg6[%dma_wait3A_609, %dma_wait3A_610] : memref<128x256xf32, #tpu.memory_space<vmem>> -> memref<128x256xf32, #tpu.memory_space<vmem>>
    %dma_wait3A_612 = arith.constant 1536 : i32
    %dma_wait3A_613 = arith.constant 0 : i32
    %dma_wait3A_614 = tpu.memref_slice %arg3[%add3A, %dma_wait3A_612, %dma_wait3A_613] : memref<32x2304x256xf32, #tpu.memory_space<hbm>> -> memref<1x128x256xf32, #tpu.memory_space<hbm>>
    %dma_wait3A_615 = tpu.memref_squeeze %dma_wait3A_614 : memref<1x128x256xf32, #tpu.memory_space<hbm>> -> memref<128x256xf32, #tpu.memory_space<hbm>>
    tpu.wait_dma2 semaphore(%arg8 : memref<!tpu.dma_semaphore, #tpu.memory_space<semaphore_mem>>) src(%dma_wait3A_615 : memref<128x256xf32, #tpu.memory_space<hbm>>) dst(%dma_wait3A_611 : memref<128x256xf32, #tpu.memory_space<vmem>>)
    %dma_start3A_616 = arith.constant 12 : i32
    %dma_start3A_617 = arith.constant 0 : i32
    %dma_start3A_618 = tpu.memref_slice %arg5[%dma_start3A_616, %dma_start3A_617] : memref<18x128xi32, #tpu.memory_space<vmem>> -> memref<1x128xi32, #tpu.memory_space<vmem>>
    %dma_start3A_619 = tpu.memref_squeeze %dma_start3A_618 : memref<1x128xi32, #tpu.memory_space<vmem>> -> memref<128xi32, #tpu.memory_space<vmem>>
    %dma_start3A_620 = arith.constant 0 : i32
    %dma_start3A_621 = arith.constant 0 : i32
    %dma_start3A_622 = tpu.memref_slice %arg4[%add3A, %dma_start3A_620, %dma_start3A_621] : memref<32x2304x256xf32, #tpu.memory_space<hbm>> -> memref<1x2304x256xf32, #tpu.memory_space<hbm>>
    %dma_start3A_623 = tpu.memref_squeeze %dma_start3A_622 : memref<1x2304x256xf32, #tpu.memory_space<hbm>> -> memref<2304x256xf32, #tpu.memory_space<hbm>>
    %dma_start3A_624 = arith.constant 0 : i32
    %dma_start3A_625 = arith.constant 0 : i32
    %dma_start3A_626 = tpu.memref_slice %dma_start3A_623[%dma_start3A_624, %dma_start3A_625] : memref<2304x256xf32, #tpu.memory_space<hbm>> -> memref<2304x256xf32, #tpu.memory_space<hbm>>
    tpu.enqueue_indirect_dma source(%arg6 : memref<128x256xf32, #tpu.memory_space<vmem>>) target(%dma_start3A_626 : memref<2304x256xf32, #tpu.memory_space<hbm>>) offsets(%dma_start3A_619 : memref<128xi32, #tpu.memory_space<vmem>>) semaphore(%arg9 : memref<!tpu.dma_semaphore, #tpu.memory_space<semaphore_mem>>)
    %dma_wait3A_627 = arith.constant 11 : i32
    %dma_wait3A_628 = arith.constant 0 : i32
    %dma_wait3A_629 = tpu.memref_slice %arg5[%dma_wait3A_627, %dma_wait3A_628] : memref<18x128xi32, #tpu.memory_space<vmem>> -> memref<1x128xi32, #tpu.memory_space<vmem>>
    %dma_wait3A_630 = tpu.memref_squeeze %dma_wait3A_629 : memref<1x128xi32, #tpu.memory_space<vmem>> -> memref<128xi32, #tpu.memory_space<vmem>>
    %dma_wait3A_631 = arith.constant 0 : i32
    %dma_wait3A_632 = arith.constant 0 : i32
    %dma_wait3A_633 = tpu.memref_slice %arg4[%add3A, %dma_wait3A_631, %dma_wait3A_632] : memref<32x2304x256xf32, #tpu.memory_space<hbm>> -> memref<1x2304x256xf32, #tpu.memory_space<hbm>>
    %dma_wait3A_634 = tpu.memref_squeeze %dma_wait3A_633 : memref<1x2304x256xf32, #tpu.memory_space<hbm>> -> memref<2304x256xf32, #tpu.memory_space<hbm>>
    %dma_wait3A_635 = arith.constant 0 : i32
    %dma_wait3A_636 = arith.constant 0 : i32
    %dma_wait3A_637 = tpu.memref_slice %dma_wait3A_634[%dma_wait3A_635, %dma_wait3A_636] : memref<2304x256xf32, #tpu.memory_space<hbm>> -> memref<2304x256xf32, #tpu.memory_space<hbm>>
    tpu.wait_indirect_dma semaphore(%arg9 : memref<!tpu.dma_semaphore, #tpu.memory_space<semaphore_mem>>) src(%arg7 : memref<128x256xf32, #tpu.memory_space<vmem>>) dst(%dma_wait3A_637 : memref<2304x256xf32, #tpu.memory_space<hbm>>)
    %dma_start3A_638 = arith.constant 0 : i32
    %dma_start3A_639 = arith.constant 0 : i32
    %dma_start3A_640 = tpu.memref_slice %arg7[%dma_start3A_638, %dma_start3A_639] : memref<128x256xf32, #tpu.memory_space<vmem>> -> memref<128x256xf32, #tpu.memory_space<vmem>>
    %dma_start3A_641 = arith.constant 1664 : i32
    %dma_start3A_642 = arith.constant 0 : i32
    %dma_start3A_643 = tpu.memref_slice %arg3[%add3A, %dma_start3A_641, %dma_start3A_642] : memref<32x2304x256xf32, #tpu.memory_space<hbm>> -> memref<1x128x256xf32, #tpu.memory_space<hbm>>
    %dma_start3A_644 = tpu.memref_squeeze %dma_start3A_643 : memref<1x128x256xf32, #tpu.memory_space<hbm>> -> memref<128x256xf32, #tpu.memory_space<hbm>>
    %dma_start3A_645 = arith.constant 0 : i32
    %dma_start3A_646 = arith.constant 0 : i32
    %dma_start3A_647 = tpu.memref_slice %arg7[%dma_start3A_645, %dma_start3A_646] : memref<128x256xf32, #tpu.memory_space<vmem>> -> memref<128x256xf32, #tpu.memory_space<vmem>>
    %dma_start3A_648 = arith.constant 1664 : i32
    %dma_start3A_649 = arith.constant 0 : i32
    %dma_start3A_650 = tpu.memref_slice %arg3[%add3A, %dma_start3A_648, %dma_start3A_649] : memref<32x2304x256xf32, #tpu.memory_space<hbm>> -> memref<1x128x256xf32, #tpu.memory_space<hbm>>
    %dma_start3A_651 = tpu.memref_squeeze %dma_start3A_650 : memref<1x128x256xf32, #tpu.memory_space<hbm>> -> memref<128x256xf32, #tpu.memory_space<hbm>>
    tpu.enqueue_dma source(%dma_start3A_651 : memref<128x256xf32, #tpu.memory_space<hbm>>) target(%dma_start3A_647 : memref<128x256xf32, #tpu.memory_space<vmem>>) target_semaphore(%arg8 : memref<!tpu.dma_semaphore, #tpu.memory_space<semaphore_mem>>)
    %dma_wait3A_652 = arith.constant 0 : i32
    %dma_wait3A_653 = arith.constant 0 : i32
    %dma_wait3A_654 = tpu.memref_slice %arg7[%dma_wait3A_652, %dma_wait3A_653] : memref<128x256xf32, #tpu.memory_space<vmem>> -> memref<128x256xf32, #tpu.memory_space<vmem>>
    %dma_wait3A_655 = arith.constant 1664 : i32
    %dma_wait3A_656 = arith.constant 0 : i32
    %dma_wait3A_657 = tpu.memref_slice %arg3[%add3A, %dma_wait3A_655, %dma_wait3A_656] : memref<32x2304x256xf32, #tpu.memory_space<hbm>> -> memref<1x128x256xf32, #tpu.memory_space<hbm>>
    %dma_wait3A_658 = tpu.memref_squeeze %dma_wait3A_657 : memref<1x128x256xf32, #tpu.memory_space<hbm>> -> memref<128x256xf32, #tpu.memory_space<hbm>>
    %dma_wait3A_659 = arith.constant 0 : i32
    %dma_wait3A_660 = arith.constant 0 : i32
    %dma_wait3A_661 = tpu.memref_slice %arg7[%dma_wait3A_659, %dma_wait3A_660] : memref<128x256xf32, #tpu.memory_space<vmem>> -> memref<128x256xf32, #tpu.memory_space<vmem>>
    %dma_wait3A_662 = arith.constant 1664 : i32
    %dma_wait3A_663 = arith.constant 0 : i32
    %dma_wait3A_664 = tpu.memref_slice %arg3[%add3A, %dma_wait3A_662, %dma_wait3A_663] : memref<32x2304x256xf32, #tpu.memory_space<hbm>> -> memref<1x128x256xf32, #tpu.memory_space<hbm>>
    %dma_wait3A_665 = tpu.memref_squeeze %dma_wait3A_664 : memref<1x128x256xf32, #tpu.memory_space<hbm>> -> memref<128x256xf32, #tpu.memory_space<hbm>>
    tpu.wait_dma2 semaphore(%arg8 : memref<!tpu.dma_semaphore, #tpu.memory_space<semaphore_mem>>) src(%dma_wait3A_665 : memref<128x256xf32, #tpu.memory_space<hbm>>) dst(%dma_wait3A_661 : memref<128x256xf32, #tpu.memory_space<vmem>>)
    %dma_start3A_666 = arith.constant 13 : i32
    %dma_start3A_667 = arith.constant 0 : i32
    %dma_start3A_668 = tpu.memref_slice %arg5[%dma_start3A_666, %dma_start3A_667] : memref<18x128xi32, #tpu.memory_space<vmem>> -> memref<1x128xi32, #tpu.memory_space<vmem>>
    %dma_start3A_669 = tpu.memref_squeeze %dma_start3A_668 : memref<1x128xi32, #tpu.memory_space<vmem>> -> memref<128xi32, #tpu.memory_space<vmem>>
    %dma_start3A_670 = arith.constant 0 : i32
    %dma_start3A_671 = arith.constant 0 : i32
    %dma_start3A_672 = tpu.memref_slice %arg4[%add3A, %dma_start3A_670, %dma_start3A_671] : memref<32x2304x256xf32, #tpu.memory_space<hbm>> -> memref<1x2304x256xf32, #tpu.memory_space<hbm>>
    %dma_start3A_673 = tpu.memref_squeeze %dma_start3A_672 : memref<1x2304x256xf32, #tpu.memory_space<hbm>> -> memref<2304x256xf32, #tpu.memory_space<hbm>>
    %dma_start3A_674 = arith.constant 0 : i32
    %dma_start3A_675 = arith.constant 0 : i32
    %dma_start3A_676 = tpu.memref_slice %dma_start3A_673[%dma_start3A_674, %dma_start3A_675] : memref<2304x256xf32, #tpu.memory_space<hbm>> -> memref<2304x256xf32, #tpu.memory_space<hbm>>
    tpu.enqueue_indirect_dma source(%arg7 : memref<128x256xf32, #tpu.memory_space<vmem>>) target(%dma_start3A_676 : memref<2304x256xf32, #tpu.memory_space<hbm>>) offsets(%dma_start3A_669 : memref<128xi32, #tpu.memory_space<vmem>>) semaphore(%arg9 : memref<!tpu.dma_semaphore, #tpu.memory_space<semaphore_mem>>)
    %dma_wait3A_677 = arith.constant 12 : i32
    %dma_wait3A_678 = arith.constant 0 : i32
    %dma_wait3A_679 = tpu.memref_slice %arg5[%dma_wait3A_677, %dma_wait3A_678] : memref<18x128xi32, #tpu.memory_space<vmem>> -> memref<1x128xi32, #tpu.memory_space<vmem>>
    %dma_wait3A_680 = tpu.memref_squeeze %dma_wait3A_679 : memref<1x128xi32, #tpu.memory_space<vmem>> -> memref<128xi32, #tpu.memory_space<vmem>>
    %dma_wait3A_681 = arith.constant 0 : i32
    %dma_wait3A_682 = arith.constant 0 : i32
    %dma_wait3A_683 = tpu.memref_slice %arg4[%add3A, %dma_wait3A_681, %dma_wait3A_682] : memref<32x2304x256xf32, #tpu.memory_space<hbm>> -> memref<1x2304x256xf32, #tpu.memory_space<hbm>>
    %dma_wait3A_684 = tpu.memref_squeeze %dma_wait3A_683 : memref<1x2304x256xf32, #tpu.memory_space<hbm>> -> memref<2304x256xf32, #tpu.memory_space<hbm>>
    %dma_wait3A_685 = arith.constant 0 : i32
    %dma_wait3A_686 = arith.constant 0 : i32
    %dma_wait3A_687 = tpu.memref_slice %dma_wait3A_684[%dma_wait3A_685, %dma_wait3A_686] : memref<2304x256xf32, #tpu.memory_space<hbm>> -> memref<2304x256xf32, #tpu.memory_space<hbm>>
    tpu.wait_indirect_dma semaphore(%arg9 : memref<!tpu.dma_semaphore, #tpu.memory_space<semaphore_mem>>) src(%arg6 : memref<128x256xf32, #tpu.memory_space<vmem>>) dst(%dma_wait3A_687 : memref<2304x256xf32, #tpu.memory_space<hbm>>)
    %dma_start3A_688 = arith.constant 0 : i32
    %dma_start3A_689 = arith.constant 0 : i32
    %dma_start3A_690 = tpu.memref_slice %arg6[%dma_start3A_688, %dma_start3A_689] : memref<128x256xf32, #tpu.memory_space<vmem>> -> memref<128x256xf32, #tpu.memory_space<vmem>>
    %dma_start3A_691 = arith.constant 1792 : i32
    %dma_start3A_692 = arith.constant 0 : i32
    %dma_start3A_693 = tpu.memref_slice %arg3[%add3A, %dma_start3A_691, %dma_start3A_692] : memref<32x2304x256xf32, #tpu.memory_space<hbm>> -> memref<1x128x256xf32, #tpu.memory_space<hbm>>
    %dma_start3A_694 = tpu.memref_squeeze %dma_start3A_693 : memref<1x128x256xf32, #tpu.memory_space<hbm>> -> memref<128x256xf32, #tpu.memory_space<hbm>>
    %dma_start3A_695 = arith.constant 0 : i32
    %dma_start3A_696 = arith.constant 0 : i32
    %dma_start3A_697 = tpu.memref_slice %arg6[%dma_start3A_695, %dma_start3A_696] : memref<128x256xf32, #tpu.memory_space<vmem>> -> memref<128x256xf32, #tpu.memory_space<vmem>>
    %dma_start3A_698 = arith.constant 1792 : i32
    %dma_start3A_699 = arith.constant 0 : i32
    %dma_start3A_700 = tpu.memref_slice %arg3[%add3A, %dma_start3A_698, %dma_start3A_699] : memref<32x2304x256xf32, #tpu.memory_space<hbm>> -> memref<1x128x256xf32, #tpu.memory_space<hbm>>
    %dma_start3A_701 = tpu.memref_squeeze %dma_start3A_700 : memref<1x128x256xf32, #tpu.memory_space<hbm>> -> memref<128x256xf32, #tpu.memory_space<hbm>>
    tpu.enqueue_dma source(%dma_start3A_701 : memref<128x256xf32, #tpu.memory_space<hbm>>) target(%dma_start3A_697 : memref<128x256xf32, #tpu.memory_space<vmem>>) target_semaphore(%arg8 : memref<!tpu.dma_semaphore, #tpu.memory_space<semaphore_mem>>)
    %dma_wait3A_702 = arith.constant 0 : i32
    %dma_wait3A_703 = arith.constant 0 : i32
    %dma_wait3A_704 = tpu.memref_slice %arg6[%dma_wait3A_702, %dma_wait3A_703] : memref<128x256xf32, #tpu.memory_space<vmem>> -> memref<128x256xf32, #tpu.memory_space<vmem>>
    %dma_wait3A_705 = arith.constant 1792 : i32
    %dma_wait3A_706 = arith.constant 0 : i32
    %dma_wait3A_707 = tpu.memref_slice %arg3[%add3A, %dma_wait3A_705, %dma_wait3A_706] : memref<32x2304x256xf32, #tpu.memory_space<hbm>> -> memref<1x128x256xf32, #tpu.memory_space<hbm>>
    %dma_wait3A_708 = tpu.memref_squeeze %dma_wait3A_707 : memref<1x128x256xf32, #tpu.memory_space<hbm>> -> memref<128x256xf32, #tpu.memory_space<hbm>>
    %dma_wait3A_709 = arith.constant 0 : i32
    %dma_wait3A_710 = arith.constant 0 : i32
    %dma_wait3A_711 = tpu.memref_slice %arg6[%dma_wait3A_709, %dma_wait3A_710] : memref<128x256xf32, #tpu.memory_space<vmem>> -> memref<128x256xf32, #tpu.memory_space<vmem>>
    %dma_wait3A_712 = arith.constant 1792 : i32
    %dma_wait3A_713 = arith.constant 0 : i32
    %dma_wait3A_714 = tpu.memref_slice %arg3[%add3A, %dma_wait3A_712, %dma_wait3A_713] : memref<32x2304x256xf32, #tpu.memory_space<hbm>> -> memref<1x128x256xf32, #tpu.memory_space<hbm>>
    %dma_wait3A_715 = tpu.memref_squeeze %dma_wait3A_714 : memref<1x128x256xf32, #tpu.memory_space<hbm>> -> memref<128x256xf32, #tpu.memory_space<hbm>>
    tpu.wait_dma2 semaphore(%arg8 : memref<!tpu.dma_semaphore, #tpu.memory_space<semaphore_mem>>) src(%dma_wait3A_715 : memref<128x256xf32, #tpu.memory_space<hbm>>) dst(%dma_wait3A_711 : memref<128x256xf32, #tpu.memory_space<vmem>>)
    %dma_start3A_716 = arith.constant 14 : i32
    %dma_start3A_717 = arith.constant 0 : i32
    %dma_start3A_718 = tpu.memref_slice %arg5[%dma_start3A_716, %dma_start3A_717] : memref<18x128xi32, #tpu.memory_space<vmem>> -> memref<1x128xi32, #tpu.memory_space<vmem>>
    %dma_start3A_719 = tpu.memref_squeeze %dma_start3A_718 : memref<1x128xi32, #tpu.memory_space<vmem>> -> memref<128xi32, #tpu.memory_space<vmem>>
    %dma_start3A_720 = arith.constant 0 : i32
    %dma_start3A_721 = arith.constant 0 : i32
    %dma_start3A_722 = tpu.memref_slice %arg4[%add3A, %dma_start3A_720, %dma_start3A_721] : memref<32x2304x256xf32, #tpu.memory_space<hbm>> -> memref<1x2304x256xf32, #tpu.memory_space<hbm>>
    %dma_start3A_723 = tpu.memref_squeeze %dma_start3A_722 : memref<1x2304x256xf32, #tpu.memory_space<hbm>> -> memref<2304x256xf32, #tpu.memory_space<hbm>>
    %dma_start3A_724 = arith.constant 0 : i32
    %dma_start3A_725 = arith.constant 0 : i32
    %dma_start3A_726 = tpu.memref_slice %dma_start3A_723[%dma_start3A_724, %dma_start3A_725] : memref<2304x256xf32, #tpu.memory_space<hbm>> -> memref<2304x256xf32, #tpu.memory_space<hbm>>
    tpu.enqueue_indirect_dma source(%arg6 : memref<128x256xf32, #tpu.memory_space<vmem>>) target(%dma_start3A_726 : memref<2304x256xf32, #tpu.memory_space<hbm>>) offsets(%dma_start3A_719 : memref<128xi32, #tpu.memory_space<vmem>>) semaphore(%arg9 : memref<!tpu.dma_semaphore, #tpu.memory_space<semaphore_mem>>)
    %dma_wait3A_727 = arith.constant 13 : i32
    %dma_wait3A_728 = arith.constant 0 : i32
    %dma_wait3A_729 = tpu.memref_slice %arg5[%dma_wait3A_727, %dma_wait3A_728] : memref<18x128xi32, #tpu.memory_space<vmem>> -> memref<1x128xi32, #tpu.memory_space<vmem>>
    %dma_wait3A_730 = tpu.memref_squeeze %dma_wait3A_729 : memref<1x128xi32, #tpu.memory_space<vmem>> -> memref<128xi32, #tpu.memory_space<vmem>>
    %dma_wait3A_731 = arith.constant 0 : i32
    %dma_wait3A_732 = arith.constant 0 : i32
    %dma_wait3A_733 = tpu.memref_slice %arg4[%add3A, %dma_wait3A_731, %dma_wait3A_732] : memref<32x2304x256xf32, #tpu.memory_space<hbm>> -> memref<1x2304x256xf32, #tpu.memory_space<hbm>>
    %dma_wait3A_734 = tpu.memref_squeeze %dma_wait3A_733 : memref<1x2304x256xf32, #tpu.memory_space<hbm>> -> memref<2304x256xf32, #tpu.memory_space<hbm>>
    %dma_wait3A_735 = arith.constant 0 : i32
    %dma_wait3A_736 = arith.constant 0 : i32
    %dma_wait3A_737 = tpu.memref_slice %dma_wait3A_734[%dma_wait3A_735, %dma_wait3A_736] : memref<2304x256xf32, #tpu.memory_space<hbm>> -> memref<2304x256xf32, #tpu.memory_space<hbm>>
    tpu.wait_indirect_dma semaphore(%arg9 : memref<!tpu.dma_semaphore, #tpu.memory_space<semaphore_mem>>) src(%arg7 : memref<128x256xf32, #tpu.memory_space<vmem>>) dst(%dma_wait3A_737 : memref<2304x256xf32, #tpu.memory_space<hbm>>)
    %dma_start3A_738 = arith.constant 0 : i32
    %dma_start3A_739 = arith.constant 0 : i32
    %dma_start3A_740 = tpu.memref_slice %arg7[%dma_start3A_738, %dma_start3A_739] : memref<128x256xf32, #tpu.memory_space<vmem>> -> memref<128x256xf32, #tpu.memory_space<vmem>>
    %dma_start3A_741 = arith.constant 1920 : i32
    %dma_start3A_742 = arith.constant 0 : i32
    %dma_start3A_743 = tpu.memref_slice %arg3[%add3A, %dma_start3A_741, %dma_start3A_742] : memref<32x2304x256xf32, #tpu.memory_space<hbm>> -> memref<1x128x256xf32, #tpu.memory_space<hbm>>
    %dma_start3A_744 = tpu.memref_squeeze %dma_start3A_743 : memref<1x128x256xf32, #tpu.memory_space<hbm>> -> memref<128x256xf32, #tpu.memory_space<hbm>>
    %dma_start3A_745 = arith.constant 0 : i32
    %dma_start3A_746 = arith.constant 0 : i32
    %dma_start3A_747 = tpu.memref_slice %arg7[%dma_start3A_745, %dma_start3A_746] : memref<128x256xf32, #tpu.memory_space<vmem>> -> memref<128x256xf32, #tpu.memory_space<vmem>>
    %dma_start3A_748 = arith.constant 1920 : i32
    %dma_start3A_749 = arith.constant 0 : i32
    %dma_start3A_750 = tpu.memref_slice %arg3[%add3A, %dma_start3A_748, %dma_start3A_749] : memref<32x2304x256xf32, #tpu.memory_space<hbm>> -> memref<1x128x256xf32, #tpu.memory_space<hbm>>
    %dma_start3A_751 = tpu.memref_squeeze %dma_start3A_750 : memref<1x128x256xf32, #tpu.memory_space<hbm>> -> memref<128x256xf32, #tpu.memory_space<hbm>>
    tpu.enqueue_dma source(%dma_start3A_751 : memref<128x256xf32, #tpu.memory_space<hbm>>) target(%dma_start3A_747 : memref<128x256xf32, #tpu.memory_space<vmem>>) target_semaphore(%arg8 : memref<!tpu.dma_semaphore, #tpu.memory_space<semaphore_mem>>)
    %dma_wait3A_752 = arith.constant 0 : i32
    %dma_wait3A_753 = arith.constant 0 : i32
    %dma_wait3A_754 = tpu.memref_slice %arg7[%dma_wait3A_752, %dma_wait3A_753] : memref<128x256xf32, #tpu.memory_space<vmem>> -> memref<128x256xf32, #tpu.memory_space<vmem>>
    %dma_wait3A_755 = arith.constant 1920 : i32
    %dma_wait3A_756 = arith.constant 0 : i32
    %dma_wait3A_757 = tpu.memref_slice %arg3[%add3A, %dma_wait3A_755, %dma_wait3A_756] : memref<32x2304x256xf32, #tpu.memory_space<hbm>> -> memref<1x128x256xf32, #tpu.memory_space<hbm>>
    %dma_wait3A_758 = tpu.memref_squeeze %dma_wait3A_757 : memref<1x128x256xf32, #tpu.memory_space<hbm>> -> memref<128x256xf32, #tpu.memory_space<hbm>>
    %dma_wait3A_759 = arith.constant 0 : i32
    %dma_wait3A_760 = arith.constant 0 : i32
    %dma_wait3A_761 = tpu.memref_slice %arg7[%dma_wait3A_759, %dma_wait3A_760] : memref<128x256xf32, #tpu.memory_space<vmem>> -> memref<128x256xf32, #tpu.memory_space<vmem>>
    %dma_wait3A_762 = arith.constant 1920 : i32
    %dma_wait3A_763 = arith.constant 0 : i32
    %dma_wait3A_764 = tpu.memref_slice %arg3[%add3A, %dma_wait3A_762, %dma_wait3A_763] : memref<32x2304x256xf32, #tpu.memory_space<hbm>> -> memref<1x128x256xf32, #tpu.memory_space<hbm>>
    %dma_wait3A_765 = tpu.memref_squeeze %dma_wait3A_764 : memref<1x128x256xf32, #tpu.memory_space<hbm>> -> memref<128x256xf32, #tpu.memory_space<hbm>>
    tpu.wait_dma2 semaphore(%arg8 : memref<!tpu.dma_semaphore, #tpu.memory_space<semaphore_mem>>) src(%dma_wait3A_765 : memref<128x256xf32, #tpu.memory_space<hbm>>) dst(%dma_wait3A_761 : memref<128x256xf32, #tpu.memory_space<vmem>>)
    %dma_start3A_766 = arith.constant 15 : i32
    %dma_start3A_767 = arith.constant 0 : i32
    %dma_start3A_768 = tpu.memref_slice %arg5[%dma_start3A_766, %dma_start3A_767] : memref<18x128xi32, #tpu.memory_space<vmem>> -> memref<1x128xi32, #tpu.memory_space<vmem>>
    %dma_start3A_769 = tpu.memref_squeeze %dma_start3A_768 : memref<1x128xi32, #tpu.memory_space<vmem>> -> memref<128xi32, #tpu.memory_space<vmem>>
    %dma_start3A_770 = arith.constant 0 : i32
    %dma_start3A_771 = arith.constant 0 : i32
    %dma_start3A_772 = tpu.memref_slice %arg4[%add3A, %dma_start3A_770, %dma_start3A_771] : memref<32x2304x256xf32, #tpu.memory_space<hbm>> -> memref<1x2304x256xf32, #tpu.memory_space<hbm>>
    %dma_start3A_773 = tpu.memref_squeeze %dma_start3A_772 : memref<1x2304x256xf32, #tpu.memory_space<hbm>> -> memref<2304x256xf32, #tpu.memory_space<hbm>>
    %dma_start3A_774 = arith.constant 0 : i32
    %dma_start3A_775 = arith.constant 0 : i32
    %dma_start3A_776 = tpu.memref_slice %dma_start3A_773[%dma_start3A_774, %dma_start3A_775] : memref<2304x256xf32, #tpu.memory_space<hbm>> -> memref<2304x256xf32, #tpu.memory_space<hbm>>
    tpu.enqueue_indirect_dma source(%arg7 : memref<128x256xf32, #tpu.memory_space<vmem>>) target(%dma_start3A_776 : memref<2304x256xf32, #tpu.memory_space<hbm>>) offsets(%dma_start3A_769 : memref<128xi32, #tpu.memory_space<vmem>>) semaphore(%arg9 : memref<!tpu.dma_semaphore, #tpu.memory_space<semaphore_mem>>)
    %dma_wait3A_777 = arith.constant 14 : i32
    %dma_wait3A_778 = arith.constant 0 : i32
    %dma_wait3A_779 = tpu.memref_slice %arg5[%dma_wait3A_777, %dma_wait3A_778] : memref<18x128xi32, #tpu.memory_space<vmem>> -> memref<1x128xi32, #tpu.memory_space<vmem>>
    %dma_wait3A_780 = tpu.memref_squeeze %dma_wait3A_779 : memref<1x128xi32, #tpu.memory_space<vmem>> -> memref<128xi32, #tpu.memory_space<vmem>>
    %dma_wait3A_781 = arith.constant 0 : i32
    %dma_wait3A_782 = arith.constant 0 : i32
    %dma_wait3A_783 = tpu.memref_slice %arg4[%add3A, %dma_wait3A_781, %dma_wait3A_782] : memref<32x2304x256xf32, #tpu.memory_space<hbm>> -> memref<1x2304x256xf32, #tpu.memory_space<hbm>>
    %dma_wait3A_784 = tpu.memref_squeeze %dma_wait3A_783 : memref<1x2304x256xf32, #tpu.memory_space<hbm>> -> memref<2304x256xf32, #tpu.memory_space<hbm>>
    %dma_wait3A_785 = arith.constant 0 : i32
    %dma_wait3A_786 = arith.constant 0 : i32
    %dma_wait3A_787 = tpu.memref_slice %dma_wait3A_784[%dma_wait3A_785, %dma_wait3A_786] : memref<2304x256xf32, #tpu.memory_space<hbm>> -> memref<2304x256xf32, #tpu.memory_space<hbm>>
    tpu.wait_indirect_dma semaphore(%arg9 : memref<!tpu.dma_semaphore, #tpu.memory_space<semaphore_mem>>) src(%arg6 : memref<128x256xf32, #tpu.memory_space<vmem>>) dst(%dma_wait3A_787 : memref<2304x256xf32, #tpu.memory_space<hbm>>)
    %dma_start3A_788 = arith.constant 0 : i32
    %dma_start3A_789 = arith.constant 0 : i32
    %dma_start3A_790 = tpu.memref_slice %arg6[%dma_start3A_788, %dma_start3A_789] : memref<128x256xf32, #tpu.memory_space<vmem>> -> memref<128x256xf32, #tpu.memory_space<vmem>>
    %dma_start3A_791 = arith.constant 2048 : i32
    %dma_start3A_792 = arith.constant 0 : i32
    %dma_start3A_793 = tpu.memref_slice %arg3[%add3A, %dma_start3A_791, %dma_start3A_792] : memref<32x2304x256xf32, #tpu.memory_space<hbm>> -> memref<1x128x256xf32, #tpu.memory_space<hbm>>
    %dma_start3A_794 = tpu.memref_squeeze %dma_start3A_793 : memref<1x128x256xf32, #tpu.memory_space<hbm>> -> memref<128x256xf32, #tpu.memory_space<hbm>>
    %dma_start3A_795 = arith.constant 0 : i32
    %dma_start3A_796 = arith.constant 0 : i32
    %dma_start3A_797 = tpu.memref_slice %arg6[%dma_start3A_795, %dma_start3A_796] : memref<128x256xf32, #tpu.memory_space<vmem>> -> memref<128x256xf32, #tpu.memory_space<vmem>>
    %dma_start3A_798 = arith.constant 2048 : i32
    %dma_start3A_799 = arith.constant 0 : i32
    %dma_start3A_800 = tpu.memref_slice %arg3[%add3A, %dma_start3A_798, %dma_start3A_799] : memref<32x2304x256xf32, #tpu.memory_space<hbm>> -> memref<1x128x256xf32, #tpu.memory_space<hbm>>
    %dma_start3A_801 = tpu.memref_squeeze %dma_start3A_800 : memref<1x128x256xf32, #tpu.memory_space<hbm>> -> memref<128x256xf32, #tpu.memory_space<hbm>>
    tpu.enqueue_dma source(%dma_start3A_801 : memref<128x256xf32, #tpu.memory_space<hbm>>) target(%dma_start3A_797 : memref<128x256xf32, #tpu.memory_space<vmem>>) target_semaphore(%arg8 : memref<!tpu.dma_semaphore, #tpu.memory_space<semaphore_mem>>)
    %dma_wait3A_802 = arith.constant 0 : i32
    %dma_wait3A_803 = arith.constant 0 : i32
    %dma_wait3A_804 = tpu.memref_slice %arg6[%dma_wait3A_802, %dma_wait3A_803] : memref<128x256xf32, #tpu.memory_space<vmem>> -> memref<128x256xf32, #tpu.memory_space<vmem>>
    %dma_wait3A_805 = arith.constant 2048 : i32
    %dma_wait3A_806 = arith.constant 0 : i32
    %dma_wait3A_807 = tpu.memref_slice %arg3[%add3A, %dma_wait3A_805, %dma_wait3A_806] : memref<32x2304x256xf32, #tpu.memory_space<hbm>> -> memref<1x128x256xf32, #tpu.memory_space<hbm>>
    %dma_wait3A_808 = tpu.memref_squeeze %dma_wait3A_807 : memref<1x128x256xf32, #tpu.memory_space<hbm>> -> memref<128x256xf32, #tpu.memory_space<hbm>>
    %dma_wait3A_809 = arith.constant 0 : i32
    %dma_wait3A_810 = arith.constant 0 : i32
    %dma_wait3A_811 = tpu.memref_slice %arg6[%dma_wait3A_809, %dma_wait3A_810] : memref<128x256xf32, #tpu.memory_space<vmem>> -> memref<128x256xf32, #tpu.memory_space<vmem>>
    %dma_wait3A_812 = arith.constant 2048 : i32
    %dma_wait3A_813 = arith.constant 0 : i32
    %dma_wait3A_814 = tpu.memref_slice %arg3[%add3A, %dma_wait3A_812, %dma_wait3A_813] : memref<32x2304x256xf32, #tpu.memory_space<hbm>> -> memref<1x128x256xf32, #tpu.memory_space<hbm>>
    %dma_wait3A_815 = tpu.memref_squeeze %dma_wait3A_814 : memref<1x128x256xf32, #tpu.memory_space<hbm>> -> memref<128x256xf32, #tpu.memory_space<hbm>>
    tpu.wait_dma2 semaphore(%arg8 : memref<!tpu.dma_semaphore, #tpu.memory_space<semaphore_mem>>) src(%dma_wait3A_815 : memref<128x256xf32, #tpu.memory_space<hbm>>) dst(%dma_wait3A_811 : memref<128x256xf32, #tpu.memory_space<vmem>>)
    %dma_start3A_816 = arith.constant 16 : i32
    %dma_start3A_817 = arith.constant 0 : i32
    %dma_start3A_818 = tpu.memref_slice %arg5[%dma_start3A_816, %dma_start3A_817] : memref<18x128xi32, #tpu.memory_space<vmem>> -> memref<1x128xi32, #tpu.memory_space<vmem>>
    %dma_start3A_819 = tpu.memref_squeeze %dma_start3A_818 : memref<1x128xi32, #tpu.memory_space<vmem>> -> memref<128xi32, #tpu.memory_space<vmem>>
    %dma_start3A_820 = arith.constant 0 : i32
    %dma_start3A_821 = arith.constant 0 : i32
    %dma_start3A_822 = tpu.memref_slice %arg4[%add3A, %dma_start3A_820, %dma_start3A_821] : memref<32x2304x256xf32, #tpu.memory_space<hbm>> -> memref<1x2304x256xf32, #tpu.memory_space<hbm>>
    %dma_start3A_823 = tpu.memref_squeeze %dma_start3A_822 : memref<1x2304x256xf32, #tpu.memory_space<hbm>> -> memref<2304x256xf32, #tpu.memory_space<hbm>>
    %dma_start3A_824 = arith.constant 0 : i32
    %dma_start3A_825 = arith.constant 0 : i32
    %dma_start3A_826 = tpu.memref_slice %dma_start3A_823[%dma_start3A_824, %dma_start3A_825] : memref<2304x256xf32, #tpu.memory_space<hbm>> -> memref<2304x256xf32, #tpu.memory_space<hbm>>
    tpu.enqueue_indirect_dma source(%arg6 : memref<128x256xf32, #tpu.memory_space<vmem>>) target(%dma_start3A_826 : memref<2304x256xf32, #tpu.memory_space<hbm>>) offsets(%dma_start3A_819 : memref<128xi32, #tpu.memory_space<vmem>>) semaphore(%arg9 : memref<!tpu.dma_semaphore, #tpu.memory_space<semaphore_mem>>)
    %dma_wait3A_827 = arith.constant 15 : i32
    %dma_wait3A_828 = arith.constant 0 : i32
    %dma_wait3A_829 = tpu.memref_slice %arg5[%dma_wait3A_827, %dma_wait3A_828] : memref<18x128xi32, #tpu.memory_space<vmem>> -> memref<1x128xi32, #tpu.memory_space<vmem>>
    %dma_wait3A_830 = tpu.memref_squeeze %dma_wait3A_829 : memref<1x128xi32, #tpu.memory_space<vmem>> -> memref<128xi32, #tpu.memory_space<vmem>>
    %dma_wait3A_831 = arith.constant 0 : i32
    %dma_wait3A_832 = arith.constant 0 : i32
    %dma_wait3A_833 = tpu.memref_slice %arg4[%add3A, %dma_wait3A_831, %dma_wait3A_832] : memref<32x2304x256xf32, #tpu.memory_space<hbm>> -> memref<1x2304x256xf32, #tpu.memory_space<hbm>>
    %dma_wait3A_834 = tpu.memref_squeeze %dma_wait3A_833 : memref<1x2304x256xf32, #tpu.memory_space<hbm>> -> memref<2304x256xf32, #tpu.memory_space<hbm>>
    %dma_wait3A_835 = arith.constant 0 : i32
    %dma_wait3A_836 = arith.constant 0 : i32
    %dma_wait3A_837 = tpu.memref_slice %dma_wait3A_834[%dma_wait3A_835, %dma_wait3A_836] : memref<2304x256xf32, #tpu.memory_space<hbm>> -> memref<2304x256xf32, #tpu.memory_space<hbm>>
    tpu.wait_indirect_dma semaphore(%arg9 : memref<!tpu.dma_semaphore, #tpu.memory_space<semaphore_mem>>) src(%arg7 : memref<128x256xf32, #tpu.memory_space<vmem>>) dst(%dma_wait3A_837 : memref<2304x256xf32, #tpu.memory_space<hbm>>)
    %dma_start3A_838 = arith.constant 0 : i32
    %dma_start3A_839 = arith.constant 0 : i32
    %dma_start3A_840 = tpu.memref_slice %arg7[%dma_start3A_838, %dma_start3A_839] : memref<128x256xf32, #tpu.memory_space<vmem>> -> memref<128x256xf32, #tpu.memory_space<vmem>>
    %dma_start3A_841 = arith.constant 2176 : i32
    %dma_start3A_842 = arith.constant 0 : i32
    %dma_start3A_843 = tpu.memref_slice %arg3[%add3A, %dma_start3A_841, %dma_start3A_842] : memref<32x2304x256xf32, #tpu.memory_space<hbm>> -> memref<1x128x256xf32, #tpu.memory_space<hbm>>
    %dma_start3A_844 = tpu.memref_squeeze %dma_start3A_843 : memref<1x128x256xf32, #tpu.memory_space<hbm>> -> memref<128x256xf32, #tpu.memory_space<hbm>>
    %dma_start3A_845 = arith.constant 0 : i32
    %dma_start3A_846 = arith.constant 0 : i32
    %dma_start3A_847 = tpu.memref_slice %arg7[%dma_start3A_845, %dma_start3A_846] : memref<128x256xf32, #tpu.memory_space<vmem>> -> memref<128x256xf32, #tpu.memory_space<vmem>>
    %dma_start3A_848 = arith.constant 2176 : i32
    %dma_start3A_849 = arith.constant 0 : i32
    %dma_start3A_850 = tpu.memref_slice %arg3[%add3A, %dma_start3A_848, %dma_start3A_849] : memref<32x2304x256xf32, #tpu.memory_space<hbm>> -> memref<1x128x256xf32, #tpu.memory_space<hbm>>
    %dma_start3A_851 = tpu.memref_squeeze %dma_start3A_850 : memref<1x128x256xf32, #tpu.memory_space<hbm>> -> memref<128x256xf32, #tpu.memory_space<hbm>>
    tpu.enqueue_dma source(%dma_start3A_851 : memref<128x256xf32, #tpu.memory_space<hbm>>) target(%dma_start3A_847 : memref<128x256xf32, #tpu.memory_space<vmem>>) target_semaphore(%arg8 : memref<!tpu.dma_semaphore, #tpu.memory_space<semaphore_mem>>)
    %dma_wait3A_852 = arith.constant 0 : i32
    %dma_wait3A_853 = arith.constant 0 : i32
    %dma_wait3A_854 = tpu.memref_slice %arg7[%dma_wait3A_852, %dma_wait3A_853] : memref<128x256xf32, #tpu.memory_space<vmem>> -> memref<128x256xf32, #tpu.memory_space<vmem>>
    %dma_wait3A_855 = arith.constant 2176 : i32
    %dma_wait3A_856 = arith.constant 0 : i32
    %dma_wait3A_857 = tpu.memref_slice %arg3[%add3A, %dma_wait3A_855, %dma_wait3A_856] : memref<32x2304x256xf32, #tpu.memory_space<hbm>> -> memref<1x128x256xf32, #tpu.memory_space<hbm>>
    %dma_wait3A_858 = tpu.memref_squeeze %dma_wait3A_857 : memref<1x128x256xf32, #tpu.memory_space<hbm>> -> memref<128x256xf32, #tpu.memory_space<hbm>>
    %dma_wait3A_859 = arith.constant 0 : i32
    %dma_wait3A_860 = arith.constant 0 : i32
    %dma_wait3A_861 = tpu.memref_slice %arg7[%dma_wait3A_859, %dma_wait3A_860] : memref<128x256xf32, #tpu.memory_space<vmem>> -> memref<128x256xf32, #tpu.memory_space<vmem>>
    %dma_wait3A_862 = arith.constant 2176 : i32
    %dma_wait3A_863 = arith.constant 0 : i32
    %dma_wait3A_864 = tpu.memref_slice %arg3[%add3A, %dma_wait3A_862, %dma_wait3A_863] : memref<32x2304x256xf32, #tpu.memory_space<hbm>> -> memref<1x128x256xf32, #tpu.memory_space<hbm>>
    %dma_wait3A_865 = tpu.memref_squeeze %dma_wait3A_864 : memref<1x128x256xf32, #tpu.memory_space<hbm>> -> memref<128x256xf32, #tpu.memory_space<hbm>>
    tpu.wait_dma2 semaphore(%arg8 : memref<!tpu.dma_semaphore, #tpu.memory_space<semaphore_mem>>) src(%dma_wait3A_865 : memref<128x256xf32, #tpu.memory_space<hbm>>) dst(%dma_wait3A_861 : memref<128x256xf32, #tpu.memory_space<vmem>>)
    %dma_start3A_866 = arith.constant 17 : i32
    %dma_start3A_867 = arith.constant 0 : i32
    %dma_start3A_868 = tpu.memref_slice %arg5[%dma_start3A_866, %dma_start3A_867] : memref<18x128xi32, #tpu.memory_space<vmem>> -> memref<1x128xi32, #tpu.memory_space<vmem>>
    %dma_start3A_869 = tpu.memref_squeeze %dma_start3A_868 : memref<1x128xi32, #tpu.memory_space<vmem>> -> memref<128xi32, #tpu.memory_space<vmem>>
    %dma_start3A_870 = arith.constant 0 : i32
    %dma_start3A_871 = arith.constant 0 : i32
    %dma_start3A_872 = tpu.memref_slice %arg4[%add3A, %dma_start3A_870, %dma_start3A_871] : memref<32x2304x256xf32, #tpu.memory_space<hbm>> -> memref<1x2304x256xf32, #tpu.memory_space<hbm>>
    %dma_start3A_873 = tpu.memref_squeeze %dma_start3A_872 : memref<1x2304x256xf32, #tpu.memory_space<hbm>> -> memref<2304x256xf32, #tpu.memory_space<hbm>>
    %dma_start3A_874 = arith.constant 0 : i32
    %dma_start3A_875 = arith.constant 0 : i32
    %dma_start3A_876 = tpu.memref_slice %dma_start3A_873[%dma_start3A_874, %dma_start3A_875] : memref<2304x256xf32, #tpu.memory_space<hbm>> -> memref<2304x256xf32, #tpu.memory_space<hbm>>
    tpu.enqueue_indirect_dma source(%arg7 : memref<128x256xf32, #tpu.memory_space<vmem>>) target(%dma_start3A_876 : memref<2304x256xf32, #tpu.memory_space<hbm>>) offsets(%dma_start3A_869 : memref<128xi32, #tpu.memory_space<vmem>>) semaphore(%arg9 : memref<!tpu.dma_semaphore, #tpu.memory_space<semaphore_mem>>)
    %dma_wait3A_877 = arith.constant 16 : i32
    %dma_wait3A_878 = arith.constant 0 : i32
    %dma_wait3A_879 = tpu.memref_slice %arg5[%dma_wait3A_877, %dma_wait3A_878] : memref<18x128xi32, #tpu.memory_space<vmem>> -> memref<1x128xi32, #tpu.memory_space<vmem>>
    %dma_wait3A_880 = tpu.memref_squeeze %dma_wait3A_879 : memref<1x128xi32, #tpu.memory_space<vmem>> -> memref<128xi32, #tpu.memory_space<vmem>>
    %dma_wait3A_881 = arith.constant 0 : i32
    %dma_wait3A_882 = arith.constant 0 : i32
    %dma_wait3A_883 = tpu.memref_slice %arg4[%add3A, %dma_wait3A_881, %dma_wait3A_882] : memref<32x2304x256xf32, #tpu.memory_space<hbm>> -> memref<1x2304x256xf32, #tpu.memory_space<hbm>>
    %dma_wait3A_884 = tpu.memref_squeeze %dma_wait3A_883 : memref<1x2304x256xf32, #tpu.memory_space<hbm>> -> memref<2304x256xf32, #tpu.memory_space<hbm>>
    %dma_wait3A_885 = arith.constant 0 : i32
    %dma_wait3A_886 = arith.constant 0 : i32
    %dma_wait3A_887 = tpu.memref_slice %dma_wait3A_884[%dma_wait3A_885, %dma_wait3A_886] : memref<2304x256xf32, #tpu.memory_space<hbm>> -> memref<2304x256xf32, #tpu.memory_space<hbm>>
    tpu.wait_indirect_dma semaphore(%arg9 : memref<!tpu.dma_semaphore, #tpu.memory_space<semaphore_mem>>) src(%arg6 : memref<128x256xf32, #tpu.memory_space<vmem>>) dst(%dma_wait3A_887 : memref<2304x256xf32, #tpu.memory_space<hbm>>)
    %dma_wait3A_888 = arith.constant 17 : i32
    %dma_wait3A_889 = arith.constant 0 : i32
    %dma_wait3A_890 = tpu.memref_slice %arg5[%dma_wait3A_888, %dma_wait3A_889] : memref<18x128xi32, #tpu.memory_space<vmem>> -> memref<1x128xi32, #tpu.memory_space<vmem>>
    %dma_wait3A_891 = tpu.memref_squeeze %dma_wait3A_890 : memref<1x128xi32, #tpu.memory_space<vmem>> -> memref<128xi32, #tpu.memory_space<vmem>>
    %dma_wait3A_892 = arith.constant 0 : i32
    %dma_wait3A_893 = arith.constant 0 : i32
    %dma_wait3A_894 = tpu.memref_slice %arg4[%add3A, %dma_wait3A_892, %dma_wait3A_893] : memref<32x2304x256xf32, #tpu.memory_space<hbm>> -> memref<1x2304x256xf32, #tpu.memory_space<hbm>>
    %dma_wait3A_895 = tpu.memref_squeeze %dma_wait3A_894 : memref<1x2304x256xf32, #tpu.memory_space<hbm>> -> memref<2304x256xf32, #tpu.memory_space<hbm>>
    %dma_wait3A_896 = arith.constant 0 : i32
    %dma_wait3A_897 = arith.constant 0 : i32
    %dma_wait3A_898 = tpu.memref_slice %dma_wait3A_895[%dma_wait3A_896, %dma_wait3A_897] : memref<2304x256xf32, #tpu.memory_space<hbm>> -> memref<2304x256xf32, #tpu.memory_space<hbm>>
    tpu.wait_indirect_dma semaphore(%arg9 : memref<!tpu.dma_semaphore, #tpu.memory_space<semaphore_mem>>) src(%arg7 : memref<128x256xf32, #tpu.memory_space<vmem>>) dst(%dma_wait3A_898 : memref<2304x256xf32, #tpu.memory_space<hbm>>)
    return
  }
}

#map = affine_map<(d0, d1) -> (0, 0, 0)>
module attributes {stable_mosaic.version = 14 : i64} {
  func.func @_sc_permute_body(%arg0: i32, %arg1: i32, %arg2: memref<32x5x128xi32, #tpu.memory_space<hbm>>, %arg3: memref<32x576x256xf32, #tpu.memory_space<hbm>>, %arg4: memref<32x640x256xf32, #tpu.memory_space<hbm>>, %arg5: memref<5x128xi32, #tpu.memory_space<vmem>>, %arg6: memref<128x256xf32, #tpu.memory_space<vmem>>, %arg7: memref<128x256xf32, #tpu.memory_space<vmem>>, %arg8: memref<!tpu.dma_semaphore, #tpu.memory_space<semaphore_mem>>, %arg9: memref<!tpu.dma_semaphore, #tpu.memory_space<semaphore_mem>>) attributes {dimension_semantics = [#tpu.dimension_semantics<core_parallel>, #tpu.dimension_semantics<subcore_parallel>], iteration_bounds = array<i64: 2, 16>, scalar_prefetch = 0 : i64, scratch_operands = 5 : i64, tpu.core_type = #tpu.core_type<sc_vector_subcore>, window_params = [{transform_indices = #map}, {transform_indices = #map}, {transform_indices = #map}]} {
    %mul3A = arith.constant 2 : i32
    %mul3A_0 = arith.muli %arg1, %mul3A : i32
    %add3A = arith.addi %mul3A_0, %arg0 : i32
    "tpu.region"() ({
      %run_scoped3A = tpu.sem_alloc : memref<!tpu.dma_semaphore, #tpu.memory_space<semaphore_mem>>
      %dma_start3A_249 = arith.constant 0 : i32
      %dma_start3A_250 = arith.constant 0 : i32
      %dma_start3A_251 = tpu.memref_slice %arg2[%add3A, %dma_start3A_249, %dma_start3A_250] : memref<32x5x128xi32, #tpu.memory_space<hbm>> -> memref<1x5x128xi32, #tpu.memory_space<hbm>>
      %dma_start3A_252 = tpu.memref_squeeze %dma_start3A_251 : memref<1x5x128xi32, #tpu.memory_space<hbm>> -> memref<5x128xi32, #tpu.memory_space<hbm>>
      %dma_start3A_253 = arith.constant 0 : i32
      %dma_start3A_254 = arith.constant 0 : i32
      %dma_start3A_255 = tpu.memref_slice %arg2[%add3A, %dma_start3A_253, %dma_start3A_254] : memref<32x5x128xi32, #tpu.memory_space<hbm>> -> memref<1x5x128xi32, #tpu.memory_space<hbm>>
      %dma_start3A_256 = tpu.memref_squeeze %dma_start3A_255 : memref<1x5x128xi32, #tpu.memory_space<hbm>> -> memref<5x128xi32, #tpu.memory_space<hbm>>
      tpu.enqueue_dma source(%dma_start3A_256 : memref<5x128xi32, #tpu.memory_space<hbm>>) target(%arg5 : memref<5x128xi32, #tpu.memory_space<vmem>>) target_semaphore(%run_scoped3A : memref<!tpu.dma_semaphore, #tpu.memory_space<semaphore_mem>>)
      %dma_wait3A_257 = arith.constant 0 : i32
      %dma_wait3A_258 = arith.constant 0 : i32
      %dma_wait3A_259 = tpu.memref_slice %arg2[%add3A, %dma_wait3A_257, %dma_wait3A_258] : memref<32x5x128xi32, #tpu.memory_space<hbm>> -> memref<1x5x128xi32, #tpu.memory_space<hbm>>
      %dma_wait3A_260 = tpu.memref_squeeze %dma_wait3A_259 : memref<1x5x128xi32, #tpu.memory_space<hbm>> -> memref<5x128xi32, #tpu.memory_space<hbm>>
      %dma_wait3A_261 = arith.constant 0 : i32
      %dma_wait3A_262 = arith.constant 0 : i32
      %dma_wait3A_263 = tpu.memref_slice %arg2[%add3A, %dma_wait3A_261, %dma_wait3A_262] : memref<32x5x128xi32, #tpu.memory_space<hbm>> -> memref<1x5x128xi32, #tpu.memory_space<hbm>>
      %dma_wait3A_264 = tpu.memref_squeeze %dma_wait3A_263 : memref<1x5x128xi32, #tpu.memory_space<hbm>> -> memref<5x128xi32, #tpu.memory_space<hbm>>
      tpu.wait_dma2 semaphore(%run_scoped3A : memref<!tpu.dma_semaphore, #tpu.memory_space<semaphore_mem>>) src(%dma_wait3A_264 : memref<5x128xi32, #tpu.memory_space<hbm>>) dst(%arg5 : memref<5x128xi32, #tpu.memory_space<vmem>>)
      tpu.yield
    }) : () -> ()
    %dma_start3A = arith.constant 0 : i32
    %dma_start3A_1 = arith.constant 0 : i32
    %dma_start3A_2 = tpu.memref_slice %arg6[%dma_start3A, %dma_start3A_1] : memref<128x256xf32, #tpu.memory_space<vmem>> -> memref<128x256xf32, #tpu.memory_space<vmem>>
    %dma_start3A_3 = arith.constant 0 : i32
    %dma_start3A_4 = arith.constant 0 : i32
    %dma_start3A_5 = tpu.memref_slice %arg3[%add3A, %dma_start3A_3, %dma_start3A_4] : memref<32x576x256xf32, #tpu.memory_space<hbm>> -> memref<1x128x256xf32, #tpu.memory_space<hbm>>
    %dma_start3A_6 = tpu.memref_squeeze %dma_start3A_5 : memref<1x128x256xf32, #tpu.memory_space<hbm>> -> memref<128x256xf32, #tpu.memory_space<hbm>>
    %dma_start3A_7 = arith.constant 0 : i32
    %dma_start3A_8 = arith.constant 0 : i32
    %dma_start3A_9 = tpu.memref_slice %arg6[%dma_start3A_7, %dma_start3A_8] : memref<128x256xf32, #tpu.memory_space<vmem>> -> memref<128x256xf32, #tpu.memory_space<vmem>>
    %dma_start3A_10 = arith.constant 0 : i32
    %dma_start3A_11 = arith.constant 0 : i32
    %dma_start3A_12 = tpu.memref_slice %arg3[%add3A, %dma_start3A_10, %dma_start3A_11] : memref<32x576x256xf32, #tpu.memory_space<hbm>> -> memref<1x128x256xf32, #tpu.memory_space<hbm>>
    %dma_start3A_13 = tpu.memref_squeeze %dma_start3A_12 : memref<1x128x256xf32, #tpu.memory_space<hbm>> -> memref<128x256xf32, #tpu.memory_space<hbm>>
    tpu.enqueue_dma source(%dma_start3A_13 : memref<128x256xf32, #tpu.memory_space<hbm>>) target(%dma_start3A_9 : memref<128x256xf32, #tpu.memory_space<vmem>>) target_semaphore(%arg8 : memref<!tpu.dma_semaphore, #tpu.memory_space<semaphore_mem>>)
    %dma_wait3A = arith.constant 0 : i32
    %dma_wait3A_14 = arith.constant 0 : i32
    %dma_wait3A_15 = tpu.memref_slice %arg6[%dma_wait3A, %dma_wait3A_14] : memref<128x256xf32, #tpu.memory_space<vmem>> -> memref<128x256xf32, #tpu.memory_space<vmem>>
    %dma_wait3A_16 = arith.constant 0 : i32
    %dma_wait3A_17 = arith.constant 0 : i32
    %dma_wait3A_18 = tpu.memref_slice %arg3[%add3A, %dma_wait3A_16, %dma_wait3A_17] : memref<32x576x256xf32, #tpu.memory_space<hbm>> -> memref<1x128x256xf32, #tpu.memory_space<hbm>>
    %dma_wait3A_19 = tpu.memref_squeeze %dma_wait3A_18 : memref<1x128x256xf32, #tpu.memory_space<hbm>> -> memref<128x256xf32, #tpu.memory_space<hbm>>
    %dma_wait3A_20 = arith.constant 0 : i32
    %dma_wait3A_21 = arith.constant 0 : i32
    %dma_wait3A_22 = tpu.memref_slice %arg6[%dma_wait3A_20, %dma_wait3A_21] : memref<128x256xf32, #tpu.memory_space<vmem>> -> memref<128x256xf32, #tpu.memory_space<vmem>>
    %dma_wait3A_23 = arith.constant 0 : i32
    %dma_wait3A_24 = arith.constant 0 : i32
    %dma_wait3A_25 = tpu.memref_slice %arg3[%add3A, %dma_wait3A_23, %dma_wait3A_24] : memref<32x576x256xf32, #tpu.memory_space<hbm>> -> memref<1x128x256xf32, #tpu.memory_space<hbm>>
    %dma_wait3A_26 = tpu.memref_squeeze %dma_wait3A_25 : memref<1x128x256xf32, #tpu.memory_space<hbm>> -> memref<128x256xf32, #tpu.memory_space<hbm>>
    tpu.wait_dma2 semaphore(%arg8 : memref<!tpu.dma_semaphore, #tpu.memory_space<semaphore_mem>>) src(%dma_wait3A_26 : memref<128x256xf32, #tpu.memory_space<hbm>>) dst(%dma_wait3A_22 : memref<128x256xf32, #tpu.memory_space<vmem>>)
    %dma_start3A_27 = arith.constant 0 : i32
    %dma_start3A_28 = arith.constant 0 : i32
    %dma_start3A_29 = tpu.memref_slice %arg5[%dma_start3A_27, %dma_start3A_28] : memref<5x128xi32, #tpu.memory_space<vmem>> -> memref<1x128xi32, #tpu.memory_space<vmem>>
    %dma_start3A_30 = tpu.memref_squeeze %dma_start3A_29 : memref<1x128xi32, #tpu.memory_space<vmem>> -> memref<128xi32, #tpu.memory_space<vmem>>
    %dma_start3A_31 = arith.constant 0 : i32
    %dma_start3A_32 = arith.constant 0 : i32
    %dma_start3A_33 = tpu.memref_slice %arg4[%add3A, %dma_start3A_31, %dma_start3A_32] : memref<32x640x256xf32, #tpu.memory_space<hbm>> -> memref<1x640x256xf32, #tpu.memory_space<hbm>>
    %dma_start3A_34 = tpu.memref_squeeze %dma_start3A_33 : memref<1x640x256xf32, #tpu.memory_space<hbm>> -> memref<640x256xf32, #tpu.memory_space<hbm>>
    %dma_start3A_35 = arith.constant 0 : i32
    %dma_start3A_36 = arith.constant 0 : i32
    %dma_start3A_37 = tpu.memref_slice %dma_start3A_34[%dma_start3A_35, %dma_start3A_36] : memref<640x256xf32, #tpu.memory_space<hbm>> -> memref<640x256xf32, #tpu.memory_space<hbm>>
    tpu.enqueue_indirect_dma source(%arg6 : memref<128x256xf32, #tpu.memory_space<vmem>>) target(%dma_start3A_37 : memref<640x256xf32, #tpu.memory_space<hbm>>) offsets(%dma_start3A_30 : memref<128xi32, #tpu.memory_space<vmem>>) semaphore(%arg9 : memref<!tpu.dma_semaphore, #tpu.memory_space<semaphore_mem>>)
    %dma_start3A_38 = arith.constant 0 : i32
    %dma_start3A_39 = arith.constant 0 : i32
    %dma_start3A_40 = tpu.memref_slice %arg7[%dma_start3A_38, %dma_start3A_39] : memref<128x256xf32, #tpu.memory_space<vmem>> -> memref<128x256xf32, #tpu.memory_space<vmem>>
    %dma_start3A_41 = arith.constant 128 : i32
    %dma_start3A_42 = arith.constant 0 : i32
    %dma_start3A_43 = tpu.memref_slice %arg3[%add3A, %dma_start3A_41, %dma_start3A_42] : memref<32x576x256xf32, #tpu.memory_space<hbm>> -> memref<1x128x256xf32, #tpu.memory_space<hbm>>
    %dma_start3A_44 = tpu.memref_squeeze %dma_start3A_43 : memref<1x128x256xf32, #tpu.memory_space<hbm>> -> memref<128x256xf32, #tpu.memory_space<hbm>>
    %dma_start3A_45 = arith.constant 0 : i32
    %dma_start3A_46 = arith.constant 0 : i32
    %dma_start3A_47 = tpu.memref_slice %arg7[%dma_start3A_45, %dma_start3A_46] : memref<128x256xf32, #tpu.memory_space<vmem>> -> memref<128x256xf32, #tpu.memory_space<vmem>>
    %dma_start3A_48 = arith.constant 128 : i32
    %dma_start3A_49 = arith.constant 0 : i32
    %dma_start3A_50 = tpu.memref_slice %arg3[%add3A, %dma_start3A_48, %dma_start3A_49] : memref<32x576x256xf32, #tpu.memory_space<hbm>> -> memref<1x128x256xf32, #tpu.memory_space<hbm>>
    %dma_start3A_51 = tpu.memref_squeeze %dma_start3A_50 : memref<1x128x256xf32, #tpu.memory_space<hbm>> -> memref<128x256xf32, #tpu.memory_space<hbm>>
    tpu.enqueue_dma source(%dma_start3A_51 : memref<128x256xf32, #tpu.memory_space<hbm>>) target(%dma_start3A_47 : memref<128x256xf32, #tpu.memory_space<vmem>>) target_semaphore(%arg8 : memref<!tpu.dma_semaphore, #tpu.memory_space<semaphore_mem>>)
    %dma_wait3A_52 = arith.constant 0 : i32
    %dma_wait3A_53 = arith.constant 0 : i32
    %dma_wait3A_54 = tpu.memref_slice %arg7[%dma_wait3A_52, %dma_wait3A_53] : memref<128x256xf32, #tpu.memory_space<vmem>> -> memref<128x256xf32, #tpu.memory_space<vmem>>
    %dma_wait3A_55 = arith.constant 128 : i32
    %dma_wait3A_56 = arith.constant 0 : i32
    %dma_wait3A_57 = tpu.memref_slice %arg3[%add3A, %dma_wait3A_55, %dma_wait3A_56] : memref<32x576x256xf32, #tpu.memory_space<hbm>> -> memref<1x128x256xf32, #tpu.memory_space<hbm>>
    %dma_wait3A_58 = tpu.memref_squeeze %dma_wait3A_57 : memref<1x128x256xf32, #tpu.memory_space<hbm>> -> memref<128x256xf32, #tpu.memory_space<hbm>>
    %dma_wait3A_59 = arith.constant 0 : i32
    %dma_wait3A_60 = arith.constant 0 : i32
    %dma_wait3A_61 = tpu.memref_slice %arg7[%dma_wait3A_59, %dma_wait3A_60] : memref<128x256xf32, #tpu.memory_space<vmem>> -> memref<128x256xf32, #tpu.memory_space<vmem>>
    %dma_wait3A_62 = arith.constant 128 : i32
    %dma_wait3A_63 = arith.constant 0 : i32
    %dma_wait3A_64 = tpu.memref_slice %arg3[%add3A, %dma_wait3A_62, %dma_wait3A_63] : memref<32x576x256xf32, #tpu.memory_space<hbm>> -> memref<1x128x256xf32, #tpu.memory_space<hbm>>
    %dma_wait3A_65 = tpu.memref_squeeze %dma_wait3A_64 : memref<1x128x256xf32, #tpu.memory_space<hbm>> -> memref<128x256xf32, #tpu.memory_space<hbm>>
    tpu.wait_dma2 semaphore(%arg8 : memref<!tpu.dma_semaphore, #tpu.memory_space<semaphore_mem>>) src(%dma_wait3A_65 : memref<128x256xf32, #tpu.memory_space<hbm>>) dst(%dma_wait3A_61 : memref<128x256xf32, #tpu.memory_space<vmem>>)
    %dma_start3A_66 = arith.constant 1 : i32
    %dma_start3A_67 = arith.constant 0 : i32
    %dma_start3A_68 = tpu.memref_slice %arg5[%dma_start3A_66, %dma_start3A_67] : memref<5x128xi32, #tpu.memory_space<vmem>> -> memref<1x128xi32, #tpu.memory_space<vmem>>
    %dma_start3A_69 = tpu.memref_squeeze %dma_start3A_68 : memref<1x128xi32, #tpu.memory_space<vmem>> -> memref<128xi32, #tpu.memory_space<vmem>>
    %dma_start3A_70 = arith.constant 0 : i32
    %dma_start3A_71 = arith.constant 0 : i32
    %dma_start3A_72 = tpu.memref_slice %arg4[%add3A, %dma_start3A_70, %dma_start3A_71] : memref<32x640x256xf32, #tpu.memory_space<hbm>> -> memref<1x640x256xf32, #tpu.memory_space<hbm>>
    %dma_start3A_73 = tpu.memref_squeeze %dma_start3A_72 : memref<1x640x256xf32, #tpu.memory_space<hbm>> -> memref<640x256xf32, #tpu.memory_space<hbm>>
    %dma_start3A_74 = arith.constant 0 : i32
    %dma_start3A_75 = arith.constant 0 : i32
    %dma_start3A_76 = tpu.memref_slice %dma_start3A_73[%dma_start3A_74, %dma_start3A_75] : memref<640x256xf32, #tpu.memory_space<hbm>> -> memref<640x256xf32, #tpu.memory_space<hbm>>
    tpu.enqueue_indirect_dma source(%arg7 : memref<128x256xf32, #tpu.memory_space<vmem>>) target(%dma_start3A_76 : memref<640x256xf32, #tpu.memory_space<hbm>>) offsets(%dma_start3A_69 : memref<128xi32, #tpu.memory_space<vmem>>) semaphore(%arg9 : memref<!tpu.dma_semaphore, #tpu.memory_space<semaphore_mem>>)
    %dma_wait3A_77 = arith.constant 0 : i32
    %dma_wait3A_78 = arith.constant 0 : i32
    %dma_wait3A_79 = tpu.memref_slice %arg5[%dma_wait3A_77, %dma_wait3A_78] : memref<5x128xi32, #tpu.memory_space<vmem>> -> memref<1x128xi32, #tpu.memory_space<vmem>>
    %dma_wait3A_80 = tpu.memref_squeeze %dma_wait3A_79 : memref<1x128xi32, #tpu.memory_space<vmem>> -> memref<128xi32, #tpu.memory_space<vmem>>
    %dma_wait3A_81 = arith.constant 0 : i32
    %dma_wait3A_82 = arith.constant 0 : i32
    %dma_wait3A_83 = tpu.memref_slice %arg4[%add3A, %dma_wait3A_81, %dma_wait3A_82] : memref<32x640x256xf32, #tpu.memory_space<hbm>> -> memref<1x640x256xf32, #tpu.memory_space<hbm>>
    %dma_wait3A_84 = tpu.memref_squeeze %dma_wait3A_83 : memref<1x640x256xf32, #tpu.memory_space<hbm>> -> memref<640x256xf32, #tpu.memory_space<hbm>>
    %dma_wait3A_85 = arith.constant 0 : i32
    %dma_wait3A_86 = arith.constant 0 : i32
    %dma_wait3A_87 = tpu.memref_slice %dma_wait3A_84[%dma_wait3A_85, %dma_wait3A_86] : memref<640x256xf32, #tpu.memory_space<hbm>> -> memref<640x256xf32, #tpu.memory_space<hbm>>
    tpu.wait_indirect_dma semaphore(%arg9 : memref<!tpu.dma_semaphore, #tpu.memory_space<semaphore_mem>>) src(%arg6 : memref<128x256xf32, #tpu.memory_space<vmem>>) dst(%dma_wait3A_87 : memref<640x256xf32, #tpu.memory_space<hbm>>)
    %dma_start3A_88 = arith.constant 0 : i32
    %dma_start3A_89 = arith.constant 0 : i32
    %dma_start3A_90 = tpu.memref_slice %arg6[%dma_start3A_88, %dma_start3A_89] : memref<128x256xf32, #tpu.memory_space<vmem>> -> memref<128x256xf32, #tpu.memory_space<vmem>>
    %dma_start3A_91 = arith.constant 256 : i32
    %dma_start3A_92 = arith.constant 0 : i32
    %dma_start3A_93 = tpu.memref_slice %arg3[%add3A, %dma_start3A_91, %dma_start3A_92] : memref<32x576x256xf32, #tpu.memory_space<hbm>> -> memref<1x128x256xf32, #tpu.memory_space<hbm>>
    %dma_start3A_94 = tpu.memref_squeeze %dma_start3A_93 : memref<1x128x256xf32, #tpu.memory_space<hbm>> -> memref<128x256xf32, #tpu.memory_space<hbm>>
    %dma_start3A_95 = arith.constant 0 : i32
    %dma_start3A_96 = arith.constant 0 : i32
    %dma_start3A_97 = tpu.memref_slice %arg6[%dma_start3A_95, %dma_start3A_96] : memref<128x256xf32, #tpu.memory_space<vmem>> -> memref<128x256xf32, #tpu.memory_space<vmem>>
    %dma_start3A_98 = arith.constant 256 : i32
    %dma_start3A_99 = arith.constant 0 : i32
    %dma_start3A_100 = tpu.memref_slice %arg3[%add3A, %dma_start3A_98, %dma_start3A_99] : memref<32x576x256xf32, #tpu.memory_space<hbm>> -> memref<1x128x256xf32, #tpu.memory_space<hbm>>
    %dma_start3A_101 = tpu.memref_squeeze %dma_start3A_100 : memref<1x128x256xf32, #tpu.memory_space<hbm>> -> memref<128x256xf32, #tpu.memory_space<hbm>>
    tpu.enqueue_dma source(%dma_start3A_101 : memref<128x256xf32, #tpu.memory_space<hbm>>) target(%dma_start3A_97 : memref<128x256xf32, #tpu.memory_space<vmem>>) target_semaphore(%arg8 : memref<!tpu.dma_semaphore, #tpu.memory_space<semaphore_mem>>)
    %dma_wait3A_102 = arith.constant 0 : i32
    %dma_wait3A_103 = arith.constant 0 : i32
    %dma_wait3A_104 = tpu.memref_slice %arg6[%dma_wait3A_102, %dma_wait3A_103] : memref<128x256xf32, #tpu.memory_space<vmem>> -> memref<128x256xf32, #tpu.memory_space<vmem>>
    %dma_wait3A_105 = arith.constant 256 : i32
    %dma_wait3A_106 = arith.constant 0 : i32
    %dma_wait3A_107 = tpu.memref_slice %arg3[%add3A, %dma_wait3A_105, %dma_wait3A_106] : memref<32x576x256xf32, #tpu.memory_space<hbm>> -> memref<1x128x256xf32, #tpu.memory_space<hbm>>
    %dma_wait3A_108 = tpu.memref_squeeze %dma_wait3A_107 : memref<1x128x256xf32, #tpu.memory_space<hbm>> -> memref<128x256xf32, #tpu.memory_space<hbm>>
    %dma_wait3A_109 = arith.constant 0 : i32
    %dma_wait3A_110 = arith.constant 0 : i32
    %dma_wait3A_111 = tpu.memref_slice %arg6[%dma_wait3A_109, %dma_wait3A_110] : memref<128x256xf32, #tpu.memory_space<vmem>> -> memref<128x256xf32, #tpu.memory_space<vmem>>
    %dma_wait3A_112 = arith.constant 256 : i32
    %dma_wait3A_113 = arith.constant 0 : i32
    %dma_wait3A_114 = tpu.memref_slice %arg3[%add3A, %dma_wait3A_112, %dma_wait3A_113] : memref<32x576x256xf32, #tpu.memory_space<hbm>> -> memref<1x128x256xf32, #tpu.memory_space<hbm>>
    %dma_wait3A_115 = tpu.memref_squeeze %dma_wait3A_114 : memref<1x128x256xf32, #tpu.memory_space<hbm>> -> memref<128x256xf32, #tpu.memory_space<hbm>>
    tpu.wait_dma2 semaphore(%arg8 : memref<!tpu.dma_semaphore, #tpu.memory_space<semaphore_mem>>) src(%dma_wait3A_115 : memref<128x256xf32, #tpu.memory_space<hbm>>) dst(%dma_wait3A_111 : memref<128x256xf32, #tpu.memory_space<vmem>>)
    %dma_start3A_116 = arith.constant 2 : i32
    %dma_start3A_117 = arith.constant 0 : i32
    %dma_start3A_118 = tpu.memref_slice %arg5[%dma_start3A_116, %dma_start3A_117] : memref<5x128xi32, #tpu.memory_space<vmem>> -> memref<1x128xi32, #tpu.memory_space<vmem>>
    %dma_start3A_119 = tpu.memref_squeeze %dma_start3A_118 : memref<1x128xi32, #tpu.memory_space<vmem>> -> memref<128xi32, #tpu.memory_space<vmem>>
    %dma_start3A_120 = arith.constant 0 : i32
    %dma_start3A_121 = arith.constant 0 : i32
    %dma_start3A_122 = tpu.memref_slice %arg4[%add3A, %dma_start3A_120, %dma_start3A_121] : memref<32x640x256xf32, #tpu.memory_space<hbm>> -> memref<1x640x256xf32, #tpu.memory_space<hbm>>
    %dma_start3A_123 = tpu.memref_squeeze %dma_start3A_122 : memref<1x640x256xf32, #tpu.memory_space<hbm>> -> memref<640x256xf32, #tpu.memory_space<hbm>>
    %dma_start3A_124 = arith.constant 0 : i32
    %dma_start3A_125 = arith.constant 0 : i32
    %dma_start3A_126 = tpu.memref_slice %dma_start3A_123[%dma_start3A_124, %dma_start3A_125] : memref<640x256xf32, #tpu.memory_space<hbm>> -> memref<640x256xf32, #tpu.memory_space<hbm>>
    tpu.enqueue_indirect_dma source(%arg6 : memref<128x256xf32, #tpu.memory_space<vmem>>) target(%dma_start3A_126 : memref<640x256xf32, #tpu.memory_space<hbm>>) offsets(%dma_start3A_119 : memref<128xi32, #tpu.memory_space<vmem>>) semaphore(%arg9 : memref<!tpu.dma_semaphore, #tpu.memory_space<semaphore_mem>>)
    %dma_wait3A_127 = arith.constant 1 : i32
    %dma_wait3A_128 = arith.constant 0 : i32
    %dma_wait3A_129 = tpu.memref_slice %arg5[%dma_wait3A_127, %dma_wait3A_128] : memref<5x128xi32, #tpu.memory_space<vmem>> -> memref<1x128xi32, #tpu.memory_space<vmem>>
    %dma_wait3A_130 = tpu.memref_squeeze %dma_wait3A_129 : memref<1x128xi32, #tpu.memory_space<vmem>> -> memref<128xi32, #tpu.memory_space<vmem>>
    %dma_wait3A_131 = arith.constant 0 : i32
    %dma_wait3A_132 = arith.constant 0 : i32
    %dma_wait3A_133 = tpu.memref_slice %arg4[%add3A, %dma_wait3A_131, %dma_wait3A_132] : memref<32x640x256xf32, #tpu.memory_space<hbm>> -> memref<1x640x256xf32, #tpu.memory_space<hbm>>
    %dma_wait3A_134 = tpu.memref_squeeze %dma_wait3A_133 : memref<1x640x256xf32, #tpu.memory_space<hbm>> -> memref<640x256xf32, #tpu.memory_space<hbm>>
    %dma_wait3A_135 = arith.constant 0 : i32
    %dma_wait3A_136 = arith.constant 0 : i32
    %dma_wait3A_137 = tpu.memref_slice %dma_wait3A_134[%dma_wait3A_135, %dma_wait3A_136] : memref<640x256xf32, #tpu.memory_space<hbm>> -> memref<640x256xf32, #tpu.memory_space<hbm>>
    tpu.wait_indirect_dma semaphore(%arg9 : memref<!tpu.dma_semaphore, #tpu.memory_space<semaphore_mem>>) src(%arg7 : memref<128x256xf32, #tpu.memory_space<vmem>>) dst(%dma_wait3A_137 : memref<640x256xf32, #tpu.memory_space<hbm>>)
    %dma_start3A_138 = arith.constant 0 : i32
    %dma_start3A_139 = arith.constant 0 : i32
    %dma_start3A_140 = tpu.memref_slice %arg7[%dma_start3A_138, %dma_start3A_139] : memref<128x256xf32, #tpu.memory_space<vmem>> -> memref<128x256xf32, #tpu.memory_space<vmem>>
    %dma_start3A_141 = arith.constant 384 : i32
    %dma_start3A_142 = arith.constant 0 : i32
    %dma_start3A_143 = tpu.memref_slice %arg3[%add3A, %dma_start3A_141, %dma_start3A_142] : memref<32x576x256xf32, #tpu.memory_space<hbm>> -> memref<1x128x256xf32, #tpu.memory_space<hbm>>
    %dma_start3A_144 = tpu.memref_squeeze %dma_start3A_143 : memref<1x128x256xf32, #tpu.memory_space<hbm>> -> memref<128x256xf32, #tpu.memory_space<hbm>>
    %dma_start3A_145 = arith.constant 0 : i32
    %dma_start3A_146 = arith.constant 0 : i32
    %dma_start3A_147 = tpu.memref_slice %arg7[%dma_start3A_145, %dma_start3A_146] : memref<128x256xf32, #tpu.memory_space<vmem>> -> memref<128x256xf32, #tpu.memory_space<vmem>>
    %dma_start3A_148 = arith.constant 384 : i32
    %dma_start3A_149 = arith.constant 0 : i32
    %dma_start3A_150 = tpu.memref_slice %arg3[%add3A, %dma_start3A_148, %dma_start3A_149] : memref<32x576x256xf32, #tpu.memory_space<hbm>> -> memref<1x128x256xf32, #tpu.memory_space<hbm>>
    %dma_start3A_151 = tpu.memref_squeeze %dma_start3A_150 : memref<1x128x256xf32, #tpu.memory_space<hbm>> -> memref<128x256xf32, #tpu.memory_space<hbm>>
    tpu.enqueue_dma source(%dma_start3A_151 : memref<128x256xf32, #tpu.memory_space<hbm>>) target(%dma_start3A_147 : memref<128x256xf32, #tpu.memory_space<vmem>>) target_semaphore(%arg8 : memref<!tpu.dma_semaphore, #tpu.memory_space<semaphore_mem>>)
    %dma_wait3A_152 = arith.constant 0 : i32
    %dma_wait3A_153 = arith.constant 0 : i32
    %dma_wait3A_154 = tpu.memref_slice %arg7[%dma_wait3A_152, %dma_wait3A_153] : memref<128x256xf32, #tpu.memory_space<vmem>> -> memref<128x256xf32, #tpu.memory_space<vmem>>
    %dma_wait3A_155 = arith.constant 384 : i32
    %dma_wait3A_156 = arith.constant 0 : i32
    %dma_wait3A_157 = tpu.memref_slice %arg3[%add3A, %dma_wait3A_155, %dma_wait3A_156] : memref<32x576x256xf32, #tpu.memory_space<hbm>> -> memref<1x128x256xf32, #tpu.memory_space<hbm>>
    %dma_wait3A_158 = tpu.memref_squeeze %dma_wait3A_157 : memref<1x128x256xf32, #tpu.memory_space<hbm>> -> memref<128x256xf32, #tpu.memory_space<hbm>>
    %dma_wait3A_159 = arith.constant 0 : i32
    %dma_wait3A_160 = arith.constant 0 : i32
    %dma_wait3A_161 = tpu.memref_slice %arg7[%dma_wait3A_159, %dma_wait3A_160] : memref<128x256xf32, #tpu.memory_space<vmem>> -> memref<128x256xf32, #tpu.memory_space<vmem>>
    %dma_wait3A_162 = arith.constant 384 : i32
    %dma_wait3A_163 = arith.constant 0 : i32
    %dma_wait3A_164 = tpu.memref_slice %arg3[%add3A, %dma_wait3A_162, %dma_wait3A_163] : memref<32x576x256xf32, #tpu.memory_space<hbm>> -> memref<1x128x256xf32, #tpu.memory_space<hbm>>
    %dma_wait3A_165 = tpu.memref_squeeze %dma_wait3A_164 : memref<1x128x256xf32, #tpu.memory_space<hbm>> -> memref<128x256xf32, #tpu.memory_space<hbm>>
    tpu.wait_dma2 semaphore(%arg8 : memref<!tpu.dma_semaphore, #tpu.memory_space<semaphore_mem>>) src(%dma_wait3A_165 : memref<128x256xf32, #tpu.memory_space<hbm>>) dst(%dma_wait3A_161 : memref<128x256xf32, #tpu.memory_space<vmem>>)
    %dma_start3A_166 = arith.constant 3 : i32
    %dma_start3A_167 = arith.constant 0 : i32
    %dma_start3A_168 = tpu.memref_slice %arg5[%dma_start3A_166, %dma_start3A_167] : memref<5x128xi32, #tpu.memory_space<vmem>> -> memref<1x128xi32, #tpu.memory_space<vmem>>
    %dma_start3A_169 = tpu.memref_squeeze %dma_start3A_168 : memref<1x128xi32, #tpu.memory_space<vmem>> -> memref<128xi32, #tpu.memory_space<vmem>>
    %dma_start3A_170 = arith.constant 0 : i32
    %dma_start3A_171 = arith.constant 0 : i32
    %dma_start3A_172 = tpu.memref_slice %arg4[%add3A, %dma_start3A_170, %dma_start3A_171] : memref<32x640x256xf32, #tpu.memory_space<hbm>> -> memref<1x640x256xf32, #tpu.memory_space<hbm>>
    %dma_start3A_173 = tpu.memref_squeeze %dma_start3A_172 : memref<1x640x256xf32, #tpu.memory_space<hbm>> -> memref<640x256xf32, #tpu.memory_space<hbm>>
    %dma_start3A_174 = arith.constant 0 : i32
    %dma_start3A_175 = arith.constant 0 : i32
    %dma_start3A_176 = tpu.memref_slice %dma_start3A_173[%dma_start3A_174, %dma_start3A_175] : memref<640x256xf32, #tpu.memory_space<hbm>> -> memref<640x256xf32, #tpu.memory_space<hbm>>
    tpu.enqueue_indirect_dma source(%arg7 : memref<128x256xf32, #tpu.memory_space<vmem>>) target(%dma_start3A_176 : memref<640x256xf32, #tpu.memory_space<hbm>>) offsets(%dma_start3A_169 : memref<128xi32, #tpu.memory_space<vmem>>) semaphore(%arg9 : memref<!tpu.dma_semaphore, #tpu.memory_space<semaphore_mem>>)
    %dma_wait3A_177 = arith.constant 2 : i32
    %dma_wait3A_178 = arith.constant 0 : i32
    %dma_wait3A_179 = tpu.memref_slice %arg5[%dma_wait3A_177, %dma_wait3A_178] : memref<5x128xi32, #tpu.memory_space<vmem>> -> memref<1x128xi32, #tpu.memory_space<vmem>>
    %dma_wait3A_180 = tpu.memref_squeeze %dma_wait3A_179 : memref<1x128xi32, #tpu.memory_space<vmem>> -> memref<128xi32, #tpu.memory_space<vmem>>
    %dma_wait3A_181 = arith.constant 0 : i32
    %dma_wait3A_182 = arith.constant 0 : i32
    %dma_wait3A_183 = tpu.memref_slice %arg4[%add3A, %dma_wait3A_181, %dma_wait3A_182] : memref<32x640x256xf32, #tpu.memory_space<hbm>> -> memref<1x640x256xf32, #tpu.memory_space<hbm>>
    %dma_wait3A_184 = tpu.memref_squeeze %dma_wait3A_183 : memref<1x640x256xf32, #tpu.memory_space<hbm>> -> memref<640x256xf32, #tpu.memory_space<hbm>>
    %dma_wait3A_185 = arith.constant 0 : i32
    %dma_wait3A_186 = arith.constant 0 : i32
    %dma_wait3A_187 = tpu.memref_slice %dma_wait3A_184[%dma_wait3A_185, %dma_wait3A_186] : memref<640x256xf32, #tpu.memory_space<hbm>> -> memref<640x256xf32, #tpu.memory_space<hbm>>
    tpu.wait_indirect_dma semaphore(%arg9 : memref<!tpu.dma_semaphore, #tpu.memory_space<semaphore_mem>>) src(%arg6 : memref<128x256xf32, #tpu.memory_space<vmem>>) dst(%dma_wait3A_187 : memref<640x256xf32, #tpu.memory_space<hbm>>)
    %dma_start3A_188 = arith.constant 0 : i32
    %dma_start3A_189 = arith.constant 0 : i32
    %dma_start3A_190 = tpu.memref_slice %arg6[%dma_start3A_188, %dma_start3A_189] : memref<128x256xf32, #tpu.memory_space<vmem>> -> memref<64x256xf32, #tpu.memory_space<vmem>>
    %dma_start3A_191 = arith.constant 512 : i32
    %dma_start3A_192 = arith.constant 0 : i32
    %dma_start3A_193 = tpu.memref_slice %arg3[%add3A, %dma_start3A_191, %dma_start3A_192] : memref<32x576x256xf32, #tpu.memory_space<hbm>> -> memref<1x64x256xf32, #tpu.memory_space<hbm>>
    %dma_start3A_194 = tpu.memref_squeeze %dma_start3A_193 : memref<1x64x256xf32, #tpu.memory_space<hbm>> -> memref<64x256xf32, #tpu.memory_space<hbm>>
    %dma_start3A_195 = arith.constant 0 : i32
    %dma_start3A_196 = arith.constant 0 : i32
    %dma_start3A_197 = tpu.memref_slice %arg6[%dma_start3A_195, %dma_start3A_196] : memref<128x256xf32, #tpu.memory_space<vmem>> -> memref<64x256xf32, #tpu.memory_space<vmem>>
    %dma_start3A_198 = arith.constant 512 : i32
    %dma_start3A_199 = arith.constant 0 : i32
    %dma_start3A_200 = tpu.memref_slice %arg3[%add3A, %dma_start3A_198, %dma_start3A_199] : memref<32x576x256xf32, #tpu.memory_space<hbm>> -> memref<1x64x256xf32, #tpu.memory_space<hbm>>
    %dma_start3A_201 = tpu.memref_squeeze %dma_start3A_200 : memref<1x64x256xf32, #tpu.memory_space<hbm>> -> memref<64x256xf32, #tpu.memory_space<hbm>>
    tpu.enqueue_dma source(%dma_start3A_201 : memref<64x256xf32, #tpu.memory_space<hbm>>) target(%dma_start3A_197 : memref<64x256xf32, #tpu.memory_space<vmem>>) target_semaphore(%arg8 : memref<!tpu.dma_semaphore, #tpu.memory_space<semaphore_mem>>)
    %dma_wait3A_202 = arith.constant 0 : i32
    %dma_wait3A_203 = arith.constant 0 : i32
    %dma_wait3A_204 = tpu.memref_slice %arg6[%dma_wait3A_202, %dma_wait3A_203] : memref<128x256xf32, #tpu.memory_space<vmem>> -> memref<64x256xf32, #tpu.memory_space<vmem>>
    %dma_wait3A_205 = arith.constant 512 : i32
    %dma_wait3A_206 = arith.constant 0 : i32
    %dma_wait3A_207 = tpu.memref_slice %arg3[%add3A, %dma_wait3A_205, %dma_wait3A_206] : memref<32x576x256xf32, #tpu.memory_space<hbm>> -> memref<1x64x256xf32, #tpu.memory_space<hbm>>
    %dma_wait3A_208 = tpu.memref_squeeze %dma_wait3A_207 : memref<1x64x256xf32, #tpu.memory_space<hbm>> -> memref<64x256xf32, #tpu.memory_space<hbm>>
    %dma_wait3A_209 = arith.constant 0 : i32
    %dma_wait3A_210 = arith.constant 0 : i32
    %dma_wait3A_211 = tpu.memref_slice %arg6[%dma_wait3A_209, %dma_wait3A_210] : memref<128x256xf32, #tpu.memory_space<vmem>> -> memref<64x256xf32, #tpu.memory_space<vmem>>
    %dma_wait3A_212 = arith.constant 512 : i32
    %dma_wait3A_213 = arith.constant 0 : i32
    %dma_wait3A_214 = tpu.memref_slice %arg3[%add3A, %dma_wait3A_212, %dma_wait3A_213] : memref<32x576x256xf32, #tpu.memory_space<hbm>> -> memref<1x64x256xf32, #tpu.memory_space<hbm>>
    %dma_wait3A_215 = tpu.memref_squeeze %dma_wait3A_214 : memref<1x64x256xf32, #tpu.memory_space<hbm>> -> memref<64x256xf32, #tpu.memory_space<hbm>>
    tpu.wait_dma2 semaphore(%arg8 : memref<!tpu.dma_semaphore, #tpu.memory_space<semaphore_mem>>) src(%dma_wait3A_215 : memref<64x256xf32, #tpu.memory_space<hbm>>) dst(%dma_wait3A_211 : memref<64x256xf32, #tpu.memory_space<vmem>>)
    %dma_start3A_216 = arith.constant 4 : i32
    %dma_start3A_217 = arith.constant 0 : i32
    %dma_start3A_218 = tpu.memref_slice %arg5[%dma_start3A_216, %dma_start3A_217] : memref<5x128xi32, #tpu.memory_space<vmem>> -> memref<1x128xi32, #tpu.memory_space<vmem>>
    %dma_start3A_219 = tpu.memref_squeeze %dma_start3A_218 : memref<1x128xi32, #tpu.memory_space<vmem>> -> memref<128xi32, #tpu.memory_space<vmem>>
    %dma_start3A_220 = arith.constant 0 : i32
    %dma_start3A_221 = arith.constant 0 : i32
    %dma_start3A_222 = tpu.memref_slice %arg4[%add3A, %dma_start3A_220, %dma_start3A_221] : memref<32x640x256xf32, #tpu.memory_space<hbm>> -> memref<1x640x256xf32, #tpu.memory_space<hbm>>
    %dma_start3A_223 = tpu.memref_squeeze %dma_start3A_222 : memref<1x640x256xf32, #tpu.memory_space<hbm>> -> memref<640x256xf32, #tpu.memory_space<hbm>>
    %dma_start3A_224 = arith.constant 0 : i32
    %dma_start3A_225 = arith.constant 0 : i32
    %dma_start3A_226 = tpu.memref_slice %dma_start3A_223[%dma_start3A_224, %dma_start3A_225] : memref<640x256xf32, #tpu.memory_space<hbm>> -> memref<640x256xf32, #tpu.memory_space<hbm>>
    tpu.enqueue_indirect_dma source(%arg6 : memref<128x256xf32, #tpu.memory_space<vmem>>) target(%dma_start3A_226 : memref<640x256xf32, #tpu.memory_space<hbm>>) offsets(%dma_start3A_219 : memref<128xi32, #tpu.memory_space<vmem>>) semaphore(%arg9 : memref<!tpu.dma_semaphore, #tpu.memory_space<semaphore_mem>>)
    %dma_wait3A_227 = arith.constant 4 : i32
    %dma_wait3A_228 = arith.constant 0 : i32
    %dma_wait3A_229 = tpu.memref_slice %arg5[%dma_wait3A_227, %dma_wait3A_228] : memref<5x128xi32, #tpu.memory_space<vmem>> -> memref<1x128xi32, #tpu.memory_space<vmem>>
    %dma_wait3A_230 = tpu.memref_squeeze %dma_wait3A_229 : memref<1x128xi32, #tpu.memory_space<vmem>> -> memref<128xi32, #tpu.memory_space<vmem>>
    %dma_wait3A_231 = arith.constant 0 : i32
    %dma_wait3A_232 = arith.constant 0 : i32
    %dma_wait3A_233 = tpu.memref_slice %arg4[%add3A, %dma_wait3A_231, %dma_wait3A_232] : memref<32x640x256xf32, #tpu.memory_space<hbm>> -> memref<1x640x256xf32, #tpu.memory_space<hbm>>
    %dma_wait3A_234 = tpu.memref_squeeze %dma_wait3A_233 : memref<1x640x256xf32, #tpu.memory_space<hbm>> -> memref<640x256xf32, #tpu.memory_space<hbm>>
    %dma_wait3A_235 = arith.constant 0 : i32
    %dma_wait3A_236 = arith.constant 0 : i32
    %dma_wait3A_237 = tpu.memref_slice %dma_wait3A_234[%dma_wait3A_235, %dma_wait3A_236] : memref<640x256xf32, #tpu.memory_space<hbm>> -> memref<640x256xf32, #tpu.memory_space<hbm>>
    tpu.wait_indirect_dma semaphore(%arg9 : memref<!tpu.dma_semaphore, #tpu.memory_space<semaphore_mem>>) src(%arg6 : memref<128x256xf32, #tpu.memory_space<vmem>>) dst(%dma_wait3A_237 : memref<640x256xf32, #tpu.memory_space<hbm>>)
    %dma_wait3A_238 = arith.constant 3 : i32
    %dma_wait3A_239 = arith.constant 0 : i32
    %dma_wait3A_240 = tpu.memref_slice %arg5[%dma_wait3A_238, %dma_wait3A_239] : memref<5x128xi32, #tpu.memory_space<vmem>> -> memref<1x128xi32, #tpu.memory_space<vmem>>
    %dma_wait3A_241 = tpu.memref_squeeze %dma_wait3A_240 : memref<1x128xi32, #tpu.memory_space<vmem>> -> memref<128xi32, #tpu.memory_space<vmem>>
    %dma_wait3A_242 = arith.constant 0 : i32
    %dma_wait3A_243 = arith.constant 0 : i32
    %dma_wait3A_244 = tpu.memref_slice %arg4[%add3A, %dma_wait3A_242, %dma_wait3A_243] : memref<32x640x256xf32, #tpu.memory_space<hbm>> -> memref<1x640x256xf32, #tpu.memory_space<hbm>>
    %dma_wait3A_245 = tpu.memref_squeeze %dma_wait3A_244 : memref<1x640x256xf32, #tpu.memory_space<hbm>> -> memref<640x256xf32, #tpu.memory_space<hbm>>
    %dma_wait3A_246 = arith.constant 0 : i32
    %dma_wait3A_247 = arith.constant 0 : i32
    %dma_wait3A_248 = tpu.memref_slice %dma_wait3A_245[%dma_wait3A_246, %dma_wait3A_247] : memref<640x256xf32, #tpu.memory_space<hbm>> -> memref<640x256xf32, #tpu.memory_space<hbm>>
    tpu.wait_indirect_dma semaphore(%arg9 : memref<!tpu.dma_semaphore, #tpu.memory_space<semaphore_mem>>) src(%arg7 : memref<128x256xf32, #tpu.memory_space<vmem>>) dst(%dma_wait3A_248 : memref<640x256xf32, #tpu.memory_space<hbm>>)
    return
  }
}

module attributes {stable_mosaic.version = 14 : i64} {
  func.func @_rank_kernel(%arg0: i32, %arg1: memref<1x1x2304xf32, #tpu.memory_space<vmem>>, %arg2: memref<1x1x2304xi32, #tpu.memory_space<vmem>>) attributes {dimension_semantics = [#tpu.dimension_semantics<arbitrary>], iteration_bounds = array<i64: 32>, scalar_prefetch = 0 : i64, scratch_operands = 0 : i64, tpu.core_type = #tpu.core_type<tc>, window_params = [{transform_indices = @transform_0, window_bounds = array<i64: 1, 1, 2304>}, {transform_indices = @transform_1, window_bounds = array<i64: 1, 1, 2304>}]} {
    %get3A = arith.constant 0 : index
    %get3A_0 = arith.constant 0 : index
    %get3A_1 = arith.constant 0 : index
    %get3A_2 = vector.load %arg1[%get3A, %get3A_0, %get3A_1] : memref<1x1x2304xf32, #tpu.memory_space<vmem>>, vector<1x1x2304xf32>
    %get3A_3 = vector.shape_cast %get3A_2 : vector<1x1x2304xf32> to vector<2304xf32>
    %broadcast_in_dim3A = vector.shape_cast %get3A_3 : vector<2304xf32> to vector<1x2304xf32>
    %slice3A = vector.extract_strided_slice %get3A_3 {offsets = [0], sizes = [128], strides = [1]} : vector<2304xf32> to vector<128xf32>
    %broadcast_in_dim3A_4 = vector.shape_cast %slice3A : vector<128xf32> to vector<128x1xf32>
    %gt3A = vector.broadcast %broadcast_in_dim3A : vector<1x2304xf32> to vector<128x2304xf32>
    %gt3A_5 = vector.broadcast %broadcast_in_dim3A_4 : vector<128x1xf32> to vector<128x2304xf32>
    %gt3A_6 = arith.cmpf ogt, %gt3A, %gt3A_5 : vector<128x2304xf32>
    %iota3A = tpu.iota {dimensions = array<i32: 0>} : vector<128x1xi32>
    %add3A = arith.constant 0 : i32
    %add3A_7 = vector.broadcast %add3A : i32 to vector<128x1xi32>
    %add3A_8 = arith.addi %iota3A, %add3A_7 : vector<128x1xi32>
    %iota3A_9 = tpu.iota {dimensions = array<i32: 1>} : vector<128x2304xi32>
    %eq3A = vector.broadcast %broadcast_in_dim3A : vector<1x2304xf32> to vector<128x2304xf32>
    %eq3A_10 = vector.broadcast %broadcast_in_dim3A_4 : vector<128x1xf32> to vector<128x2304xf32>
    %eq3A_11 = arith.cmpf oeq, %eq3A, %eq3A_10 : vector<128x2304xf32>
    %lt3A = vector.broadcast %add3A_8 : vector<128x1xi32> to vector<128x2304xi32>
    %lt3A_12 = arith.cmpi slt, %iota3A_9, %lt3A : vector<128x2304xi32>
    %and3A = arith.andi %eq3A_11, %lt3A_12 : vector<128x2304xi1>
    %or3A = arith.ori %gt3A_6, %and3A : vector<128x2304xi1>
    %convert_element_type3A = arith.extui %or3A : vector<128x2304xi1> to vector<128x2304xi32>
    %reduce_sum3A = arith.constant dense<0> : vector<128xi32>
    %reduce_sum3A_13 = vector.multi_reduction <add>, %convert_element_type3A, %reduce_sum3A [1] : vector<128x2304xi32> to vector<128xi32>
    %swap3A = arith.constant 0 : index
    %swap3A_14 = arith.constant 0 : index
    %swap3A_15 = arith.constant 0 : index
    %swap3A_16 = vector.load %arg2[%swap3A, %swap3A_14, %swap3A_15] : memref<1x1x2304xi32, #tpu.memory_space<vmem>>, vector<1x1x128xi32>
    %swap3A_17 = vector.shape_cast %swap3A_16 : vector<1x1x128xi32> to vector<128xi32>
    %swap3A_18 = vector.shape_cast %reduce_sum3A_13 : vector<128xi32> to vector<1x1x128xi32>
    tpu.vector_store %arg2[%swap3A, %swap3A_14, %swap3A_15], %swap3A_18 {strides = array<i32>} : memref<1x1x2304xi32, #tpu.memory_space<vmem>>, vector<1x1x128xi32>,
    %slice3A_19 = vector.extract_strided_slice %get3A_3 {offsets = [128], sizes = [128], strides = [1]} : vector<2304xf32> to vector<128xf32>
    %broadcast_in_dim3A_20 = vector.shape_cast %slice3A_19 : vector<128xf32> to vector<128x1xf32>
    %gt3A_21 = vector.broadcast %broadcast_in_dim3A : vector<1x2304xf32> to vector<128x2304xf32>
    %gt3A_22 = vector.broadcast %broadcast_in_dim3A_20 : vector<128x1xf32> to vector<128x2304xf32>
    %gt3A_23 = arith.cmpf ogt, %gt3A_21, %gt3A_22 : vector<128x2304xf32>
    %iota3A_24 = tpu.iota {dimensions = array<i32: 0>} : vector<128x1xi32>
    %add3A_25 = arith.constant 128 : i32
    %add3A_26 = vector.broadcast %add3A_25 : i32 to vector<128x1xi32>
    %add3A_27 = arith.addi %iota3A_24, %add3A_26 : vector<128x1xi32>
    %iota3A_28 = tpu.iota {dimensions = array<i32: 1>} : vector<128x2304xi32>
    %eq3A_29 = vector.broadcast %broadcast_in_dim3A : vector<1x2304xf32> to vector<128x2304xf32>
    %eq3A_30 = vector.broadcast %broadcast_in_dim3A_20 : vector<128x1xf32> to vector<128x2304xf32>
    %eq3A_31 = arith.cmpf oeq, %eq3A_29, %eq3A_30 : vector<128x2304xf32>
    %lt3A_32 = vector.broadcast %add3A_27 : vector<128x1xi32> to vector<128x2304xi32>
    %lt3A_33 = arith.cmpi slt, %iota3A_28, %lt3A_32 : vector<128x2304xi32>
    %and3A_34 = arith.andi %eq3A_31, %lt3A_33 : vector<128x2304xi1>
    %or3A_35 = arith.ori %gt3A_23, %and3A_34 : vector<128x2304xi1>
    %convert_element_type3A_36 = arith.extui %or3A_35 : vector<128x2304xi1> to vector<128x2304xi32>
    %reduce_sum3A_37 = arith.constant dense<0> : vector<128xi32>
    %reduce_sum3A_38 = vector.multi_reduction <add>, %convert_element_type3A_36, %reduce_sum3A_37 [1] : vector<128x2304xi32> to vector<128xi32>
    %swap3A_39 = arith.constant 0 : index
    %swap3A_40 = arith.constant 0 : index
    %swap3A_41 = arith.constant 128 : index
    %swap3A_42 = vector.load %arg2[%swap3A_39, %swap3A_40, %swap3A_41] : memref<1x1x2304xi32, #tpu.memory_space<vmem>>, vector<1x1x128xi32>
    %swap3A_43 = vector.shape_cast %swap3A_42 : vector<1x1x128xi32> to vector<128xi32>
    %swap3A_44 = vector.shape_cast %reduce_sum3A_38 : vector<128xi32> to vector<1x1x128xi32>
    tpu.vector_store %arg2[%swap3A_39, %swap3A_40, %swap3A_41], %swap3A_44 {strides = array<i32>} : memref<1x1x2304xi32, #tpu.memory_space<vmem>>, vector<1x1x128xi32>,
    %slice3A_45 = vector.extract_strided_slice %get3A_3 {offsets = [256], sizes = [128], strides = [1]} : vector<2304xf32> to vector<128xf32>
    %broadcast_in_dim3A_46 = vector.shape_cast %slice3A_45 : vector<128xf32> to vector<128x1xf32>
    %gt3A_47 = vector.broadcast %broadcast_in_dim3A : vector<1x2304xf32> to vector<128x2304xf32>
    %gt3A_48 = vector.broadcast %broadcast_in_dim3A_46 : vector<128x1xf32> to vector<128x2304xf32>
    %gt3A_49 = arith.cmpf ogt, %gt3A_47, %gt3A_48 : vector<128x2304xf32>
    %iota3A_50 = tpu.iota {dimensions = array<i32: 0>} : vector<128x1xi32>
    %add3A_51 = arith.constant 256 : i32
    %add3A_52 = vector.broadcast %add3A_51 : i32 to vector<128x1xi32>
    %add3A_53 = arith.addi %iota3A_50, %add3A_52 : vector<128x1xi32>
    %iota3A_54 = tpu.iota {dimensions = array<i32: 1>} : vector<128x2304xi32>
    %eq3A_55 = vector.broadcast %broadcast_in_dim3A : vector<1x2304xf32> to vector<128x2304xf32>
    %eq3A_56 = vector.broadcast %broadcast_in_dim3A_46 : vector<128x1xf32> to vector<128x2304xf32>
    %eq3A_57 = arith.cmpf oeq, %eq3A_55, %eq3A_56 : vector<128x2304xf32>
    %lt3A_58 = vector.broadcast %add3A_53 : vector<128x1xi32> to vector<128x2304xi32>
    %lt3A_59 = arith.cmpi slt, %iota3A_54, %lt3A_58 : vector<128x2304xi32>
    %and3A_60 = arith.andi %eq3A_57, %lt3A_59 : vector<128x2304xi1>
    %or3A_61 = arith.ori %gt3A_49, %and3A_60 : vector<128x2304xi1>
    %convert_element_type3A_62 = arith.extui %or3A_61 : vector<128x2304xi1> to vector<128x2304xi32>
    %reduce_sum3A_63 = arith.constant dense<0> : vector<128xi32>
    %reduce_sum3A_64 = vector.multi_reduction <add>, %convert_element_type3A_62, %reduce_sum3A_63 [1] : vector<128x2304xi32> to vector<128xi32>
    %swap3A_65 = arith.constant 0 : index
    %swap3A_66 = arith.constant 0 : index
    %swap3A_67 = arith.constant 256 : index
    %swap3A_68 = vector.load %arg2[%swap3A_65, %swap3A_66, %swap3A_67] : memref<1x1x2304xi32, #tpu.memory_space<vmem>>, vector<1x1x128xi32>
    %swap3A_69 = vector.shape_cast %swap3A_68 : vector<1x1x128xi32> to vector<128xi32>
    %swap3A_70 = vector.shape_cast %reduce_sum3A_64 : vector<128xi32> to vector<1x1x128xi32>
    tpu.vector_store %arg2[%swap3A_65, %swap3A_66, %swap3A_67], %swap3A_70 {strides = array<i32>} : memref<1x1x2304xi32, #tpu.memory_space<vmem>>, vector<1x1x128xi32>,
    %slice3A_71 = vector.extract_strided_slice %get3A_3 {offsets = [384], sizes = [128], strides = [1]} : vector<2304xf32> to vector<128xf32>
    %broadcast_in_dim3A_72 = vector.shape_cast %slice3A_71 : vector<128xf32> to vector<128x1xf32>
    %gt3A_73 = vector.broadcast %broadcast_in_dim3A : vector<1x2304xf32> to vector<128x2304xf32>
    %gt3A_74 = vector.broadcast %broadcast_in_dim3A_72 : vector<128x1xf32> to vector<128x2304xf32>
    %gt3A_75 = arith.cmpf ogt, %gt3A_73, %gt3A_74 : vector<128x2304xf32>
    %iota3A_76 = tpu.iota {dimensions = array<i32: 0>} : vector<128x1xi32>
    %add3A_77 = arith.constant 384 : i32
    %add3A_78 = vector.broadcast %add3A_77 : i32 to vector<128x1xi32>
    %add3A_79 = arith.addi %iota3A_76, %add3A_78 : vector<128x1xi32>
    %iota3A_80 = tpu.iota {dimensions = array<i32: 1>} : vector<128x2304xi32>
    %eq3A_81 = vector.broadcast %broadcast_in_dim3A : vector<1x2304xf32> to vector<128x2304xf32>
    %eq3A_82 = vector.broadcast %broadcast_in_dim3A_72 : vector<128x1xf32> to vector<128x2304xf32>
    %eq3A_83 = arith.cmpf oeq, %eq3A_81, %eq3A_82 : vector<128x2304xf32>
    %lt3A_84 = vector.broadcast %add3A_79 : vector<128x1xi32> to vector<128x2304xi32>
    %lt3A_85 = arith.cmpi slt, %iota3A_80, %lt3A_84 : vector<128x2304xi32>
    %and3A_86 = arith.andi %eq3A_83, %lt3A_85 : vector<128x2304xi1>
    %or3A_87 = arith.ori %gt3A_75, %and3A_86 : vector<128x2304xi1>
    %convert_element_type3A_88 = arith.extui %or3A_87 : vector<128x2304xi1> to vector<128x2304xi32>
    %reduce_sum3A_89 = arith.constant dense<0> : vector<128xi32>
    %reduce_sum3A_90 = vector.multi_reduction <add>, %convert_element_type3A_88, %reduce_sum3A_89 [1] : vector<128x2304xi32> to vector<128xi32>
    %swap3A_91 = arith.constant 0 : index
    %swap3A_92 = arith.constant 0 : index
    %swap3A_93 = arith.constant 384 : index
    %swap3A_94 = vector.load %arg2[%swap3A_91, %swap3A_92, %swap3A_93] : memref<1x1x2304xi32, #tpu.memory_space<vmem>>, vector<1x1x128xi32>
    %swap3A_95 = vector.shape_cast %swap3A_94 : vector<1x1x128xi32> to vector<128xi32>
    %swap3A_96 = vector.shape_cast %reduce_sum3A_90 : vector<128xi32> to vector<1x1x128xi32>
    tpu.vector_store %arg2[%swap3A_91, %swap3A_92, %swap3A_93], %swap3A_96 {strides = array<i32>} : memref<1x1x2304xi32, #tpu.memory_space<vmem>>, vector<1x1x128xi32>,
    %slice3A_97 = vector.extract_strided_slice %get3A_3 {offsets = [512], sizes = [128], strides = [1]} : vector<2304xf32> to vector<128xf32>
    %broadcast_in_dim3A_98 = vector.shape_cast %slice3A_97 : vector<128xf32> to vector<128x1xf32>
    %gt3A_99 = vector.broadcast %broadcast_in_dim3A : vector<1x2304xf32> to vector<128x2304xf32>
    %gt3A_100 = vector.broadcast %broadcast_in_dim3A_98 : vector<128x1xf32> to vector<128x2304xf32>
    %gt3A_101 = arith.cmpf ogt, %gt3A_99, %gt3A_100 : vector<128x2304xf32>
    %iota3A_102 = tpu.iota {dimensions = array<i32: 0>} : vector<128x1xi32>
    %add3A_103 = arith.constant 512 : i32
    %add3A_104 = vector.broadcast %add3A_103 : i32 to vector<128x1xi32>
    %add3A_105 = arith.addi %iota3A_102, %add3A_104 : vector<128x1xi32>
    %iota3A_106 = tpu.iota {dimensions = array<i32: 1>} : vector<128x2304xi32>
    %eq3A_107 = vector.broadcast %broadcast_in_dim3A : vector<1x2304xf32> to vector<128x2304xf32>
    %eq3A_108 = vector.broadcast %broadcast_in_dim3A_98 : vector<128x1xf32> to vector<128x2304xf32>
    %eq3A_109 = arith.cmpf oeq, %eq3A_107, %eq3A_108 : vector<128x2304xf32>
    %lt3A_110 = vector.broadcast %add3A_105 : vector<128x1xi32> to vector<128x2304xi32>
    %lt3A_111 = arith.cmpi slt, %iota3A_106, %lt3A_110 : vector<128x2304xi32>
    %and3A_112 = arith.andi %eq3A_109, %lt3A_111 : vector<128x2304xi1>
    %or3A_113 = arith.ori %gt3A_101, %and3A_112 : vector<128x2304xi1>
    %convert_element_type3A_114 = arith.extui %or3A_113 : vector<128x2304xi1> to vector<128x2304xi32>
    %reduce_sum3A_115 = arith.constant dense<0> : vector<128xi32>
    %reduce_sum3A_116 = vector.multi_reduction <add>, %convert_element_type3A_114, %reduce_sum3A_115 [1] : vector<128x2304xi32> to vector<128xi32>
    %swap3A_117 = arith.constant 0 : index
    %swap3A_118 = arith.constant 0 : index
    %swap3A_119 = arith.constant 512 : index
    %swap3A_120 = vector.load %arg2[%swap3A_117, %swap3A_118, %swap3A_119] : memref<1x1x2304xi32, #tpu.memory_space<vmem>>, vector<1x1x128xi32>
    %swap3A_121 = vector.shape_cast %swap3A_120 : vector<1x1x128xi32> to vector<128xi32>
    %swap3A_122 = vector.shape_cast %reduce_sum3A_116 : vector<128xi32> to vector<1x1x128xi32>
    tpu.vector_store %arg2[%swap3A_117, %swap3A_118, %swap3A_119], %swap3A_122 {strides = array<i32>} : memref<1x1x2304xi32, #tpu.memory_space<vmem>>, vector<1x1x128xi32>,
    %slice3A_123 = vector.extract_strided_slice %get3A_3 {offsets = [640], sizes = [128], strides = [1]} : vector<2304xf32> to vector<128xf32>
    %broadcast_in_dim3A_124 = vector.shape_cast %slice3A_123 : vector<128xf32> to vector<128x1xf32>
    %gt3A_125 = vector.broadcast %broadcast_in_dim3A : vector<1x2304xf32> to vector<128x2304xf32>
    %gt3A_126 = vector.broadcast %broadcast_in_dim3A_124 : vector<128x1xf32> to vector<128x2304xf32>
    %gt3A_127 = arith.cmpf ogt, %gt3A_125, %gt3A_126 : vector<128x2304xf32>
    %iota3A_128 = tpu.iota {dimensions = array<i32: 0>} : vector<128x1xi32>
    %add3A_129 = arith.constant 640 : i32
    %add3A_130 = vector.broadcast %add3A_129 : i32 to vector<128x1xi32>
    %add3A_131 = arith.addi %iota3A_128, %add3A_130 : vector<128x1xi32>
    %iota3A_132 = tpu.iota {dimensions = array<i32: 1>} : vector<128x2304xi32>
    %eq3A_133 = vector.broadcast %broadcast_in_dim3A : vector<1x2304xf32> to vector<128x2304xf32>
    %eq3A_134 = vector.broadcast %broadcast_in_dim3A_124 : vector<128x1xf32> to vector<128x2304xf32>
    %eq3A_135 = arith.cmpf oeq, %eq3A_133, %eq3A_134 : vector<128x2304xf32>
    %lt3A_136 = vector.broadcast %add3A_131 : vector<128x1xi32> to vector<128x2304xi32>
    %lt3A_137 = arith.cmpi slt, %iota3A_132, %lt3A_136 : vector<128x2304xi32>
    %and3A_138 = arith.andi %eq3A_135, %lt3A_137 : vector<128x2304xi1>
    %or3A_139 = arith.ori %gt3A_127, %and3A_138 : vector<128x2304xi1>
    %convert_element_type3A_140 = arith.extui %or3A_139 : vector<128x2304xi1> to vector<128x2304xi32>
    %reduce_sum3A_141 = arith.constant dense<0> : vector<128xi32>
    %reduce_sum3A_142 = vector.multi_reduction <add>, %convert_element_type3A_140, %reduce_sum3A_141 [1] : vector<128x2304xi32> to vector<128xi32>
    %swap3A_143 = arith.constant 0 : index
    %swap3A_144 = arith.constant 0 : index
    %swap3A_145 = arith.constant 640 : index
    %swap3A_146 = vector.load %arg2[%swap3A_143, %swap3A_144, %swap3A_145] : memref<1x1x2304xi32, #tpu.memory_space<vmem>>, vector<1x1x128xi32>
    %swap3A_147 = vector.shape_cast %swap3A_146 : vector<1x1x128xi32> to vector<128xi32>
    %swap3A_148 = vector.shape_cast %reduce_sum3A_142 : vector<128xi32> to vector<1x1x128xi32>
    tpu.vector_store %arg2[%swap3A_143, %swap3A_144, %swap3A_145], %swap3A_148 {strides = array<i32>} : memref<1x1x2304xi32, #tpu.memory_space<vmem>>, vector<1x1x128xi32>,
    %slice3A_149 = vector.extract_strided_slice %get3A_3 {offsets = [768], sizes = [128], strides = [1]} : vector<2304xf32> to vector<128xf32>
    %broadcast_in_dim3A_150 = vector.shape_cast %slice3A_149 : vector<128xf32> to vector<128x1xf32>
    %gt3A_151 = vector.broadcast %broadcast_in_dim3A : vector<1x2304xf32> to vector<128x2304xf32>
    %gt3A_152 = vector.broadcast %broadcast_in_dim3A_150 : vector<128x1xf32> to vector<128x2304xf32>
    %gt3A_153 = arith.cmpf ogt, %gt3A_151, %gt3A_152 : vector<128x2304xf32>
    %iota3A_154 = tpu.iota {dimensions = array<i32: 0>} : vector<128x1xi32>
    %add3A_155 = arith.constant 768 : i32
    %add3A_156 = vector.broadcast %add3A_155 : i32 to vector<128x1xi32>
    %add3A_157 = arith.addi %iota3A_154, %add3A_156 : vector<128x1xi32>
    %iota3A_158 = tpu.iota {dimensions = array<i32: 1>} : vector<128x2304xi32>
    %eq3A_159 = vector.broadcast %broadcast_in_dim3A : vector<1x2304xf32> to vector<128x2304xf32>
    %eq3A_160 = vector.broadcast %broadcast_in_dim3A_150 : vector<128x1xf32> to vector<128x2304xf32>
    %eq3A_161 = arith.cmpf oeq, %eq3A_159, %eq3A_160 : vector<128x2304xf32>
    %lt3A_162 = vector.broadcast %add3A_157 : vector<128x1xi32> to vector<128x2304xi32>
    %lt3A_163 = arith.cmpi slt, %iota3A_158, %lt3A_162 : vector<128x2304xi32>
    %and3A_164 = arith.andi %eq3A_161, %lt3A_163 : vector<128x2304xi1>
    %or3A_165 = arith.ori %gt3A_153, %and3A_164 : vector<128x2304xi1>
    %convert_element_type3A_166 = arith.extui %or3A_165 : vector<128x2304xi1> to vector<128x2304xi32>
    %reduce_sum3A_167 = arith.constant dense<0> : vector<128xi32>
    %reduce_sum3A_168 = vector.multi_reduction <add>, %convert_element_type3A_166, %reduce_sum3A_167 [1] : vector<128x2304xi32> to vector<128xi32>
    %swap3A_169 = arith.constant 0 : index
    %swap3A_170 = arith.constant 0 : index
    %swap3A_171 = arith.constant 768 : index
    %swap3A_172 = vector.load %arg2[%swap3A_169, %swap3A_170, %swap3A_171] : memref<1x1x2304xi32, #tpu.memory_space<vmem>>, vector<1x1x128xi32>
    %swap3A_173 = vector.shape_cast %swap3A_172 : vector<1x1x128xi32> to vector<128xi32>
    %swap3A_174 = vector.shape_cast %reduce_sum3A_168 : vector<128xi32> to vector<1x1x128xi32>
    tpu.vector_store %arg2[%swap3A_169, %swap3A_170, %swap3A_171], %swap3A_174 {strides = array<i32>} : memref<1x1x2304xi32, #tpu.memory_space<vmem>>, vector<1x1x128xi32>,
    %slice3A_175 = vector.extract_strided_slice %get3A_3 {offsets = [896], sizes = [128], strides = [1]} : vector<2304xf32> to vector<128xf32>
    %broadcast_in_dim3A_176 = vector.shape_cast %slice3A_175 : vector<128xf32> to vector<128x1xf32>
    %gt3A_177 = vector.broadcast %broadcast_in_dim3A : vector<1x2304xf32> to vector<128x2304xf32>
    %gt3A_178 = vector.broadcast %broadcast_in_dim3A_176 : vector<128x1xf32> to vector<128x2304xf32>
    %gt3A_179 = arith.cmpf ogt, %gt3A_177, %gt3A_178 : vector<128x2304xf32>
    %iota3A_180 = tpu.iota {dimensions = array<i32: 0>} : vector<128x1xi32>
    %add3A_181 = arith.constant 896 : i32
    %add3A_182 = vector.broadcast %add3A_181 : i32 to vector<128x1xi32>
    %add3A_183 = arith.addi %iota3A_180, %add3A_182 : vector<128x1xi32>
    %iota3A_184 = tpu.iota {dimensions = array<i32: 1>} : vector<128x2304xi32>
    %eq3A_185 = vector.broadcast %broadcast_in_dim3A : vector<1x2304xf32> to vector<128x2304xf32>
    %eq3A_186 = vector.broadcast %broadcast_in_dim3A_176 : vector<128x1xf32> to vector<128x2304xf32>
    %eq3A_187 = arith.cmpf oeq, %eq3A_185, %eq3A_186 : vector<128x2304xf32>
    %lt3A_188 = vector.broadcast %add3A_183 : vector<128x1xi32> to vector<128x2304xi32>
    %lt3A_189 = arith.cmpi slt, %iota3A_184, %lt3A_188 : vector<128x2304xi32>
    %and3A_190 = arith.andi %eq3A_187, %lt3A_189 : vector<128x2304xi1>
    %or3A_191 = arith.ori %gt3A_179, %and3A_190 : vector<128x2304xi1>
    %convert_element_type3A_192 = arith.extui %or3A_191 : vector<128x2304xi1> to vector<128x2304xi32>
    %reduce_sum3A_193 = arith.constant dense<0> : vector<128xi32>
    %reduce_sum3A_194 = vector.multi_reduction <add>, %convert_element_type3A_192, %reduce_sum3A_193 [1] : vector<128x2304xi32> to vector<128xi32>
    %swap3A_195 = arith.constant 0 : index
    %swap3A_196 = arith.constant 0 : index
    %swap3A_197 = arith.constant 896 : index
    %swap3A_198 = vector.load %arg2[%swap3A_195, %swap3A_196, %swap3A_197] : memref<1x1x2304xi32, #tpu.memory_space<vmem>>, vector<1x1x128xi32>
    %swap3A_199 = vector.shape_cast %swap3A_198 : vector<1x1x128xi32> to vector<128xi32>
    %swap3A_200 = vector.shape_cast %reduce_sum3A_194 : vector<128xi32> to vector<1x1x128xi32>
    tpu.vector_store %arg2[%swap3A_195, %swap3A_196, %swap3A_197], %swap3A_200 {strides = array<i32>} : memref<1x1x2304xi32, #tpu.memory_space<vmem>>, vector<1x1x128xi32>,
    %slice3A_201 = vector.extract_strided_slice %get3A_3 {offsets = [1024], sizes = [128], strides = [1]} : vector<2304xf32> to vector<128xf32>
    %broadcast_in_dim3A_202 = vector.shape_cast %slice3A_201 : vector<128xf32> to vector<128x1xf32>
    %gt3A_203 = vector.broadcast %broadcast_in_dim3A : vector<1x2304xf32> to vector<128x2304xf32>
    %gt3A_204 = vector.broadcast %broadcast_in_dim3A_202 : vector<128x1xf32> to vector<128x2304xf32>
    %gt3A_205 = arith.cmpf ogt, %gt3A_203, %gt3A_204 : vector<128x2304xf32>
    %iota3A_206 = tpu.iota {dimensions = array<i32: 0>} : vector<128x1xi32>
    %add3A_207 = arith.constant 1024 : i32
    %add3A_208 = vector.broadcast %add3A_207 : i32 to vector<128x1xi32>
    %add3A_209 = arith.addi %iota3A_206, %add3A_208 : vector<128x1xi32>
    %iota3A_210 = tpu.iota {dimensions = array<i32: 1>} : vector<128x2304xi32>
    %eq3A_211 = vector.broadcast %broadcast_in_dim3A : vector<1x2304xf32> to vector<128x2304xf32>
    %eq3A_212 = vector.broadcast %broadcast_in_dim3A_202 : vector<128x1xf32> to vector<128x2304xf32>
    %eq3A_213 = arith.cmpf oeq, %eq3A_211, %eq3A_212 : vector<128x2304xf32>
    %lt3A_214 = vector.broadcast %add3A_209 : vector<128x1xi32> to vector<128x2304xi32>
    %lt3A_215 = arith.cmpi slt, %iota3A_210, %lt3A_214 : vector<128x2304xi32>
    %and3A_216 = arith.andi %eq3A_213, %lt3A_215 : vector<128x2304xi1>
    %or3A_217 = arith.ori %gt3A_205, %and3A_216 : vector<128x2304xi1>
    %convert_element_type3A_218 = arith.extui %or3A_217 : vector<128x2304xi1> to vector<128x2304xi32>
    %reduce_sum3A_219 = arith.constant dense<0> : vector<128xi32>
    %reduce_sum3A_220 = vector.multi_reduction <add>, %convert_element_type3A_218, %reduce_sum3A_219 [1] : vector<128x2304xi32> to vector<128xi32>
    %swap3A_221 = arith.constant 0 : index
    %swap3A_222 = arith.constant 0 : index
    %swap3A_223 = arith.constant 1024 : index
    %swap3A_224 = vector.load %arg2[%swap3A_221, %swap3A_222, %swap3A_223] : memref<1x1x2304xi32, #tpu.memory_space<vmem>>, vector<1x1x128xi32>
    %swap3A_225 = vector.shape_cast %swap3A_224 : vector<1x1x128xi32> to vector<128xi32>
    %swap3A_226 = vector.shape_cast %reduce_sum3A_220 : vector<128xi32> to vector<1x1x128xi32>
    tpu.vector_store %arg2[%swap3A_221, %swap3A_222, %swap3A_223], %swap3A_226 {strides = array<i32>} : memref<1x1x2304xi32, #tpu.memory_space<vmem>>, vector<1x1x128xi32>,
    %slice3A_227 = vector.extract_strided_slice %get3A_3 {offsets = [1152], sizes = [128], strides = [1]} : vector<2304xf32> to vector<128xf32>
    %broadcast_in_dim3A_228 = vector.shape_cast %slice3A_227 : vector<128xf32> to vector<128x1xf32>
    %gt3A_229 = vector.broadcast %broadcast_in_dim3A : vector<1x2304xf32> to vector<128x2304xf32>
    %gt3A_230 = vector.broadcast %broadcast_in_dim3A_228 : vector<128x1xf32> to vector<128x2304xf32>
    %gt3A_231 = arith.cmpf ogt, %gt3A_229, %gt3A_230 : vector<128x2304xf32>
    %iota3A_232 = tpu.iota {dimensions = array<i32: 0>} : vector<128x1xi32>
    %add3A_233 = arith.constant 1152 : i32
    %add3A_234 = vector.broadcast %add3A_233 : i32 to vector<128x1xi32>
    %add3A_235 = arith.addi %iota3A_232, %add3A_234 : vector<128x1xi32>
    %iota3A_236 = tpu.iota {dimensions = array<i32: 1>} : vector<128x2304xi32>
    %eq3A_237 = vector.broadcast %broadcast_in_dim3A : vector<1x2304xf32> to vector<128x2304xf32>
    %eq3A_238 = vector.broadcast %broadcast_in_dim3A_228 : vector<128x1xf32> to vector<128x2304xf32>
    %eq3A_239 = arith.cmpf oeq, %eq3A_237, %eq3A_238 : vector<128x2304xf32>
    %lt3A_240 = vector.broadcast %add3A_235 : vector<128x1xi32> to vector<128x2304xi32>
    %lt3A_241 = arith.cmpi slt, %iota3A_236, %lt3A_240 : vector<128x2304xi32>
    %and3A_242 = arith.andi %eq3A_239, %lt3A_241 : vector<128x2304xi1>
    %or3A_243 = arith.ori %gt3A_231, %and3A_242 : vector<128x2304xi1>
    %convert_element_type3A_244 = arith.extui %or3A_243 : vector<128x2304xi1> to vector<128x2304xi32>
    %reduce_sum3A_245 = arith.constant dense<0> : vector<128xi32>
    %reduce_sum3A_246 = vector.multi_reduction <add>, %convert_element_type3A_244, %reduce_sum3A_245 [1] : vector<128x2304xi32> to vector<128xi32>
    %swap3A_247 = arith.constant 0 : index
    %swap3A_248 = arith.constant 0 : index
    %swap3A_249 = arith.constant 1152 : index
    %swap3A_250 = vector.load %arg2[%swap3A_247, %swap3A_248, %swap3A_249] : memref<1x1x2304xi32, #tpu.memory_space<vmem>>, vector<1x1x128xi32>
    %swap3A_251 = vector.shape_cast %swap3A_250 : vector<1x1x128xi32> to vector<128xi32>
    %swap3A_252 = vector.shape_cast %reduce_sum3A_246 : vector<128xi32> to vector<1x1x128xi32>
    tpu.vector_store %arg2[%swap3A_247, %swap3A_248, %swap3A_249], %swap3A_252 {strides = array<i32>} : memref<1x1x2304xi32, #tpu.memory_space<vmem>>, vector<1x1x128xi32>,
    %slice3A_253 = vector.extract_strided_slice %get3A_3 {offsets = [1280], sizes = [128], strides = [1]} : vector<2304xf32> to vector<128xf32>
    %broadcast_in_dim3A_254 = vector.shape_cast %slice3A_253 : vector<128xf32> to vector<128x1xf32>
    %gt3A_255 = vector.broadcast %broadcast_in_dim3A : vector<1x2304xf32> to vector<128x2304xf32>
    %gt3A_256 = vector.broadcast %broadcast_in_dim3A_254 : vector<128x1xf32> to vector<128x2304xf32>
    %gt3A_257 = arith.cmpf ogt, %gt3A_255, %gt3A_256 : vector<128x2304xf32>
    %iota3A_258 = tpu.iota {dimensions = array<i32: 0>} : vector<128x1xi32>
    %add3A_259 = arith.constant 1280 : i32
    %add3A_260 = vector.broadcast %add3A_259 : i32 to vector<128x1xi32>
    %add3A_261 = arith.addi %iota3A_258, %add3A_260 : vector<128x1xi32>
    %iota3A_262 = tpu.iota {dimensions = array<i32: 1>} : vector<128x2304xi32>
    %eq3A_263 = vector.broadcast %broadcast_in_dim3A : vector<1x2304xf32> to vector<128x2304xf32>
    %eq3A_264 = vector.broadcast %broadcast_in_dim3A_254 : vector<128x1xf32> to vector<128x2304xf32>
    %eq3A_265 = arith.cmpf oeq, %eq3A_263, %eq3A_264 : vector<128x2304xf32>
    %lt3A_266 = vector.broadcast %add3A_261 : vector<128x1xi32> to vector<128x2304xi32>
    %lt3A_267 = arith.cmpi slt, %iota3A_262, %lt3A_266 : vector<128x2304xi32>
    %and3A_268 = arith.andi %eq3A_265, %lt3A_267 : vector<128x2304xi1>
    %or3A_269 = arith.ori %gt3A_257, %and3A_268 : vector<128x2304xi1>
    %convert_element_type3A_270 = arith.extui %or3A_269 : vector<128x2304xi1> to vector<128x2304xi32>
    %reduce_sum3A_271 = arith.constant dense<0> : vector<128xi32>
    %reduce_sum3A_272 = vector.multi_reduction <add>, %convert_element_type3A_270, %reduce_sum3A_271 [1] : vector<128x2304xi32> to vector<128xi32>
    %swap3A_273 = arith.constant 0 : index
    %swap3A_274 = arith.constant 0 : index
    %swap3A_275 = arith.constant 1280 : index
    %swap3A_276 = vector.load %arg2[%swap3A_273, %swap3A_274, %swap3A_275] : memref<1x1x2304xi32, #tpu.memory_space<vmem>>, vector<1x1x128xi32>
    %swap3A_277 = vector.shape_cast %swap3A_276 : vector<1x1x128xi32> to vector<128xi32>
    %swap3A_278 = vector.shape_cast %reduce_sum3A_272 : vector<128xi32> to vector<1x1x128xi32>
    tpu.vector_store %arg2[%swap3A_273, %swap3A_274, %swap3A_275], %swap3A_278 {strides = array<i32>} : memref<1x1x2304xi32, #tpu.memory_space<vmem>>, vector<1x1x128xi32>,
    %slice3A_279 = vector.extract_strided_slice %get3A_3 {offsets = [1408], sizes = [128], strides = [1]} : vector<2304xf32> to vector<128xf32>
    %broadcast_in_dim3A_280 = vector.shape_cast %slice3A_279 : vector<128xf32> to vector<128x1xf32>
    %gt3A_281 = vector.broadcast %broadcast_in_dim3A : vector<1x2304xf32> to vector<128x2304xf32>
    %gt3A_282 = vector.broadcast %broadcast_in_dim3A_280 : vector<128x1xf32> to vector<128x2304xf32>
    %gt3A_283 = arith.cmpf ogt, %gt3A_281, %gt3A_282 : vector<128x2304xf32>
    %iota3A_284 = tpu.iota {dimensions = array<i32: 0>} : vector<128x1xi32>
    %add3A_285 = arith.constant 1408 : i32
    %add3A_286 = vector.broadcast %add3A_285 : i32 to vector<128x1xi32>
    %add3A_287 = arith.addi %iota3A_284, %add3A_286 : vector<128x1xi32>
    %iota3A_288 = tpu.iota {dimensions = array<i32: 1>} : vector<128x2304xi32>
    %eq3A_289 = vector.broadcast %broadcast_in_dim3A : vector<1x2304xf32> to vector<128x2304xf32>
    %eq3A_290 = vector.broadcast %broadcast_in_dim3A_280 : vector<128x1xf32> to vector<128x2304xf32>
    %eq3A_291 = arith.cmpf oeq, %eq3A_289, %eq3A_290 : vector<128x2304xf32>
    %lt3A_292 = vector.broadcast %add3A_287 : vector<128x1xi32> to vector<128x2304xi32>
    %lt3A_293 = arith.cmpi slt, %iota3A_288, %lt3A_292 : vector<128x2304xi32>
    %and3A_294 = arith.andi %eq3A_291, %lt3A_293 : vector<128x2304xi1>
    %or3A_295 = arith.ori %gt3A_283, %and3A_294 : vector<128x2304xi1>
    %convert_element_type3A_296 = arith.extui %or3A_295 : vector<128x2304xi1> to vector<128x2304xi32>
    %reduce_sum3A_297 = arith.constant dense<0> : vector<128xi32>
    %reduce_sum3A_298 = vector.multi_reduction <add>, %convert_element_type3A_296, %reduce_sum3A_297 [1] : vector<128x2304xi32> to vector<128xi32>
    %swap3A_299 = arith.constant 0 : index
    %swap3A_300 = arith.constant 0 : index
    %swap3A_301 = arith.constant 1408 : index
    %swap3A_302 = vector.load %arg2[%swap3A_299, %swap3A_300, %swap3A_301] : memref<1x1x2304xi32, #tpu.memory_space<vmem>>, vector<1x1x128xi32>
    %swap3A_303 = vector.shape_cast %swap3A_302 : vector<1x1x128xi32> to vector<128xi32>
    %swap3A_304 = vector.shape_cast %reduce_sum3A_298 : vector<128xi32> to vector<1x1x128xi32>
    tpu.vector_store %arg2[%swap3A_299, %swap3A_300, %swap3A_301], %swap3A_304 {strides = array<i32>} : memref<1x1x2304xi32, #tpu.memory_space<vmem>>, vector<1x1x128xi32>,
    %slice3A_305 = vector.extract_strided_slice %get3A_3 {offsets = [1536], sizes = [128], strides = [1]} : vector<2304xf32> to vector<128xf32>
    %broadcast_in_dim3A_306 = vector.shape_cast %slice3A_305 : vector<128xf32> to vector<128x1xf32>
    %gt3A_307 = vector.broadcast %broadcast_in_dim3A : vector<1x2304xf32> to vector<128x2304xf32>
    %gt3A_308 = vector.broadcast %broadcast_in_dim3A_306 : vector<128x1xf32> to vector<128x2304xf32>
    %gt3A_309 = arith.cmpf ogt, %gt3A_307, %gt3A_308 : vector<128x2304xf32>
    %iota3A_310 = tpu.iota {dimensions = array<i32: 0>} : vector<128x1xi32>
    %add3A_311 = arith.constant 1536 : i32
    %add3A_312 = vector.broadcast %add3A_311 : i32 to vector<128x1xi32>
    %add3A_313 = arith.addi %iota3A_310, %add3A_312 : vector<128x1xi32>
    %iota3A_314 = tpu.iota {dimensions = array<i32: 1>} : vector<128x2304xi32>
    %eq3A_315 = vector.broadcast %broadcast_in_dim3A : vector<1x2304xf32> to vector<128x2304xf32>
    %eq3A_316 = vector.broadcast %broadcast_in_dim3A_306 : vector<128x1xf32> to vector<128x2304xf32>
    %eq3A_317 = arith.cmpf oeq, %eq3A_315, %eq3A_316 : vector<128x2304xf32>
    %lt3A_318 = vector.broadcast %add3A_313 : vector<128x1xi32> to vector<128x2304xi32>
    %lt3A_319 = arith.cmpi slt, %iota3A_314, %lt3A_318 : vector<128x2304xi32>
    %and3A_320 = arith.andi %eq3A_317, %lt3A_319 : vector<128x2304xi1>
    %or3A_321 = arith.ori %gt3A_309, %and3A_320 : vector<128x2304xi1>
    %convert_element_type3A_322 = arith.extui %or3A_321 : vector<128x2304xi1> to vector<128x2304xi32>
    %reduce_sum3A_323 = arith.constant dense<0> : vector<128xi32>
    %reduce_sum3A_324 = vector.multi_reduction <add>, %convert_element_type3A_322, %reduce_sum3A_323 [1] : vector<128x2304xi32> to vector<128xi32>
    %swap3A_325 = arith.constant 0 : index
    %swap3A_326 = arith.constant 0 : index
    %swap3A_327 = arith.constant 1536 : index
    %swap3A_328 = vector.load %arg2[%swap3A_325, %swap3A_326, %swap3A_327] : memref<1x1x2304xi32, #tpu.memory_space<vmem>>, vector<1x1x128xi32>
    %swap3A_329 = vector.shape_cast %swap3A_328 : vector<1x1x128xi32> to vector<128xi32>
    %swap3A_330 = vector.shape_cast %reduce_sum3A_324 : vector<128xi32> to vector<1x1x128xi32>
    tpu.vector_store %arg2[%swap3A_325, %swap3A_326, %swap3A_327], %swap3A_330 {strides = array<i32>} : memref<1x1x2304xi32, #tpu.memory_space<vmem>>, vector<1x1x128xi32>,
    %slice3A_331 = vector.extract_strided_slice %get3A_3 {offsets = [1664], sizes = [128], strides = [1]} : vector<2304xf32> to vector<128xf32>
    %broadcast_in_dim3A_332 = vector.shape_cast %slice3A_331 : vector<128xf32> to vector<128x1xf32>
    %gt3A_333 = vector.broadcast %broadcast_in_dim3A : vector<1x2304xf32> to vector<128x2304xf32>
    %gt3A_334 = vector.broadcast %broadcast_in_dim3A_332 : vector<128x1xf32> to vector<128x2304xf32>
    %gt3A_335 = arith.cmpf ogt, %gt3A_333, %gt3A_334 : vector<128x2304xf32>
    %iota3A_336 = tpu.iota {dimensions = array<i32: 0>} : vector<128x1xi32>
    %add3A_337 = arith.constant 1664 : i32
    %add3A_338 = vector.broadcast %add3A_337 : i32 to vector<128x1xi32>
    %add3A_339 = arith.addi %iota3A_336, %add3A_338 : vector<128x1xi32>
    %iota3A_340 = tpu.iota {dimensions = array<i32: 1>} : vector<128x2304xi32>
    %eq3A_341 = vector.broadcast %broadcast_in_dim3A : vector<1x2304xf32> to vector<128x2304xf32>
    %eq3A_342 = vector.broadcast %broadcast_in_dim3A_332 : vector<128x1xf32> to vector<128x2304xf32>
    %eq3A_343 = arith.cmpf oeq, %eq3A_341, %eq3A_342 : vector<128x2304xf32>
    %lt3A_344 = vector.broadcast %add3A_339 : vector<128x1xi32> to vector<128x2304xi32>
    %lt3A_345 = arith.cmpi slt, %iota3A_340, %lt3A_344 : vector<128x2304xi32>
    %and3A_346 = arith.andi %eq3A_343, %lt3A_345 : vector<128x2304xi1>
    %or3A_347 = arith.ori %gt3A_335, %and3A_346 : vector<128x2304xi1>
    %convert_element_type3A_348 = arith.extui %or3A_347 : vector<128x2304xi1> to vector<128x2304xi32>
    %reduce_sum3A_349 = arith.constant dense<0> : vector<128xi32>
    %reduce_sum3A_350 = vector.multi_reduction <add>, %convert_element_type3A_348, %reduce_sum3A_349 [1] : vector<128x2304xi32> to vector<128xi32>
    %swap3A_351 = arith.constant 0 : index
    %swap3A_352 = arith.constant 0 : index
    %swap3A_353 = arith.constant 1664 : index
    %swap3A_354 = vector.load %arg2[%swap3A_351, %swap3A_352, %swap3A_353] : memref<1x1x2304xi32, #tpu.memory_space<vmem>>, vector<1x1x128xi32>
    %swap3A_355 = vector.shape_cast %swap3A_354 : vector<1x1x128xi32> to vector<128xi32>
    %swap3A_356 = vector.shape_cast %reduce_sum3A_350 : vector<128xi32> to vector<1x1x128xi32>
    tpu.vector_store %arg2[%swap3A_351, %swap3A_352, %swap3A_353], %swap3A_356 {strides = array<i32>} : memref<1x1x2304xi32, #tpu.memory_space<vmem>>, vector<1x1x128xi32>,
    %slice3A_357 = vector.extract_strided_slice %get3A_3 {offsets = [1792], sizes = [128], strides = [1]} : vector<2304xf32> to vector<128xf32>
    %broadcast_in_dim3A_358 = vector.shape_cast %slice3A_357 : vector<128xf32> to vector<128x1xf32>
    %gt3A_359 = vector.broadcast %broadcast_in_dim3A : vector<1x2304xf32> to vector<128x2304xf32>
    %gt3A_360 = vector.broadcast %broadcast_in_dim3A_358 : vector<128x1xf32> to vector<128x2304xf32>
    %gt3A_361 = arith.cmpf ogt, %gt3A_359, %gt3A_360 : vector<128x2304xf32>
    %iota3A_362 = tpu.iota {dimensions = array<i32: 0>} : vector<128x1xi32>
    %add3A_363 = arith.constant 1792 : i32
    %add3A_364 = vector.broadcast %add3A_363 : i32 to vector<128x1xi32>
    %add3A_365 = arith.addi %iota3A_362, %add3A_364 : vector<128x1xi32>
    %iota3A_366 = tpu.iota {dimensions = array<i32: 1>} : vector<128x2304xi32>
    %eq3A_367 = vector.broadcast %broadcast_in_dim3A : vector<1x2304xf32> to vector<128x2304xf32>
    %eq3A_368 = vector.broadcast %broadcast_in_dim3A_358 : vector<128x1xf32> to vector<128x2304xf32>
    %eq3A_369 = arith.cmpf oeq, %eq3A_367, %eq3A_368 : vector<128x2304xf32>
    %lt3A_370 = vector.broadcast %add3A_365 : vector<128x1xi32> to vector<128x2304xi32>
    %lt3A_371 = arith.cmpi slt, %iota3A_366, %lt3A_370 : vector<128x2304xi32>
    %and3A_372 = arith.andi %eq3A_369, %lt3A_371 : vector<128x2304xi1>
    %or3A_373 = arith.ori %gt3A_361, %and3A_372 : vector<128x2304xi1>
    %convert_element_type3A_374 = arith.extui %or3A_373 : vector<128x2304xi1> to vector<128x2304xi32>
    %reduce_sum3A_375 = arith.constant dense<0> : vector<128xi32>
    %reduce_sum3A_376 = vector.multi_reduction <add>, %convert_element_type3A_374, %reduce_sum3A_375 [1] : vector<128x2304xi32> to vector<128xi32>
    %swap3A_377 = arith.constant 0 : index
    %swap3A_378 = arith.constant 0 : index
    %swap3A_379 = arith.constant 1792 : index
    %swap3A_380 = vector.load %arg2[%swap3A_377, %swap3A_378, %swap3A_379] : memref<1x1x2304xi32, #tpu.memory_space<vmem>>, vector<1x1x128xi32>
    %swap3A_381 = vector.shape_cast %swap3A_380 : vector<1x1x128xi32> to vector<128xi32>
    %swap3A_382 = vector.shape_cast %reduce_sum3A_376 : vector<128xi32> to vector<1x1x128xi32>
    tpu.vector_store %arg2[%swap3A_377, %swap3A_378, %swap3A_379], %swap3A_382 {strides = array<i32>} : memref<1x1x2304xi32, #tpu.memory_space<vmem>>, vector<1x1x128xi32>,
    %slice3A_383 = vector.extract_strided_slice %get3A_3 {offsets = [1920], sizes = [128], strides = [1]} : vector<2304xf32> to vector<128xf32>
    %broadcast_in_dim3A_384 = vector.shape_cast %slice3A_383 : vector<128xf32> to vector<128x1xf32>
    %gt3A_385 = vector.broadcast %broadcast_in_dim3A : vector<1x2304xf32> to vector<128x2304xf32>
    %gt3A_386 = vector.broadcast %broadcast_in_dim3A_384 : vector<128x1xf32> to vector<128x2304xf32>
    %gt3A_387 = arith.cmpf ogt, %gt3A_385, %gt3A_386 : vector<128x2304xf32>
    %iota3A_388 = tpu.iota {dimensions = array<i32: 0>} : vector<128x1xi32>
    %add3A_389 = arith.constant 1920 : i32
    %add3A_390 = vector.broadcast %add3A_389 : i32 to vector<128x1xi32>
    %add3A_391 = arith.addi %iota3A_388, %add3A_390 : vector<128x1xi32>
    %iota3A_392 = tpu.iota {dimensions = array<i32: 1>} : vector<128x2304xi32>
    %eq3A_393 = vector.broadcast %broadcast_in_dim3A : vector<1x2304xf32> to vector<128x2304xf32>
    %eq3A_394 = vector.broadcast %broadcast_in_dim3A_384 : vector<128x1xf32> to vector<128x2304xf32>
    %eq3A_395 = arith.cmpf oeq, %eq3A_393, %eq3A_394 : vector<128x2304xf32>
    %lt3A_396 = vector.broadcast %add3A_391 : vector<128x1xi32> to vector<128x2304xi32>
    %lt3A_397 = arith.cmpi slt, %iota3A_392, %lt3A_396 : vector<128x2304xi32>
    %and3A_398 = arith.andi %eq3A_395, %lt3A_397 : vector<128x2304xi1>
    %or3A_399 = arith.ori %gt3A_387, %and3A_398 : vector<128x2304xi1>
    %convert_element_type3A_400 = arith.extui %or3A_399 : vector<128x2304xi1> to vector<128x2304xi32>
    %reduce_sum3A_401 = arith.constant dense<0> : vector<128xi32>
    %reduce_sum3A_402 = vector.multi_reduction <add>, %convert_element_type3A_400, %reduce_sum3A_401 [1] : vector<128x2304xi32> to vector<128xi32>
    %swap3A_403 = arith.constant 0 : index
    %swap3A_404 = arith.constant 0 : index
    %swap3A_405 = arith.constant 1920 : index
    %swap3A_406 = vector.load %arg2[%swap3A_403, %swap3A_404, %swap3A_405] : memref<1x1x2304xi32, #tpu.memory_space<vmem>>, vector<1x1x128xi32>
    %swap3A_407 = vector.shape_cast %swap3A_406 : vector<1x1x128xi32> to vector<128xi32>
    %swap3A_408 = vector.shape_cast %reduce_sum3A_402 : vector<128xi32> to vector<1x1x128xi32>
    tpu.vector_store %arg2[%swap3A_403, %swap3A_404, %swap3A_405], %swap3A_408 {strides = array<i32>} : memref<1x1x2304xi32, #tpu.memory_space<vmem>>, vector<1x1x128xi32>,
    %slice3A_409 = vector.extract_strided_slice %get3A_3 {offsets = [2048], sizes = [128], strides = [1]} : vector<2304xf32> to vector<128xf32>
    %broadcast_in_dim3A_410 = vector.shape_cast %slice3A_409 : vector<128xf32> to vector<128x1xf32>
    %gt3A_411 = vector.broadcast %broadcast_in_dim3A : vector<1x2304xf32> to vector<128x2304xf32>
    %gt3A_412 = vector.broadcast %broadcast_in_dim3A_410 : vector<128x1xf32> to vector<128x2304xf32>
    %gt3A_413 = arith.cmpf ogt, %gt3A_411, %gt3A_412 : vector<128x2304xf32>
    %iota3A_414 = tpu.iota {dimensions = array<i32: 0>} : vector<128x1xi32>
    %add3A_415 = arith.constant 2048 : i32
    %add3A_416 = vector.broadcast %add3A_415 : i32 to vector<128x1xi32>
    %add3A_417 = arith.addi %iota3A_414, %add3A_416 : vector<128x1xi32>
    %iota3A_418 = tpu.iota {dimensions = array<i32: 1>} : vector<128x2304xi32>
    %eq3A_419 = vector.broadcast %broadcast_in_dim3A : vector<1x2304xf32> to vector<128x2304xf32>
    %eq3A_420 = vector.broadcast %broadcast_in_dim3A_410 : vector<128x1xf32> to vector<128x2304xf32>
    %eq3A_421 = arith.cmpf oeq, %eq3A_419, %eq3A_420 : vector<128x2304xf32>
    %lt3A_422 = vector.broadcast %add3A_417 : vector<128x1xi32> to vector<128x2304xi32>
    %lt3A_423 = arith.cmpi slt, %iota3A_418, %lt3A_422 : vector<128x2304xi32>
    %and3A_424 = arith.andi %eq3A_421, %lt3A_423 : vector<128x2304xi1>
    %or3A_425 = arith.ori %gt3A_413, %and3A_424 : vector<128x2304xi1>
    %convert_element_type3A_426 = arith.extui %or3A_425 : vector<128x2304xi1> to vector<128x2304xi32>
    %reduce_sum3A_427 = arith.constant dense<0> : vector<128xi32>
    %reduce_sum3A_428 = vector.multi_reduction <add>, %convert_element_type3A_426, %reduce_sum3A_427 [1] : vector<128x2304xi32> to vector<128xi32>
    %swap3A_429 = arith.constant 0 : index
    %swap3A_430 = arith.constant 0 : index
    %swap3A_431 = arith.constant 2048 : index
    %swap3A_432 = vector.load %arg2[%swap3A_429, %swap3A_430, %swap3A_431] : memref<1x1x2304xi32, #tpu.memory_space<vmem>>, vector<1x1x128xi32>
    %swap3A_433 = vector.shape_cast %swap3A_432 : vector<1x1x128xi32> to vector<128xi32>
    %swap3A_434 = vector.shape_cast %reduce_sum3A_428 : vector<128xi32> to vector<1x1x128xi32>
    tpu.vector_store %arg2[%swap3A_429, %swap3A_430, %swap3A_431], %swap3A_434 {strides = array<i32>} : memref<1x1x2304xi32, #tpu.memory_space<vmem>>, vector<1x1x128xi32>,
    %slice3A_435 = vector.extract_strided_slice %get3A_3 {offsets = [2176], sizes = [128], strides = [1]} : vector<2304xf32> to vector<128xf32>
    %broadcast_in_dim3A_436 = vector.shape_cast %slice3A_435 : vector<128xf32> to vector<128x1xf32>
    %gt3A_437 = vector.broadcast %broadcast_in_dim3A : vector<1x2304xf32> to vector<128x2304xf32>
    %gt3A_438 = vector.broadcast %broadcast_in_dim3A_436 : vector<128x1xf32> to vector<128x2304xf32>
    %gt3A_439 = arith.cmpf ogt, %gt3A_437, %gt3A_438 : vector<128x2304xf32>
    %iota3A_440 = tpu.iota {dimensions = array<i32: 0>} : vector<128x1xi32>
    %add3A_441 = arith.constant 2176 : i32
    %add3A_442 = vector.broadcast %add3A_441 : i32 to vector<128x1xi32>
    %add3A_443 = arith.addi %iota3A_440, %add3A_442 : vector<128x1xi32>
    %iota3A_444 = tpu.iota {dimensions = array<i32: 1>} : vector<128x2304xi32>
    %eq3A_445 = vector.broadcast %broadcast_in_dim3A : vector<1x2304xf32> to vector<128x2304xf32>
    %eq3A_446 = vector.broadcast %broadcast_in_dim3A_436 : vector<128x1xf32> to vector<128x2304xf32>
    %eq3A_447 = arith.cmpf oeq, %eq3A_445, %eq3A_446 : vector<128x2304xf32>
    %lt3A_448 = vector.broadcast %add3A_443 : vector<128x1xi32> to vector<128x2304xi32>
    %lt3A_449 = arith.cmpi slt, %iota3A_444, %lt3A_448 : vector<128x2304xi32>
    %and3A_450 = arith.andi %eq3A_447, %lt3A_449 : vector<128x2304xi1>
    %or3A_451 = arith.ori %gt3A_439, %and3A_450 : vector<128x2304xi1>
    %convert_element_type3A_452 = arith.extui %or3A_451 : vector<128x2304xi1> to vector<128x2304xi32>
    %reduce_sum3A_453 = arith.constant dense<0> : vector<128xi32>
    %reduce_sum3A_454 = vector.multi_reduction <add>, %convert_element_type3A_452, %reduce_sum3A_453 [1] : vector<128x2304xi32> to vector<128xi32>
    %swap3A_455 = arith.constant 0 : index
    %swap3A_456 = arith.constant 0 : index
    %swap3A_457 = arith.constant 2176 : index
    %swap3A_458 = vector.load %arg2[%swap3A_455, %swap3A_456, %swap3A_457] : memref<1x1x2304xi32, #tpu.memory_space<vmem>>, vector<1x1x128xi32>
    %swap3A_459 = vector.shape_cast %swap3A_458 : vector<1x1x128xi32> to vector<128xi32>
    %swap3A_460 = vector.shape_cast %reduce_sum3A_454 : vector<128xi32> to vector<1x1x128xi32>
    tpu.vector_store %arg2[%swap3A_455, %swap3A_456, %swap3A_457], %swap3A_460 {strides = array<i32>} : memref<1x1x2304xi32, #tpu.memory_space<vmem>>, vector<1x1x128xi32>,
    return
  }
  func.func @transform_0(%arg0: i32) -> (i32, i32, i32) {
    %c0_i32 = arith.constant 0 : i32
    %c0_i32_0 = arith.constant 0 : i32
    %c0_i32_1 = arith.constant 0 : i32
    return %arg0, %c0_i32, %c0_i32_0 : i32, i32, i32
  }
  func.func @transform_1(%arg0: i32) -> (i32, i32, i32) {
    %c0_i32 = arith.constant 0 : i32
    %c0_i32_0 = arith.constant 0 : i32
    %c0_i32_1 = arith.constant 0 : i32
    return %arg0, %c0_i32, %c0_i32_0 : i32, i32, i32
  }
}

module attributes {stable_mosaic.version = 14 : i64} {
  func.func @_rank_kernel(%arg0: i32, %arg1: memref<1x1x576xf32, #tpu.memory_space<vmem>>, %arg2: memref<1x1x576xi32, #tpu.memory_space<vmem>>) attributes {dimension_semantics = [#tpu.dimension_semantics<arbitrary>], iteration_bounds = array<i64: 32>, scalar_prefetch = 0 : i64, scratch_operands = 0 : i64, tpu.core_type = #tpu.core_type<tc>, window_params = [{transform_indices = @transform_0, window_bounds = array<i64: 1, 1, 576>}, {transform_indices = @transform_1, window_bounds = array<i64: 1, 1, 576>}]} {
    %get3A = arith.constant 0 : index
    %get3A_0 = arith.constant 0 : index
    %get3A_1 = arith.constant 0 : index
    %get3A_2 = vector.load %arg1[%get3A, %get3A_0, %get3A_1] : memref<1x1x576xf32, #tpu.memory_space<vmem>>, vector<1x1x576xf32>
    %get3A_3 = vector.shape_cast %get3A_2 : vector<1x1x576xf32> to vector<576xf32>
    %broadcast_in_dim3A = vector.shape_cast %get3A_3 : vector<576xf32> to vector<1x576xf32>
    %slice3A = vector.extract_strided_slice %get3A_3 {offsets = [0], sizes = [96], strides = [1]} : vector<576xf32> to vector<96xf32>
    %broadcast_in_dim3A_4 = vector.shape_cast %slice3A : vector<96xf32> to vector<96x1xf32>
    %gt3A = vector.broadcast %broadcast_in_dim3A : vector<1x576xf32> to vector<96x576xf32>
    %gt3A_5 = vector.broadcast %broadcast_in_dim3A_4 : vector<96x1xf32> to vector<96x576xf32>
    %gt3A_6 = arith.cmpf ogt, %gt3A, %gt3A_5 : vector<96x576xf32>
    %iota3A = tpu.iota {dimensions = array<i32: 0>} : vector<96x1xi32>
    %add3A = arith.constant 0 : i32
    %add3A_7 = vector.broadcast %add3A : i32 to vector<96x1xi32>
    %add3A_8 = arith.addi %iota3A, %add3A_7 : vector<96x1xi32>
    %iota3A_9 = tpu.iota {dimensions = array<i32: 1>} : vector<96x576xi32>
    %eq3A = vector.broadcast %broadcast_in_dim3A : vector<1x576xf32> to vector<96x576xf32>
    %eq3A_10 = vector.broadcast %broadcast_in_dim3A_4 : vector<96x1xf32> to vector<96x576xf32>
    %eq3A_11 = arith.cmpf oeq, %eq3A, %eq3A_10 : vector<96x576xf32>
    %lt3A = vector.broadcast %add3A_8 : vector<96x1xi32> to vector<96x576xi32>
    %lt3A_12 = arith.cmpi slt, %iota3A_9, %lt3A : vector<96x576xi32>
    %and3A = arith.andi %eq3A_11, %lt3A_12 : vector<96x576xi1>
    %or3A = arith.ori %gt3A_6, %and3A : vector<96x576xi1>
    %convert_element_type3A = arith.extui %or3A : vector<96x576xi1> to vector<96x576xi32>
    %reduce_sum3A = arith.constant dense<0> : vector<96xi32>
    %reduce_sum3A_13 = vector.multi_reduction <add>, %convert_element_type3A, %reduce_sum3A [1] : vector<96x576xi32> to vector<96xi32>
    %swap3A = arith.constant 0 : index
    %swap3A_14 = arith.constant 0 : index
    %swap3A_15 = arith.constant 0 : index
    %swap3A_16 = vector.load %arg2[%swap3A, %swap3A_14, %swap3A_15] : memref<1x1x576xi32, #tpu.memory_space<vmem>>, vector<1x1x96xi32>
    %swap3A_17 = vector.shape_cast %swap3A_16 : vector<1x1x96xi32> to vector<96xi32>
    %swap3A_18 = vector.shape_cast %reduce_sum3A_13 : vector<96xi32> to vector<1x1x96xi32>
    tpu.vector_store %arg2[%swap3A, %swap3A_14, %swap3A_15], %swap3A_18 {strides = array<i32>} : memref<1x1x576xi32, #tpu.memory_space<vmem>>, vector<1x1x96xi32>,
    %slice3A_19 = vector.extract_strided_slice %get3A_3 {offsets = [96], sizes = [96], strides = [1]} : vector<576xf32> to vector<96xf32>
    %broadcast_in_dim3A_20 = vector.shape_cast %slice3A_19 : vector<96xf32> to vector<96x1xf32>
    %gt3A_21 = vector.broadcast %broadcast_in_dim3A : vector<1x576xf32> to vector<96x576xf32>
    %gt3A_22 = vector.broadcast %broadcast_in_dim3A_20 : vector<96x1xf32> to vector<96x576xf32>
    %gt3A_23 = arith.cmpf ogt, %gt3A_21, %gt3A_22 : vector<96x576xf32>
    %iota3A_24 = tpu.iota {dimensions = array<i32: 0>} : vector<96x1xi32>
    %add3A_25 = arith.constant 96 : i32
    %add3A_26 = vector.broadcast %add3A_25 : i32 to vector<96x1xi32>
    %add3A_27 = arith.addi %iota3A_24, %add3A_26 : vector<96x1xi32>
    %iota3A_28 = tpu.iota {dimensions = array<i32: 1>} : vector<96x576xi32>
    %eq3A_29 = vector.broadcast %broadcast_in_dim3A : vector<1x576xf32> to vector<96x576xf32>
    %eq3A_30 = vector.broadcast %broadcast_in_dim3A_20 : vector<96x1xf32> to vector<96x576xf32>
    %eq3A_31 = arith.cmpf oeq, %eq3A_29, %eq3A_30 : vector<96x576xf32>
    %lt3A_32 = vector.broadcast %add3A_27 : vector<96x1xi32> to vector<96x576xi32>
    %lt3A_33 = arith.cmpi slt, %iota3A_28, %lt3A_32 : vector<96x576xi32>
    %and3A_34 = arith.andi %eq3A_31, %lt3A_33 : vector<96x576xi1>
    %or3A_35 = arith.ori %gt3A_23, %and3A_34 : vector<96x576xi1>
    %convert_element_type3A_36 = arith.extui %or3A_35 : vector<96x576xi1> to vector<96x576xi32>
    %reduce_sum3A_37 = arith.constant dense<0> : vector<96xi32>
    %reduce_sum3A_38 = vector.multi_reduction <add>, %convert_element_type3A_36, %reduce_sum3A_37 [1] : vector<96x576xi32> to vector<96xi32>
    %swap3A_39 = arith.constant 0 : index
    %swap3A_40 = arith.constant 0 : index
    %swap3A_41 = arith.constant 96 : index
    %swap3A_42 = vector.load %arg2[%swap3A_39, %swap3A_40, %swap3A_41] : memref<1x1x576xi32, #tpu.memory_space<vmem>>, vector<1x1x96xi32>
    %swap3A_43 = vector.shape_cast %swap3A_42 : vector<1x1x96xi32> to vector<96xi32>
    %swap3A_44 = vector.shape_cast %reduce_sum3A_38 : vector<96xi32> to vector<1x1x96xi32>
    tpu.vector_store %arg2[%swap3A_39, %swap3A_40, %swap3A_41], %swap3A_44 {strides = array<i32>} : memref<1x1x576xi32, #tpu.memory_space<vmem>>, vector<1x1x96xi32>,
    %slice3A_45 = vector.extract_strided_slice %get3A_3 {offsets = [192], sizes = [96], strides = [1]} : vector<576xf32> to vector<96xf32>
    %broadcast_in_dim3A_46 = vector.shape_cast %slice3A_45 : vector<96xf32> to vector<96x1xf32>
    %gt3A_47 = vector.broadcast %broadcast_in_dim3A : vector<1x576xf32> to vector<96x576xf32>
    %gt3A_48 = vector.broadcast %broadcast_in_dim3A_46 : vector<96x1xf32> to vector<96x576xf32>
    %gt3A_49 = arith.cmpf ogt, %gt3A_47, %gt3A_48 : vector<96x576xf32>
    %iota3A_50 = tpu.iota {dimensions = array<i32: 0>} : vector<96x1xi32>
    %add3A_51 = arith.constant 192 : i32
    %add3A_52 = vector.broadcast %add3A_51 : i32 to vector<96x1xi32>
    %add3A_53 = arith.addi %iota3A_50, %add3A_52 : vector<96x1xi32>
    %iota3A_54 = tpu.iota {dimensions = array<i32: 1>} : vector<96x576xi32>
    %eq3A_55 = vector.broadcast %broadcast_in_dim3A : vector<1x576xf32> to vector<96x576xf32>
    %eq3A_56 = vector.broadcast %broadcast_in_dim3A_46 : vector<96x1xf32> to vector<96x576xf32>
    %eq3A_57 = arith.cmpf oeq, %eq3A_55, %eq3A_56 : vector<96x576xf32>
    %lt3A_58 = vector.broadcast %add3A_53 : vector<96x1xi32> to vector<96x576xi32>
    %lt3A_59 = arith.cmpi slt, %iota3A_54, %lt3A_58 : vector<96x576xi32>
    %and3A_60 = arith.andi %eq3A_57, %lt3A_59 : vector<96x576xi1>
    %or3A_61 = arith.ori %gt3A_49, %and3A_60 : vector<96x576xi1>
    %convert_element_type3A_62 = arith.extui %or3A_61 : vector<96x576xi1> to vector<96x576xi32>
    %reduce_sum3A_63 = arith.constant dense<0> : vector<96xi32>
    %reduce_sum3A_64 = vector.multi_reduction <add>, %convert_element_type3A_62, %reduce_sum3A_63 [1] : vector<96x576xi32> to vector<96xi32>
    %swap3A_65 = arith.constant 0 : index
    %swap3A_66 = arith.constant 0 : index
    %swap3A_67 = arith.constant 192 : index
    %swap3A_68 = vector.load %arg2[%swap3A_65, %swap3A_66, %swap3A_67] : memref<1x1x576xi32, #tpu.memory_space<vmem>>, vector<1x1x96xi32>
    %swap3A_69 = vector.shape_cast %swap3A_68 : vector<1x1x96xi32> to vector<96xi32>
    %swap3A_70 = vector.shape_cast %reduce_sum3A_64 : vector<96xi32> to vector<1x1x96xi32>
    tpu.vector_store %arg2[%swap3A_65, %swap3A_66, %swap3A_67], %swap3A_70 {strides = array<i32>} : memref<1x1x576xi32, #tpu.memory_space<vmem>>, vector<1x1x96xi32>,
    %slice3A_71 = vector.extract_strided_slice %get3A_3 {offsets = [288], sizes = [96], strides = [1]} : vector<576xf32> to vector<96xf32>
    %broadcast_in_dim3A_72 = vector.shape_cast %slice3A_71 : vector<96xf32> to vector<96x1xf32>
    %gt3A_73 = vector.broadcast %broadcast_in_dim3A : vector<1x576xf32> to vector<96x576xf32>
    %gt3A_74 = vector.broadcast %broadcast_in_dim3A_72 : vector<96x1xf32> to vector<96x576xf32>
    %gt3A_75 = arith.cmpf ogt, %gt3A_73, %gt3A_74 : vector<96x576xf32>
    %iota3A_76 = tpu.iota {dimensions = array<i32: 0>} : vector<96x1xi32>
    %add3A_77 = arith.constant 288 : i32
    %add3A_78 = vector.broadcast %add3A_77 : i32 to vector<96x1xi32>
    %add3A_79 = arith.addi %iota3A_76, %add3A_78 : vector<96x1xi32>
    %iota3A_80 = tpu.iota {dimensions = array<i32: 1>} : vector<96x576xi32>
    %eq3A_81 = vector.broadcast %broadcast_in_dim3A : vector<1x576xf32> to vector<96x576xf32>
    %eq3A_82 = vector.broadcast %broadcast_in_dim3A_72 : vector<96x1xf32> to vector<96x576xf32>
    %eq3A_83 = arith.cmpf oeq, %eq3A_81, %eq3A_82 : vector<96x576xf32>
    %lt3A_84 = vector.broadcast %add3A_79 : vector<96x1xi32> to vector<96x576xi32>
    %lt3A_85 = arith.cmpi slt, %iota3A_80, %lt3A_84 : vector<96x576xi32>
    %and3A_86 = arith.andi %eq3A_83, %lt3A_85 : vector<96x576xi1>
    %or3A_87 = arith.ori %gt3A_75, %and3A_86 : vector<96x576xi1>
    %convert_element_type3A_88 = arith.extui %or3A_87 : vector<96x576xi1> to vector<96x576xi32>
    %reduce_sum3A_89 = arith.constant dense<0> : vector<96xi32>
    %reduce_sum3A_90 = vector.multi_reduction <add>, %convert_element_type3A_88, %reduce_sum3A_89 [1] : vector<96x576xi32> to vector<96xi32>
    %swap3A_91 = arith.constant 0 : index
    %swap3A_92 = arith.constant 0 : index
    %swap3A_93 = arith.constant 288 : index
    %swap3A_94 = vector.load %arg2[%swap3A_91, %swap3A_92, %swap3A_93] : memref<1x1x576xi32, #tpu.memory_space<vmem>>, vector<1x1x96xi32>
    %swap3A_95 = vector.shape_cast %swap3A_94 : vector<1x1x96xi32> to vector<96xi32>
    %swap3A_96 = vector.shape_cast %reduce_sum3A_90 : vector<96xi32> to vector<1x1x96xi32>
    tpu.vector_store %arg2[%swap3A_91, %swap3A_92, %swap3A_93], %swap3A_96 {strides = array<i32>} : memref<1x1x576xi32, #tpu.memory_space<vmem>>, vector<1x1x96xi32>,
    %slice3A_97 = vector.extract_strided_slice %get3A_3 {offsets = [384], sizes = [96], strides = [1]} : vector<576xf32> to vector<96xf32>
    %broadcast_in_dim3A_98 = vector.shape_cast %slice3A_97 : vector<96xf32> to vector<96x1xf32>
    %gt3A_99 = vector.broadcast %broadcast_in_dim3A : vector<1x576xf32> to vector<96x576xf32>
    %gt3A_100 = vector.broadcast %broadcast_in_dim3A_98 : vector<96x1xf32> to vector<96x576xf32>
    %gt3A_101 = arith.cmpf ogt, %gt3A_99, %gt3A_100 : vector<96x576xf32>
    %iota3A_102 = tpu.iota {dimensions = array<i32: 0>} : vector<96x1xi32>
    %add3A_103 = arith.constant 384 : i32
    %add3A_104 = vector.broadcast %add3A_103 : i32 to vector<96x1xi32>
    %add3A_105 = arith.addi %iota3A_102, %add3A_104 : vector<96x1xi32>
    %iota3A_106 = tpu.iota {dimensions = array<i32: 1>} : vector<96x576xi32>
    %eq3A_107 = vector.broadcast %broadcast_in_dim3A : vector<1x576xf32> to vector<96x576xf32>
    %eq3A_108 = vector.broadcast %broadcast_in_dim3A_98 : vector<96x1xf32> to vector<96x576xf32>
    %eq3A_109 = arith.cmpf oeq, %eq3A_107, %eq3A_108 : vector<96x576xf32>
    %lt3A_110 = vector.broadcast %add3A_105 : vector<96x1xi32> to vector<96x576xi32>
    %lt3A_111 = arith.cmpi slt, %iota3A_106, %lt3A_110 : vector<96x576xi32>
    %and3A_112 = arith.andi %eq3A_109, %lt3A_111 : vector<96x576xi1>
    %or3A_113 = arith.ori %gt3A_101, %and3A_112 : vector<96x576xi1>
    %convert_element_type3A_114 = arith.extui %or3A_113 : vector<96x576xi1> to vector<96x576xi32>
    %reduce_sum3A_115 = arith.constant dense<0> : vector<96xi32>
    %reduce_sum3A_116 = vector.multi_reduction <add>, %convert_element_type3A_114, %reduce_sum3A_115 [1] : vector<96x576xi32> to vector<96xi32>
    %swap3A_117 = arith.constant 0 : index
    %swap3A_118 = arith.constant 0 : index
    %swap3A_119 = arith.constant 384 : index
    %swap3A_120 = vector.load %arg2[%swap3A_117, %swap3A_118, %swap3A_119] : memref<1x1x576xi32, #tpu.memory_space<vmem>>, vector<1x1x96xi32>
    %swap3A_121 = vector.shape_cast %swap3A_120 : vector<1x1x96xi32> to vector<96xi32>
    %swap3A_122 = vector.shape_cast %reduce_sum3A_116 : vector<96xi32> to vector<1x1x96xi32>
    tpu.vector_store %arg2[%swap3A_117, %swap3A_118, %swap3A_119], %swap3A_122 {strides = array<i32>} : memref<1x1x576xi32, #tpu.memory_space<vmem>>, vector<1x1x96xi32>,
    %slice3A_123 = vector.extract_strided_slice %get3A_3 {offsets = [480], sizes = [96], strides = [1]} : vector<576xf32> to vector<96xf32>
    %broadcast_in_dim3A_124 = vector.shape_cast %slice3A_123 : vector<96xf32> to vector<96x1xf32>
    %gt3A_125 = vector.broadcast %broadcast_in_dim3A : vector<1x576xf32> to vector<96x576xf32>
    %gt3A_126 = vector.broadcast %broadcast_in_dim3A_124 : vector<96x1xf32> to vector<96x576xf32>
    %gt3A_127 = arith.cmpf ogt, %gt3A_125, %gt3A_126 : vector<96x576xf32>
    %iota3A_128 = tpu.iota {dimensions = array<i32: 0>} : vector<96x1xi32>
    %add3A_129 = arith.constant 480 : i32
    %add3A_130 = vector.broadcast %add3A_129 : i32 to vector<96x1xi32>
    %add3A_131 = arith.addi %iota3A_128, %add3A_130 : vector<96x1xi32>
    %iota3A_132 = tpu.iota {dimensions = array<i32: 1>} : vector<96x576xi32>
    %eq3A_133 = vector.broadcast %broadcast_in_dim3A : vector<1x576xf32> to vector<96x576xf32>
    %eq3A_134 = vector.broadcast %broadcast_in_dim3A_124 : vector<96x1xf32> to vector<96x576xf32>
    %eq3A_135 = arith.cmpf oeq, %eq3A_133, %eq3A_134 : vector<96x576xf32>
    %lt3A_136 = vector.broadcast %add3A_131 : vector<96x1xi32> to vector<96x576xi32>
    %lt3A_137 = arith.cmpi slt, %iota3A_132, %lt3A_136 : vector<96x576xi32>
    %and3A_138 = arith.andi %eq3A_135, %lt3A_137 : vector<96x576xi1>
    %or3A_139 = arith.ori %gt3A_127, %and3A_138 : vector<96x576xi1>
    %convert_element_type3A_140 = arith.extui %or3A_139 : vector<96x576xi1> to vector<96x576xi32>
    %reduce_sum3A_141 = arith.constant dense<0> : vector<96xi32>
    %reduce_sum3A_142 = vector.multi_reduction <add>, %convert_element_type3A_140, %reduce_sum3A_141 [1] : vector<96x576xi32> to vector<96xi32>
    %swap3A_143 = arith.constant 0 : index
    %swap3A_144 = arith.constant 0 : index
    %swap3A_145 = arith.constant 480 : index
    %swap3A_146 = vector.load %arg2[%swap3A_143, %swap3A_144, %swap3A_145] : memref<1x1x576xi32, #tpu.memory_space<vmem>>, vector<1x1x96xi32>
    %swap3A_147 = vector.shape_cast %swap3A_146 : vector<1x1x96xi32> to vector<96xi32>
    %swap3A_148 = vector.shape_cast %reduce_sum3A_142 : vector<96xi32> to vector<1x1x96xi32>
    tpu.vector_store %arg2[%swap3A_143, %swap3A_144, %swap3A_145], %swap3A_148 {strides = array<i32>} : memref<1x1x576xi32, #tpu.memory_space<vmem>>, vector<1x1x96xi32>,
    return
  }
  func.func @transform_0(%arg0: i32) -> (i32, i32, i32) {
    %c0_i32 = arith.constant 0 : i32
    %c0_i32_0 = arith.constant 0 : i32
    %c0_i32_1 = arith.constant 0 : i32
    return %arg0, %c0_i32, %c0_i32_0 : i32, i32, i32
  }
  func.func @transform_1(%arg0: i32) -> (i32, i32, i32) {
    %c0_i32 = arith.constant 0 : i32
    %c0_i32_0 = arith.constant 0 : i32
    %c0_i32_1 = arith.constant 0 : i32
    return %arg0, %c0_i32, %c0_i32_0 : i32, i32, i32
  }
}

module attributes {stable_mosaic.version = 14 : i64} {
  func.func @_sel_kernel(%arg0: i32, %arg1: memref<1x1x2304xi32, #tpu.memory_space<vmem>>, %arg2: memref<1x512x2304xf32, #tpu.memory_space<vmem>>, %arg3: memref<1x128x512xf32, #tpu.memory_space<vmem>>) attributes {dimension_semantics = [#tpu.dimension_semantics<arbitrary>], iteration_bounds = array<i64: 32>, scalar_prefetch = 0 : i64, scratch_operands = 0 : i64, tpu.core_type = #tpu.core_type<tc>, window_params = [{transform_indices = @transform_0, window_bounds = array<i64: 1, 1, 2304>}, {transform_indices = @transform_1, window_bounds = array<i64: 1, 512, 2304>}, {transform_indices = @transform_2, window_bounds = array<i64: 1, 128, 512>}]} {
    %get3A = arith.constant 0 : index
    %get3A_0 = arith.constant 0 : index
    %get3A_1 = arith.constant 0 : index
    %get3A_2 = vector.load %arg1[%get3A, %get3A_0, %get3A_1] : memref<1x1x2304xi32, #tpu.memory_space<vmem>>, vector<1x1x2304xi32>
    %get3A_3 = vector.shape_cast %get3A_2 : vector<1x1x2304xi32> to vector<2304xi32>
    %broadcast_in_dim3A = vector.shape_cast %get3A_3 : vector<2304xi32> to vector<1x2304xi32>
    %iota3A = tpu.iota {dimensions = array<i32: 0>} : vector<128x2304xi32>
    %eq3A = vector.broadcast %broadcast_in_dim3A : vector<1x2304xi32> to vector<128x2304xi32>
    %eq3A_4 = arith.cmpi eq, %eq3A, %iota3A : vector<128x2304xi32>
    %convert_element_type3A = arith.extui %eq3A_4 : vector<128x2304xi1> to vector<128x2304xi32>
    %convert_element_type3A_5 = arith.sitofp %convert_element_type3A : vector<128x2304xi32> to vector<128x2304xf32>
    %get3A_6 = arith.constant 0 : index
    %get3A_7 = arith.constant 0 : index
    %get3A_8 = arith.constant 0 : index
    %get3A_9 = vector.load %arg2[%get3A_6, %get3A_7, %get3A_8] : memref<1x512x2304xf32, #tpu.memory_space<vmem>>, vector<1x512x2304xf32>
    %get3A_10 = vector.shape_cast %get3A_9 : vector<1x512x2304xf32> to vector<512x2304xf32>
    %dot_general3A = arith.constant dense<0.000000e+00> : vector<128x512xf32>
    %dot_general3A_11 = tpu.matmul %convert_element_type3A_5, %get3A_10, %dot_general3A {dimension_numbers = #tpu.dot_dimension_numbers<[1], [1], [0], [0], [0, 0, 1, 0], [], []>, transpose_lhs_hint = false} : vector<128x2304xf32>, vector<512x2304xf32>, vector<128x512xf32> -> vector<128x512xf32>
    %swap3A = arith.constant 0 : index
    %swap3A_12 = arith.constant 0 : index
    %swap3A_13 = arith.constant 0 : index
    %swap3A_14 = vector.load %arg3[%swap3A, %swap3A_12, %swap3A_13] : memref<1x128x512xf32, #tpu.memory_space<vmem>>, vector<1x128x512xf32>
    %swap3A_15 = vector.shape_cast %swap3A_14 : vector<1x128x512xf32> to vector<128x512xf32>
    %swap3A_16 = vector.shape_cast %dot_general3A_11 : vector<128x512xf32> to vector<1x128x512xf32>
    tpu.vector_store %arg3[%swap3A, %swap3A_12, %swap3A_13], %swap3A_16 {strides = array<i32>} : memref<1x128x512xf32, #tpu.memory_space<vmem>>, vector<1x128x512xf32>,
    return
  }
  func.func @transform_0(%arg0: i32) -> (i32, i32, i32) {
    %c0_i32 = arith.constant 0 : i32
    %c0_i32_0 = arith.constant 0 : i32
    %c0_i32_1 = arith.constant 0 : i32
    return %arg0, %c0_i32, %c0_i32_0 : i32, i32, i32
  }
  func.func @transform_1(%arg0: i32) -> (i32, i32, i32) {
    %c0_i32 = arith.constant 0 : i32
    %c0_i32_0 = arith.constant 0 : i32
    %c0_i32_1 = arith.constant 0 : i32
    return %arg0, %c0_i32, %c0_i32_0 : i32, i32, i32
  }
  func.func @transform_2(%arg0: i32) -> (i32, i32, i32) {
    %c0_i32 = arith.constant 0 : i32
    %c0_i32_0 = arith.constant 0 : i32
    %c0_i32_1 = arith.constant 0 : i32
    return %arg0, %c0_i32, %c0_i32_0 : i32, i32, i32
  }
}

module attributes {stable_mosaic.version = 14 : i64} {
  func.func @_sel_kernel(%arg0: i32, %arg1: memref<1x1x576xi32, #tpu.memory_space<vmem>>, %arg2: memref<1x512x576xf32, #tpu.memory_space<vmem>>, %arg3: memref<1x32x512xf32, #tpu.memory_space<vmem>>) attributes {dimension_semantics = [#tpu.dimension_semantics<arbitrary>], iteration_bounds = array<i64: 32>, scalar_prefetch = 0 : i64, scratch_operands = 0 : i64, tpu.core_type = #tpu.core_type<tc>, window_params = [{transform_indices = @transform_0, window_bounds = array<i64: 1, 1, 576>}, {transform_indices = @transform_1, window_bounds = array<i64: 1, 512, 576>}, {transform_indices = @transform_2, window_bounds = array<i64: 1, 32, 512>}]} {
    %get3A = arith.constant 0 : index
    %get3A_0 = arith.constant 0 : index
    %get3A_1 = arith.constant 0 : index
    %get3A_2 = vector.load %arg1[%get3A, %get3A_0, %get3A_1] : memref<1x1x576xi32, #tpu.memory_space<vmem>>, vector<1x1x576xi32>
    %get3A_3 = vector.shape_cast %get3A_2 : vector<1x1x576xi32> to vector<576xi32>
    %broadcast_in_dim3A = vector.shape_cast %get3A_3 : vector<576xi32> to vector<1x576xi32>
    %iota3A = tpu.iota {dimensions = array<i32: 0>} : vector<32x576xi32>
    %eq3A = vector.broadcast %broadcast_in_dim3A : vector<1x576xi32> to vector<32x576xi32>
    %eq3A_4 = arith.cmpi eq, %eq3A, %iota3A : vector<32x576xi32>
    %convert_element_type3A = arith.extui %eq3A_4 : vector<32x576xi1> to vector<32x576xi32>
    %convert_element_type3A_5 = arith.sitofp %convert_element_type3A : vector<32x576xi32> to vector<32x576xf32>
    %get3A_6 = arith.constant 0 : index
    %get3A_7 = arith.constant 0 : index
    %get3A_8 = arith.constant 0 : index
    %get3A_9 = vector.load %arg2[%get3A_6, %get3A_7, %get3A_8] : memref<1x512x576xf32, #tpu.memory_space<vmem>>, vector<1x512x576xf32>
    %get3A_10 = vector.shape_cast %get3A_9 : vector<1x512x576xf32> to vector<512x576xf32>
    %dot_general3A = arith.constant dense<0.000000e+00> : vector<32x512xf32>
    %dot_general3A_11 = tpu.matmul %convert_element_type3A_5, %get3A_10, %dot_general3A {dimension_numbers = #tpu.dot_dimension_numbers<[1], [1], [0], [0], [0, 0, 1, 0], [], []>, transpose_lhs_hint = false} : vector<32x576xf32>, vector<512x576xf32>, vector<32x512xf32> -> vector<32x512xf32>
    %swap3A = arith.constant 0 : index
    %swap3A_12 = arith.constant 0 : index
    %swap3A_13 = arith.constant 0 : index
    %swap3A_14 = vector.load %arg3[%swap3A, %swap3A_12, %swap3A_13] : memref<1x32x512xf32, #tpu.memory_space<vmem>>, vector<1x32x512xf32>
    %swap3A_15 = vector.shape_cast %swap3A_14 : vector<1x32x512xf32> to vector<32x512xf32>
    %swap3A_16 = vector.shape_cast %dot_general3A_11 : vector<32x512xf32> to vector<1x32x512xf32>
    tpu.vector_store %arg3[%swap3A, %swap3A_12, %swap3A_13], %swap3A_16 {strides = array<i32>} : memref<1x32x512xf32, #tpu.memory_space<vmem>>, vector<1x32x512xf32>,
    return
  }
  func.func @transform_0(%arg0: i32) -> (i32, i32, i32) {
    %c0_i32 = arith.constant 0 : i32
    %c0_i32_0 = arith.constant 0 : i32
    %c0_i32_1 = arith.constant 0 : i32
    return %arg0, %c0_i32, %c0_i32_0 : i32, i32, i32
  }
  func.func @transform_1(%arg0: i32) -> (i32, i32, i32) {
    %c0_i32 = arith.constant 0 : i32
    %c0_i32_0 = arith.constant 0 : i32
    %c0_i32_1 = arith.constant 0 : i32
    return %arg0, %c0_i32, %c0_i32_0 : i32, i32, i32
  }
  func.func @transform_2(%arg0: i32) -> (i32, i32, i32) {
    %c0_i32 = arith.constant 0 : i32
    %c0_i32_0 = arith.constant 0 : i32
    %c0_i32_1 = arith.constant 0 : i32
    return %arg0, %c0_i32, %c0_i32_0 : i32, i32, i32
  }
}

</mosaic_0001>

<sc_bundles>
// kernel: kernel.11.cloned.1.call-start
scs
__scs_entry_jumppad:
0x0: {  	(pc) =	sbr.rel $0x88, $3  }
0x1: {  	(tag) =	ssettag $0x0;
	lr =	simm.s32 $0x1  }
0x2: {  	[smem:$0x3F9D] =	sst lr;
	_ =	strace $0xD0000000  }
0x3: {  	_ = 	snop  }
0x4: {  	_ = 	snop  }
0x5: {  	_ = 	snop  }
0x6: {  	_ = 	snop  }
0x7: {  	_ = 	snop  }
__scs_overlays_trampoline_lowered:
0x8: {  	[smem:$0x3FAC] =	sst s0  }
0x9: {  	[smem:$0x3FAD] =	sst s1  }
0xa: {  	[smem:$0x3FAE] =	sst s2  }
0xb: {  	[smem:$0x3FAF] =	sst s3  }
0xc: {  	[smem:$0x3FB0] =	sst s4  }
0xd: {  	[smem:$0x3FB1] =	sst s5  }
0xe: {  	[smem:$0x3FB2] =	sst s6  }
0xf: {  	[smem:$0x3FB3] =	sst s7  }
0x10: {  	[smem:$0x3FB4] =	sst s8  }
0x11: {  	[smem:$0x3FB5] =	sst s9;
	s0 =	simm.s32 @!p0 $0x0  }
0x12: {  	s1 =	sld [smem:$0x3F9B];
	s0 =	simm.s32 @p0 $0x1  }
0x13: {  	[smem:$0x3FB6] =	sst s0;
	s0 =	simm.s32 @!p1 $0x0  }
0x14: {  	s2 =	sld [smem:$0x3F9A];
	s0 =	simm.s32 @p1 $0x1  }
0x15: {  	[smem:$0x3FB7] =	sst s0;
	s0 =	simm.s32 @!p2 $0x0  }
0x16: {  	s3 =	sld [smem:$0x3FDB];
	s0 =	simm.s32 @p2 $0x1  }
0x17: {  	s4 =	simm.s32 $0x1BF5;
	[smem:$0x3FB9] =	sst s0  }
0x18: {  	s0 =	sld [smem:$0x3F9C];
	_ =	swait.ge [sflag:s4], $0x0  }
0x19: {  	s7 =	sld [smem:$0x3F9D]  }
0x1a: {  	s8 =	sadd.s32 $0xFFFFE003, lr  }
0x1b: {  	s9 =	sadd.s32 $0xFFFFFEF7, lr;
	s5 =	simm.s32 $0xFFFFFFFF;
	p2 =	slt.u32 s8, $0xFFFFF086  }
0x1c: {  	p1 =	slt.u32 s9, $0xF7A;
	s5 =	simm.s32 @!p2 $0x0  }
0x1d: {  	s5 =	simm.s32 @p1 $0x1;
	p0 =	seq.s32 s7, s2  }
0x1e: {  	s7 =	smul.u32 @!p0 $0xF7A, s2;
	p2 =	seq.s32 @!p0 s5, $0x0  }
0x1f: {  	s9 =	smul.u32 $0xF7A, s1;
	s8 =	simm.s32 @!p0 $0x1BF5;
	p2 =	por !p2, p0  }
0x20: {  	[sflag:s8] =	ssyncset.s32 @!p0 $0xFFFFF086;
	s6 =	sadd.s32 @!p0 s3, s7;
	s7 =	simm.s32 @!p0 $0x108  }
0x21: {  	s3 =	sadd.s32 s3, s9;
	s6 =	sadd.s32 @!p0 $0x88, s6;
	s7 =	simm.s32 @p2 $0x1082  }
0x22: {  	[simem:s7], [sflag:s8] =	dma.local @!p0 [hbm:s6], $0xF7A  }
0x23: {  	s9 =	sor.u32 $0xD0000000, s2;
	s6 =	simm.s32 $0x108;
	_ =	swait.ge @!p0 [sflag:s8], $0x0  }
0x24: {  	s3 =	sadd.s32 $0x88, s3;
	s6 =	simm.s32 @!p1 $0x1082;
	[sflag:s4] =	ssyncset.s32 $0xFFFFF086  }
0x25: {  	[simem:s6], [sflag:s4] =	dma.local [hbm:s3], $0xF7A  }
0x26: {  	[smem:$0x3F9D] =	sst s1;
	(tag) =	ssettag s2;
	_ =	strace s9  }
0x27: {  	s1 =	sld [smem:$0x3FAD]  }
0x28: {  	s2 =	sld [smem:$0x3FAE]  }
0x29: {  	s4 =	sld [smem:$0x3FB0]  }
0x2a: {  	p0 =	seq.s32 s5, $0x0;
	s5 =	sld [smem:$0x3FB1]  }
0x2b: {  	s6 =	sld [smem:$0x3FB2]  }
0x2c: {  	s7 =	sld [smem:$0x3FB3]  }
0x2d: {  	s3 =	simm.s32 $0x108;
	s8 =	sld [smem:$0x3FB4]  }
0x2e: {  	s3 =	simm.s32 @!p0 $0x1082;
	s9 =	sld [smem:$0x3FB5]  }
0x2f: {  	lr =	sadd.s32 s0, s3;
	s0 =	sld [smem:$0x3FAC]  }
0x30: {  	s3 =	sld [smem:$0x3FAF]  }
0x31: {  	[smem:$0x3FB8] =	sst s10  }
0x32: {  	s10 =	sld [smem:$0x3FB6];
	_ =	sdelay $0x3  }
0x33: {  	p0 =	seq.s32 s10, $0x1;
	s10 =	sld [smem:$0x3FB8];
	_ =	sdelay $0x3  }
0x34: {  	[smem:$0x3FB8] =	sst s10  }
0x35: {  	s10 =	sld [smem:$0x3FB7];
	_ =	sdelay $0x3  }
0x36: {  	p1 =	seq.s32 s10, $0x1;
	s10 =	sld [smem:$0x3FB8];
	_ =	sdelay $0x3  }
0x37: {  	[smem:$0x3FB8] =	sst s10  }
0x38: {  	s10 =	sld [smem:$0x3FB9]  }
0x39: {  	_ = 	snop;
	(pc) =	sbr.ind lr, $3  }
0x3a: {  	_ = 	snop  }
0x3b: {  	_ = 	snop  }
0x3c: {  	p2 =	seq.s32 s10, $0x1;
	s10 =	sld [smem:$0x3FB8]  }
0x3d: {  	_ =	shalt  }
0x3e: {  	_ =	shalt  }
0x3f: {  	_ =	shalt  }
0x40: {  	_ =	shalt  }
0x41: {  	_ =	shalt  }
0x42: {  	_ =	shalt  }
0x43: {  	_ =	shalt  }
0x44: {  	_ =	shalt  }
0x45: {  	_ =	shalt  }
0x46: {  	_ =	shalt  }
0x47: {  	_ =	shalt  }
0x48: {  	_ =	shalt  }
0x49: {  	_ =	shalt  }
0x4a: {  	_ =	shalt  }
0x4b: {  	_ =	shalt  }
0x4c: {  	_ =	shalt  }
0x4d: {  	_ =	shalt  }
0x4e: {  	_ =	shalt  }
0x4f: {  	_ =	shalt  }
0x50: {  	_ =	shalt  }
0x51: {  	_ =	shalt  }
0x52: {  	_ =	shalt  }
0x53: {  	_ =	shalt  }
0x54: {  	_ =	shalt  }
0x55: {  	_ =	shalt  }
0x56: {  	_ =	shalt  }
0x57: {  	_ =	shalt  }
0x58: {  	_ =	shalt  }
0x59: {  	_ =	shalt  }
0x5a: {  	_ =	shalt  }
0x5b: {  	_ =	shalt  }
0x5c: {  	_ =	shalt  }
0x5d: {  	_ =	shalt  }
0x5e: {  	_ =	shalt  }
0x5f: {  	_ =	shalt  }
0x60: {  	_ =	shalt  }
0x61: {  	_ =	shalt  }
0x62: {  	_ =	shalt  }
0x63: {  	_ =	shalt  }
0x64: {  	_ =	shalt  }
0x65: {  	_ =	shalt  }
0x66: {  	_ =	shalt  }
0x67: {  	_ =	shalt  }
0x68: {  	_ =	shalt  }
0x69: {  	_ =	shalt  }
0x6a: {  	_ =	shalt  }
0x6b: {  	_ =	shalt  }
0x6c: {  	_ =	shalt  }
0x6d: {  	_ =	shalt  }
0x6e: {  	_ =	shalt  }
0x6f: {  	_ =	shalt  }
0x70: {  	_ =	shalt  }
0x71: {  	_ =	shalt  }
0x72: {  	_ =	shalt  }
0x73: {  	_ =	shalt  }
0x74: {  	_ =	shalt  }
0x75: {  	_ =	shalt  }
0x76: {  	_ =	shalt  }
0x77: {  	_ =	shalt  }
0x78: {  	_ =	shalt  }
0x79: {  	_ =	shalt  }
0x7a: {  	_ =	shalt  }
0x7b: {  	_ =	shalt  }
0x7c: {  	_ =	shalt  }
0x7d: {  	_ =	shalt  }
0x7e: {  	_ =	shalt  }
0x7f: {  	_ =	shalt  }
0x80: {  	_ =	shalt  }
0x81: {  	_ =	shalt  }
0x82: {  	_ =	shalt  }
0x83: {  	_ =	shalt  }
0x84: {  	_ =	shalt  }
0x85: {  	_ =	shalt  }
0x86: {  	_ =	shalt  }
0x87: {  	_ =	shalt  }
.Lfunc_end0:
.L_simem_size_0:
called_computation.2_lowered:
.L_overlay_start_0:
0x88: {  	s2 =	sld [smem:$0x3FD9]  }
0x89: {  	s3 =	sld [smem:$0x3FFE];
	_ =	sdelay $0x1  }
0x8a: {  	s1 =	srdreg.scid  }
0x8b: {  	s0 =	sand.u32 $0x1, s1  }
0x8c: {  	s15 =	sshll.u32 s0, $0xA;
	s2 =	sadd.s32 s3, s2  }
0x8d: {  	s2 =	sadd.s32 s2, s15  }
0x8e: {  	[smem:$0x3FC4] =	sst s2  }
0x8f: {  	_ = 	snop  }
0x90: {  	s2 =	sld [smem:$0x3FD0];
	_ =	sdelay $0x2  }
0x91: {  	s16 =	simm.s32 $0xB;
	s4 =	simm.s32 $0x10  }
0x92: {  	[smem:s4], [sflag:s16] =	dma.local [hbm:s2], $0x1  }
0x93: {  	_ =	swait.eq [sflag:s16], $0x1  }
0x94: {  	[sflag:s16] =	ssyncset.done $0x0  }
0x95: {  	[sflag:s16] =	ssyncadd.s32 $0xFFFFFFFF  }
0x96: {  	s17 =	sld [smem:$0x15];
	(tm) =	ssettm $0x1  }
0x97: {  	s18 =	sld [smem:$0x3FFB];
	_ =	sdelay $0x3  }
0x98: {  	_ =	strace s18  }
0x99: {  	s2 =	sld [smem:$0x3FFC];
	_ =	sdelay $0x3  }
0x9a: {  	_ =	strace s2  }
0x9b: {  	s2 =	sld [smem:$0x3FFD];
	_ =	sdelay $0x3  }
0x9c: {  	_ =	strace s2  }
0x9d: {  	_ =	strace $0x8FFFFFFF  }
0x9e: {  	s19 =	sld [smem:$0x3FDB];
	_ =	sdelay $0x1  }
0x9f: {  	s20 =	simm.s32 $_scs_section_size  }
0xa0: {  	s5 =	simm.s32 $_size__tile_overlayer_lowered;
	s6 =	simm.s32 $_tile_overlayer_lowered  }
0xa1: {  	s7 =	simm.s32 $0x1BFF;
	s21 =	sshll.u32 s6, $0x1;
	s4 =	sadd.s32 s20, s19  }
0xa2: {  	s22 =	simm.s32 $0x0;
	s5 =	sshll.u32 s5, $0x1;
	s6 =	sadd.s32 s21, s4  }
0xa3: {  	[timem:s22], [sflag:s7] =	dma.local [hbm:s6], s5  }
0xa4: {  	_ =	swait.ge [sflag:s7], s5  }
0xa5: {  	s5 =	ssub.s32 $0x0, s5;
	[sflag:s7] =	ssyncset.done $0x0  }
0xa6: {  	[sflag:s7] =	ssyncadd.s32 s5;
	_ =	sdelay $0x1  }
0xa7: {  	s23 =	simm.s32 $0x1B8B  }
0xa8: {  	_ =	swait.ge [sflag:s23], $0x1  }
0xa9: {  	[sflag:s23] =	ssyncset.done $0x0  }
0xaa: {  	[sflag:s23] =	ssyncadd.s32 $0xFFFFFFFF  }
0xab: {  	s5 =	sld [smem:$0x0]  }
0xac: {  	s6 =	sand.u32 $0xFFFFFFFE, s1  }
0xad: {  	p0 =	sne.s32 s1, s6  }
0xae: {  	s6 =	sshll.u32 @p0 s6, $0xE  }
0xaf: {  	s6 =	sadd.s32 @p0 $0x11B8D, s6;
	s7 =	sshll.u32 @p0 s5, $0x11  }
0xb0: {  	s6 =	sor.u32 @p0 s7, s6  }
0xb1: {  	[sflag:s6] =	ssyncadd.remote.s32 @p0 $0x1;
	_ =	sdelay $0x1  }
0xb2: {  	s6 =	simm.s32 @p0 $0x1B8D  }
0xb3: {  	_ =	swait.eq @p0 [sflag:s6], $0x1  }
0xb4: {  	[sflag:s6] =	ssyncadd.s32 @p0 $0xFFFFFFFF  }
0xb5: {  	s7 =	sshll.u32 @!p0 s1, $0xE  }
0xb6: {  	s7 =	sor.u32 @!p0 $0x4000, s7;
	s6 =	simm.s32 @!p0 $0x1B8D  }
0xb7: {  	s5 =	sshll.u32 @!p0 s5, $0x11;
	s7 =	sadd.s32 @!p0 $0x11B8D, s7;
	_ =	swait.eq @!p0 [sflag:s6], $0x1  }
0xb8: {  	s5 =	sor.u32 @!p0 s5, s7;
	[sflag:s6] =	ssyncadd.s32 @!p0 $0xFFFFFFFF  }
0xb9: {  	s25 =	simm.s32 $0x1B8E;
	s24 =	sld [smem:$0x3FFE];
	[sflag:s5] =	ssyncadd.remote.s32 @!p0 $0x1  }
0xba: {  	s26 =	simm.s32 $execute0_lowered;
	[smem:$0x3FD2] =	sst s25  }
0xbb: {  	s6 =	sshll.u32 s26, $0x1;
	_ =	strace $0x80000049;
	[dreg:$0x1] =	wrdreg $0xFFFFFFFF  }
0xbc: {  	s28 =	simm.s32 $_size_execute0_lowered;
	s4 =	sadd.s32 s4, s6;
	[dreg:$0x0] =	wrdreg $0x0  }
0xbd: {  	s6 =	sshll.u32 s28, $0x1;
	[dreg:$0x2] =	wrdreg s4  }
0xbe: {  	[dreg:$0x3] =	wrdreg s6  }
0xbf: {  	[dreg:$0x4] =	wrdreg $0xC0  }
0xc0: {  	_ =	task [dreg:s22], $0x5FFFF  }
0xc1: {  	[dreg:$0x1] =	wrdreg $0xFFFFFFFF  }
0xc2: {  	[dreg:$0x0] =	wrdreg $0x60  }
0xc3: {  	[dreg:$0x2] =	wrdreg s17  }
0xc4: {  	[dreg:$0x3] =	wrdreg s24  }
0xc5: {  	[dreg:$0x4] =	wrdreg $0x9  }
0xc6: {  	_ =	task.clear_ibuf [dreg:s22], $0x5FFFF;
	_ =	strace $0x90000049  }
0xc7: {  	s29 =	simm.s32 $0x9;
	_ =	strace $0x8000004B  }
0xc8: {  	_ =	swait.ge [sflag:s29], $0x1  }
0xc9: {  	[sflag:s29] =	ssyncadd.s32 $0xFFFFFFFF  }
0xca: {  	_ =	strace $0x9000004B  }
0xcb: {  	_ =	sfence  }
0xcc: {  	s30 =	sld [smem:$0x0];
	_ =	sdelay $0x2  }
0xcd: {  	s31 =	sshll.u32 s1, $0xD;
	s1 =	sshrl.u32 s1, $0x2  }
0xce: {  	s4 =	sand.u32 $0x4000, s31;
	s1 =	sadd.s32 s1, s30  }
0xcf: {  	s0 =	sor.u32 s4, s0;
	s1 =	sshll.u32 s1, $0x11  }
0xd0: {  	s0 =	sor.u32 s1, s0  }
0xd1: {  	s0 =	sadd.s32 $0x8F2B, s0  }
0xd2: {  	[sflag:s0] =	ssyncadd.remote.s32 $0x1  }
0xd3: {  	_ =	sfence.sel $0xFFFF  }
0xd4: {  	[dreg:$0x0] =	wrdreg $0xFFFFFFFF;
	(pc) =	sbr.abs _section_cstart, $3  }
0xd5: {  	[dreg:$0x1] =	wrdreg $0xFFFFFFFF  }
0xd6: {  	_ =	task.clear_ibuf [dreg:s22], $0x2FFFF;
	_ =	strace $0x9FFFFFFF  }
0xd7: {  	(tm) =	ssettm $0x7FFFFFFF  }
tec
execute0_lowered:
.L_overlay_start_1:
0x0: {  	(tag) =	ssettag $0x1  }
0x1: {  	s0 =	srdreg.scid;
	s3 =	rddreg [dreg:$0x0]  }
0x2: {  	s1 =	stileid.u32;
	s4 =	rddreg [dreg:$0x1];
	s2 =	simm.s32 $0x0  }
0x3: {  	s15 =	simm.s32 $0x400;
	s7 =	simm.s32 $0x1;
	s31 =	simm.s32 $0x2  }
0x4: {  	s16 =	simm.s32 $0x4400;
	s17 =	simm.s32 $0x4C00;
	s18 =	simm.s32 $0x5400  }
0x5: {  	s19 =	simm.s32 $0x5C00;
	s20 =	simm.s32 $0x6400;
	s21 =	simm.s32 $0x6C00  }
0x6: {  	s28 =	simm.s32 $0xAC00;
	s29 =	simm.s32 $0xB400;
	s30 =	simm.s32 $0xBC00  }
0x7: {  	s8 =	simm.s32 $0xCC00;
	s9 =	simm.s32 $0xD400;
	s10 =	simm.s32 $0xDC00  }
0x8: {  	s11 =	simm.s32 $0xE400;
	s0 =	sand.u32 $0x1, s0;
	s1 =	sshll.u32 s1, $0x1  }
0x9: {  	s12 =	simm.s32 $0xEC00;
	s13 =	simm.s32 $0xF400;
	s1 =	sor.u32 s0, s1  }
0xa: {  	s14 =	simm.s32 $0xFC00;
	[smem:$0x7FF] =	sst s2;
	s5 =	smul.u32 $0x24000, s1  }
0xb: {  	_ =	strace $0x8000004A;
	s0 =	ssub.s32 $0x2, s0;
	s6 =	sshll.u32 s1, $0x7  }
0xc: {  	s1 =	smul.u32 $0x5000, s1;
	s26 =	sshrl.u32 s0, $0x1;
	s5 =	sshrl.u32 s5, $0x3  }
0xd: {  	s3 =	sadd.s32 s3, s6;
	s0 =	ssub.s32 s0, s26;
	s5 =	sadd.s32 s5, s4  }
0xe: {  	s6 =	simm.s32 $0x8400;
	[dreg:$0x3] =	wrdreg s3;
	s22 =	sadd.s32 $0x480A00, s5  }
0xf: {  	s26 =	simm.s32 $0xA400;
	s23 =	sadd.s32 $0x481A00, s5;
	[dreg:$0x4] =	wrdreg s22  }
0x10: {  	s1 =	sadd.s32 s1, s4;
	s24 =	sadd.s32 $0x482A00, s5;
	[dreg:$0x5] =	wrdreg s23  }
0x11: {  	s3 =	sadd.s32 $0x510A00, s1;
	s25 =	sadd.s32 $0x483A00, s5;
	[dreg:$0x6] =	wrdreg s24  }
0x12: {  	v2 =	vlaneseq.u32;
	s4 =	smax.u32 s0, $0x1;
	s5 =	sadd.s32 $0x484A00, s5;
	[dreg:$0x7] =	wrdreg s25  }
0x13: {  	vm0 =	vmmov $0xffff;
	v1 =	vshrl.u32 v2, $0x3;
	[dreg:$0x8] =	wrdreg s5;
	s22 =	simm.s32 $0x7400;
	s23 =	simm.s32 $0x7C00  }
0x14: {  	v0 =	vand.u32 $0x7, v2;
	v2 =	vor.u32 $0x8, v2;
	v1 =	vmul.u32 $0x8, v1;
	s24 =	simm.s32 $0x9400;
	s25 =	simm.s32 $0x9C00;
	s5 =	simm.s32 $0xC400  }
.LBB2_1:
0x15: {  	s1 =	rddreg [dreg:$0x3];
	s0 =	simm.s32 $0x3  }
0x16: {  	[tilespmem:s2], [sflag:$0x3] =	stream.linear.gather [hbm4b:s1+s2], $0x280, $0x38;
	[tilespmem:$0x10400] =	vst v63  }
0x17: {  	_ =	swait.ge [sflag:s0], $0x280  }
0x18: {  	[sflag:s0] =	ssyncset.done $0x0  }
0x19: {  	s1 =	rddreg [dreg:$0x4];
	[sflag:s0] =	ssyncadd.s32 $0xFFFFFD80  }
0x1a: {  	[tilespmem:s15], [sflag:$0x1] =	stream.linear.gather [hbm4b:s1+s2], $0x8000, $0x38;
	[tilespmem:$0x10400] =	vst v63  }
0x1b: {  	_ =	swait.ge [sflag:s7], $0x8000  }
0x1c: {  	[sflag:s7] =	ssyncset.done $0x0  }
0x1d: {  	[sflag:s7] =	ssyncadd.s32 $0xFFFF8000  }
0x1e: {  	v3 =	vld [tilespmem:$0x0];
	_ =	sdelay $0x4  }
0x1f: {  	v4 =	vshll.u32 v3, $0x1  }
0x20: {  	v3 =	vand.u32 $0x7, v3;
	v4 =	vand.u32 $0xFFFFFFF0, v4  }
0x21: {  	v3 =	vor.u32 v3, v4  }
0x22: {  	v4 =	vperm.xlane v3, v0;
	_ =	sdelay $0x1  }
0x23: {  	v3 =	vperm.xlane v3, v2;
	v4 =	vadd.s32 v1, v4;
	_ =	sdelay $0x1  }
0x24: {  	v3 =	vadd.s32 v1, v3;
	_ =	sdelay $0x2  }
0x25: {  	[hbm4b:s3+s2] =	stream.indirect_vreg.scatter [tilespmem:s15], [sflag:$0x2], $0x80, v4, vm0, $0xb8;
	[tilespmem:$0x10400] =	vst v63  }
0x26: {  	s1 =	simm.s32 $0xC00  }
0x27: {  	[hbm4b:s3+s2] =	stream.indirect_vreg.scatter [tilespmem:s1], [sflag:$0x2], $0x80, v3, vm0, $0xb8;
	[tilespmem:$0x10400] =	vst v63  }
0x28: {  	v3 =	vld [tilespmem:$0x10];
	_ =	sdelay $0x4  }
0x29: {  	v25 =	vshll.u32 v3, $0x1  }
0x2a: {  	v3 =	vand.u32 $0x7, v3;
	v4 =	vand.u32 $0xFFFFFFF0, v25  }
0x2b: {  	v3 =	vor.u32 v3, v4  }
0x2c: {  	v4 =	vperm.xlane v3, v0;
	_ =	sdelay $0x1  }
0x2d: {  	v3 =	vperm.xlane v3, v2;
	v4 =	vadd.s32 v1, v4;
	_ =	sdelay $0x1  }
0x2e: {  	v3 =	vadd.s32 v1, v3;
	_ =	sdelay $0x1  }
0x2f: {  	s1 =	simm.s32 $0x1400  }
0x30: {  	[hbm4b:s3+s2] =	stream.indirect_vreg.scatter [tilespmem:s1], [sflag:$0x2], $0x80, v4, vm0, $0xb8;
	[tilespmem:$0x10400] =	vst v63  }
0x31: {  	s1 =	simm.s32 $0x1C00  }
0x32: {  	[hbm4b:s3+s2] =	stream.indirect_vreg.scatter [tilespmem:s1], [sflag:$0x2], $0x80, v3, vm0, $0xb8;
	[tilespmem:$0x10400] =	vst v63  }
0x33: {  	v3 =	vld [tilespmem:$0x20];
	_ =	sdelay $0x4  }
0x34: {  	v26 =	vshll.u32 v3, $0x1  }
0x35: {  	v3 =	vand.u32 $0x7, v3;
	v4 =	vand.u32 $0xFFFFFFF0, v26  }
0x36: {  	v3 =	vor.u32 v3, v4  }
0x37: {  	v4 =	vperm.xlane v3, v0;
	_ =	sdelay $0x1  }
0x38: {  	v3 =	vperm.xlane v3, v2;
	v4 =	vadd.s32 v1, v4;
	_ =	sdelay $0x1  }
0x39: {  	v3 =	vadd.s32 v1, v3;
	_ =	sdelay $0x1  }
0x3a: {  	s1 =	simm.s32 $0x2400  }
0x3b: {  	[hbm4b:s3+s2] =	stream.indirect_vreg.scatter [tilespmem:s1], [sflag:$0x2], $0x80, v4, vm0, $0xb8;
	[tilespmem:$0x10400] =	vst v63  }
0x3c: {  	s1 =	simm.s32 $0x2C00  }
0x3d: {  	[hbm4b:s3+s2] =	stream.indirect_vreg.scatter [tilespmem:s1], [sflag:$0x2], $0x80, v3, vm0, $0xb8;
	[tilespmem:$0x10400] =	vst v63  }
0x3e: {  	v3 =	vld [tilespmem:$0x30];
	_ =	sdelay $0x4  }
0x3f: {  	v27 =	vshll.u32 v3, $0x1  }
0x40: {  	v3 =	vand.u32 $0x7, v3;
	v4 =	vand.u32 $0xFFFFFFF0, v27  }
0x41: {  	v3 =	vor.u32 v3, v4  }
0x42: {  	v4 =	vperm.xlane v3, v0;
	_ =	sdelay $0x1  }
0x43: {  	v3 =	vperm.xlane v3, v2;
	v4 =	vadd.s32 v1, v4;
	_ =	sdelay $0x1  }
0x44: {  	v3 =	vadd.s32 v1, v3;
	_ =	sdelay $0x1  }
0x45: {  	s1 =	simm.s32 $0x3400  }
0x46: {  	[hbm4b:s3+s2] =	stream.indirect_vreg.scatter [tilespmem:s1], [sflag:$0x2], $0x80, v4, vm0, $0xb8;
	[tilespmem:$0x10400] =	vst v63  }
0x47: {  	s1 =	simm.s32 $0x3C00  }
0x48: {  	[hbm4b:s3+s2] =	stream.indirect_vreg.scatter [tilespmem:s1], [sflag:$0x2], $0x80, v3, vm0, $0xb8;
	[tilespmem:$0x10400] =	vst v63  }
0x49: {  	v3 =	vld [tilespmem:$0x40];
	_ =	sdelay $0x4  }
0x4a: {  	v28 =	vshll.u32 v3, $0x1  }
0x4b: {  	v3 =	vand.u32 $0x7, v3;
	v4 =	vand.u32 $0xFFFFFFF0, v28  }
0x4c: {  	v3 =	vor.u32 v3, v4  }
0x4d: {  	v4 =	vperm.xlane v3, v0;
	_ =	sdelay $0x1  }
0x4e: {  	v3 =	vperm.xlane v3, v2;
	v4 =	vadd.s32 v1, v4;
	_ =	sdelay $0x1  }
0x4f: {  	v3 =	vadd.s32 v1, v3;
	_ =	sdelay $0x2  }
0x50: {  	[hbm4b:s3+s2] =	stream.indirect_vreg.scatter [tilespmem:s16], [sflag:$0x2], $0x80, v4, vm0, $0xb8;
	[tilespmem:$0x10400] =	vst v63  }
0x51: {  	_ = 	snop  }
0x52: {  	[hbm4b:s3+s2] =	stream.indirect_vreg.scatter [tilespmem:s17], [sflag:$0x2], $0x80, v3, vm0, $0xb8;
	[tilespmem:$0x10400] =	vst v63  }
0x53: {  	v3 =	vld [tilespmem:$0x50];
	_ =	sdelay $0x4  }
0x54: {  	v29 =	vshll.u32 v3, $0x1  }
0x55: {  	v3 =	vand.u32 $0x7, v3;
	v4 =	vand.u32 $0xFFFFFFF0, v29  }
0x56: {  	v3 =	vor.u32 v3, v4  }
0x57: {  	v4 =	vperm.xlane v3, v0;
	_ =	sdelay $0x1  }
0x58: {  	v3 =	vperm.xlane v3, v2;
	v4 =	vadd.s32 v1, v4;
	_ =	sdelay $0x1  }
0x59: {  	v3 =	vadd.s32 v1, v3;
	_ =	sdelay $0x2  }
0x5a: {  	[hbm4b:s3+s2] =	stream.indirect_vreg.scatter [tilespmem:s18], [sflag:$0x2], $0x80, v4, vm0, $0xb8;
	[tilespmem:$0x10400] =	vst v63  }
0x5b: {  	_ = 	snop  }
0x5c: {  	[hbm4b:s3+s2] =	stream.indirect_vreg.scatter [tilespmem:s19], [sflag:$0x2], $0x80, v3, vm0, $0xb8;
	[tilespmem:$0x10400] =	vst v63  }
0x5d: {  	v3 =	vld [tilespmem:$0x60];
	_ =	sdelay $0x4  }
0x5e: {  	v30 =	vshll.u32 v3, $0x1  }
0x5f: {  	v3 =	vand.u32 $0x7, v3;
	v4 =	vand.u32 $0xFFFFFFF0, v30  }
0x60: {  	v3 =	vor.u32 v3, v4  }
0x61: {  	v4 =	vperm.xlane v3, v0;
	_ =	sdelay $0x1  }
0x62: {  	v3 =	vperm.xlane v3, v2;
	v4 =	vadd.s32 v1, v4;
	_ =	sdelay $0x1  }
0x63: {  	v3 =	vadd.s32 v1, v3;
	_ =	sdelay $0x2  }
0x64: {  	[hbm4b:s3+s2] =	stream.indirect_vreg.scatter [tilespmem:s20], [sflag:$0x2], $0x80, v4, vm0, $0xb8;
	[tilespmem:$0x10400] =	vst v63  }
0x65: {  	_ = 	snop  }
0x66: {  	[hbm4b:s3+s2] =	stream.indirect_vreg.scatter [tilespmem:s21], [sflag:$0x2], $0x80, v3, vm0, $0xb8;
	[tilespmem:$0x10400] =	vst v63  }
0x67: {  	v3 =	vld [tilespmem:$0x70];
	_ =	sdelay $0x4  }
0x68: {  	v31 =	vshll.u32 v3, $0x1  }
0x69: {  	v3 =	vand.u32 $0x7, v3;
	v4 =	vand.u32 $0xFFFFFFF0, v31  }
0x6a: {  	v3 =	vor.u32 v3, v4  }
0x6b: {  	v4 =	vperm.xlane v3, v0;
	_ =	sdelay $0x1  }
0x6c: {  	v3 =	vperm.xlane v3, v2;
	v4 =	vadd.s32 v1, v4;
	_ =	sdelay $0x1  }
0x6d: {  	v3 =	vadd.s32 v1, v3;
	_ =	sdelay $0x2  }
0x6e: {  	[hbm4b:s3+s2] =	stream.indirect_vreg.scatter [tilespmem:s22], [sflag:$0x2], $0x80, v4, vm0, $0xb8;
	[tilespmem:$0x10400] =	vst v63  }
0x6f: {  	_ = 	snop  }
0x70: {  	[hbm4b:s3+s2] =	stream.indirect_vreg.scatter [tilespmem:s23], [sflag:$0x2], $0x80, v3, vm0, $0xb8;
	[tilespmem:$0x10400] =	vst v63  }
0x71: {  	s0 =	rddreg [dreg:$0x5]  }
0x72: {  	[tilespmem:s6], [sflag:$0x1] =	stream.linear.gather [hbm4b:s0+s2], $0x8000, $0x38;
	[tilespmem:$0x10400] =	vst v63  }
0x73: {  	_ =	swait.ge [sflag:s7], $0x8000  }
0x74: {  	[sflag:s7] =	ssyncset.done $0x0  }
0x75: {  	[sflag:s7] =	ssyncadd.s32 $0xFFFF8000  }
0x76: {  	v3 =	vld [tilespmem:$0x80];
	_ =	sdelay $0x4  }
0x77: {  	v32 =	vshll.u32 v3, $0x1  }
0x78: {  	v3 =	vand.u32 $0x7, v3;
	v4 =	vand.u32 $0xFFFFFFF0, v32  }
0x79: {  	v3 =	vor.u32 v3, v4  }
0x7a: {  	v4 =	vperm.xlane v3, v0;
	_ =	sdelay $0x1  }
0x7b: {  	v3 =	vperm.xlane v3, v2;
	v4 =	vadd.s32 v1, v4;
	_ =	sdelay $0x1  }
0x7c: {  	v3 =	vadd.s32 v1, v3;
	_ =	sdelay $0x2  }
0x7d: {  	[hbm4b:s3+s2] =	stream.indirect_vreg.scatter [tilespmem:s6], [sflag:$0x2], $0x80, v4, vm0, $0xb8;
	[tilespmem:$0x10400] =	vst v63  }
0x7e: {  	s0 =	simm.s32 $0x8C00  }
0x7f: {  	[hbm4b:s3+s2] =	stream.indirect_vreg.scatter [tilespmem:s0], [sflag:$0x2], $0x80, v3, vm0, $0xb8;
	[tilespmem:$0x10400] =	vst v63  }
0x80: {  	v3 =	vld [tilespmem:$0x90];
	_ =	sdelay $0x4  }
0x81: {  	v33 =	vshll.u32 v3, $0x1  }
0x82: {  	v3 =	vand.u32 $0x7, v3;
	v4 =	vand.u32 $0xFFFFFFF0, v33  }
0x83: {  	v3 =	vor.u32 v3, v4  }
0x84: {  	v4 =	vperm.xlane v3, v0;
	_ =	sdelay $0x1  }
0x85: {  	v3 =	vperm.xlane v3, v2;
	v4 =	vadd.s32 v1, v4;
	_ =	sdelay $0x1  }
0x86: {  	v3 =	vadd.s32 v1, v3;
	_ =	sdelay $0x2  }
0x87: {  	[hbm4b:s3+s2] =	stream.indirect_vreg.scatter [tilespmem:s24], [sflag:$0x2], $0x80, v4, vm0, $0xb8;
	[tilespmem:$0x10400] =	vst v63  }
0x88: {  	_ = 	snop  }
0x89: {  	[hbm4b:s3+s2] =	stream.indirect_vreg.scatter [tilespmem:s25], [sflag:$0x2], $0x80, v3, vm0, $0xb8;
	[tilespmem:$0x10400] =	vst v63  }
0x8a: {  	v3 =	vld [tilespmem:$0xA0];
	_ =	sdelay $0x4  }
0x8b: {  	v34 =	vshll.u32 v3, $0x1  }
0x8c: {  	v3 =	vand.u32 $0x7, v3;
	v4 =	vand.u32 $0xFFFFFFF0, v34  }
0x8d: {  	v3 =	vor.u32 v3, v4  }
0x8e: {  	v4 =	vperm.xlane v3, v0;
	_ =	sdelay $0x1  }
0x8f: {  	v3 =	vperm.xlane v3, v2;
	v4 =	vadd.s32 v1, v4;
	_ =	sdelay $0x1  }
0x90: {  	v3 =	vadd.s32 v1, v3;
	_ =	sdelay $0x2  }
0x91: {  	[hbm4b:s3+s2] =	stream.indirect_vreg.scatter [tilespmem:s26], [sflag:$0x2], $0x80, v4, vm0, $0xb8;
	[tilespmem:$0x10400] =	vst v63  }
0x92: {  	_ = 	snop  }
0x93: {  	[hbm4b:s3+s2] =	stream.indirect_vreg.scatter [tilespmem:s28], [sflag:$0x2], $0x80, v3, vm0, $0xb8;
	[tilespmem:$0x10400] =	vst v63  }
0x94: {  	v3 =	vld [tilespmem:$0xB0];
	_ =	sdelay $0x4  }
0x95: {  	v35 =	vshll.u32 v3, $0x1  }
0x96: {  	v3 =	vand.u32 $0x7, v3;
	v4 =	vand.u32 $0xFFFFFFF0, v35  }
0x97: {  	v3 =	vor.u32 v3, v4  }
0x98: {  	v4 =	vperm.xlane v3, v0;
	_ =	sdelay $0x1  }
0x99: {  	v3 =	vperm.xlane v3, v2;
	v4 =	vadd.s32 v1, v4;
	_ =	sdelay $0x1  }
0x9a: {  	v3 =	vadd.s32 v1, v3;
	_ =	sdelay $0x2  }
0x9b: {  	[hbm4b:s3+s2] =	stream.indirect_vreg.scatter [tilespmem:s29], [sflag:$0x2], $0x80, v4, vm0, $0xb8;
	[tilespmem:$0x10400] =	vst v63  }
0x9c: {  	_ = 	snop  }
0x9d: {  	[hbm4b:s3+s2] =	stream.indirect_vreg.scatter [tilespmem:s30], [sflag:$0x2], $0x80, v3, vm0, $0xb8;
	[tilespmem:$0x10400] =	vst v63  }
0x9e: {  	v3 =	vld [tilespmem:$0xC0];
	_ =	sdelay $0x4  }
0x9f: {  	v36 =	vshll.u32 v3, $0x1  }
0xa0: {  	v3 =	vand.u32 $0x7, v3;
	v4 =	vand.u32 $0xFFFFFFF0, v36  }
0xa1: {  	v3 =	vor.u32 v3, v4  }
0xa2: {  	v4 =	vperm.xlane v3, v0;
	_ =	sdelay $0x1  }
0xa3: {  	v3 =	vperm.xlane v3, v2;
	v4 =	vadd.s32 v1, v4;
	_ =	sdelay $0x1  }
0xa4: {  	v3 =	vadd.s32 v1, v3;
	_ =	sdelay $0x2  }
0xa5: {  	[hbm4b:s3+s2] =	stream.indirect_vreg.scatter [tilespmem:s5], [sflag:$0x2], $0x80, v4, vm0, $0xb8;
	[tilespmem:$0x10400] =	vst v63  }
0xa6: {  	_ = 	snop  }
0xa7: {  	[hbm4b:s3+s2] =	stream.indirect_vreg.scatter [tilespmem:s8], [sflag:$0x2], $0x80, v3, vm0, $0xb8;
	[tilespmem:$0x10400] =	vst v63  }
0xa8: {  	v3 =	vld [tilespmem:$0xD0];
	_ =	sdelay $0x4  }
0xa9: {  	v37 =	vshll.u32 v3, $0x1  }
0xaa: {  	v3 =	vand.u32 $0x7, v3;
	v4 =	vand.u32 $0xFFFFFFF0, v37  }
0xab: {  	v3 =	vor.u32 v3, v4  }
0xac: {  	v4 =	vperm.xlane v3, v0;
	_ =	sdelay $0x1  }
0xad: {  	v3 =	vperm.xlane v3, v2;
	v4 =	vadd.s32 v1, v4;
	_ =	sdelay $0x1  }
0xae: {  	v3 =	vadd.s32 v1, v3;
	_ =	sdelay $0x2  }
0xaf: {  	[hbm4b:s3+s2] =	stream.indirect_vreg.scatter [tilespmem:s9], [sflag:$0x2], $0x80, v4, vm0, $0xb8;
	[tilespmem:$0x10400] =	vst v63  }
0xb0: {  	_ = 	snop  }
0xb1: {  	[hbm4b:s3+s2] =	stream.indirect_vreg.scatter [tilespmem:s10], [sflag:$0x2], $0x80, v3, vm0, $0xb8;
	[tilespmem:$0x10400] =	vst v63  }
0xb2: {  	v3 =	vld [tilespmem:$0xE0];
	_ =	sdelay $0x4  }
0xb3: {  	v38 =	vshll.u32 v3, $0x1  }
0xb4: {  	v3 =	vand.u32 $0x7, v3;
	v4 =	vand.u32 $0xFFFFFFF0, v38  }
0xb5: {  	v3 =	vor.u32 v3, v4  }
0xb6: {  	v4 =	vperm.xlane v3, v0;
	_ =	sdelay $0x1  }
0xb7: {  	v3 =	vperm.xlane v3, v2;
	v4 =	vadd.s32 v1, v4;
	_ =	sdelay $0x1  }
0xb8: {  	v3 =	vadd.s32 v1, v3;
	_ =	sdelay $0x2  }
0xb9: {  	[hbm4b:s3+s2] =	stream.indirect_vreg.scatter [tilespmem:s11], [sflag:$0x2], $0x80, v4, vm0, $0xb8;
	[tilespmem:$0x10400] =	vst v63  }
0xba: {  	_ = 	snop  }
0xbb: {  	[hbm4b:s3+s2] =	stream.indirect_vreg.scatter [tilespmem:s12], [sflag:$0x2], $0x80, v3, vm0, $0xb8;
	[tilespmem:$0x10400] =	vst v63  }
0xbc: {  	v3 =	vld [tilespmem:$0xF0];
	_ =	sdelay $0x4  }
0xbd: {  	v39 =	vshll.u32 v3, $0x1  }
0xbe: {  	v3 =	vand.u32 $0x7, v3;
	v4 =	vand.u32 $0xFFFFFFF0, v39  }
0xbf: {  	v3 =	vor.u32 v3, v4  }
0xc0: {  	v4 =	vperm.xlane v3, v0;
	_ =	sdelay $0x1  }
0xc1: {  	v3 =	vperm.xlane v3, v2;
	v4 =	vadd.s32 v1, v4;
	_ =	sdelay $0x1  }
0xc2: {  	v3 =	vadd.s32 v1, v3;
	_ =	sdelay $0x2  }
0xc3: {  	[hbm4b:s3+s2] =	stream.indirect_vreg.scatter [tilespmem:s13], [sflag:$0x2], $0x80, v4, vm0, $0xb8;
	[tilespmem:$0x10400] =	vst v63  }
0xc4: {  	_ = 	snop  }
0xc5: {  	[hbm4b:s3+s2] =	stream.indirect_vreg.scatter [tilespmem:s14], [sflag:$0x2], $0x80, v3, vm0, $0xb8;
	[tilespmem:$0x10400] =	vst v63  }
0xc6: {  	_ =	swait.ge [sflag:s31], $0x8000  }
0xc7: {  	[sflag:s31] =	ssyncset.done $0x0  }
0xc8: {  	s1 =	rddreg [dreg:$0x6];
	[sflag:s31] =	ssyncadd.s32 $0xFFFF8000  }
0xc9: {  	[tilespmem:s15], [sflag:$0x1] =	stream.linear.gather [hbm4b:s1+s2], $0x8000, $0x38;
	[tilespmem:$0x10400] =	vst v63  }
0xca: {  	_ =	swait.ge [sflag:s7], $0x8000  }
0xcb: {  	[sflag:s7] =	ssyncset.done $0x0  }
0xcc: {  	[sflag:s7] =	ssyncadd.s32 $0xFFFF8000  }
0xcd: {  	v3 =	vld [tilespmem:$0x100];
	_ =	sdelay $0x4  }
0xce: {  	v40 =	vshll.u32 v3, $0x1  }
0xcf: {  	v3 =	vand.u32 $0x7, v3;
	v4 =	vand.u32 $0xFFFFFFF0, v40  }
0xd0: {  	v3 =	vor.u32 v3, v4  }
0xd1: {  	v4 =	vperm.xlane v3, v0;
	_ =	sdelay $0x1  }
0xd2: {  	v3 =	vperm.xlane v3, v2;
	v4 =	vadd.s32 v1, v4;
	_ =	sdelay $0x1  }
0xd3: {  	v3 =	vadd.s32 v1, v3;
	_ =	sdelay $0x2  }
0xd4: {  	[hbm4b:s3+s2] =	stream.indirect_vreg.scatter [tilespmem:s15], [sflag:$0x2], $0x80, v4, vm0, $0xb8;
	[tilespmem:$0x10400] =	vst v63  }
0xd5: {  	s1 =	simm.s32 $0xC00  }
0xd6: {  	[hbm4b:s3+s2] =	stream.indirect_vreg.scatter [tilespmem:s1], [sflag:$0x2], $0x80, v3, vm0, $0xb8;
	[tilespmem:$0x10400] =	vst v63  }
0xd7: {  	v3 =	vld [tilespmem:$0x110];
	_ =	sdelay $0x4  }
0xd8: {  	v41 =	vshll.u32 v3, $0x1  }
0xd9: {  	v3 =	vand.u32 $0x7, v3;
	v4 =	vand.u32 $0xFFFFFFF0, v41  }
0xda: {  	v3 =	vor.u32 v3, v4  }
0xdb: {  	v4 =	vperm.xlane v3, v0;
	_ =	sdelay $0x1  }
0xdc: {  	v3 =	vperm.xlane v3, v2;
	v4 =	vadd.s32 v1, v4;
	_ =	sdelay $0x1  }
0xdd: {  	v3 =	vadd.s32 v1, v3;
	_ =	sdelay $0x1  }
0xde: {  	s1 =	simm.s32 $0x1400  }
0xdf: {  	[hbm4b:s3+s2] =	stream.indirect_vreg.scatter [tilespmem:s1], [sflag:$0x2], $0x80, v4, vm0, $0xb8;
	[tilespmem:$0x10400] =	vst v63  }
0xe0: {  	s1 =	simm.s32 $0x1C00  }
0xe1: {  	[hbm4b:s3+s2] =	stream.indirect_vreg.scatter [tilespmem:s1], [sflag:$0x2], $0x80, v3, vm0, $0xb8;
	[tilespmem:$0x10400] =	vst v63  }
0xe2: {  	v3 =	vld [tilespmem:$0x120];
	_ =	sdelay $0x4  }
0xe3: {  	v42 =	vshll.u32 v3, $0x1  }
0xe4: {  	v3 =	vand.u32 $0x7, v3;
	v4 =	vand.u32 $0xFFFFFFF0, v42  }
0xe5: {  	v3 =	vor.u32 v3, v4  }
0xe6: {  	v4 =	vperm.xlane v3, v0;
	_ =	sdelay $0x1  }
0xe7: {  	v3 =	vperm.xlane v3, v2;
	v4 =	vadd.s32 v1, v4;
	_ =	sdelay $0x1  }
0xe8: {  	v3 =	vadd.s32 v1, v3;
	_ =	sdelay $0x1  }
0xe9: {  	s1 =	simm.s32 $0x2400  }
0xea: {  	[hbm4b:s3+s2] =	stream.indirect_vreg.scatter [tilespmem:s1], [sflag:$0x2], $0x80, v4, vm0, $0xb8;
	[tilespmem:$0x10400] =	vst v63  }
0xeb: {  	s1 =	simm.s32 $0x2C00  }
0xec: {  	[hbm4b:s3+s2] =	stream.indirect_vreg.scatter [tilespmem:s1], [sflag:$0x2], $0x80, v3, vm0, $0xb8;
	[tilespmem:$0x10400] =	vst v63  }
0xed: {  	v3 =	vld [tilespmem:$0x130];
	_ =	sdelay $0x4  }
0xee: {  	v43 =	vshll.u32 v3, $0x1  }
0xef: {  	v3 =	vand.u32 $0x7, v3;
	v4 =	vand.u32 $0xFFFFFFF0, v43  }
0xf0: {  	v3 =	vor.u32 v3, v4  }
0xf1: {  	v4 =	vperm.xlane v3, v0;
	_ =	sdelay $0x1  }
0xf2: {  	v3 =	vperm.xlane v3, v2;
	v4 =	vadd.s32 v1, v4;
	_ =	sdelay $0x1  }
0xf3: {  	v3 =	vadd.s32 v1, v3;
	_ =	sdelay $0x1  }
0xf4: {  	s1 =	simm.s32 $0x3400  }
0xf5: {  	[hbm4b:s3+s2] =	stream.indirect_vreg.scatter [tilespmem:s1], [sflag:$0x2], $0x80, v4, vm0, $0xb8;
	[tilespmem:$0x10400] =	vst v63  }
0xf6: {  	s1 =	simm.s32 $0x3C00  }
0xf7: {  	[hbm4b:s3+s2] =	stream.indirect_vreg.scatter [tilespmem:s1], [sflag:$0x2], $0x80, v3, vm0, $0xb8;
	[tilespmem:$0x10400] =	vst v63  }
0xf8: {  	v3 =	vld [tilespmem:$0x140];
	_ =	sdelay $0x4  }
0xf9: {  	v44 =	vshll.u32 v3, $0x1  }
0xfa: {  	v3 =	vand.u32 $0x7, v3;
	v4 =	vand.u32 $0xFFFFFFF0, v44  }
0xfb: {  	v3 =	vor.u32 v3, v4  }
0xfc: {  	v4 =	vperm.xlane v3, v0;
	_ =	sdelay $0x1  }
0xfd: {  	v3 =	vperm.xlane v3, v2;
	v4 =	vadd.s32 v1, v4;
	_ =	sdelay $0x1  }
0xfe: {  	v3 =	vadd.s32 v1, v3;
	_ =	sdelay $0x2  }
0xff: {  	[hbm4b:s3+s2] =	stream.indirect_vreg.scatter [tilespmem:s16], [sflag:$0x2], $0x80, v4, vm0, $0xb8;
	[tilespmem:$0x10400] =	vst v63  }
0x100: {  	_ = 	snop  }
0x101: {  	[hbm4b:s3+s2] =	stream.indirect_vreg.scatter [tilespmem:s17], [sflag:$0x2], $0x80, v3, vm0, $0xb8;
	[tilespmem:$0x10400] =	vst v63  }
0x102: {  	v3 =	vld [tilespmem:$0x150];
	_ =	sdelay $0x4  }
0x103: {  	v45 =	vshll.u32 v3, $0x1  }
0x104: {  	v3 =	vand.u32 $0x7, v3;
	v4 =	vand.u32 $0xFFFFFFF0, v45  }
0x105: {  	v3 =	vor.u32 v3, v4  }
0x106: {  	v4 =	vperm.xlane v3, v0;
	_ =	sdelay $0x1  }
0x107: {  	v3 =	vperm.xlane v3, v2;
	v4 =	vadd.s32 v1, v4;
	_ =	sdelay $0x1  }
0x108: {  	v3 =	vadd.s32 v1, v3;
	_ =	sdelay $0x2  }
0x109: {  	[hbm4b:s3+s2] =	stream.indirect_vreg.scatter [tilespmem:s18], [sflag:$0x2], $0x80, v4, vm0, $0xb8;
	[tilespmem:$0x10400] =	vst v63  }
0x10a: {  	_ = 	snop  }
0x10b: {  	[hbm4b:s3+s2] =	stream.indirect_vreg.scatter [tilespmem:s19], [sflag:$0x2], $0x80, v3, vm0, $0xb8;
	[tilespmem:$0x10400] =	vst v63  }
0x10c: {  	v3 =	vld [tilespmem:$0x160];
	_ =	sdelay $0x4  }
0x10d: {  	v46 =	vshll.u32 v3, $0x1  }
0x10e: {  	v3 =	vand.u32 $0x7, v3;
	v4 =	vand.u32 $0xFFFFFFF0, v46  }
0x10f: {  	v3 =	vor.u32 v3, v4  }
0x110: {  	v4 =	vperm.xlane v3, v0;
	_ =	sdelay $0x1  }
0x111: {  	v3 =	vperm.xlane v3, v2;
	v4 =	vadd.s32 v1, v4;
	_ =	sdelay $0x1  }
0x112: {  	v3 =	vadd.s32 v1, v3;
	_ =	sdelay $0x2  }
0x113: {  	[hbm4b:s3+s2] =	stream.indirect_vreg.scatter [tilespmem:s20], [sflag:$0x2], $0x80, v4, vm0, $0xb8;
	[tilespmem:$0x10400] =	vst v63  }
0x114: {  	_ = 	snop  }
0x115: {  	[hbm4b:s3+s2] =	stream.indirect_vreg.scatter [tilespmem:s21], [sflag:$0x2], $0x80, v3, vm0, $0xb8;
	[tilespmem:$0x10400] =	vst v63  }
0x116: {  	v3 =	vld [tilespmem:$0x170];
	_ =	sdelay $0x4  }
0x117: {  	v47 =	vshll.u32 v3, $0x1  }
0x118: {  	v3 =	vand.u32 $0x7, v3;
	v4 =	vand.u32 $0xFFFFFFF0, v47  }
0x119: {  	v3 =	vor.u32 v3, v4  }
0x11a: {  	v4 =	vperm.xlane v3, v0;
	_ =	sdelay $0x1  }
0x11b: {  	v3 =	vperm.xlane v3, v2;
	v4 =	vadd.s32 v1, v4;
	_ =	sdelay $0x1  }
0x11c: {  	v3 =	vadd.s32 v1, v3;
	_ =	sdelay $0x2  }
0x11d: {  	[hbm4b:s3+s2] =	stream.indirect_vreg.scatter [tilespmem:s22], [sflag:$0x2], $0x80, v4, vm0, $0xb8;
	[tilespmem:$0x10400] =	vst v63  }
0x11e: {  	_ = 	snop  }
0x11f: {  	[hbm4b:s3+s2] =	stream.indirect_vreg.scatter [tilespmem:s23], [sflag:$0x2], $0x80, v3, vm0, $0xb8;
	[tilespmem:$0x10400] =	vst v63  }
0x120: {  	_ =	swait.ge [sflag:s31], $0x8000  }
0x121: {  	[sflag:s31] =	ssyncset.done $0x0  }
0x122: {  	s1 =	rddreg [dreg:$0x7];
	[sflag:s31] =	ssyncadd.s32 $0xFFFF8000  }
0x123: {  	[tilespmem:s6], [sflag:$0x1] =	stream.linear.gather [hbm4b:s1+s2], $0x8000, $0x38;
	[tilespmem:$0x10400] =	vst v63  }
0x124: {  	_ =	swait.ge [sflag:s7], $0x8000  }
0x125: {  	[sflag:s7] =	ssyncset.done $0x0  }
0x126: {  	[sflag:s7] =	ssyncadd.s32 $0xFFFF8000  }
0x127: {  	v3 =	vld [tilespmem:$0x180];
	_ =	sdelay $0x4  }
0x128: {  	v48 =	vshll.u32 v3, $0x1  }
0x129: {  	v3 =	vand.u32 $0x7, v3;
	v4 =	vand.u32 $0xFFFFFFF0, v48  }
0x12a: {  	v3 =	vor.u32 v3, v4  }
0x12b: {  	v4 =	vperm.xlane v3, v0;
	_ =	sdelay $0x1  }
0x12c: {  	v3 =	vperm.xlane v3, v2;
	v4 =	vadd.s32 v1, v4;
	_ =	sdelay $0x1  }
0x12d: {  	v3 =	vadd.s32 v1, v3;
	_ =	sdelay $0x2  }
0x12e: {  	[hbm4b:s3+s2] =	stream.indirect_vreg.scatter [tilespmem:s6], [sflag:$0x2], $0x80, v4, vm0, $0xb8;
	[tilespmem:$0x10400] =	vst v63  }
0x12f: {  	_ = 	snop  }
0x130: {  	[hbm4b:s3+s2] =	stream.indirect_vreg.scatter [tilespmem:s0], [sflag:$0x2], $0x80, v3, vm0, $0xb8;
	[tilespmem:$0x10400] =	vst v63  }
0x131: {  	v3 =	vld [tilespmem:$0x190];
	_ =	sdelay $0x4  }
0x132: {  	v49 =	vshll.u32 v3, $0x1  }
0x133: {  	v3 =	vand.u32 $0x7, v3;
	v4 =	vand.u32 $0xFFFFFFF0, v49  }
0x134: {  	v3 =	vor.u32 v3, v4  }
0x135: {  	v4 =	vperm.xlane v3, v0;
	_ =	sdelay $0x1  }
0x136: {  	v3 =	vperm.xlane v3, v2;
	v4 =	vadd.s32 v1, v4;
	_ =	sdelay $0x1  }
0x137: {  	v3 =	vadd.s32 v1, v3;
	_ =	sdelay $0x2  }
0x138: {  	[hbm4b:s3+s2] =	stream.indirect_vreg.scatter [tilespmem:s24], [sflag:$0x2], $0x80, v4, vm0, $0xb8;
	[tilespmem:$0x10400] =	vst v63  }
0x139: {  	_ = 	snop  }
0x13a: {  	[hbm4b:s3+s2] =	stream.indirect_vreg.scatter [tilespmem:s25], [sflag:$0x2], $0x80, v3, vm0, $0xb8;
	[tilespmem:$0x10400] =	vst v63  }
0x13b: {  	v3 =	vld [tilespmem:$0x1A0];
	_ =	sdelay $0x4  }
0x13c: {  	v50 =	vshll.u32 v3, $0x1  }
0x13d: {  	v3 =	vand.u32 $0x7, v3;
	v4 =	vand.u32 $0xFFFFFFF0, v50  }
0x13e: {  	v3 =	vor.u32 v3, v4  }
0x13f: {  	v4 =	vperm.xlane v3, v0;
	_ =	sdelay $0x1  }
0x140: {  	v3 =	vperm.xlane v3, v2;
	v4 =	vadd.s32 v1, v4;
	_ =	sdelay $0x1  }
0x141: {  	v3 =	vadd.s32 v1, v3;
	_ =	sdelay $0x2  }
0x142: {  	[hbm4b:s3+s2] =	stream.indirect_vreg.scatter [tilespmem:s26], [sflag:$0x2], $0x80, v4, vm0, $0xb8;
	[tilespmem:$0x10400] =	vst v63  }
0x143: {  	_ = 	snop  }
0x144: {  	[hbm4b:s3+s2] =	stream.indirect_vreg.scatter [tilespmem:s28], [sflag:$0x2], $0x80, v3, vm0, $0xb8;
	[tilespmem:$0x10400] =	vst v63  }
0x145: {  	v3 =	vld [tilespmem:$0x1B0];
	_ =	sdelay $0x4  }
0x146: {  	v51 =	vshll.u32 v3, $0x1  }
0x147: {  	v3 =	vand.u32 $0x7, v3;
	v4 =	vand.u32 $0xFFFFFFF0, v51  }
0x148: {  	v3 =	vor.u32 v3, v4  }
0x149: {  	v4 =	vperm.xlane v3, v0;
	_ =	sdelay $0x1  }
0x14a: {  	v3 =	vperm.xlane v3, v2;
	v4 =	vadd.s32 v1, v4;
	_ =	sdelay $0x1  }
0x14b: {  	v3 =	vadd.s32 v1, v3;
	_ =	sdelay $0x2  }
0x14c: {  	[hbm4b:s3+s2] =	stream.indirect_vreg.scatter [tilespmem:s29], [sflag:$0x2], $0x80, v4, vm0, $0xb8;
	[tilespmem:$0x10400] =	vst v63  }
0x14d: {  	_ = 	snop  }
0x14e: {  	[hbm4b:s3+s2] =	stream.indirect_vreg.scatter [tilespmem:s30], [sflag:$0x2], $0x80, v3, vm0, $0xb8;
	[tilespmem:$0x10400] =	vst v63  }
0x14f: {  	v3 =	vld [tilespmem:$0x1C0];
	_ =	sdelay $0x4  }
0x150: {  	v52 =	vshll.u32 v3, $0x1  }
0x151: {  	v3 =	vand.u32 $0x7, v3;
	v4 =	vand.u32 $0xFFFFFFF0, v52  }
0x152: {  	v3 =	vor.u32 v3, v4  }
0x153: {  	v4 =	vperm.xlane v3, v0;
	_ =	sdelay $0x1  }
0x154: {  	v3 =	vperm.xlane v3, v2;
	v4 =	vadd.s32 v1, v4;
	_ =	sdelay $0x1  }
0x155: {  	v3 =	vadd.s32 v1, v3;
	_ =	sdelay $0x2  }
0x156: {  	[hbm4b:s3+s2] =	stream.indirect_vreg.scatter [tilespmem:s5], [sflag:$0x2], $0x80, v4, vm0, $0xb8;
	[tilespmem:$0x10400] =	vst v63  }
0x157: {  	_ = 	snop  }
0x158: {  	[hbm4b:s3+s2] =	stream.indirect_vreg.scatter [tilespmem:s8], [sflag:$0x2], $0x80, v3, vm0, $0xb8;
	[tilespmem:$0x10400] =	vst v63  }
0x159: {  	v3 =	vld [tilespmem:$0x1D0];
	_ =	sdelay $0x4  }
0x15a: {  	v53 =	vshll.u32 v3, $0x1  }
0x15b: {  	v3 =	vand.u32 $0x7, v3;
	v4 =	vand.u32 $0xFFFFFFF0, v53  }
0x15c: {  	v3 =	vor.u32 v3, v4  }
0x15d: {  	v4 =	vperm.xlane v3, v0;
	_ =	sdelay $0x1  }
0x15e: {  	v3 =	vperm.xlane v3, v2;
	v4 =	vadd.s32 v1, v4;
	_ =	sdelay $0x1  }
0x15f: {  	v3 =	vadd.s32 v1, v3;
	_ =	sdelay $0x2  }
0x160: {  	[hbm4b:s3+s2] =	stream.indirect_vreg.scatter [tilespmem:s9], [sflag:$0x2], $0x80, v4, vm0, $0xb8;
	[tilespmem:$0x10400] =	vst v63  }
0x161: {  	_ = 	snop  }
0x162: {  	[hbm4b:s3+s2] =	stream.indirect_vreg.scatter [tilespmem:s10], [sflag:$0x2], $0x80, v3, vm0, $0xb8;
	[tilespmem:$0x10400] =	vst v63  }
0x163: {  	v3 =	vld [tilespmem:$0x1E0];
	_ =	sdelay $0x4  }
0x164: {  	v54 =	vshll.u32 v3, $0x1  }
0x165: {  	v3 =	vand.u32 $0x7, v3;
	v4 =	vand.u32 $0xFFFFFFF0, v54  }
0x166: {  	v3 =	vor.u32 v3, v4  }
0x167: {  	v4 =	vperm.xlane v3, v0;
	_ =	sdelay $0x1  }
0x168: {  	v3 =	vperm.xlane v3, v2;
	v4 =	vadd.s32 v1, v4;
	_ =	sdelay $0x1  }
0x169: {  	v3 =	vadd.s32 v1, v3;
	_ =	sdelay $0x2  }
0x16a: {  	[hbm4b:s3+s2] =	stream.indirect_vreg.scatter [tilespmem:s11], [sflag:$0x2], $0x80, v4, vm0, $0xb8;
	[tilespmem:$0x10400] =	vst v63  }
0x16b: {  	_ = 	snop  }
0x16c: {  	[hbm4b:s3+s2] =	stream.indirect_vreg.scatter [tilespmem:s12], [sflag:$0x2], $0x80, v3, vm0, $0xb8;
	[tilespmem:$0x10400] =	vst v63  }
0x16d: {  	v3 =	vld [tilespmem:$0x1F0];
	_ =	sdelay $0x4  }
0x16e: {  	v55 =	vshll.u32 v3, $0x1  }
0x16f: {  	v3 =	vand.u32 $0x7, v3;
	v4 =	vand.u32 $0xFFFFFFF0, v55  }
0x170: {  	v3 =	vor.u32 v3, v4  }
0x171: {  	v4 =	vperm.xlane v3, v0;
	_ =	sdelay $0x1  }
0x172: {  	v3 =	vperm.xlane v3, v2;
	v4 =	vadd.s32 v1, v4;
	_ =	sdelay $0x1  }
0x173: {  	v3 =	vadd.s32 v1, v3;
	_ =	sdelay $0x2  }
0x174: {  	[hbm4b:s3+s2] =	stream.indirect_vreg.scatter [tilespmem:s13], [sflag:$0x2], $0x80, v4, vm0, $0xb8;
	[tilespmem:$0x10400] =	vst v63  }
0x175: {  	_ = 	snop  }
0x176: {  	[hbm4b:s3+s2] =	stream.indirect_vreg.scatter [tilespmem:s14], [sflag:$0x2], $0x80, v3, vm0, $0xb8;
	[tilespmem:$0x10400] =	vst v63  }
0x177: {  	_ =	swait.ge [sflag:s31], $0x8000  }
0x178: {  	[sflag:s31] =	ssyncset.done $0x0  }
0x179: {  	s0 =	rddreg [dreg:$0x8];
	[sflag:s31] =	ssyncadd.s32 $0xFFFF8000  }
0x17a: {  	[tilespmem:s15], [sflag:$0x1] =	stream.linear.gather [hbm4b:s0+s2], $0x4000, $0x38;
	[tilespmem:$0x10400] =	vst v63  }
0x17b: {  	_ =	swait.ge [sflag:s7], $0x4000  }
0x17c: {  	[sflag:s7] =	ssyncset.done $0x0  }
0x17d: {  	[sflag:s7] =	ssyncadd.s32 $0xFFFFC000  }
0x17e: {  	v3 =	vld [tilespmem:$0x200];
	_ =	sdelay $0x4  }
0x17f: {  	v56 =	vshll.u32 v3, $0x1  }
0x180: {  	v3 =	vand.u32 $0x7, v3;
	v4 =	vand.u32 $0xFFFFFFF0, v56  }
0x181: {  	v3 =	vor.u32 v3, v4  }
0x182: {  	v4 =	vperm.xlane v3, v0;
	_ =	sdelay $0x1  }
0x183: {  	v3 =	vperm.xlane v3, v2;
	v4 =	vadd.s32 v1, v4;
	_ =	sdelay $0x1  }
0x184: {  	v3 =	vadd.s32 v1, v3;
	_ =	sdelay $0x2  }
0x185: {  	[hbm4b:s3+s2] =	stream.indirect_vreg.scatter [tilespmem:s15], [sflag:$0x2], $0x80, v4, vm0, $0xb8;
	[tilespmem:$0x10400] =	vst v63  }
0x186: {  	s1 =	simm.s32 $0xC00  }
0x187: {  	[hbm4b:s3+s2] =	stream.indirect_vreg.scatter [tilespmem:s1], [sflag:$0x2], $0x80, v3, vm0, $0xb8;
	[tilespmem:$0x10400] =	vst v63  }
0x188: {  	v3 =	vld [tilespmem:$0x210];
	_ =	sdelay $0x4  }
0x189: {  	v57 =	vshll.u32 v3, $0x1  }
0x18a: {  	v3 =	vand.u32 $0x7, v3;
	v4 =	vand.u32 $0xFFFFFFF0, v57  }
0x18b: {  	v3 =	vor.u32 v3, v4  }
0x18c: {  	v4 =	vperm.xlane v3, v0;
	_ =	sdelay $0x1  }
0x18d: {  	v3 =	vperm.xlane v3, v2;
	v4 =	vadd.s32 v1, v4;
	_ =	sdelay $0x1  }
0x18e: {  	v3 =	vadd.s32 v1, v3;
	_ =	sdelay $0x1  }
0x18f: {  	s1 =	simm.s32 $0x1400  }
0x190: {  	[hbm4b:s3+s2] =	stream.indirect_vreg.scatter [tilespmem:s1], [sflag:$0x2], $0x80, v4, vm0, $0xb8;
	[tilespmem:$0x10400] =	vst v63  }
0x191: {  	s1 =	simm.s32 $0x1C00  }
0x192: {  	[hbm4b:s3+s2] =	stream.indirect_vreg.scatter [tilespmem:s1], [sflag:$0x2], $0x80, v3, vm0, $0xb8;
	[tilespmem:$0x10400] =	vst v63  }
0x193: {  	v3 =	vld [tilespmem:$0x220];
	_ =	sdelay $0x4  }
0x194: {  	v58 =	vshll.u32 v3, $0x1  }
0x195: {  	v3 =	vand.u32 $0x7, v3;
	v4 =	vand.u32 $0xFFFFFFF0, v58  }
0x196: {  	v3 =	vor.u32 v3, v4  }
0x197: {  	v4 =	vperm.xlane v3, v0;
	_ =	sdelay $0x1  }
0x198: {  	v3 =	vperm.xlane v3, v2;
	v4 =	vadd.s32 v1, v4;
	_ =	sdelay $0x1  }
0x199: {  	v3 =	vadd.s32 v1, v3;
	_ =	sdelay $0x1  }
0x19a: {  	s1 =	simm.s32 $0x2400  }
0x19b: {  	[hbm4b:s3+s2] =	stream.indirect_vreg.scatter [tilespmem:s1], [sflag:$0x2], $0x80, v4, vm0, $0xb8;
	[tilespmem:$0x10400] =	vst v63  }
0x19c: {  	s1 =	simm.s32 $0x2C00  }
0x19d: {  	[hbm4b:s3+s2] =	stream.indirect_vreg.scatter [tilespmem:s1], [sflag:$0x2], $0x80, v3, vm0, $0xb8;
	[tilespmem:$0x10400] =	vst v63  }
0x19e: {  	v3 =	vld [tilespmem:$0x230];
	_ =	sdelay $0x4  }
0x19f: {  	v59 =	vshll.u32 v3, $0x1  }
0x1a0: {  	v3 =	vand.u32 $0x7, v3;
	v4 =	vand.u32 $0xFFFFFFF0, v59  }
0x1a1: {  	v3 =	vor.u32 v3, v4  }
0x1a2: {  	v4 =	vperm.xlane v3, v0;
	_ =	sdelay $0x1  }
0x1a3: {  	v3 =	vperm.xlane v3, v2;
	v4 =	vadd.s32 v1, v4;
	_ =	sdelay $0x1  }
0x1a4: {  	v3 =	vadd.s32 v1, v3;
	_ =	sdelay $0x1  }
0x1a5: {  	s1 =	simm.s32 $0x3400  }
0x1a6: {  	[hbm4b:s3+s2] =	stream.indirect_vreg.scatter [tilespmem:s1], [sflag:$0x2], $0x80, v4, vm0, $0xb8;
	[tilespmem:$0x10400] =	vst v63  }
0x1a7: {  	s1 =	simm.s32 $0x3C00  }
0x1a8: {  	[hbm4b:s3+s2] =	stream.indirect_vreg.scatter [tilespmem:s1], [sflag:$0x2], $0x80, v3, vm0, $0xb8;
	[tilespmem:$0x10400] =	vst v63  }
0x1a9: {  	v3 =	vld [tilespmem:$0x240];
	_ =	sdelay $0x4  }
0x1aa: {  	v60 =	vshll.u32 v3, $0x1  }
0x1ab: {  	v3 =	vand.u32 $0x7, v3;
	v4 =	vand.u32 $0xFFFFFFF0, v60  }
0x1ac: {  	v3 =	vor.u32 v3, v4  }
0x1ad: {  	v4 =	vperm.xlane v3, v0;
	_ =	sdelay $0x1  }
0x1ae: {  	v3 =	vperm.xlane v3, v2;
	v4 =	vadd.s32 v1, v4;
	_ =	sdelay $0x1  }
0x1af: {  	v3 =	vadd.s32 v1, v3;
	_ =	sdelay $0x2  }
0x1b0: {  	[hbm4b:s3+s2] =	stream.indirect_vreg.scatter [tilespmem:s16], [sflag:$0x2], $0x80, v4, vm0, $0xb8;
	[tilespmem:$0x10400] =	vst v63  }
0x1b1: {  	_ = 	snop  }
0x1b2: {  	[hbm4b:s3+s2] =	stream.indirect_vreg.scatter [tilespmem:s17], [sflag:$0x2], $0x80, v3, vm0, $0xb8;
	[tilespmem:$0x10400] =	vst v63  }
0x1b3: {  	v3 =	vld [tilespmem:$0x250];
	_ =	sdelay $0x4  }
0x1b4: {  	v61 =	vshll.u32 v3, $0x1  }
0x1b5: {  	v3 =	vand.u32 $0x7, v3;
	v4 =	vand.u32 $0xFFFFFFF0, v61  }
0x1b6: {  	v3 =	vor.u32 v3, v4  }
0x1b7: {  	v4 =	vperm.xlane v3, v0;
	_ =	sdelay $0x1  }
0x1b8: {  	v3 =	vperm.xlane v3, v2;
	v4 =	vadd.s32 v1, v4;
	_ =	sdelay $0x1  }
0x1b9: {  	v3 =	vadd.s32 v1, v3;
	_ =	sdelay $0x2  }
0x1ba: {  	[hbm4b:s3+s2] =	stream.indirect_vreg.scatter [tilespmem:s18], [sflag:$0x2], $0x80, v4, vm0, $0xb8;
	[tilespmem:$0x10400] =	vst v63  }
0x1bb: {  	_ = 	snop  }
0x1bc: {  	[hbm4b:s3+s2] =	stream.indirect_vreg.scatter [tilespmem:s19], [sflag:$0x2], $0x80, v3, vm0, $0xb8;
	[tilespmem:$0x10400] =	vst v63  }
0x1bd: {  	v3 =	vld [tilespmem:$0x260];
	_ =	sdelay $0x4  }
0x1be: {  	v62 =	vshll.u32 v3, $0x1  }
0x1bf: {  	v3 =	vand.u32 $0x7, v3;
	v4 =	vand.u32 $0xFFFFFFF0, v62  }
0x1c0: {  	v3 =	vor.u32 v3, v4  }
0x1c1: {  	v4 =	vperm.xlane v3, v0;
	_ =	sdelay $0x1  }
0x1c2: {  	v3 =	vperm.xlane v3, v2;
	v4 =	vadd.s32 v1, v4;
	_ =	sdelay $0x1  }
0x1c3: {  	v3 =	vadd.s32 v1, v3;
	_ =	sdelay $0x2  }
0x1c4: {  	[hbm4b:s3+s2] =	stream.indirect_vreg.scatter [tilespmem:s20], [sflag:$0x2], $0x80, v4, vm0, $0xb8;
	[tilespmem:$0x10400] =	vst v63  }
0x1c5: {  	_ = 	snop  }
0x1c6: {  	[hbm4b:s3+s2] =	stream.indirect_vreg.scatter [tilespmem:s21], [sflag:$0x2], $0x80, v3, vm0, $0xb8;
	[tilespmem:$0x10400] =	vst v63  }
0x1c7: {  	v3 =	vld [tilespmem:$0x270];
	_ =	sdelay $0x4  }
0x1c8: {  	v63 =	vshll.u32 v3, $0x1  }
0x1c9: {  	v3 =	vand.u32 $0x7, v3;
	v4 =	vand.u32 $0xFFFFFFF0, v63  }
0x1ca: {  	v3 =	vor.u32 v3, v4  }
0x1cb: {  	v4 =	vperm.xlane v3, v0;
	_ =	sdelay $0x1  }
0x1cc: {  	v3 =	vperm.xlane v3, v2;
	v4 =	vadd.s32 v1, v4;
	_ =	sdelay $0x1  }
0x1cd: {  	v3 =	vadd.s32 v1, v3;
	_ =	sdelay $0x2  }
0x1ce: {  	[hbm4b:s3+s2] =	stream.indirect_vreg.scatter [tilespmem:s22], [sflag:$0x2], $0x80, v4, vm0, $0xb8;
	[tilespmem:$0x10400] =	vst v63  }
0x1cf: {  	_ = 	snop  }
0x1d0: {  	[hbm4b:s3+s2] =	stream.indirect_vreg.scatter [tilespmem:s23], [sflag:$0x2], $0x80, v3, vm0, $0xb8;
	[tilespmem:$0x10400] =	vst v63  }
0x1d1: {  	p0 =	sne.s32 s4, $0x1;
	_ =	swait.ge [sflag:s31], $0x8000  }
.Ltmp0:
0x1d2: {  	[sflag:s31] =	ssyncset.done $0x0;
	(pc) =	sbr.rel @p0 .LBB2_1-.Ltmp0, $4  }
0x1d3: {  	[sflag:s31] =	ssyncadd.s32 $0xFFFF8000  }
0x1d4: {  	_ =	swait.ge [sflag:s31], $0x8000  }
0x1d5: {  	[sflag:s31] =	ssyncset.done $0x0  }
0x1d6: {  	s4 =	sadd.s32 $0xFFFFFFFF, s4;
	[sflag:s31] =	ssyncadd.s32 $0xFFFF8000  }
0x1d7: {  	_ =	sfence.sel $0x180000  }
0x1d8: {  	[bflag:$0x0] =	sbarrier.arrive $0xFFFF  }
0x1d9: {  	_ =	strace $0x9000004A  }
0x1da: {  	s0 =	stileid.u32;
	[bflag:$0x2] =	sbarrier.arrive $0xFFFF  }
0x1db: {  	p0 =	sne.s32 s0, $0x0;
	s0 =	rddreg [dreg:$0x2]  }
0x1dc: {  	s0 =	sadd.s32 @!p0 $0x100000, s0  }
0x1dd: {  	[sflag:s0] =	ssyncadd.tile.s32 @!p0 $0x1;
	_ =	shalt  }
.Lfunc_end2:
_tile_overlayer_lowered:
.L_overlay_start_2:
0x1de: {  	(tag) =	ssettag $0x2  }
0x1df: {  	s0 =	rddreg [dreg:$0x0];
	s2 =	stileid.u32  }
0x1e0: {  	s1 =	rddreg [dreg:$0x1];
	p0 =	sne.s32 s2, $0x0  }
0x1e1: {  	s3 =	rddreg [dreg:$0x2];
	[bflag:$0x3] =	sbarrier.arrive $0xFFFF;
	s2 =	simm.s32 @!p0 $0x1C03  }
0x1e2: {  	[timem:s3], [sflag:s2] =	dma.local @!p0 [hbm:s0], s1  }
0x1e3: {  	s0 =	simm.s32 @!p0 $0x3  }
0x1e4: {  	_ =	swait.ge @!p0 [sflag:s0], s1  }
0x1e5: {  	s1 =	ssub.s32 @!p0 $0x0, s1;
	[sflag:s0] =	ssyncset.done @!p0 $0x0  }
0x1e6: {  	[sflag:s0] =	ssyncadd.s32 @!p0 s1  }
0x1e7: {  	[bflag:$0x3] =	sbarrier.arrive $0xFFFF  }
0x1e8: {  	_ =	shalt  }

// kernel: kernel.8.cloned.1.call-start
scs
__scs_entry_jumppad:
0x0: {  	(pc) =	sbr.rel $0x88, $3  }
0x1: {  	(tag) =	ssettag $0x0;
	lr =	simm.s32 $0x1  }
0x2: {  	[smem:$0x3F9D] =	sst lr;
	_ =	strace $0xD0000000  }
0x3: {  	_ = 	snop  }
0x4: {  	_ = 	snop  }
0x5: {  	_ = 	snop  }
0x6: {  	_ = 	snop  }
0x7: {  	_ = 	snop  }
__scs_overlays_trampoline_lowered:
0x8: {  	[smem:$0x3FAC] =	sst s0  }
0x9: {  	[smem:$0x3FAD] =	sst s1  }
0xa: {  	[smem:$0x3FAE] =	sst s2  }
0xb: {  	[smem:$0x3FAF] =	sst s3  }
0xc: {  	[smem:$0x3FB0] =	sst s4  }
0xd: {  	[smem:$0x3FB1] =	sst s5  }
0xe: {  	[smem:$0x3FB2] =	sst s6  }
0xf: {  	[smem:$0x3FB3] =	sst s7  }
0x10: {  	[smem:$0x3FB4] =	sst s8  }
0x11: {  	[smem:$0x3FB5] =	sst s9;
	s0 =	simm.s32 @!p0 $0x0  }
0x12: {  	s1 =	sld [smem:$0x3F9B];
	s0 =	simm.s32 @p0 $0x1  }
0x13: {  	[smem:$0x3FB6] =	sst s0;
	s0 =	simm.s32 @!p1 $0x0  }
0x14: {  	s2 =	sld [smem:$0x3F9A];
	s0 =	simm.s32 @p1 $0x1  }
0x15: {  	[smem:$0x3FB7] =	sst s0;
	s0 =	simm.s32 @!p2 $0x0  }
0x16: {  	s3 =	sld [smem:$0x3FDB];
	s0 =	simm.s32 @p2 $0x1  }
0x17: {  	s4 =	simm.s32 $0x1BF5;
	[smem:$0x3FB9] =	sst s0  }
0x18: {  	s0 =	sld [smem:$0x3F9C];
	_ =	swait.ge [sflag:s4], $0x0  }
0x19: {  	s7 =	sld [smem:$0x3F9D]  }
0x1a: {  	s8 =	sadd.s32 $0xFFFFE003, lr  }
0x1b: {  	s9 =	sadd.s32 $0xFFFFFEF7, lr;
	s5 =	simm.s32 $0xFFFFFFFF;
	p2 =	slt.u32 s8, $0xFFFFF086  }
0x1c: {  	p1 =	slt.u32 s9, $0xF7A;
	s5 =	simm.s32 @!p2 $0x0  }
0x1d: {  	s5 =	simm.s32 @p1 $0x1;
	p0 =	seq.s32 s7, s2  }
0x1e: {  	s7 =	smul.u32 @!p0 $0xF7A, s2;
	p2 =	seq.s32 @!p0 s5, $0x0  }
0x1f: {  	s9 =	smul.u32 $0xF7A, s1;
	s8 =	simm.s32 @!p0 $0x1BF5;
	p2 =	por !p2, p0  }
0x20: {  	[sflag:s8] =	ssyncset.s32 @!p0 $0xFFFFF086;
	s6 =	sadd.s32 @!p0 s3, s7;
	s7 =	simm.s32 @!p0 $0x108  }
0x21: {  	s3 =	sadd.s32 s3, s9;
	s6 =	sadd.s32 @!p0 $0x88, s6;
	s7 =	simm.s32 @p2 $0x1082  }
0x22: {  	[simem:s7], [sflag:s8] =	dma.local @!p0 [hbm:s6], $0xF7A  }
0x23: {  	s9 =	sor.u32 $0xD0000000, s2;
	s6 =	simm.s32 $0x108;
	_ =	swait.ge @!p0 [sflag:s8], $0x0  }
0x24: {  	s3 =	sadd.s32 $0x88, s3;
	s6 =	simm.s32 @!p1 $0x1082;
	[sflag:s4] =	ssyncset.s32 $0xFFFFF086  }
0x25: {  	[simem:s6], [sflag:s4] =	dma.local [hbm:s3], $0xF7A  }
0x26: {  	[smem:$0x3F9D] =	sst s1;
	(tag) =	ssettag s2;
	_ =	strace s9  }
0x27: {  	s1 =	sld [smem:$0x3FAD]  }
0x28: {  	s2 =	sld [smem:$0x3FAE]  }
0x29: {  	s4 =	sld [smem:$0x3FB0]  }
0x2a: {  	p0 =	seq.s32 s5, $0x0;
	s5 =	sld [smem:$0x3FB1]  }
0x2b: {  	s6 =	sld [smem:$0x3FB2]  }
0x2c: {  	s7 =	sld [smem:$0x3FB3]  }
0x2d: {  	s3 =	simm.s32 $0x108;
	s8 =	sld [smem:$0x3FB4]  }
0x2e: {  	s3 =	simm.s32 @!p0 $0x1082;
	s9 =	sld [smem:$0x3FB5]  }
0x2f: {  	lr =	sadd.s32 s0, s3;
	s0 =	sld [smem:$0x3FAC]  }
0x30: {  	s3 =	sld [smem:$0x3FAF]  }
0x31: {  	[smem:$0x3FB8] =	sst s10  }
0x32: {  	s10 =	sld [smem:$0x3FB6];
	_ =	sdelay $0x3  }
0x33: {  	p0 =	seq.s32 s10, $0x1;
	s10 =	sld [smem:$0x3FB8];
	_ =	sdelay $0x3  }
0x34: {  	[smem:$0x3FB8] =	sst s10  }
0x35: {  	s10 =	sld [smem:$0x3FB7];
	_ =	sdelay $0x3  }
0x36: {  	p1 =	seq.s32 s10, $0x1;
	s10 =	sld [smem:$0x3FB8];
	_ =	sdelay $0x3  }
0x37: {  	[smem:$0x3FB8] =	sst s10  }
0x38: {  	s10 =	sld [smem:$0x3FB9]  }
0x39: {  	_ = 	snop;
	(pc) =	sbr.ind lr, $3  }
0x3a: {  	_ = 	snop  }
0x3b: {  	_ = 	snop  }
0x3c: {  	p2 =	seq.s32 s10, $0x1;
	s10 =	sld [smem:$0x3FB8]  }
0x3d: {  	_ =	shalt  }
0x3e: {  	_ =	shalt  }
0x3f: {  	_ =	shalt  }
0x40: {  	_ =	shalt  }
0x41: {  	_ =	shalt  }
0x42: {  	_ =	shalt  }
0x43: {  	_ =	shalt  }
0x44: {  	_ =	shalt  }
0x45: {  	_ =	shalt  }
0x46: {  	_ =	shalt  }
0x47: {  	_ =	shalt  }
0x48: {  	_ =	shalt  }
0x49: {  	_ =	shalt  }
0x4a: {  	_ =	shalt  }
0x4b: {  	_ =	shalt  }
0x4c: {  	_ =	shalt  }
0x4d: {  	_ =	shalt  }
0x4e: {  	_ =	shalt  }
0x4f: {  	_ =	shalt  }
0x50: {  	_ =	shalt  }
0x51: {  	_ =	shalt  }
0x52: {  	_ =	shalt  }
0x53: {  	_ =	shalt  }
0x54: {  	_ =	shalt  }
0x55: {  	_ =	shalt  }
0x56: {  	_ =	shalt  }
0x57: {  	_ =	shalt  }
0x58: {  	_ =	shalt  }
0x59: {  	_ =	shalt  }
0x5a: {  	_ =	shalt  }
0x5b: {  	_ =	shalt  }
0x5c: {  	_ =	shalt  }
0x5d: {  	_ =	shalt  }
0x5e: {  	_ =	shalt  }
0x5f: {  	_ =	shalt  }
0x60: {  	_ =	shalt  }
0x61: {  	_ =	shalt  }
0x62: {  	_ =	shalt  }
0x63: {  	_ =	shalt  }
0x64: {  	_ =	shalt  }
0x65: {  	_ =	shalt  }
0x66: {  	_ =	shalt  }
0x67: {  	_ =	shalt  }
0x68: {  	_ =	shalt  }
0x69: {  	_ =	shalt  }
0x6a: {  	_ =	shalt  }
0x6b: {  	_ =	shalt  }
0x6c: {  	_ =	shalt  }
0x6d: {  	_ =	shalt  }
0x6e: {  	_ =	shalt  }
0x6f: {  	_ =	shalt  }
0x70: {  	_ =	shalt  }
0x71: {  	_ =	shalt  }
0x72: {  	_ =	shalt  }
0x73: {  	_ =	shalt  }
0x74: {  	_ =	shalt  }
0x75: {  	_ =	shalt  }
0x76: {  	_ =	shalt  }
0x77: {  	_ =	shalt  }
0x78: {  	_ =	shalt  }
0x79: {  	_ =	shalt  }
0x7a: {  	_ =	shalt  }
0x7b: {  	_ =	shalt  }
0x7c: {  	_ =	shalt  }
0x7d: {  	_ =	shalt  }
0x7e: {  	_ =	shalt  }
0x7f: {  	_ =	shalt  }
0x80: {  	_ =	shalt  }
0x81: {  	_ =	shalt  }
0x82: {  	_ =	shalt  }
0x83: {  	_ =	shalt  }
0x84: {  	_ =	shalt  }
0x85: {  	_ =	shalt  }
0x86: {  	_ =	shalt  }
0x87: {  	_ =	shalt  }
.Lfunc_end0:
.L_simem_size_0:
called_computation.1_lowered:
.L_overlay_start_0:
0x88: {  	s2 =	sld [smem:$0x3FD9]  }
0x89: {  	s3 =	sld [smem:$0x3FFE];
	_ =	sdelay $0x1  }
0x8a: {  	s1 =	srdreg.scid  }
0x8b: {  	s0 =	sand.u32 $0x1, s1  }
0x8c: {  	s14 =	sshll.u32 s0, $0xA;
	s2 =	sadd.s32 s3, s2  }
0x8d: {  	s2 =	sadd.s32 s2, s14  }
0x8e: {  	[smem:$0x3FC4] =	sst s2  }
0x8f: {  	_ = 	snop  }
0x90: {  	s2 =	sld [smem:$0x3FD0];
	_ =	sdelay $0x2  }
0x91: {  	s15 =	simm.s32 $0xB;
	s4 =	simm.s32 $0x10  }
0x92: {  	[smem:s4], [sflag:s15] =	dma.local [hbm:s2], $0x1  }
0x93: {  	_ =	swait.eq [sflag:s15], $0x1  }
0x94: {  	[sflag:s15] =	ssyncset.done $0x0  }
0x95: {  	[sflag:s15] =	ssyncadd.s32 $0xFFFFFFFF  }
0x96: {  	s16 =	sld [smem:$0x14];
	(tm) =	ssettm $0x1  }
0x97: {  	s17 =	sld [smem:$0x3FFB];
	_ =	sdelay $0x3  }
0x98: {  	_ =	strace s17  }
0x99: {  	s3 =	sld [smem:$0x3FFC];
	_ =	sdelay $0x3  }
0x9a: {  	_ =	strace s3  }
0x9b: {  	s3 =	sld [smem:$0x3FFD];
	_ =	sdelay $0x3  }
0x9c: {  	_ =	strace s3  }
0x9d: {  	_ =	strace $0x8FFFFFFF  }
0x9e: {  	s18 =	sld [smem:$0x3FDB];
	_ =	sdelay $0x1  }
0x9f: {  	s19 =	simm.s32 $_scs_section_size  }
0xa0: {  	s5 =	simm.s32 $_size__tile_overlayer_lowered;
	s6 =	simm.s32 $_tile_overlayer_lowered  }
0xa1: {  	s22 =	simm.s32 $0x1BFF;
	s21 =	sshll.u32 s6, $0x1;
	s3 =	sadd.s32 s19, s18  }
0xa2: {  	s7 =	simm.s32 $0x0;
	s20 =	sshll.u32 s5, $0x1;
	s5 =	sadd.s32 s21, s3  }
0xa3: {  	[timem:s7], [sflag:s22] =	dma.local [hbm:s5], s20  }
0xa4: {  	_ =	swait.ge [sflag:s22], s20  }
0xa5: {  	s4 =	ssub.s32 $0x0, s20;
	[sflag:s22] =	ssyncset.done $0x0  }
0xa6: {  	[sflag:s22] =	ssyncadd.s32 s4;
	_ =	sdelay $0x1  }
0xa7: {  	s23 =	simm.s32 $0x1B8B  }
0xa8: {  	_ =	swait.ge [sflag:s23], $0x1  }
0xa9: {  	[sflag:s23] =	ssyncset.done $0x0  }
0xaa: {  	s25 =	simm.s32 $0x1B8E;
	s24 =	sld [smem:$0x3FFE];
	[sflag:s23] =	ssyncadd.s32 $0xFFFFFFFF  }
0xab: {  	s26 =	simm.s32 $execute0_lowered;
	[smem:$0x3FD2] =	sst s25  }
0xac: {  	s5 =	sshll.u32 s26, $0x1;
	_ =	strace $0x80000046;
	[dreg:$0x1] =	wrdreg $0xFFFFFFFF  }
0xad: {  	s28 =	simm.s32 $_size_execute0_lowered;
	s3 =	sadd.s32 s3, s5;
	[dreg:$0x0] =	wrdreg $0x0  }
0xae: {  	s5 =	sshll.u32 s28, $0x1;
	[dreg:$0x2] =	wrdreg s3  }
0xaf: {  	[dreg:$0x3] =	wrdreg s5  }
0xb0: {  	[dreg:$0x4] =	wrdreg $0xC0  }
0xb1: {  	_ =	task [dreg:s7], $0x5FFFF  }
0xb2: {  	[dreg:$0x1] =	wrdreg $0xFFFFFFFF  }
0xb3: {  	[dreg:$0x0] =	wrdreg $0x60  }
0xb4: {  	[dreg:$0x2] =	wrdreg s16  }
0xb5: {  	[dreg:$0x3] =	wrdreg s24  }
0xb6: {  	[dreg:$0x4] =	wrdreg $0xA  }
0xb7: {  	_ =	task.clear_ibuf [dreg:s7], $0x5FFFF;
	_ =	strace $0x90000046  }
0xb8: {  	s29 =	simm.s32 $0xA;
	_ =	strace $0x80000048  }
0xb9: {  	_ =	swait.ge [sflag:s29], $0x1  }
0xba: {  	[sflag:s29] =	ssyncadd.s32 $0xFFFFFFFF  }
0xbb: {  	_ =	strace $0x90000048  }
0xbc: {  	_ =	sfence  }
0xbd: {  	s30 =	sld [smem:$0x0];
	_ =	sdelay $0x2  }
0xbe: {  	s31 =	sshll.u32 s1, $0xD;
	s1 =	sshrl.u32 s1, $0x2  }
0xbf: {  	s3 =	sand.u32 $0x4000, s31;
	s1 =	sadd.s32 s1, s30  }
0xc0: {  	s0 =	sor.u32 s3, s0;
	s1 =	sshll.u32 s1, $0x11  }
0xc1: {  	s0 =	sor.u32 s1, s0  }
0xc2: {  	s0 =	sadd.s32 $0x8F2B, s0  }
0xc3: {  	[sflag:s0] =	ssyncadd.remote.s32 $0x1  }
0xc4: {  	_ =	sfence.sel $0xFFFF  }
0xc5: {  	[dreg:$0x0] =	wrdreg $0xFFFFFFFF;
	(pc) =	sbr.abs _section_cstart, $3  }
0xc6: {  	[dreg:$0x1] =	wrdreg $0xFFFFFFFF  }
0xc7: {  	_ =	task.clear_ibuf [dreg:s7], $0x2FFFF;
	_ =	strace $0x9FFFFFFF  }
0xc8: {  	(tm) =	ssettm $0x7FFFFFFF  }
0xc9: {  	_ =	shalt  }
tec
execute0_lowered:
.L_overlay_start_1:
0x0: {  	(tag) =	ssettag $0x1  }
0x1: {  	s0 =	srdreg.scid;
	s1 =	stileid.u32  }
0x2: {  	s0 =	sand.u32 $0x1, s0;
	s1 =	sshll.u32 s1, $0x1  }
0x3: {  	s1 =	sor.u32 s0, s1  }
0x4: {  	s5 =	smul.u32 $0x90000, s1  }
0x5: {  	s3 =	rddreg [dreg:$0x0];
	s1 =	smul.u32 $0x180, s1  }
0x6: {  	s4 =	rddreg [dreg:$0x1];
	s2 =	simm.s32 $0x0;
	s5 =	sshrl.u32 s5, $0x3  }
0x7: {  	[smem:$0x7FF] =	sst s2;
	s1 =	sadd.s32 s3, s1;
	s3 =	sadd.s32 s4, s5  }
0x8: {  	_ =	strace $0x80000047;
	[dreg:$0x3] =	wrdreg s1;
	s12 =	sadd.s32 $0x240000, s3  }
0x9: {  	s13 =	sadd.s32 $0x241000, s3;
	[dreg:$0x4] =	wrdreg s12  }
0xa: {  	s14 =	sadd.s32 $0x242000, s3;
	[dreg:$0x5] =	wrdreg s13  }
0xb: {  	s15 =	sadd.s32 $0x243000, s3;
	[dreg:$0x6] =	wrdreg s14  }
0xc: {  	s16 =	sadd.s32 $0x244000, s3;
	[dreg:$0x7] =	wrdreg s15  }
0xd: {  	s17 =	sadd.s32 $0x245000, s3;
	[dreg:$0x8] =	wrdreg s16  }
0xe: {  	s18 =	sadd.s32 $0x246000, s3;
	[dreg:$0x9] =	wrdreg s17  }
0xf: {  	s19 =	sadd.s32 $0x247000, s3;
	[dreg:$0xa] =	wrdreg s18  }
0x10: {  	s20 =	sadd.s32 $0x248000, s3;
	[dreg:$0xb] =	wrdreg s19  }
0x11: {  	s21 =	sadd.s32 $0x249000, s3;
	[dreg:$0xc] =	wrdreg s20  }
0x12: {  	s22 =	sadd.s32 $0x24A000, s3;
	[dreg:$0xd] =	wrdreg s21  }
0x13: {  	s23 =	sadd.s32 $0x24B000, s3;
	[dreg:$0xe] =	wrdreg s22  }
0x14: {  	s6 =	simm.s32 $0xC00;
	s24 =	sadd.s32 $0x24C000, s3;
	[dreg:$0xf] =	wrdreg s23  }
0x15: {  	s7 =	simm.s32 $0x1;
	s25 =	sadd.s32 $0x24D000, s3;
	[dreg:$0x10] =	wrdreg s24  }
0x16: {  	s0 =	ssub.s32 $0x2, s0;
	s26 =	sadd.s32 $0x24E000, s3;
	[dreg:$0x11] =	wrdreg s25  }
0x17: {  	s30 =	sshrl.u32 s0, $0x1;
	s28 =	sadd.s32 $0x24F000, s3;
	[dreg:$0x12] =	wrdreg s26  }
0x18: {  	v2 =	vlaneseq.u32;
	s0 =	ssub.s32 s0, s30;
	s29 =	sadd.s32 $0x250000, s3;
	[dreg:$0x13] =	wrdreg s28  }
0x19: {  	vm0 =	vmmov $0xffff;
	v1 =	vshrl.u32 v2, $0x3;
	s0 =	smax.u32 s0, $0x1;
	s31 =	sadd.s32 $0x251000, s3;
	[dreg:$0x14] =	wrdreg s29  }
0x1a: {  	v0 =	vand.u32 $0x7, v2;
	v2 =	vor.u32 $0x8, v2;
	v1 =	vmul.u32 $0x8, v1;
	[dreg:$0x15] =	wrdreg s31;
	s23 =	simm.s32 $0x8C00;
	s13 =	simm.s32 $0x2  }
.LBB2_1:
0x1b: {  	[dreg:$0x16] =	wrdreg s0  }
0x1c: {  	s14 =	rddreg [dreg:$0x3];
	s15 =	simm.s32 $0x3  }
0x1d: {  	[tilespmem:s2], [sflag:$0x3] =	stream.linear.gather [hbm4b:s14+s2], $0x900, $0x38;
	[tilespmem:$0x10C00] =	vst v63  }
0x1e: {  	_ =	swait.ge [sflag:s15], $0x900  }
0x1f: {  	[sflag:s15] =	ssyncset.done $0x0  }
0x20: {  	s4 =	rddreg [dreg:$0x4];
	[sflag:s15] =	ssyncadd.s32 $0xFFFFF700  }
0x21: {  	[tilespmem:s6], [sflag:$0x1] =	stream.linear.gather [hbm4b:s4+s2], $0x8000, $0x38;
	[tilespmem:$0x10C00] =	vst v63  }
0x22: {  	_ =	swait.ge [sflag:s7], $0x8000  }
0x23: {  	[sflag:s7] =	ssyncset.done $0x0  }
0x24: {  	[sflag:s7] =	ssyncadd.s32 $0xFFFF8000  }
0x25: {  	v3 =	vld [tilespmem:$0x0];
	_ =	sdelay $0x4  }
0x26: {  	v4 =	vshll.u32 v3, $0x1  }
0x27: {  	v3 =	vand.u32 $0x7, v3;
	v4 =	vand.u32 $0xFFFFFFF0, v4  }
0x28: {  	v3 =	vor.u32 v3, v4  }
0x29: {  	v4 =	vperm.xlane v3, v0;
	_ =	sdelay $0x1  }
0x2a: {  	v3 =	vperm.xlane v3, v2;
	v4 =	vadd.s32 v1, v4;
	_ =	sdelay $0x1  }
0x2b: {  	v3 =	vadd.s32 v1, v3;
	_ =	sdelay $0x2  }
0x2c: {  	[hbm4b:s3+s2] =	stream.indirect_vreg.scatter [tilespmem:s6], [sflag:$0x2], $0x80, v4, vm0, $0xb8;
	[tilespmem:$0x10C00] =	vst v63  }
0x2d: {  	s5 =	simm.s32 $0x1400  }
0x2e: {  	[hbm4b:s3+s2] =	stream.indirect_vreg.scatter [tilespmem:s5], [sflag:$0x2], $0x80, v3, vm0, $0xb8;
	[tilespmem:$0x10C00] =	vst v63  }
0x2f: {  	v3 =	vld [tilespmem:$0x10];
	_ =	sdelay $0x4  }
0x30: {  	v33 =	vshll.u32 v3, $0x1  }
0x31: {  	v3 =	vand.u32 $0x7, v3;
	v4 =	vand.u32 $0xFFFFFFF0, v33  }
0x32: {  	v3 =	vor.u32 v3, v4  }
0x33: {  	v4 =	vperm.xlane v3, v0;
	_ =	sdelay $0x1  }
0x34: {  	v3 =	vperm.xlane v3, v2;
	v4 =	vadd.s32 v1, v4;
	_ =	sdelay $0x1  }
0x35: {  	v3 =	vadd.s32 v1, v3;
	_ =	sdelay $0x1  }
0x36: {  	s8 =	simm.s32 $0x1C00  }
0x37: {  	[hbm4b:s3+s2] =	stream.indirect_vreg.scatter [tilespmem:s8], [sflag:$0x2], $0x80, v4, vm0, $0xb8;
	[tilespmem:$0x10C00] =	vst v63  }
0x38: {  	s9 =	simm.s32 $0x2400  }
0x39: {  	[hbm4b:s3+s2] =	stream.indirect_vreg.scatter [tilespmem:s9], [sflag:$0x2], $0x80, v3, vm0, $0xb8;
	[tilespmem:$0x10C00] =	vst v63  }
0x3a: {  	v3 =	vld [tilespmem:$0x20];
	_ =	sdelay $0x4  }
0x3b: {  	v34 =	vshll.u32 v3, $0x1  }
0x3c: {  	v3 =	vand.u32 $0x7, v3;
	v4 =	vand.u32 $0xFFFFFFF0, v34  }
0x3d: {  	v3 =	vor.u32 v3, v4  }
0x3e: {  	v4 =	vperm.xlane v3, v0;
	_ =	sdelay $0x1  }
0x3f: {  	v3 =	vperm.xlane v3, v2;
	v4 =	vadd.s32 v1, v4;
	_ =	sdelay $0x1  }
0x40: {  	v3 =	vadd.s32 v1, v3;
	_ =	sdelay $0x1  }
0x41: {  	s10 =	simm.s32 $0x2C00  }
0x42: {  	[hbm4b:s3+s2] =	stream.indirect_vreg.scatter [tilespmem:s10], [sflag:$0x2], $0x80, v4, vm0, $0xb8;
	[tilespmem:$0x10C00] =	vst v63  }
0x43: {  	s11 =	simm.s32 $0x3400  }
0x44: {  	[hbm4b:s3+s2] =	stream.indirect_vreg.scatter [tilespmem:s11], [sflag:$0x2], $0x80, v3, vm0, $0xb8;
	[tilespmem:$0x10C00] =	vst v63  }
0x45: {  	v3 =	vld [tilespmem:$0x30];
	_ =	sdelay $0x4  }
0x46: {  	v35 =	vshll.u32 v3, $0x1  }
0x47: {  	v3 =	vand.u32 $0x7, v3;
	v4 =	vand.u32 $0xFFFFFFF0, v35  }
0x48: {  	v3 =	vor.u32 v3, v4  }
0x49: {  	v4 =	vperm.xlane v3, v0;
	_ =	sdelay $0x1  }
0x4a: {  	v3 =	vperm.xlane v3, v2;
	v4 =	vadd.s32 v1, v4;
	_ =	sdelay $0x1  }
0x4b: {  	v3 =	vadd.s32 v1, v3;
	_ =	sdelay $0x1  }
0x4c: {  	s12 =	simm.s32 $0x3C00  }
0x4d: {  	[hbm4b:s3+s2] =	stream.indirect_vreg.scatter [tilespmem:s12], [sflag:$0x2], $0x80, v4, vm0, $0xb8;
	[tilespmem:$0x10C00] =	vst v63  }
0x4e: {  	s14 =	simm.s32 $0x4400  }
0x4f: {  	[hbm4b:s3+s2] =	stream.indirect_vreg.scatter [tilespmem:s14], [sflag:$0x2], $0x80, v3, vm0, $0xb8;
	[tilespmem:$0x10C00] =	vst v63  }
0x50: {  	v3 =	vld [tilespmem:$0x40];
	_ =	sdelay $0x4  }
0x51: {  	v36 =	vshll.u32 v3, $0x1  }
0x52: {  	v3 =	vand.u32 $0x7, v3;
	v4 =	vand.u32 $0xFFFFFFF0, v36  }
0x53: {  	v3 =	vor.u32 v3, v4  }
0x54: {  	v4 =	vperm.xlane v3, v0;
	_ =	sdelay $0x1  }
0x55: {  	v3 =	vperm.xlane v3, v2;
	v4 =	vadd.s32 v1, v4;
	_ =	sdelay $0x1  }
0x56: {  	v3 =	vadd.s32 v1, v3;
	_ =	sdelay $0x1  }
0x57: {  	s15 =	simm.s32 $0x4C00  }
0x58: {  	[hbm4b:s3+s2] =	stream.indirect_vreg.scatter [tilespmem:s15], [sflag:$0x2], $0x80, v4, vm0, $0xb8;
	[tilespmem:$0x10C00] =	vst v63  }
0x59: {  	s16 =	simm.s32 $0x5400  }
0x5a: {  	[hbm4b:s3+s2] =	stream.indirect_vreg.scatter [tilespmem:s16], [sflag:$0x2], $0x80, v3, vm0, $0xb8;
	[tilespmem:$0x10C00] =	vst v63  }
0x5b: {  	v3 =	vld [tilespmem:$0x50];
	_ =	sdelay $0x4  }
0x5c: {  	v37 =	vshll.u32 v3, $0x1  }
0x5d: {  	v3 =	vand.u32 $0x7, v3;
	v4 =	vand.u32 $0xFFFFFFF0, v37  }
0x5e: {  	v3 =	vor.u32 v3, v4  }
0x5f: {  	v4 =	vperm.xlane v3, v0;
	_ =	sdelay $0x1  }
0x60: {  	v3 =	vperm.xlane v3, v2;
	v4 =	vadd.s32 v1, v4;
	_ =	sdelay $0x1  }
0x61: {  	v3 =	vadd.s32 v1, v3;
	_ =	sdelay $0x1  }
0x62: {  	s17 =	simm.s32 $0x5C00  }
0x63: {  	[hbm4b:s3+s2] =	stream.indirect_vreg.scatter [tilespmem:s17], [sflag:$0x2], $0x80, v4, vm0, $0xb8;
	[tilespmem:$0x10C00] =	vst v63  }
0x64: {  	s24 =	simm.s32 $0x6400  }
0x65: {  	[hbm4b:s3+s2] =	stream.indirect_vreg.scatter [tilespmem:s24], [sflag:$0x2], $0x80, v3, vm0, $0xb8;
	[tilespmem:$0x10C00] =	vst v63  }
0x66: {  	v3 =	vld [tilespmem:$0x60];
	_ =	sdelay $0x4  }
0x67: {  	v38 =	vshll.u32 v3, $0x1  }
0x68: {  	v3 =	vand.u32 $0x7, v3;
	v4 =	vand.u32 $0xFFFFFFF0, v38  }
0x69: {  	v3 =	vor.u32 v3, v4  }
0x6a: {  	v4 =	vperm.xlane v3, v0;
	_ =	sdelay $0x1  }
0x6b: {  	v3 =	vperm.xlane v3, v2;
	v4 =	vadd.s32 v1, v4;
	_ =	sdelay $0x1  }
0x6c: {  	v3 =	vadd.s32 v1, v3;
	_ =	sdelay $0x1  }
0x6d: {  	s26 =	simm.s32 $0x6C00  }
0x6e: {  	[hbm4b:s3+s2] =	stream.indirect_vreg.scatter [tilespmem:s26], [sflag:$0x2], $0x80, v4, vm0, $0xb8;
	[tilespmem:$0x10C00] =	vst v63  }
0x6f: {  	s28 =	simm.s32 $0x7400  }
0x70: {  	[hbm4b:s3+s2] =	stream.indirect_vreg.scatter [tilespmem:s28], [sflag:$0x2], $0x80, v3, vm0, $0xb8;
	[tilespmem:$0x10C00] =	vst v63  }
0x71: {  	v3 =	vld [tilespmem:$0x70];
	_ =	sdelay $0x4  }
0x72: {  	v39 =	vshll.u32 v3, $0x1  }
0x73: {  	v3 =	vand.u32 $0x7, v3;
	v4 =	vand.u32 $0xFFFFFFF0, v39  }
0x74: {  	v3 =	vor.u32 v3, v4  }
0x75: {  	v4 =	vperm.xlane v3, v0;
	_ =	sdelay $0x1  }
0x76: {  	v3 =	vperm.xlane v3, v2;
	v4 =	vadd.s32 v1, v4;
	_ =	sdelay $0x1  }
0x77: {  	v3 =	vadd.s32 v1, v3;
	_ =	sdelay $0x1  }
0x78: {  	s29 =	simm.s32 $0x7C00  }
0x79: {  	[hbm4b:s3+s2] =	stream.indirect_vreg.scatter [tilespmem:s29], [sflag:$0x2], $0x80, v4, vm0, $0xb8;
	[tilespmem:$0x10C00] =	vst v63  }
0x7a: {  	s31 =	simm.s32 $0x8400  }
0x7b: {  	[hbm4b:s3+s2] =	stream.indirect_vreg.scatter [tilespmem:s31], [sflag:$0x2], $0x80, v3, vm0, $0xb8;
	[tilespmem:$0x10C00] =	vst v63  }
0x7c: {  	s30 =	rddreg [dreg:$0x5]  }
0x7d: {  	[tilespmem:s23], [sflag:$0x1] =	stream.linear.gather [hbm4b:s30+s2], $0x8000, $0x38;
	[tilespmem:$0x10C00] =	vst v63  }
0x7e: {  	_ =	swait.ge [sflag:s7], $0x8000  }
0x7f: {  	[sflag:s7] =	ssyncset.done $0x0  }
0x80: {  	[sflag:s7] =	ssyncadd.s32 $0xFFFF8000  }
0x81: {  	v3 =	vld [tilespmem:$0x80];
	_ =	sdelay $0x4  }
0x82: {  	v40 =	vshll.u32 v3, $0x1  }
0x83: {  	v3 =	vand.u32 $0x7, v3;
	v4 =	vand.u32 $0xFFFFFFF0, v40  }
0x84: {  	v3 =	vor.u32 v3, v4  }
0x85: {  	v4 =	vperm.xlane v3, v0;
	_ =	sdelay $0x1  }
0x86: {  	v3 =	vperm.xlane v3, v2;
	v4 =	vadd.s32 v1, v4;
	_ =	sdelay $0x1  }
0x87: {  	v3 =	vadd.s32 v1, v3;
	_ =	sdelay $0x2  }
0x88: {  	[hbm4b:s3+s2] =	stream.indirect_vreg.scatter [tilespmem:s23], [sflag:$0x2], $0x80, v4, vm0, $0xb8;
	[tilespmem:$0x10C00] =	vst v63  }
0x89: {  	s1 =	simm.s32 $0x9400  }
0x8a: {  	[hbm4b:s3+s2] =	stream.indirect_vreg.scatter [tilespmem:s1], [sflag:$0x2], $0x80, v3, vm0, $0xb8;
	[tilespmem:$0x10C00] =	vst v63  }
0x8b: {  	v3 =	vld [tilespmem:$0x90];
	_ =	sdelay $0x4  }
0x8c: {  	v41 =	vshll.u32 v3, $0x1  }
0x8d: {  	v3 =	vand.u32 $0x7, v3;
	v4 =	vand.u32 $0xFFFFFFF0, v41  }
0x8e: {  	v3 =	vor.u32 v3, v4  }
0x8f: {  	v4 =	vperm.xlane v3, v0;
	_ =	sdelay $0x1  }
0x90: {  	v3 =	vperm.xlane v3, v2;
	v4 =	vadd.s32 v1, v4;
	_ =	sdelay $0x1  }
0x91: {  	v3 =	vadd.s32 v1, v3;
	_ =	sdelay $0x1  }
0x92: {  	s4 =	simm.s32 $0x9C00  }
0x93: {  	[hbm4b:s3+s2] =	stream.indirect_vreg.scatter [tilespmem:s4], [sflag:$0x2], $0x80, v4, vm0, $0xb8;
	[tilespmem:$0x10C00] =	vst v63  }
0x94: {  	s8 =	simm.s32 $0xA400  }
0x95: {  	[hbm4b:s3+s2] =	stream.indirect_vreg.scatter [tilespmem:s8], [sflag:$0x2], $0x80, v3, vm0, $0xb8;
	[tilespmem:$0x10C00] =	vst v63  }
0x96: {  	v3 =	vld [tilespmem:$0xA0];
	_ =	sdelay $0x4  }
0x97: {  	v42 =	vshll.u32 v3, $0x1  }
0x98: {  	v3 =	vand.u32 $0x7, v3;
	v4 =	vand.u32 $0xFFFFFFF0, v42  }
0x99: {  	v3 =	vor.u32 v3, v4  }
0x9a: {  	v4 =	vperm.xlane v3, v0;
	_ =	sdelay $0x1  }
0x9b: {  	v3 =	vperm.xlane v3, v2;
	v4 =	vadd.s32 v1, v4;
	_ =	sdelay $0x1  }
0x9c: {  	v3 =	vadd.s32 v1, v3;
	_ =	sdelay $0x1  }
0x9d: {  	s9 =	simm.s32 $0xAC00  }
0x9e: {  	[hbm4b:s3+s2] =	stream.indirect_vreg.scatter [tilespmem:s9], [sflag:$0x2], $0x80, v4, vm0, $0xb8;
	[tilespmem:$0x10C00] =	vst v63  }
0x9f: {  	s10 =	simm.s32 $0xB400  }
0xa0: {  	[hbm4b:s3+s2] =	stream.indirect_vreg.scatter [tilespmem:s10], [sflag:$0x2], $0x80, v3, vm0, $0xb8;
	[tilespmem:$0x10C00] =	vst v63  }
0xa1: {  	v3 =	vld [tilespmem:$0xB0];
	_ =	sdelay $0x4  }
0xa2: {  	v43 =	vshll.u32 v3, $0x1  }
0xa3: {  	v3 =	vand.u32 $0x7, v3;
	v4 =	vand.u32 $0xFFFFFFF0, v43  }
0xa4: {  	v3 =	vor.u32 v3, v4  }
0xa5: {  	v4 =	vperm.xlane v3, v0;
	_ =	sdelay $0x1  }
0xa6: {  	v3 =	vperm.xlane v3, v2;
	v4 =	vadd.s32 v1, v4;
	_ =	sdelay $0x1  }
0xa7: {  	v3 =	vadd.s32 v1, v3;
	_ =	sdelay $0x1  }
0xa8: {  	s11 =	simm.s32 $0xBC00  }
0xa9: {  	[hbm4b:s3+s2] =	stream.indirect_vreg.scatter [tilespmem:s11], [sflag:$0x2], $0x80, v4, vm0, $0xb8;
	[tilespmem:$0x10C00] =	vst v63  }
0xaa: {  	s12 =	simm.s32 $0xC400  }
0xab: {  	[hbm4b:s3+s2] =	stream.indirect_vreg.scatter [tilespmem:s12], [sflag:$0x2], $0x80, v3, vm0, $0xb8;
	[tilespmem:$0x10C00] =	vst v63  }
0xac: {  	v3 =	vld [tilespmem:$0xC0];
	_ =	sdelay $0x4  }
0xad: {  	v44 =	vshll.u32 v3, $0x1  }
0xae: {  	v3 =	vand.u32 $0x7, v3;
	v4 =	vand.u32 $0xFFFFFFF0, v44  }
0xaf: {  	v3 =	vor.u32 v3, v4  }
0xb0: {  	v4 =	vperm.xlane v3, v0;
	_ =	sdelay $0x1  }
0xb1: {  	v3 =	vperm.xlane v3, v2;
	v4 =	vadd.s32 v1, v4;
	_ =	sdelay $0x1  }
0xb2: {  	v3 =	vadd.s32 v1, v3;
	_ =	sdelay $0x1  }
0xb3: {  	s14 =	simm.s32 $0xCC00  }
0xb4: {  	[hbm4b:s3+s2] =	stream.indirect_vreg.scatter [tilespmem:s14], [sflag:$0x2], $0x80, v4, vm0, $0xb8;
	[tilespmem:$0x10C00] =	vst v63  }
0xb5: {  	s16 =	simm.s32 $0xD400  }
0xb6: {  	[hbm4b:s3+s2] =	stream.indirect_vreg.scatter [tilespmem:s16], [sflag:$0x2], $0x80, v3, vm0, $0xb8;
	[tilespmem:$0x10C00] =	vst v63  }
0xb7: {  	v3 =	vld [tilespmem:$0xD0];
	_ =	sdelay $0x4  }
0xb8: {  	v45 =	vshll.u32 v3, $0x1  }
0xb9: {  	v3 =	vand.u32 $0x7, v3;
	v4 =	vand.u32 $0xFFFFFFF0, v45  }
0xba: {  	v3 =	vor.u32 v3, v4  }
0xbb: {  	v4 =	vperm.xlane v3, v0;
	_ =	sdelay $0x1  }
0xbc: {  	v3 =	vperm.xlane v3, v2;
	v4 =	vadd.s32 v1, v4;
	_ =	sdelay $0x1  }
0xbd: {  	v3 =	vadd.s32 v1, v3;
	_ =	sdelay $0x1  }
0xbe: {  	s17 =	simm.s32 $0xDC00  }
0xbf: {  	[hbm4b:s3+s2] =	stream.indirect_vreg.scatter [tilespmem:s17], [sflag:$0x2], $0x80, v4, vm0, $0xb8;
	[tilespmem:$0x10C00] =	vst v63  }
0xc0: {  	s24 =	simm.s32 $0xE400  }
0xc1: {  	[hbm4b:s3+s2] =	stream.indirect_vreg.scatter [tilespmem:s24], [sflag:$0x2], $0x80, v3, vm0, $0xb8;
	[tilespmem:$0x10C00] =	vst v63  }
0xc2: {  	v3 =	vld [tilespmem:$0xE0];
	_ =	sdelay $0x4  }
0xc3: {  	v46 =	vshll.u32 v3, $0x1  }
0xc4: {  	v3 =	vand.u32 $0x7, v3;
	v4 =	vand.u32 $0xFFFFFFF0, v46  }
0xc5: {  	v3 =	vor.u32 v3, v4  }
0xc6: {  	v4 =	vperm.xlane v3, v0;
	_ =	sdelay $0x1  }
0xc7: {  	v3 =	vperm.xlane v3, v2;
	v4 =	vadd.s32 v1, v4;
	_ =	sdelay $0x1  }
0xc8: {  	v3 =	vadd.s32 v1, v3;
	_ =	sdelay $0x1  }
0xc9: {  	s26 =	simm.s32 $0xEC00  }
0xca: {  	[hbm4b:s3+s2] =	stream.indirect_vreg.scatter [tilespmem:s26], [sflag:$0x2], $0x80, v4, vm0, $0xb8;
	[tilespmem:$0x10C00] =	vst v63  }
0xcb: {  	s28 =	simm.s32 $0xF400  }
0xcc: {  	[hbm4b:s3+s2] =	stream.indirect_vreg.scatter [tilespmem:s28], [sflag:$0x2], $0x80, v3, vm0, $0xb8;
	[tilespmem:$0x10C00] =	vst v63  }
0xcd: {  	v3 =	vld [tilespmem:$0xF0];
	_ =	sdelay $0x4  }
0xce: {  	v47 =	vshll.u32 v3, $0x1  }
0xcf: {  	v3 =	vand.u32 $0x7, v3;
	v4 =	vand.u32 $0xFFFFFFF0, v47  }
0xd0: {  	v3 =	vor.u32 v3, v4  }
0xd1: {  	v4 =	vperm.xlane v3, v0;
	_ =	sdelay $0x1  }
0xd2: {  	v3 =	vperm.xlane v3, v2;
	v4 =	vadd.s32 v1, v4;
	_ =	sdelay $0x1  }
0xd3: {  	v3 =	vadd.s32 v1, v3;
	_ =	sdelay $0x1  }
0xd4: {  	s29 =	simm.s32 $0xFC00  }
0xd5: {  	[hbm4b:s3+s2] =	stream.indirect_vreg.scatter [tilespmem:s29], [sflag:$0x2], $0x80, v4, vm0, $0xb8;
	[tilespmem:$0x10C00] =	vst v63  }
0xd6: {  	s30 =	simm.s32 $0x10400  }
0xd7: {  	[hbm4b:s3+s2] =	stream.indirect_vreg.scatter [tilespmem:s30], [sflag:$0x2], $0x80, v3, vm0, $0xb8;
	[tilespmem:$0x10C00] =	vst v63  }
0xd8: {  	_ =	swait.ge [sflag:s13], $0x8000  }
0xd9: {  	[sflag:s13] =	ssyncset.done $0x0  }
0xda: {  	s31 =	rddreg [dreg:$0x6];
	[sflag:s13] =	ssyncadd.s32 $0xFFFF8000  }
0xdb: {  	[tilespmem:s6], [sflag:$0x1] =	stream.linear.gather [hbm4b:s31+s2], $0x8000, $0x38;
	[tilespmem:$0x10C00] =	vst v63  }
0xdc: {  	_ =	swait.ge [sflag:s7], $0x8000  }
0xdd: {  	[sflag:s7] =	ssyncset.done $0x0  }
0xde: {  	[sflag:s7] =	ssyncadd.s32 $0xFFFF8000  }
0xdf: {  	v3 =	vld [tilespmem:$0x100];
	_ =	sdelay $0x4  }
0xe0: {  	v48 =	vshll.u32 v3, $0x1  }
0xe1: {  	v3 =	vand.u32 $0x7, v3;
	v4 =	vand.u32 $0xFFFFFFF0, v48  }
0xe2: {  	v3 =	vor.u32 v3, v4  }
0xe3: {  	v4 =	vperm.xlane v3, v0;
	_ =	sdelay $0x1  }
0xe4: {  	v3 =	vperm.xlane v3, v2;
	v4 =	vadd.s32 v1, v4;
	_ =	sdelay $0x1  }
0xe5: {  	v3 =	vadd.s32 v1, v3;
	_ =	sdelay $0x2  }
0xe6: {  	[hbm4b:s3+s2] =	stream.indirect_vreg.scatter [tilespmem:s6], [sflag:$0x2], $0x80, v4, vm0, $0xb8;
	[tilespmem:$0x10C00] =	vst v63  }
0xe7: {  	s21 =	simm.s32 $0x1400  }
0xe8: {  	[hbm4b:s3+s2] =	stream.indirect_vreg.scatter [tilespmem:s21], [sflag:$0x2], $0x80, v3, vm0, $0xb8;
	[tilespmem:$0x10C00] =	vst v63  }
0xe9: {  	v3 =	vld [tilespmem:$0x110];
	_ =	sdelay $0x4  }
0xea: {  	v49 =	vshll.u32 v3, $0x1  }
0xeb: {  	v3 =	vand.u32 $0x7, v3;
	v4 =	vand.u32 $0xFFFFFFF0, v49  }
0xec: {  	v3 =	vor.u32 v3, v4  }
0xed: {  	v4 =	vperm.xlane v3, v0;
	_ =	sdelay $0x1  }
0xee: {  	v3 =	vperm.xlane v3, v2;
	v4 =	vadd.s32 v1, v4;
	_ =	sdelay $0x1  }
0xef: {  	v3 =	vadd.s32 v1, v3;
	_ =	sdelay $0x1  }
0xf0: {  	s18 =	simm.s32 $0x1C00  }
0xf1: {  	[hbm4b:s3+s2] =	stream.indirect_vreg.scatter [tilespmem:s18], [sflag:$0x2], $0x80, v4, vm0, $0xb8;
	[tilespmem:$0x10C00] =	vst v63  }
0xf2: {  	s21 =	simm.s32 $0x2400  }
0xf3: {  	[hbm4b:s3+s2] =	stream.indirect_vreg.scatter [tilespmem:s21], [sflag:$0x2], $0x80, v3, vm0, $0xb8;
	[tilespmem:$0x10C00] =	vst v63  }
0xf4: {  	v3 =	vld [tilespmem:$0x120];
	_ =	sdelay $0x4  }
0xf5: {  	v50 =	vshll.u32 v3, $0x1  }
0xf6: {  	v3 =	vand.u32 $0x7, v3;
	v4 =	vand.u32 $0xFFFFFFF0, v50  }
0xf7: {  	v3 =	vor.u32 v3, v4  }
0xf8: {  	v4 =	vperm.xlane v3, v0;
	_ =	sdelay $0x1  }
0xf9: {  	v3 =	vperm.xlane v3, v2;
	v4 =	vadd.s32 v1, v4;
	_ =	sdelay $0x1  }
0xfa: {  	v3 =	vadd.s32 v1, v3;
	_ =	sdelay $0x1  }
0xfb: {  	s19 =	simm.s32 $0x2C00  }
0xfc: {  	[hbm4b:s3+s2] =	stream.indirect_vreg.scatter [tilespmem:s19], [sflag:$0x2], $0x80, v4, vm0, $0xb8;
	[tilespmem:$0x10C00] =	vst v63  }
0xfd: {  	s22 =	simm.s32 $0x3400  }
0xfe: {  	[hbm4b:s3+s2] =	stream.indirect_vreg.scatter [tilespmem:s22], [sflag:$0x2], $0x80, v3, vm0, $0xb8;
	[tilespmem:$0x10C00] =	vst v63  }
0xff: {  	v3 =	vld [tilespmem:$0x130];
	_ =	sdelay $0x4  }
0x100: {  	v51 =	vshll.u32 v3, $0x1  }
0x101: {  	v3 =	vand.u32 $0x7, v3;
	v4 =	vand.u32 $0xFFFFFFF0, v51  }
0x102: {  	v3 =	vor.u32 v3, v4  }
0x103: {  	v4 =	vperm.xlane v3, v0;
	_ =	sdelay $0x1  }
0x104: {  	v3 =	vperm.xlane v3, v2;
	v4 =	vadd.s32 v1, v4;
	_ =	sdelay $0x1  }
0x105: {  	v3 =	vadd.s32 v1, v3;
	_ =	sdelay $0x1  }
0x106: {  	s20 =	simm.s32 $0x3C00  }
0x107: {  	[hbm4b:s3+s2] =	stream.indirect_vreg.scatter [tilespmem:s20], [sflag:$0x2], $0x80, v4, vm0, $0xb8;
	[tilespmem:$0x10C00] =	vst v63  }
0x108: {  	s24 =	simm.s32 $0x4400  }
0x109: {  	[hbm4b:s3+s2] =	stream.indirect_vreg.scatter [tilespmem:s24], [sflag:$0x2], $0x80, v3, vm0, $0xb8;
	[tilespmem:$0x10C00] =	vst v63  }
0x10a: {  	v3 =	vld [tilespmem:$0x140];
	_ =	sdelay $0x4  }
0x10b: {  	v52 =	vshll.u32 v3, $0x1  }
0x10c: {  	v3 =	vand.u32 $0x7, v3;
	v4 =	vand.u32 $0xFFFFFFF0, v52  }
0x10d: {  	v3 =	vor.u32 v3, v4  }
0x10e: {  	v4 =	vperm.xlane v3, v0;
	_ =	sdelay $0x1  }
0x10f: {  	v3 =	vperm.xlane v3, v2;
	v4 =	vadd.s32 v1, v4;
	_ =	sdelay $0x1  }
0x110: {  	v3 =	vadd.s32 v1, v3;
	_ =	sdelay $0x1  }
0x111: {  	s22 =	simm.s32 $0x4C00  }
0x112: {  	[hbm4b:s3+s2] =	stream.indirect_vreg.scatter [tilespmem:s22], [sflag:$0x2], $0x80, v4, vm0, $0xb8;
	[tilespmem:$0x10C00] =	vst v63  }
0x113: {  	s25 =	simm.s32 $0x5400  }
0x114: {  	[hbm4b:s3+s2] =	stream.indirect_vreg.scatter [tilespmem:s25], [sflag:$0x2], $0x80, v3, vm0, $0xb8;
	[tilespmem:$0x10C00] =	vst v63  }
0x115: {  	v3 =	vld [tilespmem:$0x150];
	_ =	sdelay $0x4  }
0x116: {  	v53 =	vshll.u32 v3, $0x1  }
0x117: {  	v3 =	vand.u32 $0x7, v3;
	v4 =	vand.u32 $0xFFFFFFF0, v53  }
0x118: {  	v3 =	vor.u32 v3, v4  }
0x119: {  	v4 =	vperm.xlane v3, v0;
	_ =	sdelay $0x1  }
0x11a: {  	v3 =	vperm.xlane v3, v2;
	v4 =	vadd.s32 v1, v4;
	_ =	sdelay $0x1  }
0x11b: {  	v3 =	vadd.s32 v1, v3;
	_ =	sdelay $0x1  }
0x11c: {  	s25 =	simm.s32 $0x5C00  }
0x11d: {  	[hbm4b:s3+s2] =	stream.indirect_vreg.scatter [tilespmem:s25], [sflag:$0x2], $0x80, v4, vm0, $0xb8;
	[tilespmem:$0x10C00] =	vst v63  }
0x11e: {  	s26 =	simm.s32 $0x6400  }
0x11f: {  	[hbm4b:s3+s2] =	stream.indirect_vreg.scatter [tilespmem:s26], [sflag:$0x2], $0x80, v3, vm0, $0xb8;
	[tilespmem:$0x10C00] =	vst v63  }
0x120: {  	v3 =	vld [tilespmem:$0x160];
	_ =	sdelay $0x4  }
0x121: {  	v54 =	vshll.u32 v3, $0x1  }
0x122: {  	v3 =	vand.u32 $0x7, v3;
	v4 =	vand.u32 $0xFFFFFFF0, v54  }
0x123: {  	v3 =	vor.u32 v3, v4  }
0x124: {  	v4 =	vperm.xlane v3, v0;
	_ =	sdelay $0x1  }
0x125: {  	v3 =	vperm.xlane v3, v2;
	v4 =	vadd.s32 v1, v4;
	_ =	sdelay $0x1  }
0x126: {  	v3 =	vadd.s32 v1, v3;
	_ =	sdelay $0x1  }
0x127: {  	s28 =	simm.s32 $0x6C00  }
0x128: {  	[hbm4b:s3+s2] =	stream.indirect_vreg.scatter [tilespmem:s28], [sflag:$0x2], $0x80, v4, vm0, $0xb8;
	[tilespmem:$0x10C00] =	vst v63  }
0x129: {  	s29 =	simm.s32 $0x7400  }
0x12a: {  	[hbm4b:s3+s2] =	stream.indirect_vreg.scatter [tilespmem:s29], [sflag:$0x2], $0x80, v3, vm0, $0xb8;
	[tilespmem:$0x10C00] =	vst v63  }
0x12b: {  	v3 =	vld [tilespmem:$0x170];
	_ =	sdelay $0x4  }
0x12c: {  	v55 =	vshll.u32 v3, $0x1  }
0x12d: {  	v3 =	vand.u32 $0x7, v3;
	v4 =	vand.u32 $0xFFFFFFF0, v55  }
0x12e: {  	v3 =	vor.u32 v3, v4  }
0x12f: {  	v4 =	vperm.xlane v3, v0;
	_ =	sdelay $0x1  }
0x130: {  	v3 =	vperm.xlane v3, v2;
	v4 =	vadd.s32 v1, v4;
	_ =	sdelay $0x1  }
0x131: {  	v3 =	vadd.s32 v1, v3;
	_ =	sdelay $0x1  }
0x132: {  	s30 =	simm.s32 $0x7C00  }
0x133: {  	[hbm4b:s3+s2] =	stream.indirect_vreg.scatter [tilespmem:s30], [sflag:$0x2], $0x80, v4, vm0, $0xb8;
	[tilespmem:$0x10C00] =	vst v63  }
0x134: {  	s15 =	simm.s32 $0x8400  }
0x135: {  	[hbm4b:s3+s2] =	stream.indirect_vreg.scatter [tilespmem:s15], [sflag:$0x2], $0x80, v3, vm0, $0xb8;
	[tilespmem:$0x10C00] =	vst v63  }
0x136: {  	_ =	swait.ge [sflag:s13], $0x8000  }
0x137: {  	[sflag:s13] =	ssyncset.done $0x0  }
0x138: {  	s15 =	rddreg [dreg:$0x7];
	[sflag:s13] =	ssyncadd.s32 $0xFFFF8000  }
0x139: {  	[tilespmem:s23], [sflag:$0x1] =	stream.linear.gather [hbm4b:s15+s2], $0x8000, $0x38;
	[tilespmem:$0x10C00] =	vst v63  }
0x13a: {  	_ =	swait.ge [sflag:s7], $0x8000  }
0x13b: {  	[sflag:s7] =	ssyncset.done $0x0  }
0x13c: {  	[sflag:s7] =	ssyncadd.s32 $0xFFFF8000  }
0x13d: {  	v3 =	vld [tilespmem:$0x180];
	_ =	sdelay $0x4  }
0x13e: {  	v56 =	vshll.u32 v3, $0x1  }
0x13f: {  	v3 =	vand.u32 $0x7, v3;
	v4 =	vand.u32 $0xFFFFFFF0, v56  }
0x140: {  	v3 =	vor.u32 v3, v4  }
0x141: {  	v4 =	vperm.xlane v3, v0;
	_ =	sdelay $0x1  }
0x142: {  	v3 =	vperm.xlane v3, v2;
	v4 =	vadd.s32 v1, v4;
	_ =	sdelay $0x1  }
0x143: {  	v3 =	vadd.s32 v1, v3;
	_ =	sdelay $0x2  }
0x144: {  	[hbm4b:s3+s2] =	stream.indirect_vreg.scatter [tilespmem:s23], [sflag:$0x2], $0x80, v4, vm0, $0xb8;
	[tilespmem:$0x10C00] =	vst v63  }
0x145: {  	s5 =	simm.s32 $0x9400  }
0x146: {  	[hbm4b:s3+s2] =	stream.indirect_vreg.scatter [tilespmem:s5], [sflag:$0x2], $0x80, v3, vm0, $0xb8;
	[tilespmem:$0x10C00] =	vst v63  }
0x147: {  	v3 =	vld [tilespmem:$0x190];
	_ =	sdelay $0x4  }
0x148: {  	v57 =	vshll.u32 v3, $0x1  }
0x149: {  	v3 =	vand.u32 $0x7, v3;
	v4 =	vand.u32 $0xFFFFFFF0, v57  }
0x14a: {  	v3 =	vor.u32 v3, v4  }
0x14b: {  	v4 =	vperm.xlane v3, v0;
	_ =	sdelay $0x1  }
0x14c: {  	v3 =	vperm.xlane v3, v2;
	v4 =	vadd.s32 v1, v4;
	_ =	sdelay $0x1  }
0x14d: {  	v3 =	vadd.s32 v1, v3;
	_ =	sdelay $0x1  }
0x14e: {  	s5 =	simm.s32 $0x9C00  }
0x14f: {  	[hbm4b:s3+s2] =	stream.indirect_vreg.scatter [tilespmem:s5], [sflag:$0x2], $0x80, v4, vm0, $0xb8;
	[tilespmem:$0x10C00] =	vst v63  }
0x150: {  	s18 =	simm.s32 $0xA400  }
0x151: {  	[hbm4b:s3+s2] =	stream.indirect_vreg.scatter [tilespmem:s18], [sflag:$0x2], $0x80, v3, vm0, $0xb8;
	[tilespmem:$0x10C00] =	vst v63  }
0x152: {  	v3 =	vld [tilespmem:$0x1A0];
	_ =	sdelay $0x4  }
0x153: {  	v58 =	vshll.u32 v3, $0x1  }
0x154: {  	v3 =	vand.u32 $0x7, v3;
	v4 =	vand.u32 $0xFFFFFFF0, v58  }
0x155: {  	v3 =	vor.u32 v3, v4  }
0x156: {  	v4 =	vperm.xlane v3, v0;
	_ =	sdelay $0x1  }
0x157: {  	v3 =	vperm.xlane v3, v2;
	v4 =	vadd.s32 v1, v4;
	_ =	sdelay $0x1  }
0x158: {  	v3 =	vadd.s32 v1, v3;
	_ =	sdelay $0x1  }
0x159: {  	s8 =	simm.s32 $0xAC00  }
0x15a: {  	[hbm4b:s3+s2] =	stream.indirect_vreg.scatter [tilespmem:s8], [sflag:$0x2], $0x80, v4, vm0, $0xb8;
	[tilespmem:$0x10C00] =	vst v63  }
0x15b: {  	s19 =	simm.s32 $0xB400  }
0x15c: {  	[hbm4b:s3+s2] =	stream.indirect_vreg.scatter [tilespmem:s19], [sflag:$0x2], $0x80, v3, vm0, $0xb8;
	[tilespmem:$0x10C00] =	vst v63  }
0x15d: {  	v3 =	vld [tilespmem:$0x1B0];
	_ =	sdelay $0x4  }
0x15e: {  	v59 =	vshll.u32 v3, $0x1  }
0x15f: {  	v3 =	vand.u32 $0x7, v3;
	v4 =	vand.u32 $0xFFFFFFF0, v59  }
0x160: {  	v3 =	vor.u32 v3, v4  }
0x161: {  	v4 =	vperm.xlane v3, v0;
	_ =	sdelay $0x1  }
0x162: {  	v3 =	vperm.xlane v3, v2;
	v4 =	vadd.s32 v1, v4;
	_ =	sdelay $0x1  }
0x163: {  	v3 =	vadd.s32 v1, v3;
	_ =	sdelay $0x1  }
0x164: {  	s10 =	simm.s32 $0xBC00  }
0x165: {  	[hbm4b:s3+s2] =	stream.indirect_vreg.scatter [tilespmem:s10], [sflag:$0x2], $0x80, v4, vm0, $0xb8;
	[tilespmem:$0x10C00] =	vst v63  }
0x166: {  	s20 =	simm.s32 $0xC400  }
0x167: {  	[hbm4b:s3+s2] =	stream.indirect_vreg.scatter [tilespmem:s20], [sflag:$0x2], $0x80, v3, vm0, $0xb8;
	[tilespmem:$0x10C00] =	vst v63  }
0x168: {  	v3 =	vld [tilespmem:$0x1C0];
	_ =	sdelay $0x4  }
0x169: {  	v60 =	vshll.u32 v3, $0x1  }
0x16a: {  	v3 =	vand.u32 $0x7, v3;
	v4 =	vand.u32 $0xFFFFFFF0, v60  }
0x16b: {  	v3 =	vor.u32 v3, v4  }
0x16c: {  	v4 =	vperm.xlane v3, v0;
	_ =	sdelay $0x1  }
0x16d: {  	v3 =	vperm.xlane v3, v2;
	v4 =	vadd.s32 v1, v4;
	_ =	sdelay $0x1  }
0x16e: {  	v3 =	vadd.s32 v1, v3;
	_ =	sdelay $0x1  }
0x16f: {  	s12 =	simm.s32 $0xCC00  }
0x170: {  	[hbm4b:s3+s2] =	stream.indirect_vreg.scatter [tilespmem:s12], [sflag:$0x2], $0x80, v4, vm0, $0xb8;
	[tilespmem:$0x10C00] =	vst v63  }
0x171: {  	s9 =	simm.s32 $0xD400  }
0x172: {  	[hbm4b:s3+s2] =	stream.indirect_vreg.scatter [tilespmem:s9], [sflag:$0x2], $0x80, v3, vm0, $0xb8;
	[tilespmem:$0x10C00] =	vst v63  }
0x173: {  	v3 =	vld [tilespmem:$0x1D0];
	_ =	sdelay $0x4  }
0x174: {  	v61 =	vshll.u32 v3, $0x1  }
0x175: {  	v3 =	vand.u32 $0x7, v3;
	v4 =	vand.u32 $0xFFFFFFF0, v61  }
0x176: {  	v3 =	vor.u32 v3, v4  }
0x177: {  	v4 =	vperm.xlane v3, v0;
	_ =	sdelay $0x1  }
0x178: {  	v3 =	vperm.xlane v3, v2;
	v4 =	vadd.s32 v1, v4;
	_ =	sdelay $0x1  }
0x179: {  	v3 =	vadd.s32 v1, v3;
	_ =	sdelay $0x1  }
0x17a: {  	s0 =	simm.s32 $0xDC00  }
0x17b: {  	[hbm4b:s3+s2] =	stream.indirect_vreg.scatter [tilespmem:s0], [sflag:$0x2], $0x80, v4, vm0, $0xb8;
	[tilespmem:$0x10C00] =	vst v63  }
0x17c: {  	s11 =	simm.s32 $0xE400  }
0x17d: {  	[hbm4b:s3+s2] =	stream.indirect_vreg.scatter [tilespmem:s11], [sflag:$0x2], $0x80, v3, vm0, $0xb8;
	[tilespmem:$0x10C00] =	vst v63  }
0x17e: {  	v3 =	vld [tilespmem:$0x1E0];
	_ =	sdelay $0x4  }
0x17f: {  	v62 =	vshll.u32 v3, $0x1  }
0x180: {  	v3 =	vand.u32 $0x7, v3;
	v4 =	vand.u32 $0xFFFFFFF0, v62  }
0x181: {  	v3 =	vor.u32 v3, v4  }
0x182: {  	v4 =	vperm.xlane v3, v0;
	_ =	sdelay $0x1  }
0x183: {  	v3 =	vperm.xlane v3, v2;
	v4 =	vadd.s32 v1, v4;
	_ =	sdelay $0x1  }
0x184: {  	v3 =	vadd.s32 v1, v3;
	_ =	sdelay $0x1  }
0x185: {  	s1 =	simm.s32 $0xEC00  }
0x186: {  	[hbm4b:s3+s2] =	stream.indirect_vreg.scatter [tilespmem:s1], [sflag:$0x2], $0x80, v4, vm0, $0xb8;
	[tilespmem:$0x10C00] =	vst v63  }
0x187: {  	s16 =	simm.s32 $0xF400  }
0x188: {  	[hbm4b:s3+s2] =	stream.indirect_vreg.scatter [tilespmem:s16], [sflag:$0x2], $0x80, v3, vm0, $0xb8;
	[tilespmem:$0x10C00] =	vst v63  }
0x189: {  	v3 =	vld [tilespmem:$0x1F0];
	_ =	sdelay $0x4  }
0x18a: {  	v63 =	vshll.u32 v3, $0x1  }
0x18b: {  	v3 =	vand.u32 $0x7, v3;
	v4 =	vand.u32 $0xFFFFFFF0, v63  }
0x18c: {  	v3 =	vor.u32 v3, v4  }
0x18d: {  	v4 =	vperm.xlane v3, v0;
	_ =	sdelay $0x1  }
0x18e: {  	v3 =	vperm.xlane v3, v2;
	v4 =	vadd.s32 v1, v4;
	_ =	sdelay $0x1  }
0x18f: {  	v3 =	vadd.s32 v1, v3;
	_ =	sdelay $0x1  }
0x190: {  	s4 =	simm.s32 $0xFC00  }
0x191: {  	[hbm4b:s3+s2] =	stream.indirect_vreg.scatter [tilespmem:s4], [sflag:$0x2], $0x80, v4, vm0, $0xb8;
	[tilespmem:$0x10C00] =	vst v63  }
0x192: {  	s17 =	simm.s32 $0x10400  }
0x193: {  	[hbm4b:s3+s2] =	stream.indirect_vreg.scatter [tilespmem:s17], [sflag:$0x2], $0x80, v3, vm0, $0xb8;
	[tilespmem:$0x10C00] =	vst v63  }
0x194: {  	_ =	swait.ge [sflag:s13], $0x8000  }
0x195: {  	[sflag:s13] =	ssyncset.done $0x0  }
0x196: {  	s17 =	rddreg [dreg:$0x8];
	[sflag:s13] =	ssyncadd.s32 $0xFFFF8000  }
0x197: {  	[tilespmem:s6], [sflag:$0x1] =	stream.linear.gather [hbm4b:s17+s2], $0x8000, $0x38;
	[tilespmem:$0x10C00] =	vst v63  }
0x198: {  	_ =	swait.ge [sflag:s7], $0x8000  }
0x199: {  	[sflag:s7] =	ssyncset.done $0x0  }
0x19a: {  	[sflag:s7] =	ssyncadd.s32 $0xFFFF8000  }
0x19b: {  	v3 =	vld [tilespmem:$0x200];
	_ =	sdelay $0x4  }
0x19c: {  	v8 =	vshll.u32 v3, $0x1  }
0x19d: {  	v3 =	vand.u32 $0x7, v3;
	v4 =	vand.u32 $0xFFFFFFF0, v8  }
0x19e: {  	v3 =	vor.u32 v3, v4  }
0x19f: {  	v4 =	vperm.xlane v3, v0;
	_ =	sdelay $0x1  }
0x1a0: {  	v3 =	vperm.xlane v3, v2;
	v4 =	vadd.s32 v1, v4;
	_ =	sdelay $0x1  }
0x1a1: {  	v3 =	vadd.s32 v1, v3;
	_ =	sdelay $0x2  }
0x1a2: {  	[hbm4b:s3+s2] =	stream.indirect_vreg.scatter [tilespmem:s6], [sflag:$0x2], $0x80, v4, vm0, $0xb8;
	[tilespmem:$0x10C00] =	vst v63  }
0x1a3: {  	s17 =	simm.s32 $0x1400  }
0x1a4: {  	[hbm4b:s3+s2] =	stream.indirect_vreg.scatter [tilespmem:s17], [sflag:$0x2], $0x80, v3, vm0, $0xb8;
	[tilespmem:$0x10C00] =	vst v63  }
0x1a5: {  	v3 =	vld [tilespmem:$0x210];
	_ =	sdelay $0x4  }
0x1a6: {  	v9 =	vshll.u32 v3, $0x1  }
0x1a7: {  	v3 =	vand.u32 $0x7, v3;
	v4 =	vand.u32 $0xFFFFFFF0, v9  }
0x1a8: {  	v3 =	vor.u32 v3, v4  }
0x1a9: {  	v4 =	vperm.xlane v3, v0;
	_ =	sdelay $0x1  }
0x1aa: {  	v3 =	vperm.xlane v3, v2;
	v4 =	vadd.s32 v1, v4;
	_ =	sdelay $0x1  }
0x1ab: {  	v3 =	vadd.s32 v1, v3;
	_ =	sdelay $0x1  }
0x1ac: {  	s17 =	simm.s32 $0x1C00  }
0x1ad: {  	[hbm4b:s3+s2] =	stream.indirect_vreg.scatter [tilespmem:s17], [sflag:$0x2], $0x80, v4, vm0, $0xb8;
	[tilespmem:$0x10C00] =	vst v63  }
0x1ae: {  	_ = 	snop  }
0x1af: {  	[hbm4b:s3+s2] =	stream.indirect_vreg.scatter [tilespmem:s21], [sflag:$0x2], $0x80, v3, vm0, $0xb8;
	[tilespmem:$0x10C00] =	vst v63  }
0x1b0: {  	v3 =	vld [tilespmem:$0x220];
	_ =	sdelay $0x4  }
0x1b1: {  	v10 =	vshll.u32 v3, $0x1  }
0x1b2: {  	v3 =	vand.u32 $0x7, v3;
	v4 =	vand.u32 $0xFFFFFFF0, v10  }
0x1b3: {  	v3 =	vor.u32 v3, v4  }
0x1b4: {  	v4 =	vperm.xlane v3, v0;
	_ =	sdelay $0x1  }
0x1b5: {  	v3 =	vperm.xlane v3, v2;
	v4 =	vadd.s32 v1, v4;
	_ =	sdelay $0x1  }
0x1b6: {  	v3 =	vadd.s32 v1, v3;
	_ =	sdelay $0x1  }
0x1b7: {  	s21 =	simm.s32 $0x2C00  }
0x1b8: {  	[hbm4b:s3+s2] =	stream.indirect_vreg.scatter [tilespmem:s21], [sflag:$0x2], $0x80, v4, vm0, $0xb8;
	[tilespmem:$0x10C00] =	vst v63  }
0x1b9: {  	s21 =	simm.s32 $0x3400  }
0x1ba: {  	[hbm4b:s3+s2] =	stream.indirect_vreg.scatter [tilespmem:s21], [sflag:$0x2], $0x80, v3, vm0, $0xb8;
	[tilespmem:$0x10C00] =	vst v63  }
0x1bb: {  	v3 =	vld [tilespmem:$0x230];
	_ =	sdelay $0x4  }
0x1bc: {  	v11 =	vshll.u32 v3, $0x1  }
0x1bd: {  	v3 =	vand.u32 $0x7, v3;
	v4 =	vand.u32 $0xFFFFFFF0, v11  }
0x1be: {  	v3 =	vor.u32 v3, v4  }
0x1bf: {  	v4 =	vperm.xlane v3, v0;
	_ =	sdelay $0x1  }
0x1c0: {  	v3 =	vperm.xlane v3, v2;
	v4 =	vadd.s32 v1, v4;
	_ =	sdelay $0x1  }
0x1c1: {  	v3 =	vadd.s32 v1, v3;
	_ =	sdelay $0x1  }
0x1c2: {  	s21 =	simm.s32 $0x3C00  }
0x1c3: {  	[hbm4b:s3+s2] =	stream.indirect_vreg.scatter [tilespmem:s21], [sflag:$0x2], $0x80, v4, vm0, $0xb8;
	[tilespmem:$0x10C00] =	vst v63  }
0x1c4: {  	_ = 	snop  }
0x1c5: {  	[hbm4b:s3+s2] =	stream.indirect_vreg.scatter [tilespmem:s24], [sflag:$0x2], $0x80, v3, vm0, $0xb8;
	[tilespmem:$0x10C00] =	vst v63  }
0x1c6: {  	v3 =	vld [tilespmem:$0x240];
	_ =	sdelay $0x4  }
0x1c7: {  	v12 =	vshll.u32 v3, $0x1  }
0x1c8: {  	v3 =	vand.u32 $0x7, v3;
	v4 =	vand.u32 $0xFFFFFFF0, v12  }
0x1c9: {  	v3 =	vor.u32 v3, v4  }
0x1ca: {  	v4 =	vperm.xlane v3, v0;
	_ =	sdelay $0x1  }
0x1cb: {  	v3 =	vperm.xlane v3, v2;
	v4 =	vadd.s32 v1, v4;
	_ =	sdelay $0x1  }
0x1cc: {  	v3 =	vadd.s32 v1, v3;
	_ =	sdelay $0x2  }
0x1cd: {  	[hbm4b:s3+s2] =	stream.indirect_vreg.scatter [tilespmem:s22], [sflag:$0x2], $0x80, v4, vm0, $0xb8;
	[tilespmem:$0x10C00] =	vst v63  }
0x1ce: {  	s24 =	simm.s32 $0x5400  }
0x1cf: {  	[hbm4b:s3+s2] =	stream.indirect_vreg.scatter [tilespmem:s24], [sflag:$0x2], $0x80, v3, vm0, $0xb8;
	[tilespmem:$0x10C00] =	vst v63  }
0x1d0: {  	v3 =	vld [tilespmem:$0x250];
	_ =	sdelay $0x4  }
0x1d1: {  	v13 =	vshll.u32 v3, $0x1  }
0x1d2: {  	v3 =	vand.u32 $0x7, v3;
	v4 =	vand.u32 $0xFFFFFFF0, v13  }
0x1d3: {  	v3 =	vor.u32 v3, v4  }
0x1d4: {  	v4 =	vperm.xlane v3, v0;
	_ =	sdelay $0x1  }
0x1d5: {  	v3 =	vperm.xlane v3, v2;
	v4 =	vadd.s32 v1, v4;
	_ =	sdelay $0x1  }
0x1d6: {  	v3 =	vadd.s32 v1, v3;
	_ =	sdelay $0x2  }
0x1d7: {  	[hbm4b:s3+s2] =	stream.indirect_vreg.scatter [tilespmem:s25], [sflag:$0x2], $0x80, v4, vm0, $0xb8;
	[tilespmem:$0x10C00] =	vst v63  }
0x1d8: {  	_ = 	snop  }
0x1d9: {  	[hbm4b:s3+s2] =	stream.indirect_vreg.scatter [tilespmem:s26], [sflag:$0x2], $0x80, v3, vm0, $0xb8;
	[tilespmem:$0x10C00] =	vst v63  }
0x1da: {  	v3 =	vld [tilespmem:$0x260];
	_ =	sdelay $0x4  }
0x1db: {  	v14 =	vshll.u32 v3, $0x1  }
0x1dc: {  	v3 =	vand.u32 $0x7, v3;
	v4 =	vand.u32 $0xFFFFFFF0, v14  }
0x1dd: {  	v3 =	vor.u32 v3, v4  }
0x1de: {  	v4 =	vperm.xlane v3, v0;
	_ =	sdelay $0x1  }
0x1df: {  	v3 =	vperm.xlane v3, v2;
	v4 =	vadd.s32 v1, v4;
	_ =	sdelay $0x1  }
0x1e0: {  	v3 =	vadd.s32 v1, v3;
	_ =	sdelay $0x2  }
0x1e1: {  	[hbm4b:s3+s2] =	stream.indirect_vreg.scatter [tilespmem:s28], [sflag:$0x2], $0x80, v4, vm0, $0xb8;
	[tilespmem:$0x10C00] =	vst v63  }
0x1e2: {  	_ = 	snop  }
0x1e3: {  	[hbm4b:s3+s2] =	stream.indirect_vreg.scatter [tilespmem:s29], [sflag:$0x2], $0x80, v3, vm0, $0xb8;
	[tilespmem:$0x10C00] =	vst v63  }
0x1e4: {  	v3 =	vld [tilespmem:$0x270];
	_ =	sdelay $0x4  }
0x1e5: {  	v15 =	vshll.u32 v3, $0x1  }
0x1e6: {  	v3 =	vand.u32 $0x7, v3;
	v4 =	vand.u32 $0xFFFFFFF0, v15  }
0x1e7: {  	v3 =	vor.u32 v3, v4  }
0x1e8: {  	v4 =	vperm.xlane v3, v0;
	_ =	sdelay $0x1  }
0x1e9: {  	v3 =	vperm.xlane v3, v2;
	v4 =	vadd.s32 v1, v4;
	_ =	sdelay $0x1  }
0x1ea: {  	v3 =	vadd.s32 v1, v3;
	_ =	sdelay $0x2  }
0x1eb: {  	[hbm4b:s3+s2] =	stream.indirect_vreg.scatter [tilespmem:s30], [sflag:$0x2], $0x80, v4, vm0, $0xb8;
	[tilespmem:$0x10C00] =	vst v63  }
0x1ec: {  	s30 =	simm.s32 $0x8400  }
0x1ed: {  	[hbm4b:s3+s2] =	stream.indirect_vreg.scatter [tilespmem:s30], [sflag:$0x2], $0x80, v3, vm0, $0xb8;
	[tilespmem:$0x10C00] =	vst v63  }
0x1ee: {  	_ =	swait.ge [sflag:s13], $0x8000  }
0x1ef: {  	[sflag:s13] =	ssyncset.done $0x0  }
0x1f0: {  	s30 =	rddreg [dreg:$0x9];
	[sflag:s13] =	ssyncadd.s32 $0xFFFF8000  }
0x1f1: {  	[tilespmem:s23], [sflag:$0x1] =	stream.linear.gather [hbm4b:s30+s2], $0x8000, $0x38;
	[tilespmem:$0x10C00] =	vst v63  }
0x1f2: {  	_ =	swait.ge [sflag:s7], $0x8000  }
0x1f3: {  	[sflag:s7] =	ssyncset.done $0x0  }
0x1f4: {  	[sflag:s7] =	ssyncadd.s32 $0xFFFF8000  }
0x1f5: {  	v3 =	vld [tilespmem:$0x280];
	_ =	sdelay $0x4  }
0x1f6: {  	v16 =	vshll.u32 v3, $0x1  }
0x1f7: {  	v3 =	vand.u32 $0x7, v3;
	v4 =	vand.u32 $0xFFFFFFF0, v16  }
0x1f8: {  	v3 =	vor.u32 v3, v4  }
0x1f9: {  	v4 =	vperm.xlane v3, v0;
	_ =	sdelay $0x1  }
0x1fa: {  	v3 =	vperm.xlane v3, v2;
	v4 =	vadd.s32 v1, v4;
	_ =	sdelay $0x1  }
0x1fb: {  	v3 =	vadd.s32 v1, v3;
	_ =	sdelay $0x2  }
0x1fc: {  	[hbm4b:s3+s2] =	stream.indirect_vreg.scatter [tilespmem:s23], [sflag:$0x2], $0x80, v4, vm0, $0xb8;
	[tilespmem:$0x10C00] =	vst v63  }
0x1fd: {  	s31 =	simm.s32 $0x9400  }
0x1fe: {  	[hbm4b:s3+s2] =	stream.indirect_vreg.scatter [tilespmem:s31], [sflag:$0x2], $0x80, v3, vm0, $0xb8;
	[tilespmem:$0x10C00] =	vst v63  }
0x1ff: {  	v3 =	vld [tilespmem:$0x290];
	_ =	sdelay $0x4  }
0x200: {  	v17 =	vshll.u32 v3, $0x1  }
0x201: {  	v3 =	vand.u32 $0x7, v3;
	v4 =	vand.u32 $0xFFFFFFF0, v17  }
0x202: {  	v3 =	vor.u32 v3, v4  }
0x203: {  	v4 =	vperm.xlane v3, v0;
	_ =	sdelay $0x1  }
0x204: {  	v3 =	vperm.xlane v3, v2;
	v4 =	vadd.s32 v1, v4;
	_ =	sdelay $0x1  }
0x205: {  	v3 =	vadd.s32 v1, v3;
	_ =	sdelay $0x2  }
0x206: {  	[hbm4b:s3+s2] =	stream.indirect_vreg.scatter [tilespmem:s5], [sflag:$0x2], $0x80, v4, vm0, $0xb8;
	[tilespmem:$0x10C00] =	vst v63  }
0x207: {  	_ = 	snop  }
0x208: {  	[hbm4b:s3+s2] =	stream.indirect_vreg.scatter [tilespmem:s18], [sflag:$0x2], $0x80, v3, vm0, $0xb8;
	[tilespmem:$0x10C00] =	vst v63  }
0x209: {  	v3 =	vld [tilespmem:$0x2A0];
	_ =	sdelay $0x4  }
0x20a: {  	v18 =	vshll.u32 v3, $0x1  }
0x20b: {  	v3 =	vand.u32 $0x7, v3;
	v4 =	vand.u32 $0xFFFFFFF0, v18  }
0x20c: {  	v3 =	vor.u32 v3, v4  }
0x20d: {  	v4 =	vperm.xlane v3, v0;
	_ =	sdelay $0x1  }
0x20e: {  	v3 =	vperm.xlane v3, v2;
	v4 =	vadd.s32 v1, v4;
	_ =	sdelay $0x1  }
0x20f: {  	v3 =	vadd.s32 v1, v3;
	_ =	sdelay $0x1  }
0x210: {  	s8 =	simm.s32 $0xAC00  }
0x211: {  	[hbm4b:s3+s2] =	stream.indirect_vreg.scatter [tilespmem:s8], [sflag:$0x2], $0x80, v4, vm0, $0xb8;
	[tilespmem:$0x10C00] =	vst v63  }
0x212: {  	_ = 	snop  }
0x213: {  	[hbm4b:s3+s2] =	stream.indirect_vreg.scatter [tilespmem:s19], [sflag:$0x2], $0x80, v3, vm0, $0xb8;
	[tilespmem:$0x10C00] =	vst v63  }
0x214: {  	v3 =	vld [tilespmem:$0x2B0];
	_ =	sdelay $0x4  }
0x215: {  	v19 =	vshll.u32 v3, $0x1  }
0x216: {  	v3 =	vand.u32 $0x7, v3;
	v4 =	vand.u32 $0xFFFFFFF0, v19  }
0x217: {  	v3 =	vor.u32 v3, v4  }
0x218: {  	v4 =	vperm.xlane v3, v0;
	_ =	sdelay $0x1  }
0x219: {  	v3 =	vperm.xlane v3, v2;
	v4 =	vadd.s32 v1, v4;
	_ =	sdelay $0x1  }
0x21a: {  	v3 =	vadd.s32 v1, v3;
	_ =	sdelay $0x1  }
0x21b: {  	s10 =	simm.s32 $0xBC00  }
0x21c: {  	[hbm4b:s3+s2] =	stream.indirect_vreg.scatter [tilespmem:s10], [sflag:$0x2], $0x80, v4, vm0, $0xb8;
	[tilespmem:$0x10C00] =	vst v63  }
0x21d: {  	_ = 	snop  }
0x21e: {  	[hbm4b:s3+s2] =	stream.indirect_vreg.scatter [tilespmem:s20], [sflag:$0x2], $0x80, v3, vm0, $0xb8;
	[tilespmem:$0x10C00] =	vst v63  }
0x21f: {  	v3 =	vld [tilespmem:$0x2C0];
	_ =	sdelay $0x4  }
0x220: {  	v20 =	vshll.u32 v3, $0x1  }
0x221: {  	v3 =	vand.u32 $0x7, v3;
	v4 =	vand.u32 $0xFFFFFFF0, v20  }
0x222: {  	v3 =	vor.u32 v3, v4  }
0x223: {  	v4 =	vperm.xlane v3, v0;
	_ =	sdelay $0x1  }
0x224: {  	v3 =	vperm.xlane v3, v2;
	v4 =	vadd.s32 v1, v4;
	_ =	sdelay $0x1  }
0x225: {  	v3 =	vadd.s32 v1, v3;
	_ =	sdelay $0x1  }
0x226: {  	s12 =	simm.s32 $0xCC00  }
0x227: {  	[hbm4b:s3+s2] =	stream.indirect_vreg.scatter [tilespmem:s12], [sflag:$0x2], $0x80, v4, vm0, $0xb8;
	[tilespmem:$0x10C00] =	vst v63  }
0x228: {  	s9 =	simm.s32 $0xD400  }
0x229: {  	[hbm4b:s3+s2] =	stream.indirect_vreg.scatter [tilespmem:s9], [sflag:$0x2], $0x80, v3, vm0, $0xb8;
	[tilespmem:$0x10C00] =	vst v63  }
0x22a: {  	v3 =	vld [tilespmem:$0x2D0];
	_ =	sdelay $0x4  }
0x22b: {  	v21 =	vshll.u32 v3, $0x1  }
0x22c: {  	v3 =	vand.u32 $0x7, v3;
	v4 =	vand.u32 $0xFFFFFFF0, v21  }
0x22d: {  	v3 =	vor.u32 v3, v4  }
0x22e: {  	v4 =	vperm.xlane v3, v0;
	_ =	sdelay $0x1  }
0x22f: {  	v3 =	vperm.xlane v3, v2;
	v4 =	vadd.s32 v1, v4;
	_ =	sdelay $0x1  }
0x230: {  	v3 =	vadd.s32 v1, v3;
	_ =	sdelay $0x1  }
0x231: {  	s0 =	simm.s32 $0xDC00  }
0x232: {  	[hbm4b:s3+s2] =	stream.indirect_vreg.scatter [tilespmem:s0], [sflag:$0x2], $0x80, v4, vm0, $0xb8;
	[tilespmem:$0x10C00] =	vst v63  }
0x233: {  	s11 =	simm.s32 $0xE400  }
0x234: {  	[hbm4b:s3+s2] =	stream.indirect_vreg.scatter [tilespmem:s11], [sflag:$0x2], $0x80, v3, vm0, $0xb8;
	[tilespmem:$0x10C00] =	vst v63  }
0x235: {  	v3 =	vld [tilespmem:$0x2E0];
	_ =	sdelay $0x4  }
0x236: {  	v22 =	vshll.u32 v3, $0x1  }
0x237: {  	v3 =	vand.u32 $0x7, v3;
	v4 =	vand.u32 $0xFFFFFFF0, v22  }
0x238: {  	v3 =	vor.u32 v3, v4  }
0x239: {  	v4 =	vperm.xlane v3, v0;
	_ =	sdelay $0x1  }
0x23a: {  	v3 =	vperm.xlane v3, v2;
	v4 =	vadd.s32 v1, v4;
	_ =	sdelay $0x1  }
0x23b: {  	v3 =	vadd.s32 v1, v3;
	_ =	sdelay $0x1  }
0x23c: {  	s1 =	simm.s32 $0xEC00  }
0x23d: {  	[hbm4b:s3+s2] =	stream.indirect_vreg.scatter [tilespmem:s1], [sflag:$0x2], $0x80, v4, vm0, $0xb8;
	[tilespmem:$0x10C00] =	vst v63  }
0x23e: {  	s15 =	simm.s32 $0xF400  }
0x23f: {  	[hbm4b:s3+s2] =	stream.indirect_vreg.scatter [tilespmem:s15], [sflag:$0x2], $0x80, v3, vm0, $0xb8;
	[tilespmem:$0x10C00] =	vst v63  }
0x240: {  	v3 =	vld [tilespmem:$0x2F0];
	_ =	sdelay $0x4  }
0x241: {  	v23 =	vshll.u32 v3, $0x1  }
0x242: {  	v3 =	vand.u32 $0x7, v3;
	v4 =	vand.u32 $0xFFFFFFF0, v23  }
0x243: {  	v3 =	vor.u32 v3, v4  }
0x244: {  	v4 =	vperm.xlane v3, v0;
	_ =	sdelay $0x1  }
0x245: {  	v3 =	vperm.xlane v3, v2;
	v4 =	vadd.s32 v1, v4;
	_ =	sdelay $0x1  }
0x246: {  	v3 =	vadd.s32 v1, v3;
	_ =	sdelay $0x1  }
0x247: {  	s4 =	simm.s32 $0xFC00  }
0x248: {  	[hbm4b:s3+s2] =	stream.indirect_vreg.scatter [tilespmem:s4], [sflag:$0x2], $0x80, v4, vm0, $0xb8;
	[tilespmem:$0x10C00] =	vst v63  }
0x249: {  	s16 =	simm.s32 $0x10400  }
0x24a: {  	[hbm4b:s3+s2] =	stream.indirect_vreg.scatter [tilespmem:s16], [sflag:$0x2], $0x80, v3, vm0, $0xb8;
	[tilespmem:$0x10C00] =	vst v63  }
0x24b: {  	_ =	swait.ge [sflag:s13], $0x8000  }
0x24c: {  	[sflag:s13] =	ssyncset.done $0x0  }
0x24d: {  	s16 =	rddreg [dreg:$0xa];
	[sflag:s13] =	ssyncadd.s32 $0xFFFF8000  }
0x24e: {  	[tilespmem:s6], [sflag:$0x1] =	stream.linear.gather [hbm4b:s16+s2], $0x8000, $0x38;
	[tilespmem:$0x10C00] =	vst v63  }
0x24f: {  	_ =	swait.ge [sflag:s7], $0x8000  }
0x250: {  	[sflag:s7] =	ssyncset.done $0x0  }
0x251: {  	[sflag:s7] =	ssyncadd.s32 $0xFFFF8000  }
0x252: {  	v3 =	vld [tilespmem:$0x300];
	_ =	sdelay $0x4  }
0x253: {  	v24 =	vshll.u32 v3, $0x1  }
0x254: {  	v3 =	vand.u32 $0x7, v3;
	v4 =	vand.u32 $0xFFFFFFF0, v24  }
0x255: {  	v3 =	vor.u32 v3, v4  }
0x256: {  	v4 =	vperm.xlane v3, v0;
	_ =	sdelay $0x1  }
0x257: {  	v3 =	vperm.xlane v3, v2;
	v4 =	vadd.s32 v1, v4;
	_ =	sdelay $0x1  }
0x258: {  	v3 =	vadd.s32 v1, v3;
	_ =	sdelay $0x2  }
0x259: {  	[hbm4b:s3+s2] =	stream.indirect_vreg.scatter [tilespmem:s6], [sflag:$0x2], $0x80, v4, vm0, $0xb8;
	[tilespmem:$0x10C00] =	vst v63  }
0x25a: {  	s15 =	simm.s32 $0x1400  }
0x25b: {  	[hbm4b:s3+s2] =	stream.indirect_vreg.scatter [tilespmem:s15], [sflag:$0x2], $0x80, v3, vm0, $0xb8;
	[tilespmem:$0x10C00] =	vst v63  }
0x25c: {  	v3 =	vld [tilespmem:$0x310];
	_ =	sdelay $0x4  }
0x25d: {  	v25 =	vshll.u32 v3, $0x1  }
0x25e: {  	v3 =	vand.u32 $0x7, v3;
	v4 =	vand.u32 $0xFFFFFFF0, v25  }
0x25f: {  	v3 =	vor.u32 v3, v4  }
0x260: {  	v4 =	vperm.xlane v3, v0;
	_ =	sdelay $0x1  }
0x261: {  	v3 =	vperm.xlane v3, v2;
	v4 =	vadd.s32 v1, v4;
	_ =	sdelay $0x1  }
0x262: {  	v3 =	vadd.s32 v1, v3;
	_ =	sdelay $0x1  }
0x263: {  	s16 =	simm.s32 $0x1C00  }
0x264: {  	[hbm4b:s3+s2] =	stream.indirect_vreg.scatter [tilespmem:s16], [sflag:$0x2], $0x80, v4, vm0, $0xb8;
	[tilespmem:$0x10C00] =	vst v63  }
0x265: {  	s17 =	simm.s32 $0x2400  }
0x266: {  	[hbm4b:s3+s2] =	stream.indirect_vreg.scatter [tilespmem:s17], [sflag:$0x2], $0x80, v3, vm0, $0xb8;
	[tilespmem:$0x10C00] =	vst v63  }
0x267: {  	v3 =	vld [tilespmem:$0x320];
	_ =	sdelay $0x4  }
0x268: {  	v26 =	vshll.u32 v3, $0x1  }
0x269: {  	v3 =	vand.u32 $0x7, v3;
	v4 =	vand.u32 $0xFFFFFFF0, v26  }
0x26a: {  	v3 =	vor.u32 v3, v4  }
0x26b: {  	v4 =	vperm.xlane v3, v0;
	_ =	sdelay $0x1  }
0x26c: {  	v3 =	vperm.xlane v3, v2;
	v4 =	vadd.s32 v1, v4;
	_ =	sdelay $0x1  }
0x26d: {  	v3 =	vadd.s32 v1, v3;
	_ =	sdelay $0x1  }
0x26e: {  	s17 =	simm.s32 $0x2C00  }
0x26f: {  	[hbm4b:s3+s2] =	stream.indirect_vreg.scatter [tilespmem:s17], [sflag:$0x2], $0x80, v4, vm0, $0xb8;
	[tilespmem:$0x10C00] =	vst v63  }
0x270: {  	s16 =	simm.s32 $0x3400  }
0x271: {  	[hbm4b:s3+s2] =	stream.indirect_vreg.scatter [tilespmem:s16], [sflag:$0x2], $0x80, v3, vm0, $0xb8;
	[tilespmem:$0x10C00] =	vst v63  }
0x272: {  	v3 =	vld [tilespmem:$0x330];
	_ =	sdelay $0x4  }
0x273: {  	v27 =	vshll.u32 v3, $0x1  }
0x274: {  	v3 =	vand.u32 $0x7, v3;
	v4 =	vand.u32 $0xFFFFFFF0, v27  }
0x275: {  	v3 =	vor.u32 v3, v4  }
0x276: {  	v4 =	vperm.xlane v3, v0;
	_ =	sdelay $0x1  }
0x277: {  	v3 =	vperm.xlane v3, v2;
	v4 =	vadd.s32 v1, v4;
	_ =	sdelay $0x1  }
0x278: {  	v3 =	vadd.s32 v1, v3;
	_ =	sdelay $0x1  }
0x279: {  	s17 =	simm.s32 $0x3C00  }
0x27a: {  	[hbm4b:s3+s2] =	stream.indirect_vreg.scatter [tilespmem:s17], [sflag:$0x2], $0x80, v4, vm0, $0xb8;
	[tilespmem:$0x10C00] =	vst v63  }
0x27b: {  	s21 =	simm.s32 $0x4400  }
0x27c: {  	[hbm4b:s3+s2] =	stream.indirect_vreg.scatter [tilespmem:s21], [sflag:$0x2], $0x80, v3, vm0, $0xb8;
	[tilespmem:$0x10C00] =	vst v63  }
0x27d: {  	v3 =	vld [tilespmem:$0x340];
	_ =	sdelay $0x4  }
0x27e: {  	v28 =	vshll.u32 v3, $0x1  }
0x27f: {  	v3 =	vand.u32 $0x7, v3;
	v4 =	vand.u32 $0xFFFFFFF0, v28  }
0x280: {  	v3 =	vor.u32 v3, v4  }
0x281: {  	v4 =	vperm.xlane v3, v0;
	_ =	sdelay $0x1  }
0x282: {  	v3 =	vperm.xlane v3, v2;
	v4 =	vadd.s32 v1, v4;
	_ =	sdelay $0x1  }
0x283: {  	v3 =	vadd.s32 v1, v3;
	_ =	sdelay $0x1  }
0x284: {  	s22 =	simm.s32 $0x4C00  }
0x285: {  	[hbm4b:s3+s2] =	stream.indirect_vreg.scatter [tilespmem:s22], [sflag:$0x2], $0x80, v4, vm0, $0xb8;
	[tilespmem:$0x10C00] =	vst v63  }
0x286: {  	s22 =	simm.s32 $0x5400  }
0x287: {  	[hbm4b:s3+s2] =	stream.indirect_vreg.scatter [tilespmem:s22], [sflag:$0x2], $0x80, v3, vm0, $0xb8;
	[tilespmem:$0x10C00] =	vst v63  }
0x288: {  	v3 =	vld [tilespmem:$0x350];
	_ =	sdelay $0x4  }
0x289: {  	v29 =	vshll.u32 v3, $0x1  }
0x28a: {  	v3 =	vand.u32 $0x7, v3;
	v4 =	vand.u32 $0xFFFFFFF0, v29  }
0x28b: {  	v3 =	vor.u32 v3, v4  }
0x28c: {  	v4 =	vperm.xlane v3, v0;
	_ =	sdelay $0x1  }
0x28d: {  	v3 =	vperm.xlane v3, v2;
	v4 =	vadd.s32 v1, v4;
	_ =	sdelay $0x1  }
0x28e: {  	v3 =	vadd.s32 v1, v3;
	_ =	sdelay $0x1  }
0x28f: {  	s24 =	simm.s32 $0x5C00  }
0x290: {  	[hbm4b:s3+s2] =	stream.indirect_vreg.scatter [tilespmem:s24], [sflag:$0x2], $0x80, v4, vm0, $0xb8;
	[tilespmem:$0x10C00] =	vst v63  }
0x291: {  	s25 =	simm.s32 $0x6400  }
0x292: {  	[hbm4b:s3+s2] =	stream.indirect_vreg.scatter [tilespmem:s25], [sflag:$0x2], $0x80, v3, vm0, $0xb8;
	[tilespmem:$0x10C00] =	vst v63  }
0x293: {  	v3 =	vld [tilespmem:$0x360];
	_ =	sdelay $0x4  }
0x294: {  	v30 =	vshll.u32 v3, $0x1  }
0x295: {  	v3 =	vand.u32 $0x7, v3;
	v4 =	vand.u32 $0xFFFFFFF0, v30  }
0x296: {  	v3 =	vor.u32 v3, v4  }
0x297: {  	v4 =	vperm.xlane v3, v0;
	_ =	sdelay $0x1  }
0x298: {  	v3 =	vperm.xlane v3, v2;
	v4 =	vadd.s32 v1, v4;
	_ =	sdelay $0x1  }
0x299: {  	v3 =	vadd.s32 v1, v3;
	_ =	sdelay $0x1  }
0x29a: {  	s26 =	simm.s32 $0x6C00  }
0x29b: {  	[hbm4b:s3+s2] =	stream.indirect_vreg.scatter [tilespmem:s26], [sflag:$0x2], $0x80, v4, vm0, $0xb8;
	[tilespmem:$0x10C00] =	vst v63  }
0x29c: {  	s28 =	simm.s32 $0x7400  }
0x29d: {  	[hbm4b:s3+s2] =	stream.indirect_vreg.scatter [tilespmem:s28], [sflag:$0x2], $0x80, v3, vm0, $0xb8;
	[tilespmem:$0x10C00] =	vst v63  }
0x29e: {  	v3 =	vld [tilespmem:$0x370];
	_ =	sdelay $0x4  }
0x29f: {  	v31 =	vshll.u32 v3, $0x1  }
0x2a0: {  	v3 =	vand.u32 $0x7, v3;
	v4 =	vand.u32 $0xFFFFFFF0, v31  }
0x2a1: {  	v3 =	vor.u32 v3, v4  }
0x2a2: {  	v4 =	vperm.xlane v3, v0;
	_ =	sdelay $0x1  }
0x2a3: {  	v3 =	vperm.xlane v3, v2;
	v4 =	vadd.s32 v1, v4;
	_ =	sdelay $0x1  }
0x2a4: {  	v3 =	vadd.s32 v1, v3;
	_ =	sdelay $0x1  }
0x2a5: {  	s29 =	simm.s32 $0x7C00  }
0x2a6: {  	[hbm4b:s3+s2] =	stream.indirect_vreg.scatter [tilespmem:s29], [sflag:$0x2], $0x80, v4, vm0, $0xb8;
	[tilespmem:$0x10C00] =	vst v63  }
0x2a7: {  	s29 =	simm.s32 $0x8400  }
0x2a8: {  	[hbm4b:s3+s2] =	stream.indirect_vreg.scatter [tilespmem:s29], [sflag:$0x2], $0x80, v3, vm0, $0xb8;
	[tilespmem:$0x10C00] =	vst v63  }
0x2a9: {  	_ =	swait.ge [sflag:s13], $0x8000  }
0x2aa: {  	[sflag:s13] =	ssyncset.done $0x0  }
0x2ab: {  	s28 =	rddreg [dreg:$0xb];
	[sflag:s13] =	ssyncadd.s32 $0xFFFF8000  }
0x2ac: {  	[tilespmem:s23], [sflag:$0x1] =	stream.linear.gather [hbm4b:s28+s2], $0x8000, $0x38;
	[tilespmem:$0x10C00] =	vst v63  }
0x2ad: {  	_ =	swait.ge [sflag:s7], $0x8000  }
0x2ae: {  	[sflag:s7] =	ssyncset.done $0x0  }
0x2af: {  	[sflag:s7] =	ssyncadd.s32 $0xFFFF8000  }
0x2b0: {  	v3 =	vld [tilespmem:$0x380];
	_ =	sdelay $0x4  }
0x2b1: {  	v32 =	vshll.u32 v3, $0x1  }
0x2b2: {  	v3 =	vand.u32 $0x7, v3;
	v4 =	vand.u32 $0xFFFFFFF0, v32  }
0x2b3: {  	v3 =	vor.u32 v3, v4  }
0x2b4: {  	v4 =	vperm.xlane v3, v0;
	_ =	sdelay $0x1  }
0x2b5: {  	v3 =	vperm.xlane v3, v2;
	v4 =	vadd.s32 v1, v4;
	_ =	sdelay $0x1  }
0x2b6: {  	v3 =	vadd.s32 v1, v3;
	_ =	sdelay $0x2  }
0x2b7: {  	[hbm4b:s3+s2] =	stream.indirect_vreg.scatter [tilespmem:s23], [sflag:$0x2], $0x80, v4, vm0, $0xb8;
	[tilespmem:$0x10C00] =	vst v63  }
0x2b8: {  	s29 =	simm.s32 $0x9400  }
0x2b9: {  	[hbm4b:s3+s2] =	stream.indirect_vreg.scatter [tilespmem:s29], [sflag:$0x2], $0x80, v3, vm0, $0xb8;
	[tilespmem:$0x10C00] =	vst v63  }
0x2ba: {  	v3 =	vld [tilespmem:$0x390];
	_ =	sdelay $0x4  }
0x2bb: {  	v33 =	vshll.u32 v3, $0x1  }
0x2bc: {  	v3 =	vand.u32 $0x7, v3;
	v4 =	vand.u32 $0xFFFFFFF0, v33  }
0x2bd: {  	v3 =	vor.u32 v3, v4  }
0x2be: {  	v4 =	vperm.xlane v3, v0;
	_ =	sdelay $0x1  }
0x2bf: {  	v3 =	vperm.xlane v3, v2;
	v4 =	vadd.s32 v1, v4;
	_ =	sdelay $0x1  }
0x2c0: {  	v3 =	vadd.s32 v1, v3;
	_ =	sdelay $0x1  }
0x2c1: {  	s5 =	simm.s32 $0x9C00  }
0x2c2: {  	[hbm4b:s3+s2] =	stream.indirect_vreg.scatter [tilespmem:s5], [sflag:$0x2], $0x80, v4, vm0, $0xb8;
	[tilespmem:$0x10C00] =	vst v63  }
0x2c3: {  	s18 =	simm.s32 $0xA400  }
0x2c4: {  	[hbm4b:s3+s2] =	stream.indirect_vreg.scatter [tilespmem:s18], [sflag:$0x2], $0x80, v3, vm0, $0xb8;
	[tilespmem:$0x10C00] =	vst v63  }
0x2c5: {  	v3 =	vld [tilespmem:$0x3A0];
	_ =	sdelay $0x4  }
0x2c6: {  	v34 =	vshll.u32 v3, $0x1  }
0x2c7: {  	v3 =	vand.u32 $0x7, v3;
	v4 =	vand.u32 $0xFFFFFFF0, v34  }
0x2c8: {  	v3 =	vor.u32 v3, v4  }
0x2c9: {  	v4 =	vperm.xlane v3, v0;
	_ =	sdelay $0x1  }
0x2ca: {  	v3 =	vperm.xlane v3, v2;
	v4 =	vadd.s32 v1, v4;
	_ =	sdelay $0x1  }
0x2cb: {  	v3 =	vadd.s32 v1, v3;
	_ =	sdelay $0x1  }
0x2cc: {  	s30 =	simm.s32 $0xAC00  }
0x2cd: {  	[hbm4b:s3+s2] =	stream.indirect_vreg.scatter [tilespmem:s30], [sflag:$0x2], $0x80, v4, vm0, $0xb8;
	[tilespmem:$0x10C00] =	vst v63  }
0x2ce: {  	s31 =	simm.s32 $0xB400  }
0x2cf: {  	[hbm4b:s3+s2] =	stream.indirect_vreg.scatter [tilespmem:s31], [sflag:$0x2], $0x80, v3, vm0, $0xb8;
	[tilespmem:$0x10C00] =	vst v63  }
0x2d0: {  	v3 =	vld [tilespmem:$0x3B0];
	_ =	sdelay $0x4  }
0x2d1: {  	v35 =	vshll.u32 v3, $0x1  }
0x2d2: {  	v3 =	vand.u32 $0x7, v3;
	v4 =	vand.u32 $0xFFFFFFF0, v35  }
0x2d3: {  	v3 =	vor.u32 v3, v4  }
0x2d4: {  	v4 =	vperm.xlane v3, v0;
	_ =	sdelay $0x1  }
0x2d5: {  	v3 =	vperm.xlane v3, v2;
	v4 =	vadd.s32 v1, v4;
	_ =	sdelay $0x1  }
0x2d6: {  	v3 =	vadd.s32 v1, v3;
	_ =	sdelay $0x1  }
0x2d7: {  	s19 =	simm.s32 $0xBC00  }
0x2d8: {  	[hbm4b:s3+s2] =	stream.indirect_vreg.scatter [tilespmem:s19], [sflag:$0x2], $0x80, v4, vm0, $0xb8;
	[tilespmem:$0x10C00] =	vst v63  }
0x2d9: {  	s20 =	simm.s32 $0xC400  }
0x2da: {  	[hbm4b:s3+s2] =	stream.indirect_vreg.scatter [tilespmem:s20], [sflag:$0x2], $0x80, v3, vm0, $0xb8;
	[tilespmem:$0x10C00] =	vst v63  }
0x2db: {  	v3 =	vld [tilespmem:$0x3C0];
	_ =	sdelay $0x4  }
0x2dc: {  	v36 =	vshll.u32 v3, $0x1  }
0x2dd: {  	v3 =	vand.u32 $0x7, v3;
	v4 =	vand.u32 $0xFFFFFFF0, v36  }
0x2de: {  	v3 =	vor.u32 v3, v4  }
0x2df: {  	v4 =	vperm.xlane v3, v0;
	_ =	sdelay $0x1  }
0x2e0: {  	v3 =	vperm.xlane v3, v2;
	v4 =	vadd.s32 v1, v4;
	_ =	sdelay $0x1  }
0x2e1: {  	v3 =	vadd.s32 v1, v3;
	_ =	sdelay $0x1  }
0x2e2: {  	s12 =	simm.s32 $0xCC00  }
0x2e3: {  	[hbm4b:s3+s2] =	stream.indirect_vreg.scatter [tilespmem:s12], [sflag:$0x2], $0x80, v4, vm0, $0xb8;
	[tilespmem:$0x10C00] =	vst v63  }
0x2e4: {  	s9 =	simm.s32 $0xD400  }
0x2e5: {  	[hbm4b:s3+s2] =	stream.indirect_vreg.scatter [tilespmem:s9], [sflag:$0x2], $0x80, v3, vm0, $0xb8;
	[tilespmem:$0x10C00] =	vst v63  }
0x2e6: {  	v3 =	vld [tilespmem:$0x3D0];
	_ =	sdelay $0x4  }
0x2e7: {  	v37 =	vshll.u32 v3, $0x1  }
0x2e8: {  	v3 =	vand.u32 $0x7, v3;
	v4 =	vand.u32 $0xFFFFFFF0, v37  }
0x2e9: {  	v3 =	vor.u32 v3, v4  }
0x2ea: {  	v4 =	vperm.xlane v3, v0;
	_ =	sdelay $0x1  }
0x2eb: {  	v3 =	vperm.xlane v3, v2;
	v4 =	vadd.s32 v1, v4;
	_ =	sdelay $0x1  }
0x2ec: {  	v3 =	vadd.s32 v1, v3;
	_ =	sdelay $0x1  }
0x2ed: {  	s0 =	simm.s32 $0xDC00  }
0x2ee: {  	[hbm4b:s3+s2] =	stream.indirect_vreg.scatter [tilespmem:s0], [sflag:$0x2], $0x80, v4, vm0, $0xb8;
	[tilespmem:$0x10C00] =	vst v63  }
0x2ef: {  	s10 =	simm.s32 $0xE400  }
0x2f0: {  	[hbm4b:s3+s2] =	stream.indirect_vreg.scatter [tilespmem:s10], [sflag:$0x2], $0x80, v3, vm0, $0xb8;
	[tilespmem:$0x10C00] =	vst v63  }
0x2f1: {  	v3 =	vld [tilespmem:$0x3E0];
	_ =	sdelay $0x4  }
0x2f2: {  	v38 =	vshll.u32 v3, $0x1  }
0x2f3: {  	v3 =	vand.u32 $0x7, v3;
	v4 =	vand.u32 $0xFFFFFFF0, v38  }
0x2f4: {  	v3 =	vor.u32 v3, v4  }
0x2f5: {  	v4 =	vperm.xlane v3, v0;
	_ =	sdelay $0x1  }
0x2f6: {  	v3 =	vperm.xlane v3, v2;
	v4 =	vadd.s32 v1, v4;
	_ =	sdelay $0x1  }
0x2f7: {  	v3 =	vadd.s32 v1, v3;
	_ =	sdelay $0x1  }
0x2f8: {  	s1 =	simm.s32 $0xEC00  }
0x2f9: {  	[hbm4b:s3+s2] =	stream.indirect_vreg.scatter [tilespmem:s1], [sflag:$0x2], $0x80, v4, vm0, $0xb8;
	[tilespmem:$0x10C00] =	vst v63  }
0x2fa: {  	s11 =	simm.s32 $0xF400  }
0x2fb: {  	[hbm4b:s3+s2] =	stream.indirect_vreg.scatter [tilespmem:s11], [sflag:$0x2], $0x80, v3, vm0, $0xb8;
	[tilespmem:$0x10C00] =	vst v63  }
0x2fc: {  	v3 =	vld [tilespmem:$0x3F0];
	_ =	sdelay $0x4  }
0x2fd: {  	v39 =	vshll.u32 v3, $0x1  }
0x2fe: {  	v3 =	vand.u32 $0x7, v3;
	v4 =	vand.u32 $0xFFFFFFF0, v39  }
0x2ff: {  	v3 =	vor.u32 v3, v4  }
0x300: {  	v4 =	vperm.xlane v3, v0;
	_ =	sdelay $0x1  }
0x301: {  	v3 =	vperm.xlane v3, v2;
	v4 =	vadd.s32 v1, v4;
	_ =	sdelay $0x1  }
0x302: {  	v3 =	vadd.s32 v1, v3;
	_ =	sdelay $0x1  }
0x303: {  	s4 =	simm.s32 $0xFC00  }
0x304: {  	[hbm4b:s3+s2] =	stream.indirect_vreg.scatter [tilespmem:s4], [sflag:$0x2], $0x80, v4, vm0, $0xb8;
	[tilespmem:$0x10C00] =	vst v63  }
0x305: {  	s8 =	simm.s32 $0x10400  }
0x306: {  	[hbm4b:s3+s2] =	stream.indirect_vreg.scatter [tilespmem:s8], [sflag:$0x2], $0x80, v3, vm0, $0xb8;
	[tilespmem:$0x10C00] =	vst v63  }
0x307: {  	_ =	swait.ge [sflag:s13], $0x8000  }
0x308: {  	[sflag:s13] =	ssyncset.done $0x0  }
0x309: {  	s11 =	rddreg [dreg:$0xc];
	[sflag:s13] =	ssyncadd.s32 $0xFFFF8000  }
0x30a: {  	[tilespmem:s6], [sflag:$0x1] =	stream.linear.gather [hbm4b:s11+s2], $0x8000, $0x38;
	[tilespmem:$0x10C00] =	vst v63  }
0x30b: {  	_ =	swait.ge [sflag:s7], $0x8000  }
0x30c: {  	[sflag:s7] =	ssyncset.done $0x0  }
0x30d: {  	[sflag:s7] =	ssyncadd.s32 $0xFFFF8000  }
0x30e: {  	v3 =	vld [tilespmem:$0x400];
	_ =	sdelay $0x4  }
0x30f: {  	v40 =	vshll.u32 v3, $0x1  }
0x310: {  	v3 =	vand.u32 $0x7, v3;
	v4 =	vand.u32 $0xFFFFFFF0, v40  }
0x311: {  	v3 =	vor.u32 v3, v4  }
0x312: {  	v4 =	vperm.xlane v3, v0;
	_ =	sdelay $0x1  }
0x313: {  	v3 =	vperm.xlane v3, v2;
	v4 =	vadd.s32 v1, v4;
	_ =	sdelay $0x1  }
0x314: {  	v3 =	vadd.s32 v1, v3;
	_ =	sdelay $0x2  }
0x315: {  	[hbm4b:s3+s2] =	stream.indirect_vreg.scatter [tilespmem:s6], [sflag:$0x2], $0x80, v4, vm0, $0xb8;
	[tilespmem:$0x10C00] =	vst v63  }
0x316: {  	s31 =	simm.s32 $0x1400  }
0x317: {  	[hbm4b:s3+s2] =	stream.indirect_vreg.scatter [tilespmem:s31], [sflag:$0x2], $0x80, v3, vm0, $0xb8;
	[tilespmem:$0x10C00] =	vst v63  }
0x318: {  	v3 =	vld [tilespmem:$0x410];
	_ =	sdelay $0x4  }
0x319: {  	v41 =	vshll.u32 v3, $0x1  }
0x31a: {  	v3 =	vand.u32 $0x7, v3;
	v4 =	vand.u32 $0xFFFFFFF0, v41  }
0x31b: {  	v3 =	vor.u32 v3, v4  }
0x31c: {  	v4 =	vperm.xlane v3, v0;
	_ =	sdelay $0x1  }
0x31d: {  	v3 =	vperm.xlane v3, v2;
	v4 =	vadd.s32 v1, v4;
	_ =	sdelay $0x1  }
0x31e: {  	v3 =	vadd.s32 v1, v3;
	_ =	sdelay $0x1  }
0x31f: {  	s14 =	simm.s32 $0x1C00  }
0x320: {  	[hbm4b:s3+s2] =	stream.indirect_vreg.scatter [tilespmem:s14], [sflag:$0x2], $0x80, v4, vm0, $0xb8;
	[tilespmem:$0x10C00] =	vst v63  }
0x321: {  	s15 =	simm.s32 $0x2400  }
0x322: {  	[hbm4b:s3+s2] =	stream.indirect_vreg.scatter [tilespmem:s15], [sflag:$0x2], $0x80, v3, vm0, $0xb8;
	[tilespmem:$0x10C00] =	vst v63  }
0x323: {  	v3 =	vld [tilespmem:$0x420];
	_ =	sdelay $0x4  }
0x324: {  	v42 =	vshll.u32 v3, $0x1  }
0x325: {  	v3 =	vand.u32 $0x7, v3;
	v4 =	vand.u32 $0xFFFFFFF0, v42  }
0x326: {  	v3 =	vor.u32 v3, v4  }
0x327: {  	v4 =	vperm.xlane v3, v0;
	_ =	sdelay $0x1  }
0x328: {  	v3 =	vperm.xlane v3, v2;
	v4 =	vadd.s32 v1, v4;
	_ =	sdelay $0x1  }
0x329: {  	v3 =	vadd.s32 v1, v3;
	_ =	sdelay $0x1  }
0x32a: {  	s15 =	simm.s32 $0x2C00  }
0x32b: {  	[hbm4b:s3+s2] =	stream.indirect_vreg.scatter [tilespmem:s15], [sflag:$0x2], $0x80, v4, vm0, $0xb8;
	[tilespmem:$0x10C00] =	vst v63  }
0x32c: {  	s31 =	simm.s32 $0x3400  }
0x32d: {  	[hbm4b:s3+s2] =	stream.indirect_vreg.scatter [tilespmem:s31], [sflag:$0x2], $0x80, v3, vm0, $0xb8;
	[tilespmem:$0x10C00] =	vst v63  }
0x32e: {  	v3 =	vld [tilespmem:$0x430];
	_ =	sdelay $0x4  }
0x32f: {  	v43 =	vshll.u32 v3, $0x1  }
0x330: {  	v3 =	vand.u32 $0x7, v3;
	v4 =	vand.u32 $0xFFFFFFF0, v43  }
0x331: {  	v3 =	vor.u32 v3, v4  }
0x332: {  	v4 =	vperm.xlane v3, v0;
	_ =	sdelay $0x1  }
0x333: {  	v3 =	vperm.xlane v3, v2;
	v4 =	vadd.s32 v1, v4;
	_ =	sdelay $0x1  }
0x334: {  	v3 =	vadd.s32 v1, v3;
	_ =	sdelay $0x1  }
0x335: {  	s15 =	simm.s32 $0x3C00  }
0x336: {  	[hbm4b:s3+s2] =	stream.indirect_vreg.scatter [tilespmem:s15], [sflag:$0x2], $0x80, v4, vm0, $0xb8;
	[tilespmem:$0x10C00] =	vst v63  }
0x337: {  	s16 =	simm.s32 $0x4400  }
0x338: {  	[hbm4b:s3+s2] =	stream.indirect_vreg.scatter [tilespmem:s16], [sflag:$0x2], $0x80, v3, vm0, $0xb8;
	[tilespmem:$0x10C00] =	vst v63  }
0x339: {  	v3 =	vld [tilespmem:$0x440];
	_ =	sdelay $0x4  }
0x33a: {  	v44 =	vshll.u32 v3, $0x1  }
0x33b: {  	v3 =	vand.u32 $0x7, v3;
	v4 =	vand.u32 $0xFFFFFFF0, v44  }
0x33c: {  	v3 =	vor.u32 v3, v4  }
0x33d: {  	v4 =	vperm.xlane v3, v0;
	_ =	sdelay $0x1  }
0x33e: {  	v3 =	vperm.xlane v3, v2;
	v4 =	vadd.s32 v1, v4;
	_ =	sdelay $0x1  }
0x33f: {  	v3 =	vadd.s32 v1, v3;
	_ =	sdelay $0x1  }
0x340: {  	s17 =	simm.s32 $0x4C00  }
0x341: {  	[hbm4b:s3+s2] =	stream.indirect_vreg.scatter [tilespmem:s17], [sflag:$0x2], $0x80, v4, vm0, $0xb8;
	[tilespmem:$0x10C00] =	vst v63  }
0x342: {  	s17 =	simm.s32 $0x5400  }
0x343: {  	[hbm4b:s3+s2] =	stream.indirect_vreg.scatter [tilespmem:s17], [sflag:$0x2], $0x80, v3, vm0, $0xb8;
	[tilespmem:$0x10C00] =	vst v63  }
0x344: {  	v3 =	vld [tilespmem:$0x450];
	_ =	sdelay $0x4  }
0x345: {  	v45 =	vshll.u32 v3, $0x1  }
0x346: {  	v3 =	vand.u32 $0x7, v3;
	v4 =	vand.u32 $0xFFFFFFF0, v45  }
0x347: {  	v3 =	vor.u32 v3, v4  }
0x348: {  	v4 =	vperm.xlane v3, v0;
	_ =	sdelay $0x1  }
0x349: {  	v3 =	vperm.xlane v3, v2;
	v4 =	vadd.s32 v1, v4;
	_ =	sdelay $0x1  }
0x34a: {  	v3 =	vadd.s32 v1, v3;
	_ =	sdelay $0x1  }
0x34b: {  	s21 =	simm.s32 $0x5C00  }
0x34c: {  	[hbm4b:s3+s2] =	stream.indirect_vreg.scatter [tilespmem:s21], [sflag:$0x2], $0x80, v4, vm0, $0xb8;
	[tilespmem:$0x10C00] =	vst v63  }
0x34d: {  	s22 =	simm.s32 $0x6400  }
0x34e: {  	[hbm4b:s3+s2] =	stream.indirect_vreg.scatter [tilespmem:s22], [sflag:$0x2], $0x80, v3, vm0, $0xb8;
	[tilespmem:$0x10C00] =	vst v63  }
0x34f: {  	v3 =	vld [tilespmem:$0x460];
	_ =	sdelay $0x4  }
0x350: {  	v46 =	vshll.u32 v3, $0x1  }
0x351: {  	v3 =	vand.u32 $0x7, v3;
	v4 =	vand.u32 $0xFFFFFFF0, v46  }
0x352: {  	v3 =	vor.u32 v3, v4  }
0x353: {  	v4 =	vperm.xlane v3, v0;
	_ =	sdelay $0x1  }
0x354: {  	v3 =	vperm.xlane v3, v2;
	v4 =	vadd.s32 v1, v4;
	_ =	sdelay $0x1  }
0x355: {  	v3 =	vadd.s32 v1, v3;
	_ =	sdelay $0x1  }
0x356: {  	s24 =	simm.s32 $0x6C00  }
0x357: {  	[hbm4b:s3+s2] =	stream.indirect_vreg.scatter [tilespmem:s24], [sflag:$0x2], $0x80, v4, vm0, $0xb8;
	[tilespmem:$0x10C00] =	vst v63  }
0x358: {  	s25 =	simm.s32 $0x7400  }
0x359: {  	[hbm4b:s3+s2] =	stream.indirect_vreg.scatter [tilespmem:s25], [sflag:$0x2], $0x80, v3, vm0, $0xb8;
	[tilespmem:$0x10C00] =	vst v63  }
0x35a: {  	v3 =	vld [tilespmem:$0x470];
	_ =	sdelay $0x4  }
0x35b: {  	v47 =	vshll.u32 v3, $0x1  }
0x35c: {  	v3 =	vand.u32 $0x7, v3;
	v4 =	vand.u32 $0xFFFFFFF0, v47  }
0x35d: {  	v3 =	vor.u32 v3, v4  }
0x35e: {  	v4 =	vperm.xlane v3, v0;
	_ =	sdelay $0x1  }
0x35f: {  	v3 =	vperm.xlane v3, v2;
	v4 =	vadd.s32 v1, v4;
	_ =	sdelay $0x1  }
0x360: {  	v3 =	vadd.s32 v1, v3;
	_ =	sdelay $0x1  }
0x361: {  	s26 =	simm.s32 $0x7C00  }
0x362: {  	[hbm4b:s3+s2] =	stream.indirect_vreg.scatter [tilespmem:s26], [sflag:$0x2], $0x80, v4, vm0, $0xb8;
	[tilespmem:$0x10C00] =	vst v63  }
0x363: {  	s25 =	simm.s32 $0x8400  }
0x364: {  	[hbm4b:s3+s2] =	stream.indirect_vreg.scatter [tilespmem:s25], [sflag:$0x2], $0x80, v3, vm0, $0xb8;
	[tilespmem:$0x10C00] =	vst v63  }
0x365: {  	_ =	swait.ge [sflag:s13], $0x8000  }
0x366: {  	[sflag:s13] =	ssyncset.done $0x0  }
0x367: {  	s26 =	rddreg [dreg:$0xd];
	[sflag:s13] =	ssyncadd.s32 $0xFFFF8000  }
0x368: {  	[tilespmem:s23], [sflag:$0x1] =	stream.linear.gather [hbm4b:s26+s2], $0x8000, $0x38;
	[tilespmem:$0x10C00] =	vst v63  }
0x369: {  	_ =	swait.ge [sflag:s7], $0x8000  }
0x36a: {  	[sflag:s7] =	ssyncset.done $0x0  }
0x36b: {  	[sflag:s7] =	ssyncadd.s32 $0xFFFF8000  }
0x36c: {  	v3 =	vld [tilespmem:$0x480];
	_ =	sdelay $0x4  }
0x36d: {  	v48 =	vshll.u32 v3, $0x1  }
0x36e: {  	v3 =	vand.u32 $0x7, v3;
	v4 =	vand.u32 $0xFFFFFFF0, v48  }
0x36f: {  	v3 =	vor.u32 v3, v4  }
0x370: {  	v4 =	vperm.xlane v3, v0;
	_ =	sdelay $0x1  }
0x371: {  	v3 =	vperm.xlane v3, v2;
	v4 =	vadd.s32 v1, v4;
	_ =	sdelay $0x1  }
0x372: {  	v3 =	vadd.s32 v1, v3;
	_ =	sdelay $0x2  }
0x373: {  	[hbm4b:s3+s2] =	stream.indirect_vreg.scatter [tilespmem:s23], [sflag:$0x2], $0x80, v4, vm0, $0xb8;
	[tilespmem:$0x10C00] =	vst v63  }
0x374: {  	s31 =	simm.s32 $0x9400  }
0x375: {  	[hbm4b:s3+s2] =	stream.indirect_vreg.scatter [tilespmem:s31], [sflag:$0x2], $0x80, v3, vm0, $0xb8;
	[tilespmem:$0x10C00] =	vst v63  }
0x376: {  	v3 =	vld [tilespmem:$0x490];
	_ =	sdelay $0x4  }
0x377: {  	v49 =	vshll.u32 v3, $0x1  }
0x378: {  	v3 =	vand.u32 $0x7, v3;
	v4 =	vand.u32 $0xFFFFFFF0, v49  }
0x379: {  	v3 =	vor.u32 v3, v4  }
0x37a: {  	v4 =	vperm.xlane v3, v0;
	_ =	sdelay $0x1  }
0x37b: {  	v3 =	vperm.xlane v3, v2;
	v4 =	vadd.s32 v1, v4;
	_ =	sdelay $0x1  }
0x37c: {  	v3 =	vadd.s32 v1, v3;
	_ =	sdelay $0x1  }
0x37d: {  	s5 =	simm.s32 $0x9C00  }
0x37e: {  	[hbm4b:s3+s2] =	stream.indirect_vreg.scatter [tilespmem:s5], [sflag:$0x2], $0x80, v4, vm0, $0xb8;
	[tilespmem:$0x10C00] =	vst v63  }
0x37f: {  	s18 =	simm.s32 $0xA400  }
0x380: {  	[hbm4b:s3+s2] =	stream.indirect_vreg.scatter [tilespmem:s18], [sflag:$0x2], $0x80, v3, vm0, $0xb8;
	[tilespmem:$0x10C00] =	vst v63  }
0x381: {  	v3 =	vld [tilespmem:$0x4A0];
	_ =	sdelay $0x4  }
0x382: {  	v50 =	vshll.u32 v3, $0x1  }
0x383: {  	v3 =	vand.u32 $0x7, v3;
	v4 =	vand.u32 $0xFFFFFFF0, v50  }
0x384: {  	v3 =	vor.u32 v3, v4  }
0x385: {  	v4 =	vperm.xlane v3, v0;
	_ =	sdelay $0x1  }
0x386: {  	v3 =	vperm.xlane v3, v2;
	v4 =	vadd.s32 v1, v4;
	_ =	sdelay $0x1  }
0x387: {  	v3 =	vadd.s32 v1, v3;
	_ =	sdelay $0x1  }
0x388: {  	s30 =	simm.s32 $0xAC00  }
0x389: {  	[hbm4b:s3+s2] =	stream.indirect_vreg.scatter [tilespmem:s30], [sflag:$0x2], $0x80, v4, vm0, $0xb8;
	[tilespmem:$0x10C00] =	vst v63  }
0x38a: {  	s28 =	simm.s32 $0xB400  }
0x38b: {  	[hbm4b:s3+s2] =	stream.indirect_vreg.scatter [tilespmem:s28], [sflag:$0x2], $0x80, v3, vm0, $0xb8;
	[tilespmem:$0x10C00] =	vst v63  }
0x38c: {  	v3 =	vld [tilespmem:$0x4B0];
	_ =	sdelay $0x4  }
0x38d: {  	v51 =	vshll.u32 v3, $0x1  }
0x38e: {  	v3 =	vand.u32 $0x7, v3;
	v4 =	vand.u32 $0xFFFFFFF0, v51  }
0x38f: {  	v3 =	vor.u32 v3, v4  }
0x390: {  	v4 =	vperm.xlane v3, v0;
	_ =	sdelay $0x1  }
0x391: {  	v3 =	vperm.xlane v3, v2;
	v4 =	vadd.s32 v1, v4;
	_ =	sdelay $0x1  }
0x392: {  	v3 =	vadd.s32 v1, v3;
	_ =	sdelay $0x1  }
0x393: {  	s29 =	simm.s32 $0xBC00  }
0x394: {  	[hbm4b:s3+s2] =	stream.indirect_vreg.scatter [tilespmem:s29], [sflag:$0x2], $0x80, v4, vm0, $0xb8;
	[tilespmem:$0x10C00] =	vst v63  }
0x395: {  	s19 =	simm.s32 $0xC400  }
0x396: {  	[hbm4b:s3+s2] =	stream.indirect_vreg.scatter [tilespmem:s19], [sflag:$0x2], $0x80, v3, vm0, $0xb8;
	[tilespmem:$0x10C00] =	vst v63  }
0x397: {  	v3 =	vld [tilespmem:$0x4C0];
	_ =	sdelay $0x4  }
0x398: {  	v52 =	vshll.u32 v3, $0x1  }
0x399: {  	v3 =	vand.u32 $0x7, v3;
	v4 =	vand.u32 $0xFFFFFFF0, v52  }
0x39a: {  	v3 =	vor.u32 v3, v4  }
0x39b: {  	v4 =	vperm.xlane v3, v0;
	_ =	sdelay $0x1  }
0x39c: {  	v3 =	vperm.xlane v3, v2;
	v4 =	vadd.s32 v1, v4;
	_ =	sdelay $0x1  }
0x39d: {  	v3 =	vadd.s32 v1, v3;
	_ =	sdelay $0x1  }
0x39e: {  	s12 =	simm.s32 $0xCC00  }
0x39f: {  	[hbm4b:s3+s2] =	stream.indirect_vreg.scatter [tilespmem:s12], [sflag:$0x2], $0x80, v4, vm0, $0xb8;
	[tilespmem:$0x10C00] =	vst v63  }
0x3a0: {  	s9 =	simm.s32 $0xD400  }
0x3a1: {  	[hbm4b:s3+s2] =	stream.indirect_vreg.scatter [tilespmem:s9], [sflag:$0x2], $0x80, v3, vm0, $0xb8;
	[tilespmem:$0x10C00] =	vst v63  }
0x3a2: {  	v3 =	vld [tilespmem:$0x4D0];
	_ =	sdelay $0x4  }
0x3a3: {  	v53 =	vshll.u32 v3, $0x1  }
0x3a4: {  	v3 =	vand.u32 $0x7, v3;
	v4 =	vand.u32 $0xFFFFFFF0, v53  }
0x3a5: {  	v3 =	vor.u32 v3, v4  }
0x3a6: {  	v4 =	vperm.xlane v3, v0;
	_ =	sdelay $0x1  }
0x3a7: {  	v3 =	vperm.xlane v3, v2;
	v4 =	vadd.s32 v1, v4;
	_ =	sdelay $0x1  }
0x3a8: {  	v3 =	vadd.s32 v1, v3;
	_ =	sdelay $0x1  }
0x3a9: {  	s20 =	simm.s32 $0xDC00  }
0x3aa: {  	[hbm4b:s3+s2] =	stream.indirect_vreg.scatter [tilespmem:s20], [sflag:$0x2], $0x80, v4, vm0, $0xb8;
	[tilespmem:$0x10C00] =	vst v63  }
0x3ab: {  	s0 =	simm.s32 $0xE400  }
0x3ac: {  	[hbm4b:s3+s2] =	stream.indirect_vreg.scatter [tilespmem:s0], [sflag:$0x2], $0x80, v3, vm0, $0xb8;
	[tilespmem:$0x10C00] =	vst v63  }
0x3ad: {  	v3 =	vld [tilespmem:$0x4E0];
	_ =	sdelay $0x4  }
0x3ae: {  	v54 =	vshll.u32 v3, $0x1  }
0x3af: {  	v3 =	vand.u32 $0x7, v3;
	v4 =	vand.u32 $0xFFFFFFF0, v54  }
0x3b0: {  	v3 =	vor.u32 v3, v4  }
0x3b1: {  	v4 =	vperm.xlane v3, v0;
	_ =	sdelay $0x1  }
0x3b2: {  	v3 =	vperm.xlane v3, v2;
	v4 =	vadd.s32 v1, v4;
	_ =	sdelay $0x1  }
0x3b3: {  	v3 =	vadd.s32 v1, v3;
	_ =	sdelay $0x1  }
0x3b4: {  	s1 =	simm.s32 $0xEC00  }
0x3b5: {  	[hbm4b:s3+s2] =	stream.indirect_vreg.scatter [tilespmem:s1], [sflag:$0x2], $0x80, v4, vm0, $0xb8;
	[tilespmem:$0x10C00] =	vst v63  }
0x3b6: {  	s10 =	simm.s32 $0xF400  }
0x3b7: {  	[hbm4b:s3+s2] =	stream.indirect_vreg.scatter [tilespmem:s10], [sflag:$0x2], $0x80, v3, vm0, $0xb8;
	[tilespmem:$0x10C00] =	vst v63  }
0x3b8: {  	v3 =	vld [tilespmem:$0x4F0];
	_ =	sdelay $0x4  }
0x3b9: {  	v55 =	vshll.u32 v3, $0x1  }
0x3ba: {  	v3 =	vand.u32 $0x7, v3;
	v4 =	vand.u32 $0xFFFFFFF0, v55  }
0x3bb: {  	v3 =	vor.u32 v3, v4  }
0x3bc: {  	v4 =	vperm.xlane v3, v0;
	_ =	sdelay $0x1  }
0x3bd: {  	v3 =	vperm.xlane v3, v2;
	v4 =	vadd.s32 v1, v4;
	_ =	sdelay $0x1  }
0x3be: {  	v3 =	vadd.s32 v1, v3;
	_ =	sdelay $0x1  }
0x3bf: {  	s4 =	simm.s32 $0xFC00  }
0x3c0: {  	[hbm4b:s3+s2] =	stream.indirect_vreg.scatter [tilespmem:s4], [sflag:$0x2], $0x80, v4, vm0, $0xb8;
	[tilespmem:$0x10C00] =	vst v63  }
0x3c1: {  	s8 =	simm.s32 $0x10400  }
0x3c2: {  	[hbm4b:s3+s2] =	stream.indirect_vreg.scatter [tilespmem:s8], [sflag:$0x2], $0x80, v3, vm0, $0xb8;
	[tilespmem:$0x10C00] =	vst v63  }
0x3c3: {  	_ =	swait.ge [sflag:s13], $0x8000  }
0x3c4: {  	[sflag:s13] =	ssyncset.done $0x0  }
0x3c5: {  	s12 =	rddreg [dreg:$0xe];
	[sflag:s13] =	ssyncadd.s32 $0xFFFF8000  }
0x3c6: {  	[tilespmem:s6], [sflag:$0x1] =	stream.linear.gather [hbm4b:s12+s2], $0x8000, $0x38;
	[tilespmem:$0x10C00] =	vst v63  }
0x3c7: {  	_ =	swait.ge [sflag:s7], $0x8000  }
0x3c8: {  	[sflag:s7] =	ssyncset.done $0x0  }
0x3c9: {  	[sflag:s7] =	ssyncadd.s32 $0xFFFF8000  }
0x3ca: {  	v3 =	vld [tilespmem:$0x500];
	_ =	sdelay $0x4  }
0x3cb: {  	v56 =	vshll.u32 v3, $0x1  }
0x3cc: {  	v3 =	vand.u32 $0x7, v3;
	v4 =	vand.u32 $0xFFFFFFF0, v56  }
0x3cd: {  	v3 =	vor.u32 v3, v4  }
0x3ce: {  	v4 =	vperm.xlane v3, v0;
	_ =	sdelay $0x1  }
0x3cf: {  	v3 =	vperm.xlane v3, v2;
	v4 =	vadd.s32 v1, v4;
	_ =	sdelay $0x1  }
0x3d0: {  	v3 =	vadd.s32 v1, v3;
	_ =	sdelay $0x2  }
0x3d1: {  	[hbm4b:s3+s2] =	stream.indirect_vreg.scatter [tilespmem:s6], [sflag:$0x2], $0x80, v4, vm0, $0xb8;
	[tilespmem:$0x10C00] =	vst v63  }
0x3d2: {  	s14 =	simm.s32 $0x1400  }
0x3d3: {  	[hbm4b:s3+s2] =	stream.indirect_vreg.scatter [tilespmem:s14], [sflag:$0x2], $0x80, v3, vm0, $0xb8;
	[tilespmem:$0x10C00] =	vst v63  }
0x3d4: {  	v3 =	vld [tilespmem:$0x510];
	_ =	sdelay $0x4  }
0x3d5: {  	v57 =	vshll.u32 v3, $0x1  }
0x3d6: {  	v3 =	vand.u32 $0x7, v3;
	v4 =	vand.u32 $0xFFFFFFF0, v57  }
0x3d7: {  	v3 =	vor.u32 v3, v4  }
0x3d8: {  	v4 =	vperm.xlane v3, v0;
	_ =	sdelay $0x1  }
0x3d9: {  	v3 =	vperm.xlane v3, v2;
	v4 =	vadd.s32 v1, v4;
	_ =	sdelay $0x1  }
0x3da: {  	v3 =	vadd.s32 v1, v3;
	_ =	sdelay $0x1  }
0x3db: {  	s20 =	simm.s32 $0x1C00  }
0x3dc: {  	[hbm4b:s3+s2] =	stream.indirect_vreg.scatter [tilespmem:s20], [sflag:$0x2], $0x80, v4, vm0, $0xb8;
	[tilespmem:$0x10C00] =	vst v63  }
0x3dd: {  	s11 =	simm.s32 $0x2400  }
0x3de: {  	[hbm4b:s3+s2] =	stream.indirect_vreg.scatter [tilespmem:s11], [sflag:$0x2], $0x80, v3, vm0, $0xb8;
	[tilespmem:$0x10C00] =	vst v63  }
0x3df: {  	v3 =	vld [tilespmem:$0x520];
	_ =	sdelay $0x4  }
0x3e0: {  	v58 =	vshll.u32 v3, $0x1  }
0x3e1: {  	v3 =	vand.u32 $0x7, v3;
	v4 =	vand.u32 $0xFFFFFFF0, v58  }
0x3e2: {  	v3 =	vor.u32 v3, v4  }
0x3e3: {  	v4 =	vperm.xlane v3, v0;
	_ =	sdelay $0x1  }
0x3e4: {  	v3 =	vperm.xlane v3, v2;
	v4 =	vadd.s32 v1, v4;
	_ =	sdelay $0x1  }
0x3e5: {  	v3 =	vadd.s32 v1, v3;
	_ =	sdelay $0x1  }
0x3e6: {  	s11 =	simm.s32 $0x2C00  }
0x3e7: {  	[hbm4b:s3+s2] =	stream.indirect_vreg.scatter [tilespmem:s11], [sflag:$0x2], $0x80, v4, vm0, $0xb8;
	[tilespmem:$0x10C00] =	vst v63  }
0x3e8: {  	s12 =	simm.s32 $0x3400  }
0x3e9: {  	[hbm4b:s3+s2] =	stream.indirect_vreg.scatter [tilespmem:s12], [sflag:$0x2], $0x80, v3, vm0, $0xb8;
	[tilespmem:$0x10C00] =	vst v63  }
0x3ea: {  	v3 =	vld [tilespmem:$0x530];
	_ =	sdelay $0x4  }
0x3eb: {  	v59 =	vshll.u32 v3, $0x1  }
0x3ec: {  	v3 =	vand.u32 $0x7, v3;
	v4 =	vand.u32 $0xFFFFFFF0, v59  }
0x3ed: {  	v3 =	vor.u32 v3, v4  }
0x3ee: {  	v4 =	vperm.xlane v3, v0;
	_ =	sdelay $0x1  }
0x3ef: {  	v3 =	vperm.xlane v3, v2;
	v4 =	vadd.s32 v1, v4;
	_ =	sdelay $0x1  }
0x3f0: {  	v3 =	vadd.s32 v1, v3;
	_ =	sdelay $0x1  }
0x3f1: {  	s14 =	simm.s32 $0x3C00  }
0x3f2: {  	[hbm4b:s3+s2] =	stream.indirect_vreg.scatter [tilespmem:s14], [sflag:$0x2], $0x80, v4, vm0, $0xb8;
	[tilespmem:$0x10C00] =	vst v63  }
0x3f3: {  	s15 =	simm.s32 $0x4400  }
0x3f4: {  	[hbm4b:s3+s2] =	stream.indirect_vreg.scatter [tilespmem:s15], [sflag:$0x2], $0x80, v3, vm0, $0xb8;
	[tilespmem:$0x10C00] =	vst v63  }
0x3f5: {  	v3 =	vld [tilespmem:$0x540];
	_ =	sdelay $0x4  }
0x3f6: {  	v60 =	vshll.u32 v3, $0x1  }
0x3f7: {  	v3 =	vand.u32 $0x7, v3;
	v4 =	vand.u32 $0xFFFFFFF0, v60  }
0x3f8: {  	v3 =	vor.u32 v3, v4  }
0x3f9: {  	v4 =	vperm.xlane v3, v0;
	_ =	sdelay $0x1  }
0x3fa: {  	v3 =	vperm.xlane v3, v2;
	v4 =	vadd.s32 v1, v4;
	_ =	sdelay $0x1  }
0x3fb: {  	v3 =	vadd.s32 v1, v3;
	_ =	sdelay $0x1  }
0x3fc: {  	s16 =	simm.s32 $0x4C00  }
0x3fd: {  	[hbm4b:s3+s2] =	stream.indirect_vreg.scatter [tilespmem:s16], [sflag:$0x2], $0x80, v4, vm0, $0xb8;
	[tilespmem:$0x10C00] =	vst v63  }
0x3fe: {  	s16 =	simm.s32 $0x5400  }
0x3ff: {  	[hbm4b:s3+s2] =	stream.indirect_vreg.scatter [tilespmem:s16], [sflag:$0x2], $0x80, v3, vm0, $0xb8;
	[tilespmem:$0x10C00] =	vst v63  }
0x400: {  	v3 =	vld [tilespmem:$0x550];
	_ =	sdelay $0x4  }
0x401: {  	v61 =	vshll.u32 v3, $0x1  }
0x402: {  	v3 =	vand.u32 $0x7, v3;
	v4 =	vand.u32 $0xFFFFFFF0, v61  }
0x403: {  	v3 =	vor.u32 v3, v4  }
0x404: {  	v4 =	vperm.xlane v3, v0;
	_ =	sdelay $0x1  }
0x405: {  	v3 =	vperm.xlane v3, v2;
	v4 =	vadd.s32 v1, v4;
	_ =	sdelay $0x1  }
0x406: {  	v3 =	vadd.s32 v1, v3;
	_ =	sdelay $0x1  }
0x407: {  	s17 =	simm.s32 $0x5C00  }
0x408: {  	[hbm4b:s3+s2] =	stream.indirect_vreg.scatter [tilespmem:s17], [sflag:$0x2], $0x80, v4, vm0, $0xb8;
	[tilespmem:$0x10C00] =	vst v63  }
0x409: {  	s21 =	simm.s32 $0x6400  }
0x40a: {  	[hbm4b:s3+s2] =	stream.indirect_vreg.scatter [tilespmem:s21], [sflag:$0x2], $0x80, v3, vm0, $0xb8;
	[tilespmem:$0x10C00] =	vst v63  }
0x40b: {  	v3 =	vld [tilespmem:$0x560];
	_ =	sdelay $0x4  }
0x40c: {  	v62 =	vshll.u32 v3, $0x1  }
0x40d: {  	v3 =	vand.u32 $0x7, v3;
	v4 =	vand.u32 $0xFFFFFFF0, v62  }
0x40e: {  	v3 =	vor.u32 v3, v4  }
0x40f: {  	v4 =	vperm.xlane v3, v0;
	_ =	sdelay $0x1  }
0x410: {  	v3 =	vperm.xlane v3, v2;
	v4 =	vadd.s32 v1, v4;
	_ =	sdelay $0x1  }
0x411: {  	v3 =	vadd.s32 v1, v3;
	_ =	sdelay $0x1  }
0x412: {  	s22 =	simm.s32 $0x6C00  }
0x413: {  	[hbm4b:s3+s2] =	stream.indirect_vreg.scatter [tilespmem:s22], [sflag:$0x2], $0x80, v4, vm0, $0xb8;
	[tilespmem:$0x10C00] =	vst v63  }
0x414: {  	s22 =	simm.s32 $0x7400  }
0x415: {  	[hbm4b:s3+s2] =	stream.indirect_vreg.scatter [tilespmem:s22], [sflag:$0x2], $0x80, v3, vm0, $0xb8;
	[tilespmem:$0x10C00] =	vst v63  }
0x416: {  	v3 =	vld [tilespmem:$0x570];
	_ =	sdelay $0x4  }
0x417: {  	v63 =	vshll.u32 v3, $0x1  }
0x418: {  	v3 =	vand.u32 $0x7, v3;
	v4 =	vand.u32 $0xFFFFFFF0, v63  }
0x419: {  	v3 =	vor.u32 v3, v4  }
0x41a: {  	v4 =	vperm.xlane v3, v0;
	_ =	sdelay $0x1  }
0x41b: {  	v3 =	vperm.xlane v3, v2;
	v4 =	vadd.s32 v1, v4;
	_ =	sdelay $0x1  }
0x41c: {  	v3 =	vadd.s32 v1, v3;
	_ =	sdelay $0x1  }
0x41d: {  	s24 =	simm.s32 $0x7C00  }
0x41e: {  	[hbm4b:s3+s2] =	stream.indirect_vreg.scatter [tilespmem:s24], [sflag:$0x2], $0x80, v4, vm0, $0xb8;
	[tilespmem:$0x10C00] =	vst v63  }
0x41f: {  	s24 =	simm.s32 $0x8400  }
0x420: {  	[hbm4b:s3+s2] =	stream.indirect_vreg.scatter [tilespmem:s24], [sflag:$0x2], $0x80, v3, vm0, $0xb8;
	[tilespmem:$0x10C00] =	vst v63  }
0x421: {  	_ =	swait.ge [sflag:s13], $0x8000  }
0x422: {  	[sflag:s13] =	ssyncset.done $0x0  }
0x423: {  	s22 =	rddreg [dreg:$0xf];
	[sflag:s13] =	ssyncadd.s32 $0xFFFF8000  }
0x424: {  	[tilespmem:s23], [sflag:$0x1] =	stream.linear.gather [hbm4b:s22+s2], $0x8000, $0x38;
	[tilespmem:$0x10C00] =	vst v63  }
0x425: {  	_ =	swait.ge [sflag:s7], $0x8000  }
0x426: {  	[sflag:s7] =	ssyncset.done $0x0  }
0x427: {  	[sflag:s7] =	ssyncadd.s32 $0xFFFF8000  }
0x428: {  	v3 =	vld [tilespmem:$0x580];
	_ =	sdelay $0x4  }
0x429: {  	v8 =	vshll.u32 v3, $0x1  }
0x42a: {  	v3 =	vand.u32 $0x7, v3;
	v4 =	vand.u32 $0xFFFFFFF0, v8  }
0x42b: {  	v3 =	vor.u32 v3, v4  }
0x42c: {  	v4 =	vperm.xlane v3, v0;
	_ =	sdelay $0x1  }
0x42d: {  	v3 =	vperm.xlane v3, v2;
	v4 =	vadd.s32 v1, v4;
	_ =	sdelay $0x1  }
0x42e: {  	v3 =	vadd.s32 v1, v3;
	_ =	sdelay $0x2  }
0x42f: {  	[hbm4b:s3+s2] =	stream.indirect_vreg.scatter [tilespmem:s23], [sflag:$0x2], $0x80, v4, vm0, $0xb8;
	[tilespmem:$0x10C00] =	vst v63  }
0x430: {  	s24 =	simm.s32 $0x9400  }
0x431: {  	[hbm4b:s3+s2] =	stream.indirect_vreg.scatter [tilespmem:s24], [sflag:$0x2], $0x80, v3, vm0, $0xb8;
	[tilespmem:$0x10C00] =	vst v63  }
0x432: {  	v3 =	vld [tilespmem:$0x590];
	_ =	sdelay $0x4  }
0x433: {  	v9 =	vshll.u32 v3, $0x1  }
0x434: {  	v3 =	vand.u32 $0x7, v3;
	v4 =	vand.u32 $0xFFFFFFF0, v9  }
0x435: {  	v3 =	vor.u32 v3, v4  }
0x436: {  	v4 =	vperm.xlane v3, v0;
	_ =	sdelay $0x1  }
0x437: {  	v3 =	vperm.xlane v3, v2;
	v4 =	vadd.s32 v1, v4;
	_ =	sdelay $0x1  }
0x438: {  	v3 =	vadd.s32 v1, v3;
	_ =	sdelay $0x1  }
0x439: {  	s5 =	simm.s32 $0x9C00  }
0x43a: {  	[hbm4b:s3+s2] =	stream.indirect_vreg.scatter [tilespmem:s5], [sflag:$0x2], $0x80, v4, vm0, $0xb8;
	[tilespmem:$0x10C00] =	vst v63  }
0x43b: {  	s18 =	simm.s32 $0xA400  }
0x43c: {  	[hbm4b:s3+s2] =	stream.indirect_vreg.scatter [tilespmem:s18], [sflag:$0x2], $0x80, v3, vm0, $0xb8;
	[tilespmem:$0x10C00] =	vst v63  }
0x43d: {  	v3 =	vld [tilespmem:$0x5A0];
	_ =	sdelay $0x4  }
0x43e: {  	v10 =	vshll.u32 v3, $0x1  }
0x43f: {  	v3 =	vand.u32 $0x7, v3;
	v4 =	vand.u32 $0xFFFFFFF0, v10  }
0x440: {  	v3 =	vor.u32 v3, v4  }
0x441: {  	v4 =	vperm.xlane v3, v0;
	_ =	sdelay $0x1  }
0x442: {  	v3 =	vperm.xlane v3, v2;
	v4 =	vadd.s32 v1, v4;
	_ =	sdelay $0x1  }
0x443: {  	v3 =	vadd.s32 v1, v3;
	_ =	sdelay $0x1  }
0x444: {  	s25 =	simm.s32 $0xAC00  }
0x445: {  	[hbm4b:s3+s2] =	stream.indirect_vreg.scatter [tilespmem:s25], [sflag:$0x2], $0x80, v4, vm0, $0xb8;
	[tilespmem:$0x10C00] =	vst v63  }
0x446: {  	s31 =	simm.s32 $0xB400  }
0x447: {  	[hbm4b:s3+s2] =	stream.indirect_vreg.scatter [tilespmem:s31], [sflag:$0x2], $0x80, v3, vm0, $0xb8;
	[tilespmem:$0x10C00] =	vst v63  }
0x448: {  	v3 =	vld [tilespmem:$0x5B0];
	_ =	sdelay $0x4  }
0x449: {  	v11 =	vshll.u32 v3, $0x1  }
0x44a: {  	v3 =	vand.u32 $0x7, v3;
	v4 =	vand.u32 $0xFFFFFFF0, v11  }
0x44b: {  	v3 =	vor.u32 v3, v4  }
0x44c: {  	v4 =	vperm.xlane v3, v0;
	_ =	sdelay $0x1  }
0x44d: {  	v3 =	vperm.xlane v3, v2;
	v4 =	vadd.s32 v1, v4;
	_ =	sdelay $0x1  }
0x44e: {  	v3 =	vadd.s32 v1, v3;
	_ =	sdelay $0x1  }
0x44f: {  	s29 =	simm.s32 $0xBC00  }
0x450: {  	[hbm4b:s3+s2] =	stream.indirect_vreg.scatter [tilespmem:s29], [sflag:$0x2], $0x80, v4, vm0, $0xb8;
	[tilespmem:$0x10C00] =	vst v63  }
0x451: {  	s28 =	simm.s32 $0xC400  }
0x452: {  	[hbm4b:s3+s2] =	stream.indirect_vreg.scatter [tilespmem:s28], [sflag:$0x2], $0x80, v3, vm0, $0xb8;
	[tilespmem:$0x10C00] =	vst v63  }
0x453: {  	v3 =	vld [tilespmem:$0x5C0];
	_ =	sdelay $0x4  }
0x454: {  	v12 =	vshll.u32 v3, $0x1  }
0x455: {  	v3 =	vand.u32 $0x7, v3;
	v4 =	vand.u32 $0xFFFFFFF0, v12  }
0x456: {  	v3 =	vor.u32 v3, v4  }
0x457: {  	v4 =	vperm.xlane v3, v0;
	_ =	sdelay $0x1  }
0x458: {  	v3 =	vperm.xlane v3, v2;
	v4 =	vadd.s32 v1, v4;
	_ =	sdelay $0x1  }
0x459: {  	v3 =	vadd.s32 v1, v3;
	_ =	sdelay $0x1  }
0x45a: {  	s26 =	simm.s32 $0xCC00  }
0x45b: {  	[hbm4b:s3+s2] =	stream.indirect_vreg.scatter [tilespmem:s26], [sflag:$0x2], $0x80, v4, vm0, $0xb8;
	[tilespmem:$0x10C00] =	vst v63  }
0x45c: {  	s30 =	simm.s32 $0xD400  }
0x45d: {  	[hbm4b:s3+s2] =	stream.indirect_vreg.scatter [tilespmem:s30], [sflag:$0x2], $0x80, v3, vm0, $0xb8;
	[tilespmem:$0x10C00] =	vst v63  }
0x45e: {  	v3 =	vld [tilespmem:$0x5D0];
	_ =	sdelay $0x4  }
0x45f: {  	v13 =	vshll.u32 v3, $0x1  }
0x460: {  	v3 =	vand.u32 $0x7, v3;
	v4 =	vand.u32 $0xFFFFFFF0, v13  }
0x461: {  	v3 =	vor.u32 v3, v4  }
0x462: {  	v4 =	vperm.xlane v3, v0;
	_ =	sdelay $0x1  }
0x463: {  	v3 =	vperm.xlane v3, v2;
	v4 =	vadd.s32 v1, v4;
	_ =	sdelay $0x1  }
0x464: {  	v3 =	vadd.s32 v1, v3;
	_ =	sdelay $0x1  }
0x465: {  	s19 =	simm.s32 $0xDC00  }
0x466: {  	[hbm4b:s3+s2] =	stream.indirect_vreg.scatter [tilespmem:s19], [sflag:$0x2], $0x80, v4, vm0, $0xb8;
	[tilespmem:$0x10C00] =	vst v63  }
0x467: {  	s9 =	simm.s32 $0xE400  }
0x468: {  	[hbm4b:s3+s2] =	stream.indirect_vreg.scatter [tilespmem:s9], [sflag:$0x2], $0x80, v3, vm0, $0xb8;
	[tilespmem:$0x10C00] =	vst v63  }
0x469: {  	v3 =	vld [tilespmem:$0x5E0];
	_ =	sdelay $0x4  }
0x46a: {  	v14 =	vshll.u32 v3, $0x1  }
0x46b: {  	v3 =	vand.u32 $0x7, v3;
	v4 =	vand.u32 $0xFFFFFFF0, v14  }
0x46c: {  	v3 =	vor.u32 v3, v4  }
0x46d: {  	v4 =	vperm.xlane v3, v0;
	_ =	sdelay $0x1  }
0x46e: {  	v3 =	vperm.xlane v3, v2;
	v4 =	vadd.s32 v1, v4;
	_ =	sdelay $0x1  }
0x46f: {  	v3 =	vadd.s32 v1, v3;
	_ =	sdelay $0x1  }
0x470: {  	s1 =	simm.s32 $0xEC00  }
0x471: {  	[hbm4b:s3+s2] =	stream.indirect_vreg.scatter [tilespmem:s1], [sflag:$0x2], $0x80, v4, vm0, $0xb8;
	[tilespmem:$0x10C00] =	vst v63  }
0x472: {  	s0 =	simm.s32 $0xF400  }
0x473: {  	[hbm4b:s3+s2] =	stream.indirect_vreg.scatter [tilespmem:s0], [sflag:$0x2], $0x80, v3, vm0, $0xb8;
	[tilespmem:$0x10C00] =	vst v63  }
0x474: {  	v3 =	vld [tilespmem:$0x5F0];
	_ =	sdelay $0x4  }
0x475: {  	v15 =	vshll.u32 v3, $0x1  }
0x476: {  	v3 =	vand.u32 $0x7, v3;
	v4 =	vand.u32 $0xFFFFFFF0, v15  }
0x477: {  	v3 =	vor.u32 v3, v4  }
0x478: {  	v4 =	vperm.xlane v3, v0;
	_ =	sdelay $0x1  }
0x479: {  	v3 =	vperm.xlane v3, v2;
	v4 =	vadd.s32 v1, v4;
	_ =	sdelay $0x1  }
0x47a: {  	v3 =	vadd.s32 v1, v3;
	_ =	sdelay $0x1  }
0x47b: {  	s4 =	simm.s32 $0xFC00  }
0x47c: {  	[hbm4b:s3+s2] =	stream.indirect_vreg.scatter [tilespmem:s4], [sflag:$0x2], $0x80, v4, vm0, $0xb8;
	[tilespmem:$0x10C00] =	vst v63  }
0x47d: {  	s8 =	simm.s32 $0x10400  }
0x47e: {  	[hbm4b:s3+s2] =	stream.indirect_vreg.scatter [tilespmem:s8], [sflag:$0x2], $0x80, v3, vm0, $0xb8;
	[tilespmem:$0x10C00] =	vst v63  }
0x47f: {  	_ =	swait.ge [sflag:s13], $0x8000  }
0x480: {  	[sflag:s13] =	ssyncset.done $0x0  }
0x481: {  	s8 =	rddreg [dreg:$0x10];
	[sflag:s13] =	ssyncadd.s32 $0xFFFF8000  }
0x482: {  	[tilespmem:s6], [sflag:$0x1] =	stream.linear.gather [hbm4b:s8+s2], $0x8000, $0x38;
	[tilespmem:$0x10C00] =	vst v63  }
0x483: {  	_ =	swait.ge [sflag:s7], $0x8000  }
0x484: {  	[sflag:s7] =	ssyncset.done $0x0  }
0x485: {  	[sflag:s7] =	ssyncadd.s32 $0xFFFF8000  }
0x486: {  	v3 =	vld [tilespmem:$0x600];
	_ =	sdelay $0x4  }
0x487: {  	v16 =	vshll.u32 v3, $0x1  }
0x488: {  	v3 =	vand.u32 $0x7, v3;
	v4 =	vand.u32 $0xFFFFFFF0, v16  }
0x489: {  	v3 =	vor.u32 v3, v4  }
0x48a: {  	v4 =	vperm.xlane v3, v0;
	_ =	sdelay $0x1  }
0x48b: {  	v3 =	vperm.xlane v3, v2;
	v4 =	vadd.s32 v1, v4;
	_ =	sdelay $0x1  }
0x48c: {  	v3 =	vadd.s32 v1, v3;
	_ =	sdelay $0x2  }
0x48d: {  	[hbm4b:s3+s2] =	stream.indirect_vreg.scatter [tilespmem:s6], [sflag:$0x2], $0x80, v4, vm0, $0xb8;
	[tilespmem:$0x10C00] =	vst v63  }
0x48e: {  	s30 =	simm.s32 $0x1400  }
0x48f: {  	[hbm4b:s3+s2] =	stream.indirect_vreg.scatter [tilespmem:s30], [sflag:$0x2], $0x80, v3, vm0, $0xb8;
	[tilespmem:$0x10C00] =	vst v63  }
0x490: {  	v3 =	vld [tilespmem:$0x610];
	_ =	sdelay $0x4  }
0x491: {  	v17 =	vshll.u32 v3, $0x1  }
0x492: {  	v3 =	vand.u32 $0x7, v3;
	v4 =	vand.u32 $0xFFFFFFF0, v17  }
0x493: {  	v3 =	vor.u32 v3, v4  }
0x494: {  	v4 =	vperm.xlane v3, v0;
	_ =	sdelay $0x1  }
0x495: {  	v3 =	vperm.xlane v3, v2;
	v4 =	vadd.s32 v1, v4;
	_ =	sdelay $0x1  }
0x496: {  	v3 =	vadd.s32 v1, v3;
	_ =	sdelay $0x1  }
0x497: {  	s14 =	simm.s32 $0x1C00  }
0x498: {  	[hbm4b:s3+s2] =	stream.indirect_vreg.scatter [tilespmem:s14], [sflag:$0x2], $0x80, v4, vm0, $0xb8;
	[tilespmem:$0x10C00] =	vst v63  }
0x499: {  	s20 =	simm.s32 $0x2400  }
0x49a: {  	[hbm4b:s3+s2] =	stream.indirect_vreg.scatter [tilespmem:s20], [sflag:$0x2], $0x80, v3, vm0, $0xb8;
	[tilespmem:$0x10C00] =	vst v63  }
0x49b: {  	v3 =	vld [tilespmem:$0x620];
	_ =	sdelay $0x4  }
0x49c: {  	v18 =	vshll.u32 v3, $0x1  }
0x49d: {  	v3 =	vand.u32 $0x7, v3;
	v4 =	vand.u32 $0xFFFFFFF0, v18  }
0x49e: {  	v3 =	vor.u32 v3, v4  }
0x49f: {  	v4 =	vperm.xlane v3, v0;
	_ =	sdelay $0x1  }
0x4a0: {  	v3 =	vperm.xlane v3, v2;
	v4 =	vadd.s32 v1, v4;
	_ =	sdelay $0x1  }
0x4a1: {  	v3 =	vadd.s32 v1, v3;
	_ =	sdelay $0x1  }
0x4a2: {  	s30 =	simm.s32 $0x2C00  }
0x4a3: {  	[hbm4b:s3+s2] =	stream.indirect_vreg.scatter [tilespmem:s30], [sflag:$0x2], $0x80, v4, vm0, $0xb8;
	[tilespmem:$0x10C00] =	vst v63  }
0x4a4: {  	s14 =	simm.s32 $0x3400  }
0x4a5: {  	[hbm4b:s3+s2] =	stream.indirect_vreg.scatter [tilespmem:s14], [sflag:$0x2], $0x80, v3, vm0, $0xb8;
	[tilespmem:$0x10C00] =	vst v63  }
0x4a6: {  	v3 =	vld [tilespmem:$0x630];
	_ =	sdelay $0x4  }
0x4a7: {  	v19 =	vshll.u32 v3, $0x1  }
0x4a8: {  	v3 =	vand.u32 $0x7, v3;
	v4 =	vand.u32 $0xFFFFFFF0, v19  }
0x4a9: {  	v3 =	vor.u32 v3, v4  }
0x4aa: {  	v4 =	vperm.xlane v3, v0;
	_ =	sdelay $0x1  }
0x4ab: {  	v3 =	vperm.xlane v3, v2;
	v4 =	vadd.s32 v1, v4;
	_ =	sdelay $0x1  }
0x4ac: {  	v3 =	vadd.s32 v1, v3;
	_ =	sdelay $0x1  }
0x4ad: {  	s30 =	simm.s32 $0x3C00  }
0x4ae: {  	[hbm4b:s3+s2] =	stream.indirect_vreg.scatter [tilespmem:s30], [sflag:$0x2], $0x80, v4, vm0, $0xb8;
	[tilespmem:$0x10C00] =	vst v63  }
0x4af: {  	s11 =	simm.s32 $0x4400  }
0x4b0: {  	[hbm4b:s3+s2] =	stream.indirect_vreg.scatter [tilespmem:s11], [sflag:$0x2], $0x80, v3, vm0, $0xb8;
	[tilespmem:$0x10C00] =	vst v63  }
0x4b1: {  	v3 =	vld [tilespmem:$0x640];
	_ =	sdelay $0x4  }
0x4b2: {  	v20 =	vshll.u32 v3, $0x1  }
0x4b3: {  	v3 =	vand.u32 $0x7, v3;
	v4 =	vand.u32 $0xFFFFFFF0, v20  }
0x4b4: {  	v3 =	vor.u32 v3, v4  }
0x4b5: {  	v4 =	vperm.xlane v3, v0;
	_ =	sdelay $0x1  }
0x4b6: {  	v3 =	vperm.xlane v3, v2;
	v4 =	vadd.s32 v1, v4;
	_ =	sdelay $0x1  }
0x4b7: {  	v3 =	vadd.s32 v1, v3;
	_ =	sdelay $0x1  }
0x4b8: {  	s12 =	simm.s32 $0x4C00  }
0x4b9: {  	[hbm4b:s3+s2] =	stream.indirect_vreg.scatter [tilespmem:s12], [sflag:$0x2], $0x80, v4, vm0, $0xb8;
	[tilespmem:$0x10C00] =	vst v63  }
0x4ba: {  	s14 =	simm.s32 $0x5400  }
0x4bb: {  	[hbm4b:s3+s2] =	stream.indirect_vreg.scatter [tilespmem:s14], [sflag:$0x2], $0x80, v3, vm0, $0xb8;
	[tilespmem:$0x10C00] =	vst v63  }
0x4bc: {  	v3 =	vld [tilespmem:$0x650];
	_ =	sdelay $0x4  }
0x4bd: {  	v21 =	vshll.u32 v3, $0x1  }
0x4be: {  	v3 =	vand.u32 $0x7, v3;
	v4 =	vand.u32 $0xFFFFFFF0, v21  }
0x4bf: {  	v3 =	vor.u32 v3, v4  }
0x4c0: {  	v4 =	vperm.xlane v3, v0;
	_ =	sdelay $0x1  }
0x4c1: {  	v3 =	vperm.xlane v3, v2;
	v4 =	vadd.s32 v1, v4;
	_ =	sdelay $0x1  }
0x4c2: {  	v3 =	vadd.s32 v1, v3;
	_ =	sdelay $0x1  }
0x4c3: {  	s16 =	simm.s32 $0x5C00  }
0x4c4: {  	[hbm4b:s3+s2] =	stream.indirect_vreg.scatter [tilespmem:s16], [sflag:$0x2], $0x80, v4, vm0, $0xb8;
	[tilespmem:$0x10C00] =	vst v63  }
0x4c5: {  	s17 =	simm.s32 $0x6400  }
0x4c6: {  	[hbm4b:s3+s2] =	stream.indirect_vreg.scatter [tilespmem:s17], [sflag:$0x2], $0x80, v3, vm0, $0xb8;
	[tilespmem:$0x10C00] =	vst v63  }
0x4c7: {  	v3 =	vld [tilespmem:$0x660];
	_ =	sdelay $0x4  }
0x4c8: {  	v22 =	vshll.u32 v3, $0x1  }
0x4c9: {  	v3 =	vand.u32 $0x7, v3;
	v4 =	vand.u32 $0xFFFFFFF0, v22  }
0x4ca: {  	v3 =	vor.u32 v3, v4  }
0x4cb: {  	v4 =	vperm.xlane v3, v0;
	_ =	sdelay $0x1  }
0x4cc: {  	v3 =	vperm.xlane v3, v2;
	v4 =	vadd.s32 v1, v4;
	_ =	sdelay $0x1  }
0x4cd: {  	v3 =	vadd.s32 v1, v3;
	_ =	sdelay $0x1  }
0x4ce: {  	s21 =	simm.s32 $0x6C00  }
0x4cf: {  	[hbm4b:s3+s2] =	stream.indirect_vreg.scatter [tilespmem:s21], [sflag:$0x2], $0x80, v4, vm0, $0xb8;
	[tilespmem:$0x10C00] =	vst v63  }
0x4d0: {  	s10 =	simm.s32 $0x7400  }
0x4d1: {  	[hbm4b:s3+s2] =	stream.indirect_vreg.scatter [tilespmem:s10], [sflag:$0x2], $0x80, v3, vm0, $0xb8;
	[tilespmem:$0x10C00] =	vst v63  }
0x4d2: {  	v3 =	vld [tilespmem:$0x670];
	_ =	sdelay $0x4  }
0x4d3: {  	v23 =	vshll.u32 v3, $0x1  }
0x4d4: {  	v3 =	vand.u32 $0x7, v3;
	v4 =	vand.u32 $0xFFFFFFF0, v23  }
0x4d5: {  	v3 =	vor.u32 v3, v4  }
0x4d6: {  	v4 =	vperm.xlane v3, v0;
	_ =	sdelay $0x1  }
0x4d7: {  	v3 =	vperm.xlane v3, v2;
	v4 =	vadd.s32 v1, v4;
	_ =	sdelay $0x1  }
0x4d8: {  	v3 =	vadd.s32 v1, v3;
	_ =	sdelay $0x1  }
0x4d9: {  	s15 =	simm.s32 $0x7C00  }
0x4da: {  	[hbm4b:s3+s2] =	stream.indirect_vreg.scatter [tilespmem:s15], [sflag:$0x2], $0x80, v4, vm0, $0xb8;
	[tilespmem:$0x10C00] =	vst v63  }
0x4db: {  	s30 =	simm.s32 $0x8400  }
0x4dc: {  	[hbm4b:s3+s2] =	stream.indirect_vreg.scatter [tilespmem:s30], [sflag:$0x2], $0x80, v3, vm0, $0xb8;
	[tilespmem:$0x10C00] =	vst v63  }
0x4dd: {  	_ =	swait.ge [sflag:s13], $0x8000  }
0x4de: {  	[sflag:s13] =	ssyncset.done $0x0  }
0x4df: {  	s15 =	rddreg [dreg:$0x11];
	[sflag:s13] =	ssyncadd.s32 $0xFFFF8000  }
0x4e0: {  	[tilespmem:s23], [sflag:$0x1] =	stream.linear.gather [hbm4b:s15+s2], $0x8000, $0x38;
	[tilespmem:$0x10C00] =	vst v63  }
0x4e1: {  	_ =	swait.ge [sflag:s7], $0x8000  }
0x4e2: {  	[sflag:s7] =	ssyncset.done $0x0  }
0x4e3: {  	[sflag:s7] =	ssyncadd.s32 $0xFFFF8000  }
0x4e4: {  	v3 =	vld [tilespmem:$0x680];
	_ =	sdelay $0x4  }
0x4e5: {  	v24 =	vshll.u32 v3, $0x1  }
0x4e6: {  	v3 =	vand.u32 $0x7, v3;
	v4 =	vand.u32 $0xFFFFFFF0, v24  }
0x4e7: {  	v3 =	vor.u32 v3, v4  }
0x4e8: {  	v4 =	vperm.xlane v3, v0;
	_ =	sdelay $0x1  }
0x4e9: {  	v3 =	vperm.xlane v3, v2;
	v4 =	vadd.s32 v1, v4;
	_ =	sdelay $0x1  }
0x4ea: {  	v3 =	vadd.s32 v1, v3;
	_ =	sdelay $0x2  }
0x4eb: {  	[hbm4b:s3+s2] =	stream.indirect_vreg.scatter [tilespmem:s23], [sflag:$0x2], $0x80, v4, vm0, $0xb8;
	[tilespmem:$0x10C00] =	vst v63  }
0x4ec: {  	s30 =	simm.s32 $0x9400  }
0x4ed: {  	[hbm4b:s3+s2] =	stream.indirect_vreg.scatter [tilespmem:s30], [sflag:$0x2], $0x80, v3, vm0, $0xb8;
	[tilespmem:$0x10C00] =	vst v63  }
0x4ee: {  	v3 =	vld [tilespmem:$0x690];
	_ =	sdelay $0x4  }
0x4ef: {  	v25 =	vshll.u32 v3, $0x1  }
0x4f0: {  	v3 =	vand.u32 $0x7, v3;
	v4 =	vand.u32 $0xFFFFFFF0, v25  }
0x4f1: {  	v3 =	vor.u32 v3, v4  }
0x4f2: {  	v4 =	vperm.xlane v3, v0;
	_ =	sdelay $0x1  }
0x4f3: {  	v3 =	vperm.xlane v3, v2;
	v4 =	vadd.s32 v1, v4;
	_ =	sdelay $0x1  }
0x4f4: {  	v3 =	vadd.s32 v1, v3;
	_ =	sdelay $0x1  }
0x4f5: {  	s5 =	simm.s32 $0x9C00  }
0x4f6: {  	[hbm4b:s3+s2] =	stream.indirect_vreg.scatter [tilespmem:s5], [sflag:$0x2], $0x80, v4, vm0, $0xb8;
	[tilespmem:$0x10C00] =	vst v63  }
0x4f7: {  	s18 =	simm.s32 $0xA400  }
0x4f8: {  	[hbm4b:s3+s2] =	stream.indirect_vreg.scatter [tilespmem:s18], [sflag:$0x2], $0x80, v3, vm0, $0xb8;
	[tilespmem:$0x10C00] =	vst v63  }
0x4f9: {  	v3 =	vld [tilespmem:$0x6A0];
	_ =	sdelay $0x4  }
0x4fa: {  	v26 =	vshll.u32 v3, $0x1  }
0x4fb: {  	v3 =	vand.u32 $0x7, v3;
	v4 =	vand.u32 $0xFFFFFFF0, v26  }
0x4fc: {  	v3 =	vor.u32 v3, v4  }
0x4fd: {  	v4 =	vperm.xlane v3, v0;
	_ =	sdelay $0x1  }
0x4fe: {  	v3 =	vperm.xlane v3, v2;
	v4 =	vadd.s32 v1, v4;
	_ =	sdelay $0x1  }
0x4ff: {  	v3 =	vadd.s32 v1, v3;
	_ =	sdelay $0x1  }
0x500: {  	s22 =	simm.s32 $0xAC00  }
0x501: {  	[hbm4b:s3+s2] =	stream.indirect_vreg.scatter [tilespmem:s22], [sflag:$0x2], $0x80, v4, vm0, $0xb8;
	[tilespmem:$0x10C00] =	vst v63  }
0x502: {  	s31 =	simm.s32 $0xB400  }
0x503: {  	[hbm4b:s3+s2] =	stream.indirect_vreg.scatter [tilespmem:s31], [sflag:$0x2], $0x80, v3, vm0, $0xb8;
	[tilespmem:$0x10C00] =	vst v63  }
0x504: {  	v3 =	vld [tilespmem:$0x6B0];
	_ =	sdelay $0x4  }
0x505: {  	v27 =	vshll.u32 v3, $0x1  }
0x506: {  	v3 =	vand.u32 $0x7, v3;
	v4 =	vand.u32 $0xFFFFFFF0, v27  }
0x507: {  	v3 =	vor.u32 v3, v4  }
0x508: {  	v4 =	vperm.xlane v3, v0;
	_ =	sdelay $0x1  }
0x509: {  	v3 =	vperm.xlane v3, v2;
	v4 =	vadd.s32 v1, v4;
	_ =	sdelay $0x1  }
0x50a: {  	v3 =	vadd.s32 v1, v3;
	_ =	sdelay $0x1  }
0x50b: {  	s24 =	simm.s32 $0xBC00  }
0x50c: {  	[hbm4b:s3+s2] =	stream.indirect_vreg.scatter [tilespmem:s24], [sflag:$0x2], $0x80, v4, vm0, $0xb8;
	[tilespmem:$0x10C00] =	vst v63  }
0x50d: {  	s29 =	simm.s32 $0xC400  }
0x50e: {  	[hbm4b:s3+s2] =	stream.indirect_vreg.scatter [tilespmem:s29], [sflag:$0x2], $0x80, v3, vm0, $0xb8;
	[tilespmem:$0x10C00] =	vst v63  }
0x50f: {  	v3 =	vld [tilespmem:$0x6C0];
	_ =	sdelay $0x4  }
0x510: {  	v28 =	vshll.u32 v3, $0x1  }
0x511: {  	v3 =	vand.u32 $0x7, v3;
	v4 =	vand.u32 $0xFFFFFFF0, v28  }
0x512: {  	v3 =	vor.u32 v3, v4  }
0x513: {  	v4 =	vperm.xlane v3, v0;
	_ =	sdelay $0x1  }
0x514: {  	v3 =	vperm.xlane v3, v2;
	v4 =	vadd.s32 v1, v4;
	_ =	sdelay $0x1  }
0x515: {  	v3 =	vadd.s32 v1, v3;
	_ =	sdelay $0x1  }
0x516: {  	s28 =	simm.s32 $0xCC00  }
0x517: {  	[hbm4b:s3+s2] =	stream.indirect_vreg.scatter [tilespmem:s28], [sflag:$0x2], $0x80, v4, vm0, $0xb8;
	[tilespmem:$0x10C00] =	vst v63  }
0x518: {  	s25 =	simm.s32 $0xD400  }
0x519: {  	[hbm4b:s3+s2] =	stream.indirect_vreg.scatter [tilespmem:s25], [sflag:$0x2], $0x80, v3, vm0, $0xb8;
	[tilespmem:$0x10C00] =	vst v63  }
0x51a: {  	v3 =	vld [tilespmem:$0x6D0];
	_ =	sdelay $0x4  }
0x51b: {  	v29 =	vshll.u32 v3, $0x1  }
0x51c: {  	v3 =	vand.u32 $0x7, v3;
	v4 =	vand.u32 $0xFFFFFFF0, v29  }
0x51d: {  	v3 =	vor.u32 v3, v4  }
0x51e: {  	v4 =	vperm.xlane v3, v0;
	_ =	sdelay $0x1  }
0x51f: {  	v3 =	vperm.xlane v3, v2;
	v4 =	vadd.s32 v1, v4;
	_ =	sdelay $0x1  }
0x520: {  	v3 =	vadd.s32 v1, v3;
	_ =	sdelay $0x1  }
0x521: {  	s19 =	simm.s32 $0xDC00  }
0x522: {  	[hbm4b:s3+s2] =	stream.indirect_vreg.scatter [tilespmem:s19], [sflag:$0x2], $0x80, v4, vm0, $0xb8;
	[tilespmem:$0x10C00] =	vst v63  }
0x523: {  	s26 =	simm.s32 $0xE400  }
0x524: {  	[hbm4b:s3+s2] =	stream.indirect_vreg.scatter [tilespmem:s26], [sflag:$0x2], $0x80, v3, vm0, $0xb8;
	[tilespmem:$0x10C00] =	vst v63  }
0x525: {  	v3 =	vld [tilespmem:$0x6E0];
	_ =	sdelay $0x4  }
0x526: {  	v30 =	vshll.u32 v3, $0x1  }
0x527: {  	v3 =	vand.u32 $0x7, v3;
	v4 =	vand.u32 $0xFFFFFFF0, v30  }
0x528: {  	v3 =	vor.u32 v3, v4  }
0x529: {  	v4 =	vperm.xlane v3, v0;
	_ =	sdelay $0x1  }
0x52a: {  	v3 =	vperm.xlane v3, v2;
	v4 =	vadd.s32 v1, v4;
	_ =	sdelay $0x1  }
0x52b: {  	v3 =	vadd.s32 v1, v3;
	_ =	sdelay $0x1  }
0x52c: {  	s9 =	simm.s32 $0xEC00  }
0x52d: {  	[hbm4b:s3+s2] =	stream.indirect_vreg.scatter [tilespmem:s9], [sflag:$0x2], $0x80, v4, vm0, $0xb8;
	[tilespmem:$0x10C00] =	vst v63  }
0x52e: {  	s0 =	simm.s32 $0xF400  }
0x52f: {  	[hbm4b:s3+s2] =	stream.indirect_vreg.scatter [tilespmem:s0], [sflag:$0x2], $0x80, v3, vm0, $0xb8;
	[tilespmem:$0x10C00] =	vst v63  }
0x530: {  	v3 =	vld [tilespmem:$0x6F0];
	_ =	sdelay $0x4  }
0x531: {  	v31 =	vshll.u32 v3, $0x1  }
0x532: {  	v3 =	vand.u32 $0x7, v3;
	v4 =	vand.u32 $0xFFFFFFF0, v31  }
0x533: {  	v3 =	vor.u32 v3, v4  }
0x534: {  	v4 =	vperm.xlane v3, v0;
	_ =	sdelay $0x1  }
0x535: {  	v3 =	vperm.xlane v3, v2;
	v4 =	vadd.s32 v1, v4;
	_ =	sdelay $0x1  }
0x536: {  	v3 =	vadd.s32 v1, v3;
	_ =	sdelay $0x1  }
0x537: {  	s1 =	simm.s32 $0xFC00  }
0x538: {  	[hbm4b:s3+s2] =	stream.indirect_vreg.scatter [tilespmem:s1], [sflag:$0x2], $0x80, v4, vm0, $0xb8;
	[tilespmem:$0x10C00] =	vst v63  }
0x539: {  	s4 =	simm.s32 $0x10400  }
0x53a: {  	[hbm4b:s3+s2] =	stream.indirect_vreg.scatter [tilespmem:s4], [sflag:$0x2], $0x80, v3, vm0, $0xb8;
	[tilespmem:$0x10C00] =	vst v63  }
0x53b: {  	_ =	swait.ge [sflag:s13], $0x8000  }
0x53c: {  	[sflag:s13] =	ssyncset.done $0x0  }
0x53d: {  	s4 =	rddreg [dreg:$0x12];
	[sflag:s13] =	ssyncadd.s32 $0xFFFF8000  }
0x53e: {  	[tilespmem:s6], [sflag:$0x1] =	stream.linear.gather [hbm4b:s4+s2], $0x8000, $0x38;
	[tilespmem:$0x10C00] =	vst v63  }
0x53f: {  	_ =	swait.ge [sflag:s7], $0x8000  }
0x540: {  	[sflag:s7] =	ssyncset.done $0x0  }
0x541: {  	[sflag:s7] =	ssyncadd.s32 $0xFFFF8000  }
0x542: {  	v3 =	vld [tilespmem:$0x700];
	_ =	sdelay $0x4  }
0x543: {  	v32 =	vshll.u32 v3, $0x1  }
0x544: {  	v3 =	vand.u32 $0x7, v3;
	v4 =	vand.u32 $0xFFFFFFF0, v32  }
0x545: {  	v3 =	vor.u32 v3, v4  }
0x546: {  	v4 =	vperm.xlane v3, v0;
	_ =	sdelay $0x1  }
0x547: {  	v3 =	vperm.xlane v3, v2;
	v4 =	vadd.s32 v1, v4;
	_ =	sdelay $0x1  }
0x548: {  	v3 =	vadd.s32 v1, v3;
	_ =	sdelay $0x2  }
0x549: {  	[hbm4b:s3+s2] =	stream.indirect_vreg.scatter [tilespmem:s6], [sflag:$0x2], $0x80, v4, vm0, $0xb8;
	[tilespmem:$0x10C00] =	vst v63  }
0x54a: {  	s9 =	simm.s32 $0x1400  }
0x54b: {  	[hbm4b:s3+s2] =	stream.indirect_vreg.scatter [tilespmem:s9], [sflag:$0x2], $0x80, v3, vm0, $0xb8;
	[tilespmem:$0x10C00] =	vst v63  }
0x54c: {  	v3 =	vld [tilespmem:$0x710];
	_ =	sdelay $0x4  }
0x54d: {  	v33 =	vshll.u32 v3, $0x1  }
0x54e: {  	v3 =	vand.u32 $0x7, v3;
	v4 =	vand.u32 $0xFFFFFFF0, v33  }
0x54f: {  	v3 =	vor.u32 v3, v4  }
0x550: {  	v4 =	vperm.xlane v3, v0;
	_ =	sdelay $0x1  }
0x551: {  	v3 =	vperm.xlane v3, v2;
	v4 =	vadd.s32 v1, v4;
	_ =	sdelay $0x1  }
0x552: {  	v3 =	vadd.s32 v1, v3;
	_ =	sdelay $0x1  }
0x553: {  	s14 =	simm.s32 $0x1C00  }
0x554: {  	[hbm4b:s3+s2] =	stream.indirect_vreg.scatter [tilespmem:s14], [sflag:$0x2], $0x80, v4, vm0, $0xb8;
	[tilespmem:$0x10C00] =	vst v63  }
0x555: {  	s20 =	simm.s32 $0x2400  }
0x556: {  	[hbm4b:s3+s2] =	stream.indirect_vreg.scatter [tilespmem:s20], [sflag:$0x2], $0x80, v3, vm0, $0xb8;
	[tilespmem:$0x10C00] =	vst v63  }
0x557: {  	v3 =	vld [tilespmem:$0x720];
	_ =	sdelay $0x4  }
0x558: {  	v34 =	vshll.u32 v3, $0x1  }
0x559: {  	v3 =	vand.u32 $0x7, v3;
	v4 =	vand.u32 $0xFFFFFFF0, v34  }
0x55a: {  	v3 =	vor.u32 v3, v4  }
0x55b: {  	v4 =	vperm.xlane v3, v0;
	_ =	sdelay $0x1  }
0x55c: {  	v3 =	vperm.xlane v3, v2;
	v4 =	vadd.s32 v1, v4;
	_ =	sdelay $0x1  }
0x55d: {  	v3 =	vadd.s32 v1, v3;
	_ =	sdelay $0x1  }
0x55e: {  	s1 =	simm.s32 $0x2C00  }
0x55f: {  	[hbm4b:s3+s2] =	stream.indirect_vreg.scatter [tilespmem:s1], [sflag:$0x2], $0x80, v4, vm0, $0xb8;
	[tilespmem:$0x10C00] =	vst v63  }
0x560: {  	s4 =	simm.s32 $0x3400  }
0x561: {  	[hbm4b:s3+s2] =	stream.indirect_vreg.scatter [tilespmem:s4], [sflag:$0x2], $0x80, v3, vm0, $0xb8;
	[tilespmem:$0x10C00] =	vst v63  }
0x562: {  	v3 =	vld [tilespmem:$0x730];
	_ =	sdelay $0x4  }
0x563: {  	v35 =	vshll.u32 v3, $0x1  }
0x564: {  	v3 =	vand.u32 $0x7, v3;
	v4 =	vand.u32 $0xFFFFFFF0, v35  }
0x565: {  	v3 =	vor.u32 v3, v4  }
0x566: {  	v4 =	vperm.xlane v3, v0;
	_ =	sdelay $0x1  }
0x567: {  	v3 =	vperm.xlane v3, v2;
	v4 =	vadd.s32 v1, v4;
	_ =	sdelay $0x1  }
0x568: {  	v3 =	vadd.s32 v1, v3;
	_ =	sdelay $0x1  }
0x569: {  	s14 =	simm.s32 $0x3C00  }
0x56a: {  	[hbm4b:s3+s2] =	stream.indirect_vreg.scatter [tilespmem:s14], [sflag:$0x2], $0x80, v4, vm0, $0xb8;
	[tilespmem:$0x10C00] =	vst v63  }
0x56b: {  	s11 =	simm.s32 $0x4400  }
0x56c: {  	[hbm4b:s3+s2] =	stream.indirect_vreg.scatter [tilespmem:s11], [sflag:$0x2], $0x80, v3, vm0, $0xb8;
	[tilespmem:$0x10C00] =	vst v63  }
0x56d: {  	v3 =	vld [tilespmem:$0x740];
	_ =	sdelay $0x4  }
0x56e: {  	v36 =	vshll.u32 v3, $0x1  }
0x56f: {  	v3 =	vand.u32 $0x7, v3;
	v4 =	vand.u32 $0xFFFFFFF0, v36  }
0x570: {  	v3 =	vor.u32 v3, v4  }
0x571: {  	v4 =	vperm.xlane v3, v0;
	_ =	sdelay $0x1  }
0x572: {  	v3 =	vperm.xlane v3, v2;
	v4 =	vadd.s32 v1, v4;
	_ =	sdelay $0x1  }
0x573: {  	v3 =	vadd.s32 v1, v3;
	_ =	sdelay $0x1  }
0x574: {  	s8 =	simm.s32 $0x4C00  }
0x575: {  	[hbm4b:s3+s2] =	stream.indirect_vreg.scatter [tilespmem:s8], [sflag:$0x2], $0x80, v4, vm0, $0xb8;
	[tilespmem:$0x10C00] =	vst v63  }
0x576: {  	s20 =	simm.s32 $0x5400  }
0x577: {  	[hbm4b:s3+s2] =	stream.indirect_vreg.scatter [tilespmem:s20], [sflag:$0x2], $0x80, v3, vm0, $0xb8;
	[tilespmem:$0x10C00] =	vst v63  }
0x578: {  	v3 =	vld [tilespmem:$0x750];
	_ =	sdelay $0x4  }
0x579: {  	v37 =	vshll.u32 v3, $0x1  }
0x57a: {  	v3 =	vand.u32 $0x7, v3;
	v4 =	vand.u32 $0xFFFFFFF0, v37  }
0x57b: {  	v3 =	vor.u32 v3, v4  }
0x57c: {  	v4 =	vperm.xlane v3, v0;
	_ =	sdelay $0x1  }
0x57d: {  	v3 =	vperm.xlane v3, v2;
	v4 =	vadd.s32 v1, v4;
	_ =	sdelay $0x1  }
0x57e: {  	v3 =	vadd.s32 v1, v3;
	_ =	sdelay $0x1  }
0x57f: {  	s16 =	simm.s32 $0x5C00  }
0x580: {  	[hbm4b:s3+s2] =	stream.indirect_vreg.scatter [tilespmem:s16], [sflag:$0x2], $0x80, v4, vm0, $0xb8;
	[tilespmem:$0x10C00] =	vst v63  }
0x581: {  	s17 =	simm.s32 $0x6400  }
0x582: {  	[hbm4b:s3+s2] =	stream.indirect_vreg.scatter [tilespmem:s17], [sflag:$0x2], $0x80, v3, vm0, $0xb8;
	[tilespmem:$0x10C00] =	vst v63  }
0x583: {  	v3 =	vld [tilespmem:$0x760];
	_ =	sdelay $0x4  }
0x584: {  	v38 =	vshll.u32 v3, $0x1  }
0x585: {  	v3 =	vand.u32 $0x7, v3;
	v4 =	vand.u32 $0xFFFFFFF0, v38  }
0x586: {  	v3 =	vor.u32 v3, v4  }
0x587: {  	v4 =	vperm.xlane v3, v0;
	_ =	sdelay $0x1  }
0x588: {  	v3 =	vperm.xlane v3, v2;
	v4 =	vadd.s32 v1, v4;
	_ =	sdelay $0x1  }
0x589: {  	v3 =	vadd.s32 v1, v3;
	_ =	sdelay $0x1  }
0x58a: {  	s21 =	simm.s32 $0x6C00  }
0x58b: {  	[hbm4b:s3+s2] =	stream.indirect_vreg.scatter [tilespmem:s21], [sflag:$0x2], $0x80, v4, vm0, $0xb8;
	[tilespmem:$0x10C00] =	vst v63  }
0x58c: {  	s10 =	simm.s32 $0x7400  }
0x58d: {  	[hbm4b:s3+s2] =	stream.indirect_vreg.scatter [tilespmem:s10], [sflag:$0x2], $0x80, v3, vm0, $0xb8;
	[tilespmem:$0x10C00] =	vst v63  }
0x58e: {  	v3 =	vld [tilespmem:$0x770];
	_ =	sdelay $0x4  }
0x58f: {  	v39 =	vshll.u32 v3, $0x1  }
0x590: {  	v3 =	vand.u32 $0x7, v3;
	v4 =	vand.u32 $0xFFFFFFF0, v39  }
0x591: {  	v3 =	vor.u32 v3, v4  }
0x592: {  	v4 =	vperm.xlane v3, v0;
	_ =	sdelay $0x1  }
0x593: {  	v3 =	vperm.xlane v3, v2;
	v4 =	vadd.s32 v1, v4;
	_ =	sdelay $0x1  }
0x594: {  	v3 =	vadd.s32 v1, v3;
	_ =	sdelay $0x1  }
0x595: {  	s12 =	simm.s32 $0x7C00  }
0x596: {  	[hbm4b:s3+s2] =	stream.indirect_vreg.scatter [tilespmem:s12], [sflag:$0x2], $0x80, v4, vm0, $0xb8;
	[tilespmem:$0x10C00] =	vst v63  }
0x597: {  	s21 =	simm.s32 $0x8400  }
0x598: {  	[hbm4b:s3+s2] =	stream.indirect_vreg.scatter [tilespmem:s21], [sflag:$0x2], $0x80, v3, vm0, $0xb8;
	[tilespmem:$0x10C00] =	vst v63  }
0x599: {  	_ =	swait.ge [sflag:s13], $0x8000  }
0x59a: {  	[sflag:s13] =	ssyncset.done $0x0  }
0x59b: {  	s12 =	rddreg [dreg:$0x13];
	[sflag:s13] =	ssyncadd.s32 $0xFFFF8000  }
0x59c: {  	[tilespmem:s23], [sflag:$0x1] =	stream.linear.gather [hbm4b:s12+s2], $0x8000, $0x38;
	[tilespmem:$0x10C00] =	vst v63  }
0x59d: {  	_ =	swait.ge [sflag:s7], $0x8000  }
0x59e: {  	[sflag:s7] =	ssyncset.done $0x0  }
0x59f: {  	[sflag:s7] =	ssyncadd.s32 $0xFFFF8000  }
0x5a0: {  	v3 =	vld [tilespmem:$0x780];
	_ =	sdelay $0x4  }
0x5a1: {  	v40 =	vshll.u32 v3, $0x1  }
0x5a2: {  	v3 =	vand.u32 $0x7, v3;
	v4 =	vand.u32 $0xFFFFFFF0, v40  }
0x5a3: {  	v3 =	vor.u32 v3, v4  }
0x5a4: {  	v4 =	vperm.xlane v3, v0;
	_ =	sdelay $0x1  }
0x5a5: {  	v3 =	vperm.xlane v3, v2;
	v4 =	vadd.s32 v1, v4;
	_ =	sdelay $0x1  }
0x5a6: {  	v3 =	vadd.s32 v1, v3;
	_ =	sdelay $0x2  }
0x5a7: {  	[hbm4b:s3+s2] =	stream.indirect_vreg.scatter [tilespmem:s23], [sflag:$0x2], $0x80, v4, vm0, $0xb8;
	[tilespmem:$0x10C00] =	vst v63  }
0x5a8: {  	s14 =	simm.s32 $0x9400  }
0x5a9: {  	[hbm4b:s3+s2] =	stream.indirect_vreg.scatter [tilespmem:s14], [sflag:$0x2], $0x80, v3, vm0, $0xb8;
	[tilespmem:$0x10C00] =	vst v63  }
0x5aa: {  	v3 =	vld [tilespmem:$0x790];
	_ =	sdelay $0x4  }
0x5ab: {  	v41 =	vshll.u32 v3, $0x1  }
0x5ac: {  	v3 =	vand.u32 $0x7, v3;
	v4 =	vand.u32 $0xFFFFFFF0, v41  }
0x5ad: {  	v3 =	vor.u32 v3, v4  }
0x5ae: {  	v4 =	vperm.xlane v3, v0;
	_ =	sdelay $0x1  }
0x5af: {  	v3 =	vperm.xlane v3, v2;
	v4 =	vadd.s32 v1, v4;
	_ =	sdelay $0x1  }
0x5b0: {  	v3 =	vadd.s32 v1, v3;
	_ =	sdelay $0x1  }
0x5b1: {  	s30 =	simm.s32 $0x9C00  }
0x5b2: {  	[hbm4b:s3+s2] =	stream.indirect_vreg.scatter [tilespmem:s30], [sflag:$0x2], $0x80, v4, vm0, $0xb8;
	[tilespmem:$0x10C00] =	vst v63  }
0x5b3: {  	s15 =	simm.s32 $0xA400  }
0x5b4: {  	[hbm4b:s3+s2] =	stream.indirect_vreg.scatter [tilespmem:s15], [sflag:$0x2], $0x80, v3, vm0, $0xb8;
	[tilespmem:$0x10C00] =	vst v63  }
0x5b5: {  	v3 =	vld [tilespmem:$0x7A0];
	_ =	sdelay $0x4  }
0x5b6: {  	v42 =	vshll.u32 v3, $0x1  }
0x5b7: {  	v3 =	vand.u32 $0x7, v3;
	v4 =	vand.u32 $0xFFFFFFF0, v42  }
0x5b8: {  	v3 =	vor.u32 v3, v4  }
0x5b9: {  	v4 =	vperm.xlane v3, v0;
	_ =	sdelay $0x1  }
0x5ba: {  	v3 =	vperm.xlane v3, v2;
	v4 =	vadd.s32 v1, v4;
	_ =	sdelay $0x1  }
0x5bb: {  	v3 =	vadd.s32 v1, v3;
	_ =	sdelay $0x1  }
0x5bc: {  	s5 =	simm.s32 $0xAC00  }
0x5bd: {  	[hbm4b:s3+s2] =	stream.indirect_vreg.scatter [tilespmem:s5], [sflag:$0x2], $0x80, v4, vm0, $0xb8;
	[tilespmem:$0x10C00] =	vst v63  }
0x5be: {  	s18 =	simm.s32 $0xB400  }
0x5bf: {  	[hbm4b:s3+s2] =	stream.indirect_vreg.scatter [tilespmem:s18], [sflag:$0x2], $0x80, v3, vm0, $0xb8;
	[tilespmem:$0x10C00] =	vst v63  }
0x5c0: {  	v3 =	vld [tilespmem:$0x7B0];
	_ =	sdelay $0x4  }
0x5c1: {  	v43 =	vshll.u32 v3, $0x1  }
0x5c2: {  	v3 =	vand.u32 $0x7, v3;
	v4 =	vand.u32 $0xFFFFFFF0, v43  }
0x5c3: {  	v3 =	vor.u32 v3, v4  }
0x5c4: {  	v4 =	vperm.xlane v3, v0;
	_ =	sdelay $0x1  }
0x5c5: {  	v3 =	vperm.xlane v3, v2;
	v4 =	vadd.s32 v1, v4;
	_ =	sdelay $0x1  }
0x5c6: {  	v3 =	vadd.s32 v1, v3;
	_ =	sdelay $0x1  }
0x5c7: {  	s15 =	simm.s32 $0xBC00  }
0x5c8: {  	[hbm4b:s3+s2] =	stream.indirect_vreg.scatter [tilespmem:s15], [sflag:$0x2], $0x80, v4, vm0, $0xb8;
	[tilespmem:$0x10C00] =	vst v63  }
0x5c9: {  	s18 =	simm.s32 $0xC400  }
0x5ca: {  	[hbm4b:s3+s2] =	stream.indirect_vreg.scatter [tilespmem:s18], [sflag:$0x2], $0x80, v3, vm0, $0xb8;
	[tilespmem:$0x10C00] =	vst v63  }
0x5cb: {  	v3 =	vld [tilespmem:$0x7C0];
	_ =	sdelay $0x4  }
0x5cc: {  	v44 =	vshll.u32 v3, $0x1  }
0x5cd: {  	v3 =	vand.u32 $0x7, v3;
	v4 =	vand.u32 $0xFFFFFFF0, v44  }
0x5ce: {  	v3 =	vor.u32 v3, v4  }
0x5cf: {  	v4 =	vperm.xlane v3, v0;
	_ =	sdelay $0x1  }
0x5d0: {  	v3 =	vperm.xlane v3, v2;
	v4 =	vadd.s32 v1, v4;
	_ =	sdelay $0x1  }
0x5d1: {  	v3 =	vadd.s32 v1, v3;
	_ =	sdelay $0x1  }
0x5d2: {  	s31 =	simm.s32 $0xCC00  }
0x5d3: {  	[hbm4b:s3+s2] =	stream.indirect_vreg.scatter [tilespmem:s31], [sflag:$0x2], $0x80, v4, vm0, $0xb8;
	[tilespmem:$0x10C00] =	vst v63  }
0x5d4: {  	s25 =	simm.s32 $0xD400  }
0x5d5: {  	[hbm4b:s3+s2] =	stream.indirect_vreg.scatter [tilespmem:s25], [sflag:$0x2], $0x80, v3, vm0, $0xb8;
	[tilespmem:$0x10C00] =	vst v63  }
0x5d6: {  	v3 =	vld [tilespmem:$0x7D0];
	_ =	sdelay $0x4  }
0x5d7: {  	v45 =	vshll.u32 v3, $0x1  }
0x5d8: {  	v3 =	vand.u32 $0x7, v3;
	v4 =	vand.u32 $0xFFFFFFF0, v45  }
0x5d9: {  	v3 =	vor.u32 v3, v4  }
0x5da: {  	v4 =	vperm.xlane v3, v0;
	_ =	sdelay $0x1  }
0x5db: {  	v3 =	vperm.xlane v3, v2;
	v4 =	vadd.s32 v1, v4;
	_ =	sdelay $0x1  }
0x5dc: {  	v3 =	vadd.s32 v1, v3;
	_ =	sdelay $0x1  }
0x5dd: {  	s24 =	simm.s32 $0xDC00  }
0x5de: {  	[hbm4b:s3+s2] =	stream.indirect_vreg.scatter [tilespmem:s24], [sflag:$0x2], $0x80, v4, vm0, $0xb8;
	[tilespmem:$0x10C00] =	vst v63  }
0x5df: {  	s29 =	simm.s32 $0xE400  }
0x5e0: {  	[hbm4b:s3+s2] =	stream.indirect_vreg.scatter [tilespmem:s29], [sflag:$0x2], $0x80, v3, vm0, $0xb8;
	[tilespmem:$0x10C00] =	vst v63  }
0x5e1: {  	v3 =	vld [tilespmem:$0x7E0];
	_ =	sdelay $0x4  }
0x5e2: {  	v46 =	vshll.u32 v3, $0x1  }
0x5e3: {  	v3 =	vand.u32 $0x7, v3;
	v4 =	vand.u32 $0xFFFFFFF0, v46  }
0x5e4: {  	v3 =	vor.u32 v3, v4  }
0x5e5: {  	v4 =	vperm.xlane v3, v0;
	_ =	sdelay $0x1  }
0x5e6: {  	v3 =	vperm.xlane v3, v2;
	v4 =	vadd.s32 v1, v4;
	_ =	sdelay $0x1  }
0x5e7: {  	v3 =	vadd.s32 v1, v3;
	_ =	sdelay $0x1  }
0x5e8: {  	s22 =	simm.s32 $0xEC00  }
0x5e9: {  	[hbm4b:s3+s2] =	stream.indirect_vreg.scatter [tilespmem:s22], [sflag:$0x2], $0x80, v4, vm0, $0xb8;
	[tilespmem:$0x10C00] =	vst v63  }
0x5ea: {  	s19 =	simm.s32 $0xF400  }
0x5eb: {  	[hbm4b:s3+s2] =	stream.indirect_vreg.scatter [tilespmem:s19], [sflag:$0x2], $0x80, v3, vm0, $0xb8;
	[tilespmem:$0x10C00] =	vst v63  }
0x5ec: {  	v3 =	vld [tilespmem:$0x7F0];
	_ =	sdelay $0x4  }
0x5ed: {  	v47 =	vshll.u32 v3, $0x1  }
0x5ee: {  	v3 =	vand.u32 $0x7, v3;
	v4 =	vand.u32 $0xFFFFFFF0, v47  }
0x5ef: {  	v3 =	vor.u32 v3, v4  }
0x5f0: {  	v4 =	vperm.xlane v3, v0;
	_ =	sdelay $0x1  }
0x5f1: {  	v3 =	vperm.xlane v3, v2;
	v4 =	vadd.s32 v1, v4;
	_ =	sdelay $0x1  }
0x5f2: {  	v3 =	vadd.s32 v1, v3;
	_ =	sdelay $0x1  }
0x5f3: {  	s26 =	simm.s32 $0xFC00  }
0x5f4: {  	[hbm4b:s3+s2] =	stream.indirect_vreg.scatter [tilespmem:s26], [sflag:$0x2], $0x80, v4, vm0, $0xb8;
	[tilespmem:$0x10C00] =	vst v63  }
0x5f5: {  	s28 =	simm.s32 $0x10400  }
0x5f6: {  	[hbm4b:s3+s2] =	stream.indirect_vreg.scatter [tilespmem:s28], [sflag:$0x2], $0x80, v3, vm0, $0xb8;
	[tilespmem:$0x10C00] =	vst v63  }
0x5f7: {  	_ =	swait.ge [sflag:s13], $0x8000  }
0x5f8: {  	[sflag:s13] =	ssyncset.done $0x0  }
0x5f9: {  	s28 =	rddreg [dreg:$0x14];
	[sflag:s13] =	ssyncadd.s32 $0xFFFF8000  }
0x5fa: {  	[tilespmem:s6], [sflag:$0x1] =	stream.linear.gather [hbm4b:s28+s2], $0x8000, $0x38;
	[tilespmem:$0x10C00] =	vst v63  }
0x5fb: {  	_ =	swait.ge [sflag:s7], $0x8000  }
0x5fc: {  	[sflag:s7] =	ssyncset.done $0x0  }
0x5fd: {  	[sflag:s7] =	ssyncadd.s32 $0xFFFF8000  }
0x5fe: {  	v3 =	vld [tilespmem:$0x800];
	_ =	sdelay $0x4  }
0x5ff: {  	v48 =	vshll.u32 v3, $0x1  }
0x600: {  	v3 =	vand.u32 $0x7, v3;
	v4 =	vand.u32 $0xFFFFFFF0, v48  }
0x601: {  	v3 =	vor.u32 v3, v4  }
0x602: {  	v4 =	vperm.xlane v3, v0;
	_ =	sdelay $0x1  }
0x603: {  	v3 =	vperm.xlane v3, v2;
	v4 =	vadd.s32 v1, v4;
	_ =	sdelay $0x1  }
0x604: {  	v3 =	vadd.s32 v1, v3;
	_ =	sdelay $0x2  }
0x605: {  	[hbm4b:s3+s2] =	stream.indirect_vreg.scatter [tilespmem:s6], [sflag:$0x2], $0x80, v4, vm0, $0xb8;
	[tilespmem:$0x10C00] =	vst v63  }
0x606: {  	s29 =	simm.s32 $0x1400  }
0x607: {  	[hbm4b:s3+s2] =	stream.indirect_vreg.scatter [tilespmem:s29], [sflag:$0x2], $0x80, v3, vm0, $0xb8;
	[tilespmem:$0x10C00] =	vst v63  }
0x608: {  	v3 =	vld [tilespmem:$0x810];
	_ =	sdelay $0x4  }
0x609: {  	v49 =	vshll.u32 v3, $0x1  }
0x60a: {  	v3 =	vand.u32 $0x7, v3;
	v4 =	vand.u32 $0xFFFFFFF0, v49  }
0x60b: {  	v3 =	vor.u32 v3, v4  }
0x60c: {  	v4 =	vperm.xlane v3, v0;
	_ =	sdelay $0x1  }
0x60d: {  	v3 =	vperm.xlane v3, v2;
	v4 =	vadd.s32 v1, v4;
	_ =	sdelay $0x1  }
0x60e: {  	v3 =	vadd.s32 v1, v3;
	_ =	sdelay $0x1  }
0x60f: {  	s25 =	simm.s32 $0x1C00  }
0x610: {  	[hbm4b:s3+s2] =	stream.indirect_vreg.scatter [tilespmem:s25], [sflag:$0x2], $0x80, v4, vm0, $0xb8;
	[tilespmem:$0x10C00] =	vst v63  }
0x611: {  	s9 =	simm.s32 $0x2400  }
0x612: {  	[hbm4b:s3+s2] =	stream.indirect_vreg.scatter [tilespmem:s9], [sflag:$0x2], $0x80, v3, vm0, $0xb8;
	[tilespmem:$0x10C00] =	vst v63  }
0x613: {  	v3 =	vld [tilespmem:$0x820];
	_ =	sdelay $0x4  }
0x614: {  	v50 =	vshll.u32 v3, $0x1  }
0x615: {  	v3 =	vand.u32 $0x7, v3;
	v4 =	vand.u32 $0xFFFFFFF0, v50  }
0x616: {  	v3 =	vor.u32 v3, v4  }
0x617: {  	v4 =	vperm.xlane v3, v0;
	_ =	sdelay $0x1  }
0x618: {  	v3 =	vperm.xlane v3, v2;
	v4 =	vadd.s32 v1, v4;
	_ =	sdelay $0x1  }
0x619: {  	v3 =	vadd.s32 v1, v3;
	_ =	sdelay $0x1  }
0x61a: {  	s26 =	simm.s32 $0x2C00  }
0x61b: {  	[hbm4b:s3+s2] =	stream.indirect_vreg.scatter [tilespmem:s26], [sflag:$0x2], $0x80, v4, vm0, $0xb8;
	[tilespmem:$0x10C00] =	vst v63  }
0x61c: {  	s28 =	simm.s32 $0x3400  }
0x61d: {  	[hbm4b:s3+s2] =	stream.indirect_vreg.scatter [tilespmem:s28], [sflag:$0x2], $0x80, v3, vm0, $0xb8;
	[tilespmem:$0x10C00] =	vst v63  }
0x61e: {  	v3 =	vld [tilespmem:$0x830];
	_ =	sdelay $0x4  }
0x61f: {  	v51 =	vshll.u32 v3, $0x1  }
0x620: {  	v3 =	vand.u32 $0x7, v3;
	v4 =	vand.u32 $0xFFFFFFF0, v51  }
0x621: {  	v3 =	vor.u32 v3, v4  }
0x622: {  	v4 =	vperm.xlane v3, v0;
	_ =	sdelay $0x1  }
0x623: {  	v3 =	vperm.xlane v3, v2;
	v4 =	vadd.s32 v1, v4;
	_ =	sdelay $0x1  }
0x624: {  	v3 =	vadd.s32 v1, v3;
	_ =	sdelay $0x1  }
0x625: {  	s29 =	simm.s32 $0x3C00  }
0x626: {  	[hbm4b:s3+s2] =	stream.indirect_vreg.scatter [tilespmem:s29], [sflag:$0x2], $0x80, v4, vm0, $0xb8;
	[tilespmem:$0x10C00] =	vst v63  }
0x627: {  	s4 =	simm.s32 $0x4400  }
0x628: {  	[hbm4b:s3+s2] =	stream.indirect_vreg.scatter [tilespmem:s4], [sflag:$0x2], $0x80, v3, vm0, $0xb8;
	[tilespmem:$0x10C00] =	vst v63  }
0x629: {  	v3 =	vld [tilespmem:$0x840];
	_ =	sdelay $0x4  }
0x62a: {  	v52 =	vshll.u32 v3, $0x1  }
0x62b: {  	v3 =	vand.u32 $0x7, v3;
	v4 =	vand.u32 $0xFFFFFFF0, v52  }
0x62c: {  	v3 =	vor.u32 v3, v4  }
0x62d: {  	v4 =	vperm.xlane v3, v0;
	_ =	sdelay $0x1  }
0x62e: {  	v3 =	vperm.xlane v3, v2;
	v4 =	vadd.s32 v1, v4;
	_ =	sdelay $0x1  }
0x62f: {  	v3 =	vadd.s32 v1, v3;
	_ =	sdelay $0x1  }
0x630: {  	s0 =	simm.s32 $0x4C00  }
0x631: {  	[hbm4b:s3+s2] =	stream.indirect_vreg.scatter [tilespmem:s0], [sflag:$0x2], $0x80, v4, vm0, $0xb8;
	[tilespmem:$0x10C00] =	vst v63  }
0x632: {  	s14 =	simm.s32 $0x5400  }
0x633: {  	[hbm4b:s3+s2] =	stream.indirect_vreg.scatter [tilespmem:s14], [sflag:$0x2], $0x80, v3, vm0, $0xb8;
	[tilespmem:$0x10C00] =	vst v63  }
0x634: {  	v3 =	vld [tilespmem:$0x850];
	_ =	sdelay $0x4  }
0x635: {  	v53 =	vshll.u32 v3, $0x1  }
0x636: {  	v3 =	vand.u32 $0x7, v3;
	v4 =	vand.u32 $0xFFFFFFF0, v53  }
0x637: {  	v3 =	vor.u32 v3, v4  }
0x638: {  	v4 =	vperm.xlane v3, v0;
	_ =	sdelay $0x1  }
0x639: {  	v3 =	vperm.xlane v3, v2;
	v4 =	vadd.s32 v1, v4;
	_ =	sdelay $0x1  }
0x63a: {  	v3 =	vadd.s32 v1, v3;
	_ =	sdelay $0x1  }
0x63b: {  	s11 =	simm.s32 $0x5C00  }
0x63c: {  	[hbm4b:s3+s2] =	stream.indirect_vreg.scatter [tilespmem:s11], [sflag:$0x2], $0x80, v4, vm0, $0xb8;
	[tilespmem:$0x10C00] =	vst v63  }
0x63d: {  	s16 =	simm.s32 $0x6400  }
0x63e: {  	[hbm4b:s3+s2] =	stream.indirect_vreg.scatter [tilespmem:s16], [sflag:$0x2], $0x80, v3, vm0, $0xb8;
	[tilespmem:$0x10C00] =	vst v63  }
0x63f: {  	v3 =	vld [tilespmem:$0x860];
	_ =	sdelay $0x4  }
0x640: {  	v54 =	vshll.u32 v3, $0x1  }
0x641: {  	v3 =	vand.u32 $0x7, v3;
	v4 =	vand.u32 $0xFFFFFFF0, v54  }
0x642: {  	v3 =	vor.u32 v3, v4  }
0x643: {  	v4 =	vperm.xlane v3, v0;
	_ =	sdelay $0x1  }
0x644: {  	v3 =	vperm.xlane v3, v2;
	v4 =	vadd.s32 v1, v4;
	_ =	sdelay $0x1  }
0x645: {  	v3 =	vadd.s32 v1, v3;
	_ =	sdelay $0x1  }
0x646: {  	s17 =	simm.s32 $0x6C00  }
0x647: {  	[hbm4b:s3+s2] =	stream.indirect_vreg.scatter [tilespmem:s17], [sflag:$0x2], $0x80, v4, vm0, $0xb8;
	[tilespmem:$0x10C00] =	vst v63  }
0x648: {  	s8 =	simm.s32 $0x7400  }
0x649: {  	[hbm4b:s3+s2] =	stream.indirect_vreg.scatter [tilespmem:s8], [sflag:$0x2], $0x80, v3, vm0, $0xb8;
	[tilespmem:$0x10C00] =	vst v63  }
0x64a: {  	v3 =	vld [tilespmem:$0x870];
	_ =	sdelay $0x4  }
0x64b: {  	v55 =	vshll.u32 v3, $0x1  }
0x64c: {  	v3 =	vand.u32 $0x7, v3;
	v4 =	vand.u32 $0xFFFFFFF0, v55  }
0x64d: {  	v3 =	vor.u32 v3, v4  }
0x64e: {  	v4 =	vperm.xlane v3, v0;
	_ =	sdelay $0x1  }
0x64f: {  	v3 =	vperm.xlane v3, v2;
	v4 =	vadd.s32 v1, v4;
	_ =	sdelay $0x1  }
0x650: {  	v3 =	vadd.s32 v1, v3;
	_ =	sdelay $0x1  }
0x651: {  	s10 =	simm.s32 $0x7C00  }
0x652: {  	[hbm4b:s3+s2] =	stream.indirect_vreg.scatter [tilespmem:s10], [sflag:$0x2], $0x80, v4, vm0, $0xb8;
	[tilespmem:$0x10C00] =	vst v63  }
0x653: {  	s17 =	simm.s32 $0x8400  }
0x654: {  	[hbm4b:s3+s2] =	stream.indirect_vreg.scatter [tilespmem:s17], [sflag:$0x2], $0x80, v3, vm0, $0xb8;
	[tilespmem:$0x10C00] =	vst v63  }
0x655: {  	_ =	swait.ge [sflag:s13], $0x8000  }
0x656: {  	[sflag:s13] =	ssyncset.done $0x0  }
0x657: {  	s25 =	rddreg [dreg:$0x15];
	[sflag:s13] =	ssyncadd.s32 $0xFFFF8000  }
0x658: {  	[tilespmem:s23], [sflag:$0x1] =	stream.linear.gather [hbm4b:s25+s2], $0x8000, $0x38;
	[tilespmem:$0x10C00] =	vst v63  }
0x659: {  	_ =	swait.ge [sflag:s7], $0x8000  }
0x65a: {  	[sflag:s7] =	ssyncset.done $0x0  }
0x65b: {  	[sflag:s7] =	ssyncadd.s32 $0xFFFF8000  }
0x65c: {  	v3 =	vld [tilespmem:$0x880];
	_ =	sdelay $0x4  }
0x65d: {  	v56 =	vshll.u32 v3, $0x1  }
0x65e: {  	v3 =	vand.u32 $0x7, v3;
	v4 =	vand.u32 $0xFFFFFFF0, v56  }
0x65f: {  	v3 =	vor.u32 v3, v4  }
0x660: {  	v4 =	vperm.xlane v3, v0;
	_ =	sdelay $0x1  }
0x661: {  	v3 =	vperm.xlane v3, v2;
	v4 =	vadd.s32 v1, v4;
	_ =	sdelay $0x1  }
0x662: {  	v3 =	vadd.s32 v1, v3;
	_ =	sdelay $0x2  }
0x663: {  	[hbm4b:s3+s2] =	stream.indirect_vreg.scatter [tilespmem:s23], [sflag:$0x2], $0x80, v4, vm0, $0xb8;
	[tilespmem:$0x10C00] =	vst v63  }
0x664: {  	s26 =	simm.s32 $0x9400  }
0x665: {  	[hbm4b:s3+s2] =	stream.indirect_vreg.scatter [tilespmem:s26], [sflag:$0x2], $0x80, v3, vm0, $0xb8;
	[tilespmem:$0x10C00] =	vst v63  }
0x666: {  	v3 =	vld [tilespmem:$0x890];
	_ =	sdelay $0x4  }
0x667: {  	v57 =	vshll.u32 v3, $0x1  }
0x668: {  	v3 =	vand.u32 $0x7, v3;
	v4 =	vand.u32 $0xFFFFFFF0, v57  }
0x669: {  	v3 =	vor.u32 v3, v4  }
0x66a: {  	v4 =	vperm.xlane v3, v0;
	_ =	sdelay $0x1  }
0x66b: {  	v3 =	vperm.xlane v3, v2;
	v4 =	vadd.s32 v1, v4;
	_ =	sdelay $0x1  }
0x66c: {  	v3 =	vadd.s32 v1, v3;
	_ =	sdelay $0x1  }
0x66d: {  	s21 =	simm.s32 $0x9C00  }
0x66e: {  	[hbm4b:s3+s2] =	stream.indirect_vreg.scatter [tilespmem:s21], [sflag:$0x2], $0x80, v4, vm0, $0xb8;
	[tilespmem:$0x10C00] =	vst v63  }
0x66f: {  	s20 =	simm.s32 $0xA400  }
0x670: {  	[hbm4b:s3+s2] =	stream.indirect_vreg.scatter [tilespmem:s20], [sflag:$0x2], $0x80, v3, vm0, $0xb8;
	[tilespmem:$0x10C00] =	vst v63  }
0x671: {  	v3 =	vld [tilespmem:$0x8A0];
	_ =	sdelay $0x4  }
0x672: {  	v58 =	vshll.u32 v3, $0x1  }
0x673: {  	v3 =	vand.u32 $0x7, v3;
	v4 =	vand.u32 $0xFFFFFFF0, v58  }
0x674: {  	v3 =	vor.u32 v3, v4  }
0x675: {  	v4 =	vperm.xlane v3, v0;
	_ =	sdelay $0x1  }
0x676: {  	v3 =	vperm.xlane v3, v2;
	v4 =	vadd.s32 v1, v4;
	_ =	sdelay $0x1  }
0x677: {  	v3 =	vadd.s32 v1, v3;
	_ =	sdelay $0x1  }
0x678: {  	s12 =	simm.s32 $0xAC00  }
0x679: {  	[hbm4b:s3+s2] =	stream.indirect_vreg.scatter [tilespmem:s12], [sflag:$0x2], $0x80, v4, vm0, $0xb8;
	[tilespmem:$0x10C00] =	vst v63  }
0x67a: {  	s5 =	simm.s32 $0xB400  }
0x67b: {  	[hbm4b:s3+s2] =	stream.indirect_vreg.scatter [tilespmem:s5], [sflag:$0x2], $0x80, v3, vm0, $0xb8;
	[tilespmem:$0x10C00] =	vst v63  }
0x67c: {  	v3 =	vld [tilespmem:$0x8B0];
	_ =	sdelay $0x4  }
0x67d: {  	v59 =	vshll.u32 v3, $0x1  }
0x67e: {  	v3 =	vand.u32 $0x7, v3;
	v4 =	vand.u32 $0xFFFFFFF0, v59  }
0x67f: {  	v3 =	vor.u32 v3, v4  }
0x680: {  	v4 =	vperm.xlane v3, v0;
	_ =	sdelay $0x1  }
0x681: {  	v3 =	vperm.xlane v3, v2;
	v4 =	vadd.s32 v1, v4;
	_ =	sdelay $0x1  }
0x682: {  	v3 =	vadd.s32 v1, v3;
	_ =	sdelay $0x1  }
0x683: {  	s28 =	simm.s32 $0xBC00  }
0x684: {  	[hbm4b:s3+s2] =	stream.indirect_vreg.scatter [tilespmem:s28], [sflag:$0x2], $0x80, v4, vm0, $0xb8;
	[tilespmem:$0x10C00] =	vst v63  }
0x685: {  	s29 =	simm.s32 $0xC400  }
0x686: {  	[hbm4b:s3+s2] =	stream.indirect_vreg.scatter [tilespmem:s29], [sflag:$0x2], $0x80, v3, vm0, $0xb8;
	[tilespmem:$0x10C00] =	vst v63  }
0x687: {  	v3 =	vld [tilespmem:$0x8C0];
	_ =	sdelay $0x4  }
0x688: {  	v60 =	vshll.u32 v3, $0x1  }
0x689: {  	v3 =	vand.u32 $0x7, v3;
	v4 =	vand.u32 $0xFFFFFFF0, v60  }
0x68a: {  	v3 =	vor.u32 v3, v4  }
0x68b: {  	v4 =	vperm.xlane v3, v0;
	_ =	sdelay $0x1  }
0x68c: {  	v3 =	vperm.xlane v3, v2;
	v4 =	vadd.s32 v1, v4;
	_ =	sdelay $0x1  }
0x68d: {  	v3 =	vadd.s32 v1, v3;
	_ =	sdelay $0x1  }
0x68e: {  	s31 =	simm.s32 $0xCC00  }
0x68f: {  	[hbm4b:s3+s2] =	stream.indirect_vreg.scatter [tilespmem:s31], [sflag:$0x2], $0x80, v4, vm0, $0xb8;
	[tilespmem:$0x10C00] =	vst v63  }
0x690: {  	s1 =	simm.s32 $0xD400  }
0x691: {  	[hbm4b:s3+s2] =	stream.indirect_vreg.scatter [tilespmem:s1], [sflag:$0x2], $0x80, v3, vm0, $0xb8;
	[tilespmem:$0x10C00] =	vst v63  }
0x692: {  	v3 =	vld [tilespmem:$0x8D0];
	_ =	sdelay $0x4  }
0x693: {  	v61 =	vshll.u32 v3, $0x1  }
0x694: {  	v3 =	vand.u32 $0x7, v3;
	v4 =	vand.u32 $0xFFFFFFF0, v61  }
0x695: {  	v3 =	vor.u32 v3, v4  }
0x696: {  	v4 =	vperm.xlane v3, v0;
	_ =	sdelay $0x1  }
0x697: {  	v3 =	vperm.xlane v3, v2;
	v4 =	vadd.s32 v1, v4;
	_ =	sdelay $0x1  }
0x698: {  	v3 =	vadd.s32 v1, v3;
	_ =	sdelay $0x1  }
0x699: {  	s30 =	simm.s32 $0xDC00  }
0x69a: {  	[hbm4b:s3+s2] =	stream.indirect_vreg.scatter [tilespmem:s30], [sflag:$0x2], $0x80, v4, vm0, $0xb8;
	[tilespmem:$0x10C00] =	vst v63  }
0x69b: {  	s24 =	simm.s32 $0xE400  }
0x69c: {  	[hbm4b:s3+s2] =	stream.indirect_vreg.scatter [tilespmem:s24], [sflag:$0x2], $0x80, v3, vm0, $0xb8;
	[tilespmem:$0x10C00] =	vst v63  }
0x69d: {  	v3 =	vld [tilespmem:$0x8E0];
	_ =	sdelay $0x4  }
0x69e: {  	v62 =	vshll.u32 v3, $0x1  }
0x69f: {  	v3 =	vand.u32 $0x7, v3;
	v4 =	vand.u32 $0xFFFFFFF0, v62  }
0x6a0: {  	v3 =	vor.u32 v3, v4  }
0x6a1: {  	v4 =	vperm.xlane v3, v0;
	_ =	sdelay $0x1  }
0x6a2: {  	v3 =	vperm.xlane v3, v2;
	v4 =	vadd.s32 v1, v4;
	_ =	sdelay $0x1  }
0x6a3: {  	v3 =	vadd.s32 v1, v3;
	_ =	sdelay $0x1  }
0x6a4: {  	s18 =	simm.s32 $0xEC00  }
0x6a5: {  	[hbm4b:s3+s2] =	stream.indirect_vreg.scatter [tilespmem:s18], [sflag:$0x2], $0x80, v4, vm0, $0xb8;
	[tilespmem:$0x10C00] =	vst v63  }
0x6a6: {  	s15 =	simm.s32 $0xF400  }
0x6a7: {  	[hbm4b:s3+s2] =	stream.indirect_vreg.scatter [tilespmem:s15], [sflag:$0x2], $0x80, v3, vm0, $0xb8;
	[tilespmem:$0x10C00] =	vst v63  }
0x6a8: {  	v3 =	vld [tilespmem:$0x8F0];
	_ =	sdelay $0x4  }
0x6a9: {  	v63 =	vshll.u32 v3, $0x1  }
0x6aa: {  	v3 =	vand.u32 $0x7, v3;
	v4 =	vand.u32 $0xFFFFFFF0, v63  }
0x6ab: {  	v3 =	vor.u32 v3, v4  }
0x6ac: {  	v4 =	vperm.xlane v3, v0;
	_ =	sdelay $0x1  }
0x6ad: {  	v3 =	vperm.xlane v3, v2;
	v4 =	vadd.s32 v1, v4;
	_ =	sdelay $0x1  }
0x6ae: {  	v3 =	vadd.s32 v1, v3;
	_ =	sdelay $0x1  }
0x6af: {  	s19 =	simm.s32 $0xFC00  }
0x6b0: {  	[hbm4b:s3+s2] =	stream.indirect_vreg.scatter [tilespmem:s19], [sflag:$0x2], $0x80, v4, vm0, $0xb8;
	[tilespmem:$0x10C00] =	vst v63  }
0x6b1: {  	s22 =	simm.s32 $0x10400;
	s31 =	rddreg [dreg:$0x16]  }
0x6b2: {  	[hbm4b:s3+s2] =	stream.indirect_vreg.scatter [tilespmem:s22], [sflag:$0x2], $0x80, v3, vm0, $0xb8;
	[tilespmem:$0x10C00] =	vst v63  }
0x6b3: {  	p0 =	sne.s32 s31, $0x1;
	_ =	swait.ge [sflag:s13], $0x8000  }
.Ltmp0:
0x6b4: {  	[sflag:s13] =	ssyncset.done $0x0;
	(pc) =	sbr.rel @p0 .LBB2_1-.Ltmp0, $4  }
0x6b5: {  	[sflag:s13] =	ssyncadd.s32 $0xFFFF8000  }
0x6b6: {  	_ =	swait.ge [sflag:s13], $0x8000  }
0x6b7: {  	[sflag:s13] =	ssyncset.done $0x0  }
0x6b8: {  	s0 =	sadd.s32 $0xFFFFFFFF, s31;
	[sflag:s13] =	ssyncadd.s32 $0xFFFF8000  }
0x6b9: {  	_ =	sfence.sel $0x180000  }
0x6ba: {  	[bflag:$0x0] =	sbarrier.arrive $0xFFFF  }
0x6bb: {  	_ =	strace $0x90000047  }
0x6bc: {  	s0 =	stileid.u32;
	[bflag:$0x2] =	sbarrier.arrive $0xFFFF  }
0x6bd: {  	p0 =	sne.s32 s0, $0x0;
	s0 =	rddreg [dreg:$0x2]  }
0x6be: {  	s0 =	sadd.s32 @!p0 $0x100000, s0  }
0x6bf: {  	[sflag:s0] =	ssyncadd.tile.s32 @!p0 $0x1;
	_ =	shalt  }
.Lfunc_end2:
_tile_overlayer_lowered:
.L_overlay_start_2:
0x6c0: {  	(tag) =	ssettag $0x2  }
0x6c1: {  	s0 =	rddreg [dreg:$0x0];
	s2 =	stileid.u32  }
0x6c2: {  	s1 =	rddreg [dreg:$0x1];
	p0 =	sne.s32 s2, $0x0  }
0x6c3: {  	s3 =	rddreg [dreg:$0x2];
	[bflag:$0x3] =	sbarrier.arrive $0xFFFF;
	s2 =	simm.s32 @!p0 $0x1C03  }
0x6c4: {  	[timem:s3], [sflag:s2] =	dma.local @!p0 [hbm:s0], s1  }
0x6c5: {  	s0 =	simm.s32 @!p0 $0x3  }
0x6c6: {  	_ =	swait.ge @!p0 [sflag:s0], s1  }
0x6c7: {  	s1 =	ssub.s32 @!p0 $0x0, s1;
	[sflag:s0] =	ssyncset.done @!p0 $0x0  }
0x6c8: {  	[sflag:s0] =	ssyncadd.s32 @!p0 s1  }
0x6c9: {  	[bflag:$0x3] =	sbarrier.arrive $0xFFFF  }
0x6ca: {  	_ =	shalt  }

// kernel: sparse-core-data-format-call.cloned.1.call-start
scs
called_computation_lowered:
.L_overlay_start_0:
0x0: {  	s2 =	sld [smem:$0x3FD9]  }
0x1: {  	s3 =	sld [smem:$0x3FFE];
	_ =	sdelay $0x1  }
0x2: {  	s1 =	srdreg.scid  }
0x3: {  	s0 =	sand.u32 $0x1, s1  }
0x4: {  	s16 =	sshll.u32 s0, $0xA;
	s2 =	sadd.s32 s3, s2  }
0x5: {  	s2 =	sadd.s32 s2, s16  }
0x6: {  	[smem:$0x3FC4] =	sst s2  }
0x7: {  	_ = 	snop  }
0x8: {  	s2 =	sld [smem:$0x3FD0];
	_ =	sdelay $0x2  }
0x9: {  	s17 =	simm.s32 $0xB;
	s4 =	simm.s32 $0x10  }
0xa: {  	[smem:s4], [sflag:s17] =	dma.local [hbm:s2], $0x1  }
0xb: {  	_ =	swait.eq [sflag:s17], $0x1  }
0xc: {  	[sflag:s17] =	ssyncset.done $0x0  }
0xd: {  	[sflag:s17] =	ssyncadd.s32 $0xFFFFFFFF  }
0xe: {  	s18 =	sld [smem:$0x13];
	(tm) =	ssettm $0x1  }
0xf: {  	s19 =	sld [smem:$0x3FFB];
	_ =	sdelay $0x3  }
0x10: {  	_ =	strace s19  }
0x11: {  	s2 =	sld [smem:$0x3FFC];
	_ =	sdelay $0x3  }
0x12: {  	_ =	strace s2  }
0x13: {  	s2 =	sld [smem:$0x3FFD];
	_ =	sdelay $0x3  }
0x14: {  	_ =	strace s2  }
0x15: {  	_ =	strace $0x8FFFFFFF  }
0x16: {  	s20 =	sld [smem:$0x3FDB];
	_ =	sdelay $0x1  }
0x17: {  	s21 =	simm.s32 $_scs_section_size  }
0x18: {  	s5 =	simm.s32 $_size__tile_overlayer_lowered;
	s6 =	simm.s32 $_tile_overlayer_lowered  }
0x19: {  	s7 =	simm.s32 $0x1BFF;
	s22 =	sshll.u32 s6, $0x1;
	s4 =	sadd.s32 s21, s20  }
0x1a: {  	s23 =	simm.s32 $0x0;
	s5 =	sshll.u32 s5, $0x1;
	s6 =	sadd.s32 s22, s4  }
0x1b: {  	[timem:s23], [sflag:s7] =	dma.local [hbm:s6], s5  }
0x1c: {  	_ =	swait.ge [sflag:s7], s5  }
0x1d: {  	s5 =	ssub.s32 $0x0, s5;
	[sflag:s7] =	ssyncset.done $0x0  }
0x1e: {  	[sflag:s7] =	ssyncadd.s32 s5;
	_ =	sdelay $0x1  }
0x1f: {  	s24 =	simm.s32 $0x1B8B  }
0x20: {  	_ =	swait.ge [sflag:s24], $0x1  }
0x21: {  	[sflag:s24] =	ssyncset.done $0x0  }
0x22: {  	[sflag:s24] =	ssyncadd.s32 $0xFFFFFFFF  }
0x23: {  	s5 =	sld [smem:$0x0]  }
0x24: {  	s6 =	sand.u32 $0xFFFFFFFE, s1  }
0x25: {  	p0 =	sne.s32 s1, s6  }
0x26: {  	s6 =	sshll.u32 @p0 s6, $0xE  }
0x27: {  	s6 =	sadd.s32 @p0 $0x11B8D, s6;
	s7 =	sshll.u32 @p0 s5, $0x11  }
0x28: {  	s6 =	sor.u32 @p0 s7, s6  }
0x29: {  	[sflag:s6] =	ssyncadd.remote.s32 @p0 $0x1;
	_ =	sdelay $0x1  }
0x2a: {  	s6 =	simm.s32 @p0 $0x1B8D  }
0x2b: {  	_ =	swait.eq @p0 [sflag:s6], $0x1  }
0x2c: {  	[sflag:s6] =	ssyncadd.s32 @p0 $0xFFFFFFFF  }
0x2d: {  	s7 =	sshll.u32 @!p0 s1, $0xE  }
0x2e: {  	s7 =	sor.u32 @!p0 $0x4000, s7;
	s6 =	simm.s32 @!p0 $0x1B8D  }
0x2f: {  	s5 =	sshll.u32 @!p0 s5, $0x11;
	s7 =	sadd.s32 @!p0 $0x11B8D, s7;
	_ =	swait.eq @!p0 [sflag:s6], $0x1  }
0x30: {  	s5 =	sor.u32 @!p0 s5, s7;
	[sflag:s6] =	ssyncadd.s32 @!p0 $0xFFFFFFFF  }
0x31: {  	s26 =	simm.s32 $0x1B8E;
	s25 =	sld [smem:$0x3FFE];
	[sflag:s5] =	ssyncadd.remote.s32 @!p0 $0x1  }
0x32: {  	s27 =	simm.s32 $execute0_lowered;
	[smem:$0x3FD2] =	sst s26  }
0x33: {  	s6 =	sshll.u32 s27, $0x1;
	_ =	strace $0x8000004C;
	[dreg:$0x1] =	wrdreg $0xFFFFFFFF  }
0x34: {  	s28 =	simm.s32 $_size_execute0_lowered;
	s4 =	sadd.s32 s4, s6;
	[dreg:$0x0] =	wrdreg $0x0  }
0x35: {  	s6 =	sshll.u32 s28, $0x1;
	[dreg:$0x2] =	wrdreg s4  }
0x36: {  	[dreg:$0x3] =	wrdreg s6  }
0x37: {  	[dreg:$0x4] =	wrdreg $0xC0  }
0x38: {  	_ =	task [dreg:s23], $0x5FFFF  }
0x39: {  	[dreg:$0x1] =	wrdreg $0xFFFFFFFF  }
0x3a: {  	[dreg:$0x0] =	wrdreg $0x60  }
0x3b: {  	[dreg:$0x2] =	wrdreg s25  }
0x3c: {  	[dreg:$0x3] =	wrdreg s18  }
0x3d: {  	[dreg:$0x4] =	wrdreg $0xA  }
0x3e: {  	_ =	task.clear_ibuf [dreg:s23], $0x5FFFF;
	_ =	strace $0x9000004C  }
0x3f: {  	s29 =	simm.s32 $0xA;
	_ =	strace $0x8000004E  }
0x40: {  	_ =	swait.ge [sflag:s29], $0x1  }
0x41: {  	[sflag:s29] =	ssyncadd.s32 $0xFFFFFFFF  }
0x42: {  	_ =	strace $0x9000004E  }
0x43: {  	_ =	sfence  }
0x44: {  	s30 =	sld [smem:$0x0];
	_ =	sdelay $0x2  }
0x45: {  	s31 =	sshll.u32 s1, $0xD;
	s1 =	sshrl.u32 s1, $0x2  }
0x46: {  	s4 =	sand.u32 $0x4000, s31;
	s1 =	sadd.s32 s1, s30  }
0x47: {  	s0 =	sor.u32 s4, s0;
	s1 =	sshll.u32 s1, $0x11  }
0x48: {  	s0 =	sor.u32 s1, s0  }
0x49: {  	s0 =	sadd.s32 $0x8F2B, s0  }
0x4a: {  	[sflag:s0] =	ssyncadd.remote.s32 $0x1  }
0x4b: {  	_ =	sfence.sel $0xFFFF  }
0x4c: {  	[dreg:$0x0] =	wrdreg $0xFFFFFFFF;
	(pc) =	sbr.abs _section_cstart, $3  }
0x4d: {  	[dreg:$0x1] =	wrdreg $0xFFFFFFFF  }
0x4e: {  	_ =	task.clear_ibuf [dreg:s23], $0x2FFFF;
	_ =	strace $0x9FFFFFFF  }
0x4f: {  	(tm) =	ssettm $0x7FFFFFFF  }
tec
execute0_lowered:
.L_overlay_start_1:
0x0: {  	(tag) =	ssettag $0x1  }
0x1: {  	s1 =	rddreg [dreg:$0x0]  }
0x2: {  	s2 =	rddreg [dreg:$0x1]  }
0x3: {  	s0 =	rddreg [dreg:$0x2]  }
0x4: {  	s4 =	srdreg.scid;
	_ =	strace $0x8000004D;
	s6 =	simm.s32 $0x2  }
0x5: {  	s14 =	simm.s32 $0x0;
	p0 =	por $0x0, $0x0;
	s15 =	simm.s32 $0x0  }
0x6: {  	s16 =	simm.s32 $0x0;
	s7 =	simm.s32 $0x0;
	s9 =	simm.s32 $0x0  }
.Ltmp0:
0x7: {  	s10 =	simm.s32 $0x0;
	s11 =	simm.s32 $0x0;
	(pc) =	sbr.rel .LBB1_1-.Ltmp0, $4  }
0x8: {  	s12 =	simm.s32 $0x0;
	s3 =	sadd.s32 $0x240000, s1;
	s4 =	sshll.u32 s4, $0x4  }
0x9: {  	s1 =	stileid.u32;
	s5 =	sand.u32 $0x10, s4;
	s4 =	simm.s32 $0x1  }
0xa: {  	s8 =	simm.s32 $0x0;
	s5 =	sor.u32 s1, s5;
	[sflag:s4] =	ssyncpa.u1 $0x0  }
0xb: {  	[sflag:s6] =	ssyncpa.u1 $0x0;
	s6 =	simm.s32 $0x4400;
	s13 =	smov.u32 s5  }
.LBB1_5:
0xc: {  	p1 =	slt.u32 s8, $0x2  }
0xd: {  	p2 =	sgt.s32 @!p1 s16, $0x1F  }
0xe: {  	s17 =	smov.u32 s16;
	s18 =	sshra.s32 @!p1 s16, $0x1F;
	p2 =	por !p2, p1  }
0xf: {  	s16 =	sand.u32 @!p1 s18, s16;
	s17 =	simm.s32 @p2 $0x1F  }
0x10: {  	p3 =	sgt.s32 @!p1 s15, $0x800;
	s16 =	ssub.s32 @!p1 s17, s16  }
0x11: {  	p3 =	por !p3, p1;
	s18 =	sshra.s32 @!p1 s15, $0x1F;
	s17 =	sadd.s32 @!p1 $0xFFFFFFE1, s16  }
0x12: {  	s16 =	ssub.s32 @!p1 $0x20, s16;
	p2 =	sgt.s32 @!p1 s17, $0x0;
	s17 =	smov.u32 s15  }
0x13: {  	s15 =	sand.u32 @!p1 s18, s15;
	s17 =	simm.s32 @p3 $0x800;
	p3 =	sgt.s32 @!p1 s14, $0x48  }
0x14: {  	s18 =	smov.u32 s14;
	p2 =	por !p2, p1;
	p3 =	por !p3, p1  }
0x15: {  	s15 =	ssub.s32 @!p1 s17, s15;
	s17 =	sshra.s32 @!p1 s14, $0x1F;
	s16 =	simm.s32 @!p2 $0x0  }
0x16: {  	s18 =	simm.s32 @p3 $0x48;
	s14 =	sand.u32 @!p1 s17, s14;
	s17 =	sadd.s32 @!p1 $0xFFFFF800, s15  }
0x17: {  	s15 =	ssub.s32 @!p1 $0x880, s15;
	s14 =	ssub.s32 @!p1 s18, s14;
	p2 =	sgt.s32 @!p1 s17, $0x7F  }
0x18: {  	s18 =	smov.u32 s12;
	s17 =	sadd.s32 @!p1 $0xFFFFFFB8, s14;
	p2 =	por !p2, p1  }
0x19: {  	s14 =	ssub.s32 @!p1 $0xC8, s14;
	p3 =	sgt.s32 @!p1 s17, $0x7F;
	s15 =	simm.s32 @!p2 $0x0  }
0x1a: {  	s17 =	sadd.s32 $0x80, s11;
	p2 =	por !p3, p1;
	s15 =	smul.u32 @!p1 s16, s15  }
0x1b: {  	s16 =	sadd.s32 $0x80, s12;
	s14 =	simm.s32 @!p2 $0x0;
	p2 =	sgt.s32 s17, $0xC7  }
0x1c: {  	s19 =	smov.u32 s13;
	s18 =	smov.u32 @p2 s16  }
0x1d: {  	s14 =	smul.u32 @!p1 s14, s15;
	s15 =	sadd.s32 $0x20, s13;
	p3 =	sgt.s32 s18, $0x87F  }
0x1e: {  	s8 =	sadd.s32 $0x1, s8;
	p0 =	por !p0, !p0;
	s19 =	smov.u32 @p3 s15  }
0x1f: {  	s20 =	simm.s32 @!p1 $0x2;
	s17 =	simm.s32 @p2 $0x0;
	p2 =	sgt.s32 s19, $0x1F  }
0x20: {  	s16 =	smov.u32 s10;
	s19 =	smov.u32 @p2 s5;
	p2 =	sne.s32 s8, $0x24  }
.Ltmp1:
0x21: {  	s10 =	smov.u32 s13;
	s14 =	sand.u32 @!p1 $0x3FFFFFFF, s14;
	(pc) =	sbr.rel @!p2 .LBB1_6-.Ltmp1, $4  }
0x22: {  	s18 =	simm.s32 @p3 $0x0;
	s15 =	smov.u32 s9;
	s9 =	smov.u32 s12  }
0x23: {  	_ =	swait.ge @!p1 [sflag:s20], s14;
	s21 =	ssub.s32 @!p1 $0x0, s14;
	s14 =	smov.u32 s7  }
0x24: {  	s7 =	smov.u32 s11;
	s11 =	smov.u32 s17;
	[sflag:s20] =	ssyncset.done @!p1 $0x0  }
0x25: {  	s12 =	smov.u32 s18;
	[sflag:s20] =	ssyncadd.s32 @!p1 s21;
	s13 =	smov.u32 s19  }
.LBB1_1:
0x26: {  	p1 =	sgt.u32 s8, $0x21  }
0x27: {  	s17 =	sshll.u32 @!p1 s12, $0x8;
	s18 =	sshll.u32 @!p1 s11, $0x3  }
0x28: {  	s19 =	sshll.u32 @!p1 s12, $0x7;
	s17 =	sand.u32 @!p1 $0xFFFFF800, s17;
	s18 =	sand.u32 @!p1 $0xFFFFFC00, s18  }
0x29: {  	s17 =	sadd.s32 @!p1 s17, s18;
	s18 =	sand.u32 @!p1 $0x300, s19  }
0x2a: {  	s17 =	sor.u32 @!p1 s18, s17  }
0x2b: {  	s17 =	sshrl.u32 @!p1 s17, $0x8  }
0x2c: {  	s18 =	smulhi.u32 @!p1 $0xF0F0F1, s17  }
0x2d: {  	s20 =	sxor.u32 @!p1 $0xFFFFFFFF, s8  }
0x2e: {  	s21 =	sand.u32 @!p1 $0x78, s11;
	s22 =	smul.u32 @!p1 $0x11000, s13;
	s18 =	sshrl.u32 @!p1 s18, $0x3  }
0x2f: {  	s20 =	sshll.u32 @!p1 s20, $0xE;
	s19 =	sand.u32 @!p1 $0x80, s19;
	s18 =	smul.u32 @!p1 $0x880, s18  }
0x30: {  	s20 =	sand.u32 @!p1 $0x4000, s20;
	s19 =	sor.u32 @!p1 s21, s19;
	s21 =	sand.u32 @!p1 $0x7, s11  }
0x31: {  	s17 =	ssub.s32 @!p1 s17, s18;
	s18 =	sshrl.u32 @!p1 s19, $0x3;
	s19 =	sadd.s32 @!p1 s3, s22  }
0x32: {  	s17 =	sshll.u32 @!p1 s17, $0x5;
	s18 =	sadd.s32 @!p1 s18, s19;
	s19 =	sshll.u32 @!p1 s21, $0x12  }
0x33: {  	s17 =	sadd.s32 @!p1 s17, s18;
	s18 =	sor.u32 @!p1 $0x400, s19;
	s19 =	simm.s32 @!p1 $0x800  }
0x34: {  	[tilespmem:s20], [sflag:$0x1] =	stream.strided.gather @!p1 [hbm4b:s17+s18], $0x4000, s19, s18, $0x38;
	[tilespmem:$0x10100] =	vst v63  }
0x35: {  	p1 =	seq.s32 s8, $0x0  }
0x36: {  	p2 =	seq.s32 @!p1 s8, $0x23  }
0x37: {  	p1 =	por p1, p2  }
.Ltmp2:
0x38: {  	_ = 	snop;
	(pc) =	sbr.rel @p1 .LBB1_5-.Ltmp2, $1  }
0x39: {  	_ =	sdelay $0x3  }
0x3a: {  	s17 =	simm.s32 $0x1  }
0x3b: {  	_ =	swait.ge [sflag:s4], $0x4000;
	s17 =	simm.s32 @!p0 $0x0  }
0x3c: {  	[sflag:s4] =	ssyncset.done $0x0;
	s18 =	sshll.u32 s17, $0xE  }
0x3d: {  	[sflag:s4] =	ssyncadd.s32 $0xFFFFC000;
	s18 =	sor.u32 $0x40, s18  }
0x3e: {  	s17 =	smul.u32 $0x10200, s17;
	v0 =	vld [tilespmem:s18+$0x30]  }
0x3f: {  	v1 =	vld [tilespmem:s18+$0xFFFFFFD0]  }
0x40: {  	s17 =	sshrl.u32 s17, $0x2;
	v5 =	vld [tilespmem:s18+$0xFFFFFFE0]  }
0x41: {  	v6 =	vld [tilespmem:s18+$0xFFFFFFF0];
	s20 =	sor.u32 $0x8000, s17  }
0x42: {  	s31 =	sand.u32 $0x1, s8;
	v4 =	vld [tilespmem:s18+$0x0];
	s19 =	sadd.s32 $0x0, s20  }
0x43: {  	v3 =	vld [tilespmem:s18+$0x10];
	s17 =	smul.u32 $0x10200, s31;
	[tilespmem:s19+$0x3870 ss:$0x81] =	vst.msk $0xffff, v0  }
0x44: {  	v2 =	vld [tilespmem:s18+$0x20];
	[tilespmem:s19+$0x810 ss:$0x81] =	vst.msk $0xffff, v1  }
0x45: {  	s17 =	sshrl.u32 s17, $0x2;
	v1 =	vld [tilespmem:s18+$0xFFFFFFC0];
	[tilespmem:s19+$0x1020 ss:$0x81] =	vst.msk $0xffff, v5;
	s18 =	sadd.s32 $0x80, s18  }
0x46: {  	s21 =	simm.s32 $0x4;
	s22 =	simm.s32 $0x8;
	s17 =	sor.u32 $0x8000, s17;
	[tilespmem:s19+$0x1830 ss:$0x81] =	vst.msk $0xffff, v6;
	v0 =	vld [tilespmem:s18+$0x30]  }
.LBB1_3:
0x47: {  	p1 =	sne.s32 s22, $0x1FC;
	v5 =	vld [tilespmem:s18+$0xFFFFFFD0];
	[tilespmem:s19+$0x2040 ss:$0x81] =	vst.msk $0xffff, v4  }
0x48: {  	v6 =	vld [tilespmem:s18+$0xFFFFFFE0];
	[tilespmem:s19+$0x2850 ss:$0x81] =	vst.msk $0xffff, v3  }
0x49: {  	s23 =	sshra.s32 s21, $0x2;
	s21 =	smov.u32 s22;
	v7 =	vld [tilespmem:s18+$0xFFFFFFF0];
	[tilespmem:s19+$0x3060 ss:$0x81] =	vst.msk $0xffff, v2  }
.Ltmp3:
0x4a: {  	v4 =	vld [tilespmem:s18+$0x0];
	[tilespmem:s19+$0x0 ss:$0x81] =	vst.msk $0xffff, v1;
	s19 =	sadd.s32 s23, s20;
	(pc) =	sbr.rel @p1 .LBB1_3-.Ltmp3, $4  }
0x4b: {  	v3 =	vld [tilespmem:s18+$0x10];
	[tilespmem:s19+$0x3870 ss:$0x81] =	vst.msk $0xffff, v0  }
0x4c: {  	[tilespmem:s19+$0x810 ss:$0x81] =	vst.msk $0xffff, v5;
	v2 =	vld [tilespmem:s18+$0x20]  }
0x4d: {  	v1 =	vld [tilespmem:s18+$0xFFFFFFC0];
	[tilespmem:s19+$0x1020 ss:$0x81] =	vst.msk $0xffff, v6;
	s18 =	sadd.s32 $0x80, s18  }
0x4e: {  	s22 =	sadd.s32 $0x4, s22;
	v0 =	vld [tilespmem:s18+$0x30];
	[tilespmem:s19+$0x1830 ss:$0x81] =	vst.msk $0xffff, v7  }
0x4f: {  	s22 =	sshrl.u32 s7, $0x3  }
0x50: {  	s23 =	sshll.u32 s9, $0x3;
	s24 =	sshll.u32 s7, $0x7;
	s22 =	smul.u32 $0x4400, s22  }
0x51: {  	s28 =	sand.u32 $0x7F, s9;
	s21 =	sshra.s32 s21, $0x2;
	s23 =	sand.u32 $0xFFFFFC00, s23  }
0x52: {  	p1 =	sgt.s32 s10, $0x1F;
	s27 =	sand.u32 $0x380, s24;
	s22 =	sadd.s32 s23, s22  }
0x53: {  	s25 =	sshra.s32 s10, $0x1F;
	[tilespmem:s19+$0x2040 ss:$0x81] =	vst.msk $0xffff, v4;
	s31 =	sshra.s32 s7, $0x1F;
	s22 =	sor.u32 s27, s22  }
0x54: {  	s20 =	sadd.s32 s21, s20;
	[tilespmem:s19+$0x2850 ss:$0x81] =	vst.msk $0xffff, v3;
	s23 =	sor.u32 s28, s22;
	s22 =	smulhi.u32 $0xF0F0F0F1, s22  }
0x55: {  	s25 =	sand.u32 s25, s10;
	[tilespmem:s19+$0x3060 ss:$0x81] =	vst.msk $0xffff, v2;
	s27 =	sshra.s32 s9, $0x1F;
	s24 =	smulhi.u32 $0xF0F0F0F1, s23  }
0x56: {  	[tilespmem:s19+$0x0 ss:$0x81] =	vst.msk $0xffff, v1;
	s19 =	sand.u32 s31, s7;
	s27 =	sand.u32 s27, s9;
	s22 =	sshrl.u32 s22, $0xB  }
0x57: {  	s29 =	sshrl.u32 s24, $0xB;
	s24 =	smov.u32 s10;
	s26 =	smulhi.u32 $0x147AE15, s22  }
0x58: {  	s24 =	simm.s32 @!p1 $0x1F;
	p1 =	sgt.s32 s9, $0x800;
	s21 =	smul.u32 $0x880, s29  }
0x59: {  	v5 =	vld [tilespmem:s18+$0xFFFFFFD0];
	s24 =	ssub.s32 s24, s25;
	s25 =	smov.u32 s9;
	s26 =	smul.u32 $0xC8, s26  }
0x5a: {  	v58 =	vld [tilespmem:s18+$0xFFFFFFE0];
	s28 =	sadd.s32 $0xFFFFFFE1, s24;
	s25 =	simm.s32 @!p1 $0x800;
	s24 =	ssub.s32 $0x20, s24  }
0x5b: {  	v59 =	vld [tilespmem:s18+$0xFFFFFFF0];
	p1 =	sgt.s32 s28, $0x0;
	s25 =	ssub.s32 s25, s27;
	s27 =	smov.u32 s7  }
0x5c: {  	v60 =	vld [tilespmem:s18+$0x0];
	s22 =	ssub.s32 s22, s26;
	s24 =	simm.s32 @p1 $0x0;
	p1 =	sgt.s32 s7, $0x48  }
0x5d: {  	v61 =	vld [tilespmem:s18+$0x10];
	[tilespmem:s20+$0x3870 ss:$0x81] =	vst.msk $0xffff, v0;
	s28 =	smul.u32 $0xD480, s10;
	s30 =	sadd.s32 $0xFFFFF800, s25;
	s27 =	simm.s32 @!p1 $0x48  }
0x5e: {  	v62 =	vld [tilespmem:s18+$0x20];
	[tilespmem:s20+$0x810 ss:$0x81] =	vst.msk $0xffff, v5;
	s25 =	ssub.s32 $0x880, s25;
	p1 =	sgt.s32 s30, $0x7F;
	s19 =	ssub.s32 s27, s19  }
0x5f: {  	v63 =	vld [tilespmem:s18+$0xFFFFFFC0];
	[tilespmem:s20+$0x1020 ss:$0x81] =	vst.msk $0xffff, v58;
	s18 =	smul.u32 $0x110, s22;
	s25 =	simm.s32 @p1 $0x0;
	s27 =	sadd.s32 $0xFFFFFFB8, s19  }
0x60: {  	[tilespmem:s20+$0x1830 ss:$0x81] =	vst.msk $0xffff, v59;
	s26 =	smul.u32 s24, s25;
	s19 =	ssub.s32 $0xC8, s19;
	p1 =	sgt.s32 s27, $0x7F  }
.Ltmp4:
0x61: {  	[tilespmem:s20+$0x2040 ss:$0x81] =	vst.msk $0xffff, v60;
	s21 =	ssub.s32 s23, s21;
	s19 =	simm.s32 @p1 $0x0;
	(pc) =	sbr.rel .LBB1_5-.Ltmp4, $4  }
0x62: {  	[tilespmem:s20+$0x2850 ss:$0x81] =	vst.msk $0xffff, v61;
	s23 =	sand.u32 $0x7, s21;
	s29 =	sadd.s32 s2, s28;
	s19 =	smul.u32 s19, s26  }
0x63: {  	[tilespmem:s20+$0x3060 ss:$0x81] =	vst.msk $0xffff, v62;
	s21 =	sshrl.u32 s21, $0x3;
	s30 =	sshll.u32 s23, $0x12;
	s18 =	sadd.s32 s18, s29  }
0x64: {  	[tilespmem:s20+$0x0 ss:$0x81] =	vst.msk $0xffff, v63;
	s31 =	sor.u32 $0x400, s30;
	s18 =	sadd.s32 s21, s18;
	s19 =	sand.u32 $0x3FFFFFFF, s19  }
0x65: {  	[hbm4b:s18+s31] =	stream.strided.scatter [tilespmem:s17], [sflag:$0x2], s19, s6, s31, $0x20;
	[tilespmem:$0x10100] =	vst v63  }
.LBB1_6:
0x66: {  	_ =	sfence.sel $0x180000  }
0x67: {  	s2 =	simm.s32 $0x1;
	[bflag:$0x0] =	sbarrier.arrive $0xFFFF  }
0x68: {  	s31 =	simm.s32 $0x2;
	[sflag:s2] =	ssyncpa.u1 $0x1  }
0x69: {  	[sflag:s31] =	ssyncpa.u1 $0x1  }
0x6a: {  	p0 =	sne.s32 s1, $0x0;
	_ =	strace $0x9000004D  }
0x6b: {  	s0 =	sadd.s32 @!p0 $0x100000, s0;
	[bflag:$0x2] =	sbarrier.arrive $0xFFFF  }
0x6c: {  	[sflag:s0] =	ssyncadd.tile.s32 @!p0 $0x1;
	_ =	shalt  }
.Lfunc_end1:
_tile_overlayer_lowered:
.L_overlay_start_2:
0x6d: {  	(tag) =	ssettag $0x2  }
0x6e: {  	s0 =	rddreg [dreg:$0x0];
	s2 =	stileid.u32  }
0x6f: {  	s1 =	rddreg [dreg:$0x1];
	p0 =	sne.s32 s2, $0x0  }
0x70: {  	s3 =	rddreg [dreg:$0x2];
	[bflag:$0x3] =	sbarrier.arrive $0xFFFF;
	s2 =	simm.s32 @!p0 $0x1C01  }
0x71: {  	[timem:s3], [sflag:s2] =	dma.local @!p0 [hbm:s0], s1  }
0x72: {  	s0 =	simm.s32 @!p0 $0x1  }
0x73: {  	_ =	swait.ge @!p0 [sflag:s0], s1  }
0x74: {  	s1 =	ssub.s32 @!p0 $0x0, s1;
	[sflag:s0] =	ssyncset.done @!p0 $0x0  }
0x75: {  	[sflag:s0] =	ssyncadd.s32 @!p0 s1  }
0x76: {  	[bflag:$0x3] =	sbarrier.arrive $0xFFFF  }
0x77: {  	_ =	shalt  }

</sc_bundles>
